<compile_context>
chip_gen: v7x
topology: tpu7x:2x2x1
jax: 0.10.2.dev20260603
libtpu: 0.0.44.dev20260713+nightly
codegen_flags: <defaults>
</compile_context>

<pallas_src>
import functools
import jax
import jax.numpy as jnp
from jax import lax
from jax.experimental import pallas as pl
from jax.experimental.pallas import tpu as pltpu
from jax.experimental.pallas import tpu_sc as plsc

N_NODES = 10000
N_PAD = 10240
N_EDGES = 320000
E_PAD = 327680
NC = 2
NS = 16
CH = 128
ROWS_PER_TILE = N_PAD // NS
ZROWS = 32
M_BLK = 512


def _mesh():
    return plsc.VectorSubcoreMesh(core_axis_name="c", subcore_axis_name="s")


def _zero_vmem(ref, nrows, width):
    zero16 = jnp.zeros((16,), jnp.float32)

    def body(i, _):
        r = i // (width // 16)
        f = i % (width // 16)
        ref[r, pl.ds(f * 16, 16)] = zero16
        return 0

    lax.fori_loop(0, nrows * (width // 16), body, 0)



DEG_W = 128


def _deg_body(dst_hbm, out_hbm, didx, ones_v, zbuf, acc):
    c = lax.axis_index("c")
    s = lax.axis_index("s")
    wid = c * NS + s
    e_per = E_PAD // (NC * NS)
    n_chunks = e_per // CH

    one16 = jnp.ones((16,), jnp.float32)

    def fill(i, _):
        r = i // (DEG_W // 16)
        f = i % (DEG_W // 16)
        ones_v[r, pl.ds(f * 16, 16)] = one16
        return 0

    lax.fori_loop(0, CH * (DEG_W // 16), fill, 0)
    _zero_vmem(zbuf, ZROWS, DEG_W)

    def zcopy(k, _):
        pltpu.sync_copy(zbuf, acc.at[pl.ds(s * ROWS_PER_TILE + k * ZROWS, ZROWS)])
        return 0

    lax.fori_loop(0, ROWS_PER_TILE // ZROWS, zcopy, 0)
    plsc.subcore_barrier()

    def chunk(j, _):
        off = wid * e_per + j * CH
        pltpu.sync_copy(dst_hbm.at[pl.ds(off, CH)], didx.at[0])
        pltpu.sync_copy(ones_v, acc.at[didx.at[0]], add=True)
        return 0

    lax.fori_loop(0, n_chunks, chunk, 0)
    plsc.subcore_barrier()

    r0 = s * ROWS_PER_TILE

    @pl.when(c == 0)
    def _():
        pltpu.sync_copy(acc.at[pl.ds(r0, ROWS_PER_TILE)],
                        out_hbm.at[0, pl.ds(r0, ROWS_PER_TILE)])

    @pl.when(c == 1)
    def _():
        pltpu.sync_copy(acc.at[pl.ds(r0, ROWS_PER_TILE)],
                        out_hbm.at[1, pl.ds(r0, ROWS_PER_TILE)])


def _sc_degree(dst):
    kern = pl.kernel(
        _deg_body,
        out_type=jax.ShapeDtypeStruct((NC, N_PAD, DEG_W), jnp.float32),
        mesh=_mesh(),
        scratch_types=[
            pltpu.VMEM((2, CH), jnp.int32),
            pltpu.VMEM((CH, DEG_W), jnp.float32),
            pltpu.VMEM((ZROWS, DEG_W), jnp.float32),
            pltpu.VMEM_SHARED((N_PAD, DEG_W), jnp.float32),
        ],
    )
    return kern(dst)



SB = 1


def _agg_body(H, esplit, zt_hbm, src0_hbm, src1_hbm, dst_hbm, out_hbm,
              sidx, didx, rows, zbuf, acc, sem_i, sem_g, sem_s):
    c = lax.axis_index("c")
    s = lax.axis_index("s")
    if esplit:
        e_per = E_PAD // (NC * NS)
        base = s * (NC * e_per) + c * (SB * CH)
        stride = NC * SB * CH
    else:
        e_per = E_PAD // NS
        base = s * e_per
        stride = SB * CH
    nsb = e_per // (SB * CH)

    _zero_vmem(zbuf, ZROWS, H)

    def zcopy(k, _):
        pltpu.sync_copy(zbuf, acc.at[pl.ds(s * ROWS_PER_TILE + k * ZROWS, ZROWS)])
        return 0

    lax.fori_loop(0, ROWS_PER_TILE // ZROWS, zcopy, 0)
    plsc.subcore_barrier()

    def load_idx(sb, islot, sem):
        off = base + sb * stride

        @pl.when(c == 0)
        def _():
            pltpu.async_copy(src0_hbm.at[pl.ds(off, SB * CH)], sidx.at[islot, 0], sem)

        @pl.when(c == 1)
        def _():
            pltpu.async_copy(src1_hbm.at[pl.ds(off, SB * CH)], sidx.at[islot, 0], sem)
        for k in range(SB):
            pltpu.async_copy(dst_hbm.at[pl.ds(off + k * CH, CH)],
                             didx.at[islot, k, 0], sem)

    def fire_gathers(islot, rslot):
        for k in range(SB):
            pltpu.async_copy(zt_hbm.at[sidx.at[islot, 0, pl.ds(k * CH, CH)]],
                             rows.at[rslot, k], sem_g)

    def fire_scatters(islot, rslot):
        for k in range(SB):
            pltpu.async_copy(rows.at[rslot, k], acc.at[didx.at[islot, k, 0]],
                             sem_s, add=True)

    def drain_rows(sem, count):
        for _ in range(count):
            pltpu.make_async_copy(zt_hbm.at[pl.ds(0, CH)], rows.at[0, 0], sem).wait()

    def drain_idx(sem, count):
        for _ in range(count):
            pltpu.make_async_copy(src0_hbm.at[pl.ds(0, SB * CH)], sidx.at[0, 0],
                                  sem).wait()
            for k in range(SB):
                pltpu.make_async_copy(dst_hbm.at[pl.ds(0, CH)], didx.at[0, k, 0],
                                      sem).wait()

    load_idx(0, 0, sem_i)
    drain_idx(sem_i, 1)
    fire_gathers(0, 0)

    @pl.when(nsb > 1)
    def _():
        load_idx(1, 1, sem_i)

    def step(g, _):
        rslot = g % 2
        nslot = 1 - rslot
        i_g = g % 3
        i1 = (g + 1) % 3
        i2 = (g + 2) % 3

        drain_rows(sem_g, SB)

        @pl.when(g > 0)
        def _():
            drain_rows(sem_s, SB)

        @pl.when(g + 1 < nsb)
        def _():
            drain_idx(sem_i, 1)
            fire_gathers(i1, nslot)

        fire_scatters(i_g, rslot)

        @pl.when(g + 2 < nsb)
        def _():
            load_idx(g + 2, i2, sem_i)

        return 0

    lax.fori_loop(0, nsb, step, 0)
    drain_rows(sem_s, SB)
    plsc.subcore_barrier()

    r0 = s * ROWS_PER_TILE

    @pl.when(c == 0)
    def _():
        pltpu.sync_copy(acc.at[pl.ds(r0, ROWS_PER_TILE)],
                        out_hbm.at[0, pl.ds(r0, ROWS_PER_TILE)])

    @pl.when(c == 1)
    def _():
        pltpu.sync_copy(acc.at[pl.ds(r0, ROWS_PER_TILE)],
                        out_hbm.at[1, pl.ds(r0, ROWS_PER_TILE)])


def _sc_aggregate(zt_flat, src0, src1, dst, H, esplit):
    kern = pl.kernel(
        functools.partial(_agg_body, H, esplit),
        out_type=jax.ShapeDtypeStruct((NC, N_PAD, H), jnp.float32),
        mesh=_mesh(),
        scratch_types=[
            pltpu.VMEM((3, 1, SB * CH), jnp.int32),
            pltpu.VMEM((3, SB, 1, CH), jnp.int32),
            pltpu.VMEM((2, SB, CH, H), jnp.float32),
            pltpu.VMEM((ZROWS, H), jnp.float32),
            pltpu.VMEM_SHARED((N_PAD, H), jnp.float32),
            pltpu.SemaphoreType.DMA,
            pltpu.SemaphoreType.DMA,
            pltpu.SemaphoreType.DMA,
        ],
    )
    return kern(zt_flat, src0, src1, dst)



def _dinv_from(deg_ref):
    deg = deg_ref[0, :, 0] + deg_ref[1, :, 0] + 1.0
    return lax.rsqrt(deg)[:, None]


def _deg_spec():
    return pl.BlockSpec((2, M_BLK, DEG_W), lambda m: (0, m, 0))


def _tc1_body(x_ref, w_ref, o_ref):
    z = jnp.dot(x_ref[...].astype(jnp.bfloat16), w_ref[...].astype(jnp.bfloat16),
                preferred_element_type=jnp.float32)
    h = z.shape[1] // 2
    o_ref[0] = z[:, :h]
    o_ref[1] = z[:, h:]


def _tc_layer1(x, W1):
    K = x.shape[1]
    D = W1.shape[1]
    grid = N_PAD // M_BLK
    return pl.pallas_call(
        _tc1_body,
        grid=(grid,),
        in_specs=[
            pl.BlockSpec((M_BLK, K), lambda m: (m, 0)),
            pl.BlockSpec((K, D), lambda m: (0, 0)),
        ],
        out_specs=pl.BlockSpec((2, M_BLK, D // 2), lambda m: (0, m, 0)),
        out_shape=jax.ShapeDtypeStruct((2, N_PAD, D // 2), jnp.float32),
    )(x, W1)


def _tc_scale_body(z_ref, deg_ref, o_ref):
    dinv = _dinv_from(deg_ref)
    o_ref[0] = z_ref[0] * dinv
    o_ref[1] = z_ref[1] * dinv


def _tc_scale(z, deg2):
    H = z.shape[2]
    grid = N_PAD // M_BLK
    return pl.pallas_call(
        _tc_scale_body,
        grid=(grid,),
        in_specs=[
            pl.BlockSpec((2, M_BLK, H), lambda m: (0, m, 0)),
            _deg_spec(),
        ],
        out_specs=pl.BlockSpec((2, M_BLK, H), lambda m: (0, m, 0)),
        out_shape=jax.ShapeDtypeStruct((2, N_PAD, H), jnp.float32),
    )(z, deg2)


def _tc_mid_body(relu, D, D2, split_in, agg_ref, zt_ref, deg_ref, b_ref, w_ref, o_ref):
    dinv = _dinv_from(deg_ref)
    if split_in:
        agg = jnp.concatenate([agg_ref[0], agg_ref[1]], axis=1)
        zt = jnp.concatenate([zt_ref[0], zt_ref[1]], axis=1)
    else:
        agg = (agg_ref[0] + agg_ref[1])[:, :D]
        zt = zt_ref[0][:, :D]
    h = dinv * (agg + zt) + b_ref[...][None, :]
    if relu:
        h = jnp.maximum(h, 0.0)
    z2 = jnp.dot(h, w_ref[...], preferred_element_type=jnp.float32)
    zt2 = z2 * dinv
    if D2 < 128:
        zt2 = jnp.concatenate(
            [zt2, jnp.zeros((zt2.shape[0], 128 - D2), jnp.float32)], axis=1)
    o_ref[0] = zt2
    o_ref[1] = zt2


def _tc_mid(agg, zt, deg2, b, W, relu, split_in):
    D = b.shape[0]
    D2 = W.shape[1]
    grid = N_PAD // M_BLK
    zt_spec = pl.BlockSpec((2, M_BLK, D // 2 if split_in else 128),
                           lambda m: (0, m, 0))
    return pl.pallas_call(
        functools.partial(_tc_mid_body, relu, D, D2, split_in),
        grid=(grid,),
        in_specs=[
            pl.BlockSpec((2, M_BLK, 128), lambda m: (0, m, 0)),
            zt_spec,
            _deg_spec(),
            pl.BlockSpec((D,), lambda m: (0,)),
            pl.BlockSpec((D, D2), lambda m: (0, 0)),
        ],
        out_specs=pl.BlockSpec((2, M_BLK, 128), lambda m: (0, m, 0)),
        out_shape=jax.ShapeDtypeStruct((2, N_PAD, 128), jnp.float32),
    )(agg, zt, deg2, b, W)


def _tc_final_body(agg_ref, zt_ref, deg_ref, b_ref, wl_ref, bl_ref, h_ref, o_ref):
    D = b_ref.shape[0]
    dinv = _dinv_from(deg_ref)
    agg = (agg_ref[0] + agg_ref[1])[:, :D]
    zt = zt_ref[0][:, :D]
    h3 = dinv * (agg + zt) + b_ref[...][None, :]
    h_ref[...] = h3
    logits = jnp.dot(h3, wl_ref[...], preferred_element_type=jnp.float32)
    o_ref[...] = jax.nn.sigmoid(logits + bl_ref[0])


def _tc_final(agg, zt, deg2, b3, Wl, bl):
    D = b3.shape[0]
    grid = N_PAD // M_BLK
    return pl.pallas_call(
        _tc_final_body,
        grid=(grid,),
        in_specs=[
            pl.BlockSpec((2, M_BLK, 128), lambda m: (0, m, 0)),
            pl.BlockSpec((2, M_BLK, 128), lambda m: (0, m, 0)),
            _deg_spec(),
            pl.BlockSpec((D,), lambda m: (0,)),
            pl.BlockSpec((D, 1), lambda m: (0, 0)),
            pl.BlockSpec((1,), lambda m: (0,)),
        ],
        out_specs=[
            pl.BlockSpec((M_BLK, D), lambda m: (m, 0)),
            pl.BlockSpec((M_BLK, 1), lambda m: (m, 0)),
        ],
        out_shape=[
            jax.ShapeDtypeStruct((N_PAD, D), jnp.float32),
            jax.ShapeDtypeStruct((N_PAD, 1), jnp.float32),
        ],
    )(agg, zt, deg2, b3, Wl, bl)



def kernel(x, W1, b1, W2, b2, W3, b3, Wl, bl, edge_index):
    pad = E_PAD - N_EDGES
    src = jnp.concatenate([edge_index[0], jnp.zeros((pad,), jnp.int32)])
    dst = jnp.concatenate([edge_index[1], jnp.full((pad,), N_NODES, jnp.int32)])
    srcN = src + N_PAD

    z1 = _tc_layer1(x, W1)
    deg2 = _sc_degree(dst)
    zt1 = _tc_scale(z1, deg2)
    agg1 = _sc_aggregate(zt1.reshape(2 * N_PAD, 128), src, srcN, dst,
                         128, esplit=False)

    zt2 = _tc_mid(agg1, zt1, deg2, b1, W2, relu=True,
                  split_in=True)
    agg2 = _sc_aggregate(zt2.reshape(2 * N_PAD, 128), src, srcN, dst,
                         128, esplit=True)

    zt3 = _tc_mid(agg2, zt2, deg2, b2, W3, relu=False,
                  split_in=False)
    agg3 = _sc_aggregate(zt3.reshape(2 * N_PAD, 128), src, srcN, dst,
                         128, esplit=True)

    h3, out = _tc_final(agg3, zt3, deg2, b3, Wl, bl)
    return (out[:N_NODES], h3[:N_NODES])

# --- scband reference (transcript-rebuilt; emitter-appended) ---
"""Pipeline reference for scband-gcn-14370960572608 (READ-ONLY COPY).

The authoritative reference and input builder live on the scoring server;
editing this copy changes nothing except your own understanding.
"""

import jax, jax.numpy as jnp
import numpy as np

N = 10000
E = 320000


def gcn_conv(x, W, b, src, dst, n):
    # GCNConv: x' = D^{-1/2} (A + I) D^{-1/2} X W + b  (add_self_loops=True, symmetric norm)
    x = x @ W
    loop = jnp.arange(n, dtype=src.dtype)
    s = jnp.concatenate([src, loop])
    d = jnp.concatenate([dst, loop])
    deg = jax.ops.segment_sum(jnp.ones(s.shape[0], dtype=x.dtype), d, num_segments=n)
    dinv = jnp.where(deg > 0, 1.0 / jnp.sqrt(deg), 0.0)
    norm = dinv[s] * dinv[d]
    msg = x[s] * norm[:, None]
    out = jax.ops.segment_sum(msg, d, num_segments=n)
    return out + b


def setup_inputs(seed: int = 0):
    key = jax.random.key(seed)
    ks = jax.random.split(key, 10)
    x = jax.random.normal(ks[0], (N, 3000), dtype=jnp.float32)
    edge_index = jax.random.randint(ks[1], (2, E), 0, N, dtype=jnp.int32)
    W1 = jax.random.normal(ks[2], (3000, 256), dtype=jnp.float32) * (1.0 / np.sqrt(3000))
    b1 = jnp.zeros((256,), dtype=jnp.float32)
    W2 = jax.random.normal(ks[3], (256, 128), dtype=jnp.float32) * (1.0 / np.sqrt(256))
    b2 = jnp.zeros((128,), dtype=jnp.float32)
    W3 = jax.random.normal(ks[4], (128, 64), dtype=jnp.float32) * (1.0 / np.sqrt(128))
    b3 = jnp.zeros((64,), dtype=jnp.float32)
    Wl = jax.random.normal(ks[5], (64, 1), dtype=jnp.float32) * (1.0 / np.sqrt(64))
    bl = jnp.zeros((1,), dtype=jnp.float32)
    return {"x": x, "W1": W1, "b1": b1, "W2": W2, "b2": b2, "W3": W3, "b3": b3,
            "Wl": Wl, "bl": bl, "edge_index": edge_index}


def reference(x, W1, b1, W2, b2, W3, b3, Wl, bl, edge_index):
    src = edge_index[0]
    dst = edge_index[1]
    h = gcn_conv(x, W1, b1, src, dst, N)
    h = jax.nn.relu(h)
    # dropout is identity in eval mode (training=False)
    h = gcn_conv(h, W2, b2, src, dst, N)
    h = gcn_conv(h, W3, b3, src, dst, N)
    out = jax.nn.sigmoid(h @ Wl + bl)
    return (out, h)

if __name__ == "__main__":
    import jax
    _d = setup_inputs()
    print(jax.jit(kernel)(*tuple(_d.values())))

</pallas_src>

<mosaic_0001>
#map = affine_map<(d0, d1) -> (0, 0)>
#map1 = affine_map<(d0, d1) -> (0)>
#map2 = affine_map<(d0, d1) -> (0, 0, 0)>
module attributes {stable_mosaic.version = 14 : i64} {
  func.func @_agg_body(%arg0: i32, %arg1: i32, %arg2: memref<20480x128xf32, #tpu.memory_space<hbm>>, %arg3: memref<327680xi32, #tpu.memory_space<hbm>>, %arg4: memref<327680xi32, #tpu.memory_space<hbm>>, %arg5: memref<327680xi32, #tpu.memory_space<hbm>>, %arg6: memref<2x10240x128xf32, #tpu.memory_space<hbm>>, %arg7: memref<3x1x128xi32, #tpu.memory_space<vmem>>, %arg8: memref<3x1x1x128xi32, #tpu.memory_space<vmem>>, %arg9: memref<2x1x128x128xf32, #tpu.memory_space<vmem>>, %arg10: memref<32x128xf32, #tpu.memory_space<vmem>>, %arg11: memref<10240x128xf32, #tpu.memory_space<vmem_shared>>, %arg12: memref<!tpu.dma_semaphore, #tpu.memory_space<semaphore_mem>>, %arg13: memref<!tpu.dma_semaphore, #tpu.memory_space<semaphore_mem>>, %arg14: memref<!tpu.dma_semaphore, #tpu.memory_space<semaphore_mem>>) attributes {dimension_semantics = [#tpu.dimension_semantics<core_parallel>, #tpu.dimension_semantics<subcore_parallel>], iteration_bounds = array<i64: 2, 16>, scalar_prefetch = 0 : i64, scratch_operands = 8 : i64, tpu.core_type = #tpu.core_type<sc_vector_subcore>, window_params = [{transform_indices = #map}, {transform_indices = #map1}, {transform_indices = #map1}, {transform_indices = #map1}, {transform_indices = #map2}]} {
    %mul3A = arith.constant 20480 : i32
    %mul3A_0 = arith.muli %arg1, %mul3A : i32
    %mul3A_1 = arith.constant 128 : i32
    %mul3A_2 = arith.muli %arg0, %mul3A_1 : i32
    %add3A = arith.addi %mul3A_0, %mul3A_2 : i32
    %broadcast_in_dim3A = arith.constant 0.000000e+00 : f32
    %broadcast_in_dim3A_3 = vector.broadcast %broadcast_in_dim3A : f32 to vector<16xf32>
    %scan3A = arith.constant 0 : i32
    %scan3A_4 = arith.constant 0 : i32
    %scan3A_5 = arith.constant 256 : i32
    %scan3A_6 = arith.addi %scan3A_4, %scan3A_5 : i32
    %scan3A_7 = arith.constant 1 : i32
    %scan3A_8 = scf.for %scan3A_137 = %scan3A_4 to %scan3A_6 step %scan3A_7 iter_args(%scan3A_138 = %scan3A) -> (i32)  : i32 {
      %jit3A = arith.constant 8 : i32
      %div3A = arith.divsi %scan3A_137, %jit3A : i32
      %sign3A = arith.constant 0 : i32
      %sign3A_139 = arith.cmpi sgt, %scan3A_137, %sign3A : i32
      %sign3A_140 = arith.extui %sign3A_139 : i1 to i32
      %sign3A_141 = arith.constant 0 : i32
      %sign3A_142 = arith.cmpi slt, %scan3A_137, %sign3A_141 : i32
      %sign3A_143 = arith.extui %sign3A_142 : i1 to i32
      %sign3A_144 = arith.subi %sign3A_140, %sign3A_143 : i32
      %sign3A_145 = arith.constant 0 : i32
      %sign3A_146 = arith.cmpi sgt, %jit3A, %sign3A_145 : i32
      %sign3A_147 = arith.extui %sign3A_146 : i1 to i32
      %sign3A_148 = arith.constant 0 : i32
      %sign3A_149 = arith.cmpi slt, %jit3A, %sign3A_148 : i32
      %sign3A_150 = arith.extui %sign3A_149 : i1 to i32
      %sign3A_151 = arith.subi %sign3A_147, %sign3A_150 : i32
      %ne3A = arith.cmpi ne, %sign3A_144, %sign3A_151 : i32
      %rem3A = arith.remsi %scan3A_137, %jit3A : i32
      %ne3A_152 = arith.constant 0 : i32
      %ne3A_153 = arith.cmpi ne, %rem3A, %ne3A_152 : i32
      %and3A = arith.andi %ne3A, %ne3A_153 : i1
      %sub3A = arith.constant 1 : i32
      %sub3A_154 = arith.subi %div3A, %sub3A : i32
      %select_n3A = arith.select %and3A, %sub3A_154, %div3A : i32
      %jit3A_155 = arith.constant 8 : i32
      %eq3A_156 = arith.constant 0 : i32
      %eq3A_157 = arith.cmpi eq, %jit3A_155, %eq3A_156 : i32
      %jit3A_158 = arith.constant 1 : i32
      %select_n3A_159 = arith.select %eq3A_157, %jit3A_158, %jit3A_155 : i32
      %rem3A_160 = arith.remsi %scan3A_137, %select_n3A_159 : i32
      %ne3A_161 = arith.constant 0 : i32
      %ne3A_162 = arith.cmpi ne, %rem3A_160, %ne3A_161 : i32
      %lt3A = arith.constant 0 : i32
      %lt3A_163 = arith.cmpi slt, %rem3A_160, %lt3A : i32
      %lt3A_164 = arith.constant 0 : i32
      %lt3A_165 = arith.cmpi slt, %select_n3A_159, %lt3A_164 : i32
      %ne3A_166 = arith.xori %lt3A_163, %lt3A_165 : i1
      %and3A_167 = arith.andi %ne3A_166, %ne3A_162 : i1
      %add3A_168 = arith.addi %rem3A_160, %select_n3A_159 : i32
      %select_n3A_169 = arith.select %and3A_167, %add3A_168, %rem3A_160 : i32
      %mul3A_170 = arith.constant 16 : i32
      %mul3A_171 = arith.muli %select_n3A_169, %mul3A_170 : i32
      %swap3A = arith.index_cast %select_n3A : i32 to index
      %swap3A_172 = arith.index_cast %mul3A_171 : i32 to index
      %swap3A_173 = tpu.vector_load %arg10[%swap3A, %swap3A_172] {strides = array<i32>} : memref<32x128xf32, #tpu.memory_space<vmem>>, vector<1x16xf32>,
      %swap3A_174 = vector.shape_cast %swap3A_173 : vector<1x16xf32> to vector<16xf32>
      %swap3A_175 = vector.shape_cast %broadcast_in_dim3A_3 : vector<16xf32> to vector<1x16xf32>
      tpu.vector_store %arg10[%swap3A, %swap3A_172], %swap3A_175 {strides = array<i32>} : memref<32x128xf32, #tpu.memory_space<vmem>>, vector<1x16xf32>,
      %scan3A_176 = arith.constant 0 : i32
      scf.yield %scan3A_176 : i32
    }
    %scan3A_9 = arith.constant 256 : i32
    %scan3A_10 = arith.constant 0 : i32
    %scan3A_11 = arith.constant 0 : i32
    %scan3A_12 = arith.constant 20 : i32
    %scan3A_13 = arith.addi %scan3A_11, %scan3A_12 : i32
    %scan3A_14 = arith.constant 1 : i32
    %scan3A_15 = scf.for %scan3A_137 = %scan3A_11 to %scan3A_13 step %scan3A_14 iter_args(%scan3A_138 = %scan3A_10) -> (i32)  : i32 {
      %mul3A_139 = arith.constant 640 : i32
      %mul3A_140 = arith.muli %arg1, %mul3A_139 : i32
      %mul3A_141 = arith.constant 32 : i32
      %mul3A_142 = arith.muli %scan3A_137, %mul3A_141 : i32
      %add3A_143 = arith.addi %mul3A_140, %mul3A_142 : i32
      "tpu.region"() ({
        %run_scoped3A = tpu.sem_alloc : memref<!tpu.dma_semaphore, #tpu.memory_space<semaphore_mem>>
        %dma_start3A_145 = arith.constant 0 : i32
        %dma_start3A_146 = tpu.memref_slice %arg11[%add3A_143, %dma_start3A_145] : memref<10240x128xf32, #tpu.memory_space<vmem_shared>> -> memref<32x128xf32, #tpu.memory_space<vmem_shared>>
        %dma_start3A_147 = arith.constant 0 : i32
        %dma_start3A_148 = tpu.memref_slice %arg11[%add3A_143, %dma_start3A_147] : memref<10240x128xf32, #tpu.memory_space<vmem_shared>> -> memref<32x128xf32, #tpu.memory_space<vmem_shared>>
        tpu.enqueue_dma source(%arg10 : memref<32x128xf32, #tpu.memory_space<vmem>>) target(%dma_start3A_148 : memref<32x128xf32, #tpu.memory_space<vmem_shared>>) target_semaphore(%run_scoped3A : memref<!tpu.dma_semaphore, #tpu.memory_space<semaphore_mem>>)
        %dma_wait3A_149 = arith.constant 0 : i32
        %dma_wait3A_150 = tpu.memref_slice %arg11[%add3A_143, %dma_wait3A_149] : memref<10240x128xf32, #tpu.memory_space<vmem_shared>> -> memref<32x128xf32, #tpu.memory_space<vmem_shared>>
        %dma_wait3A_151 = arith.constant 0 : i32
        %dma_wait3A_152 = tpu.memref_slice %arg11[%add3A_143, %dma_wait3A_151] : memref<10240x128xf32, #tpu.memory_space<vmem_shared>> -> memref<32x128xf32, #tpu.memory_space<vmem_shared>>
        tpu.wait_dma2 semaphore(%run_scoped3A : memref<!tpu.dma_semaphore, #tpu.memory_space<semaphore_mem>>) src(%arg10 : memref<32x128xf32, #tpu.memory_space<vmem>>) dst(%dma_wait3A_152 : memref<32x128xf32, #tpu.memory_space<vmem_shared>>)
        tpu.yield
      }) : () -> ()
      %scan3A_144 = arith.constant 0 : i32
      scf.yield %scan3A_144 : i32
    }
    %scan3A_16 = arith.constant 20 : i32
    %barrier3A = arith.constant 0 : index
    tpu.barrier barrier_id(%barrier3A)
    %add3A_17 = arith.constant 0 : i32
    %add3A_18 = arith.addi %add3A, %add3A_17 : i32
    %eq3A = arith.constant 0 : i32
    %eq3A_19 = arith.cmpi eq, %arg0, %eq3A : i32
    %convert_element_type3A = arith.extui %eq3A_19 : i1 to i32
    %cond3A = arith.constant 0 : i32
    %cond3A_20 = arith.cmpi ne, %convert_element_type3A, %cond3A : i32
    scf.if %cond3A_20 {
      %dma_start3A_137 = arith.constant 0 : i32
      %dma_start3A_138 = arith.constant 0 : i32
      %dma_start3A_139 = arith.constant 0 : i32
      %dma_start3A_140 = tpu.memref_slice %arg7[%dma_start3A_137, %dma_start3A_138, %dma_start3A_139] : memref<3x1x128xi32, #tpu.memory_space<vmem>> -> memref<1x1x128xi32, #tpu.memory_space<vmem>>
      %dma_start3A_141 = tpu.memref_squeeze %dma_start3A_140 : memref<1x1x128xi32, #tpu.memory_space<vmem>> -> memref<128xi32, #tpu.memory_space<vmem>>
      %dma_start3A_142 = tpu.memref_slice %arg3[%add3A_18] : memref<327680xi32, #tpu.memory_space<hbm>> -> memref<128xi32, #tpu.memory_space<hbm>>
      %dma_start3A_143 = arith.constant 0 : i32
      %dma_start3A_144 = tpu.memref_slice %arg7[%dma_start3A_137, %dma_start3A_138, %dma_start3A_143] : memref<3x1x128xi32, #tpu.memory_space<vmem>> -> memref<1x1x128xi32, #tpu.memory_space<vmem>>
      %dma_start3A_145 = tpu.memref_squeeze %dma_start3A_144 : memref<1x1x128xi32, #tpu.memory_space<vmem>> -> memref<128xi32, #tpu.memory_space<vmem>>
      %dma_start3A_146 = tpu.memref_slice %arg3[%add3A_18] : memref<327680xi32, #tpu.memory_space<hbm>> -> memref<128xi32, #tpu.memory_space<hbm>>
      tpu.enqueue_dma source(%dma_start3A_146 : memref<128xi32, #tpu.memory_space<hbm>>) target(%dma_start3A_145 : memref<128xi32, #tpu.memory_space<vmem>>) target_semaphore(%arg12 : memref<!tpu.dma_semaphore, #tpu.memory_space<semaphore_mem>>)
    } else {
    }
    %eq3A_21 = arith.constant 1 : i32
    %eq3A_22 = arith.cmpi eq, %arg0, %eq3A_21 : i32
    %convert_element_type3A_23 = arith.extui %eq3A_22 : i1 to i32
    %cond3A_24 = arith.constant 0 : i32
    %cond3A_25 = arith.cmpi ne, %convert_element_type3A_23, %cond3A_24 : i32
    scf.if %cond3A_25 {
      %dma_start3A_137 = arith.constant 0 : i32
      %dma_start3A_138 = arith.constant 0 : i32
      %dma_start3A_139 = arith.constant 0 : i32
      %dma_start3A_140 = tpu.memref_slice %arg7[%dma_start3A_137, %dma_start3A_138, %dma_start3A_139] : memref<3x1x128xi32, #tpu.memory_space<vmem>> -> memref<1x1x128xi32, #tpu.memory_space<vmem>>
      %dma_start3A_141 = tpu.memref_squeeze %dma_start3A_140 : memref<1x1x128xi32, #tpu.memory_space<vmem>> -> memref<128xi32, #tpu.memory_space<vmem>>
      %dma_start3A_142 = tpu.memref_slice %arg4[%add3A_18] : memref<327680xi32, #tpu.memory_space<hbm>> -> memref<128xi32, #tpu.memory_space<hbm>>
      %dma_start3A_143 = arith.constant 0 : i32
      %dma_start3A_144 = tpu.memref_slice %arg7[%dma_start3A_137, %dma_start3A_138, %dma_start3A_143] : memref<3x1x128xi32, #tpu.memory_space<vmem>> -> memref<1x1x128xi32, #tpu.memory_space<vmem>>
      %dma_start3A_145 = tpu.memref_squeeze %dma_start3A_144 : memref<1x1x128xi32, #tpu.memory_space<vmem>> -> memref<128xi32, #tpu.memory_space<vmem>>
      %dma_start3A_146 = tpu.memref_slice %arg4[%add3A_18] : memref<327680xi32, #tpu.memory_space<hbm>> -> memref<128xi32, #tpu.memory_space<hbm>>
      tpu.enqueue_dma source(%dma_start3A_146 : memref<128xi32, #tpu.memory_space<hbm>>) target(%dma_start3A_145 : memref<128xi32, #tpu.memory_space<vmem>>) target_semaphore(%arg12 : memref<!tpu.dma_semaphore, #tpu.memory_space<semaphore_mem>>)
    } else {
    }
    %add3A_26 = arith.constant 0 : i32
    %add3A_27 = arith.addi %add3A_18, %add3A_26 : i32
    %dma_start3A = arith.constant 0 : i32
    %dma_start3A_28 = arith.constant 0 : i32
    %dma_start3A_29 = arith.constant 0 : i32
    %dma_start3A_30 = arith.constant 0 : i32
    %dma_start3A_31 = tpu.memref_slice %arg8[%dma_start3A, %dma_start3A_28, %dma_start3A_29, %dma_start3A_30] : memref<3x1x1x128xi32, #tpu.memory_space<vmem>> -> memref<1x1x1x128xi32, #tpu.memory_space<vmem>>
    %dma_start3A_32 = tpu.memref_squeeze %dma_start3A_31 : memref<1x1x1x128xi32, #tpu.memory_space<vmem>> -> memref<128xi32, #tpu.memory_space<vmem>>
    %dma_start3A_33 = tpu.memref_slice %arg5[%add3A_27] : memref<327680xi32, #tpu.memory_space<hbm>> -> memref<128xi32, #tpu.memory_space<hbm>>
    %dma_start3A_34 = arith.constant 0 : i32
    %dma_start3A_35 = tpu.memref_slice %arg8[%dma_start3A, %dma_start3A_28, %dma_start3A_29, %dma_start3A_34] : memref<3x1x1x128xi32, #tpu.memory_space<vmem>> -> memref<1x1x1x128xi32, #tpu.memory_space<vmem>>
    %dma_start3A_36 = tpu.memref_squeeze %dma_start3A_35 : memref<1x1x1x128xi32, #tpu.memory_space<vmem>> -> memref<128xi32, #tpu.memory_space<vmem>>
    %dma_start3A_37 = tpu.memref_slice %arg5[%add3A_27] : memref<327680xi32, #tpu.memory_space<hbm>> -> memref<128xi32, #tpu.memory_space<hbm>>
    tpu.enqueue_dma source(%dma_start3A_37 : memref<128xi32, #tpu.memory_space<hbm>>) target(%dma_start3A_36 : memref<128xi32, #tpu.memory_space<vmem>>) target_semaphore(%arg12 : memref<!tpu.dma_semaphore, #tpu.memory_space<semaphore_mem>>)
    %dma_wait3A = arith.constant 0 : i32
    %dma_wait3A_38 = arith.constant 0 : i32
    %dma_wait3A_39 = arith.constant 0 : i32
    %dma_wait3A_40 = tpu.memref_slice %arg7[%dma_wait3A, %dma_wait3A_38, %dma_wait3A_39] : memref<3x1x128xi32, #tpu.memory_space<vmem>> -> memref<1x1x128xi32, #tpu.memory_space<vmem>>
    %dma_wait3A_41 = tpu.memref_squeeze %dma_wait3A_40 : memref<1x1x128xi32, #tpu.memory_space<vmem>> -> memref<128xi32, #tpu.memory_space<vmem>>
    %dma_wait3A_42 = arith.constant 0 : i32
    %dma_wait3A_43 = tpu.memref_slice %arg3[%dma_wait3A_42] : memref<327680xi32, #tpu.memory_space<hbm>> -> memref<128xi32, #tpu.memory_space<hbm>>
    %dma_wait3A_44 = arith.constant 0 : i32
    %dma_wait3A_45 = tpu.memref_slice %arg7[%dma_wait3A, %dma_wait3A_38, %dma_wait3A_44] : memref<3x1x128xi32, #tpu.memory_space<vmem>> -> memref<1x1x128xi32, #tpu.memory_space<vmem>>
    %dma_wait3A_46 = tpu.memref_squeeze %dma_wait3A_45 : memref<1x1x128xi32, #tpu.memory_space<vmem>> -> memref<128xi32, #tpu.memory_space<vmem>>
    %dma_wait3A_47 = arith.constant 0 : i32
    %dma_wait3A_48 = tpu.memref_slice %arg3[%dma_wait3A_47] : memref<327680xi32, #tpu.memory_space<hbm>> -> memref<128xi32, #tpu.memory_space<hbm>>
    tpu.wait_dma2 semaphore(%arg12 : memref<!tpu.dma_semaphore, #tpu.memory_space<semaphore_mem>>) src(%dma_wait3A_48 : memref<128xi32, #tpu.memory_space<hbm>>) dst(%dma_wait3A_46 : memref<128xi32, #tpu.memory_space<vmem>>)
    %dma_wait3A_49 = arith.constant 0 : i32
    %dma_wait3A_50 = arith.constant 0 : i32
    %dma_wait3A_51 = arith.constant 0 : i32
    %dma_wait3A_52 = arith.constant 0 : i32
    %dma_wait3A_53 = tpu.memref_slice %arg8[%dma_wait3A_49, %dma_wait3A_50, %dma_wait3A_51, %dma_wait3A_52] : memref<3x1x1x128xi32, #tpu.memory_space<vmem>> -> memref<1x1x1x128xi32, #tpu.memory_space<vmem>>
    %dma_wait3A_54 = tpu.memref_squeeze %dma_wait3A_53 : memref<1x1x1x128xi32, #tpu.memory_space<vmem>> -> memref<128xi32, #tpu.memory_space<vmem>>
    %dma_wait3A_55 = arith.constant 0 : i32
    %dma_wait3A_56 = tpu.memref_slice %arg5[%dma_wait3A_55] : memref<327680xi32, #tpu.memory_space<hbm>> -> memref<128xi32, #tpu.memory_space<hbm>>
    %dma_wait3A_57 = arith.constant 0 : i32
    %dma_wait3A_58 = tpu.memref_slice %arg8[%dma_wait3A_49, %dma_wait3A_50, %dma_wait3A_51, %dma_wait3A_57] : memref<3x1x1x128xi32, #tpu.memory_space<vmem>> -> memref<1x1x1x128xi32, #tpu.memory_space<vmem>>
    %dma_wait3A_59 = tpu.memref_squeeze %dma_wait3A_58 : memref<1x1x1x128xi32, #tpu.memory_space<vmem>> -> memref<128xi32, #tpu.memory_space<vmem>>
    %dma_wait3A_60 = arith.constant 0 : i32
    %dma_wait3A_61 = tpu.memref_slice %arg5[%dma_wait3A_60] : memref<327680xi32, #tpu.memory_space<hbm>> -> memref<128xi32, #tpu.memory_space<hbm>>
    tpu.wait_dma2 semaphore(%arg12 : memref<!tpu.dma_semaphore, #tpu.memory_space<semaphore_mem>>) src(%dma_wait3A_61 : memref<128xi32, #tpu.memory_space<hbm>>) dst(%dma_wait3A_59 : memref<128xi32, #tpu.memory_space<vmem>>)
    %dma_start3A_62 = arith.constant 0 : i32
    %dma_start3A_63 = arith.constant 0 : i32
    %dma_start3A_64 = arith.constant 0 : i32
    %dma_start3A_65 = arith.constant 0 : i32
    %dma_start3A_66 = arith.constant 0 : i32
    %dma_start3A_67 = arith.constant 0 : i32
    %dma_start3A_68 = tpu.memref_slice %arg9[%dma_start3A_64, %dma_start3A_65, %dma_start3A_66, %dma_start3A_67] : memref<2x1x128x128xf32, #tpu.memory_space<vmem>> -> memref<1x1x128x128xf32, #tpu.memory_space<vmem>>
    %dma_start3A_69 = tpu.memref_squeeze %dma_start3A_68 : memref<1x1x128x128xf32, #tpu.memory_space<vmem>> -> memref<128x128xf32, #tpu.memory_space<vmem>>
    %dma_start3A_70 = arith.constant 0 : i32
    %dma_start3A_71 = tpu.memref_slice %arg7[%dma_start3A_62, %dma_start3A_63, %dma_start3A_70] : memref<3x1x128xi32, #tpu.memory_space<vmem>> -> memref<1x1x128xi32, #tpu.memory_space<vmem>>
    %dma_start3A_72 = tpu.memref_squeeze %dma_start3A_71 : memref<1x1x128xi32, #tpu.memory_space<vmem>> -> memref<128xi32, #tpu.memory_space<vmem>>
    %dma_start3A_73 = arith.constant 0 : i32
    %dma_start3A_74 = arith.constant 0 : i32
    %dma_start3A_75 = tpu.memref_slice %arg2[%dma_start3A_73, %dma_start3A_74] : memref<20480x128xf32, #tpu.memory_space<hbm>> -> memref<20480x128xf32, #tpu.memory_space<hbm>>
    tpu.enqueue_indirect_dma source(%dma_start3A_75 : memref<20480x128xf32, #tpu.memory_space<hbm>>) target(%dma_start3A_69 : memref<128x128xf32, #tpu.memory_space<vmem>>) offsets(%dma_start3A_72 : memref<128xi32, #tpu.memory_space<vmem>>) semaphore(%arg13 : memref<!tpu.dma_semaphore, #tpu.memory_space<semaphore_mem>>)
    %add3A_76 = arith.constant 256 : i32
    %add3A_77 = arith.addi %add3A, %add3A_76 : i32
    %eq3A_78 = arith.constant 0 : i32
    %eq3A_79 = arith.cmpi eq, %arg0, %eq3A_78 : i32
    %convert_element_type3A_80 = arith.extui %eq3A_79 : i1 to i32
    %cond3A_81 = arith.constant 0 : i32
    %cond3A_82 = arith.cmpi ne, %convert_element_type3A_80, %cond3A_81 : i32
    scf.if %cond3A_82 {
      %dma_start3A_137 = arith.constant 1 : i32
      %dma_start3A_138 = arith.constant 0 : i32
      %dma_start3A_139 = arith.constant 0 : i32
      %dma_start3A_140 = tpu.memref_slice %arg7[%dma_start3A_137, %dma_start3A_138, %dma_start3A_139] : memref<3x1x128xi32, #tpu.memory_space<vmem>> -> memref<1x1x128xi32, #tpu.memory_space<vmem>>
      %dma_start3A_141 = tpu.memref_squeeze %dma_start3A_140 : memref<1x1x128xi32, #tpu.memory_space<vmem>> -> memref<128xi32, #tpu.memory_space<vmem>>
      %dma_start3A_142 = tpu.memref_slice %arg3[%add3A_77] : memref<327680xi32, #tpu.memory_space<hbm>> -> memref<128xi32, #tpu.memory_space<hbm>>
      %dma_start3A_143 = arith.constant 0 : i32
      %dma_start3A_144 = tpu.memref_slice %arg7[%dma_start3A_137, %dma_start3A_138, %dma_start3A_143] : memref<3x1x128xi32, #tpu.memory_space<vmem>> -> memref<1x1x128xi32, #tpu.memory_space<vmem>>
      %dma_start3A_145 = tpu.memref_squeeze %dma_start3A_144 : memref<1x1x128xi32, #tpu.memory_space<vmem>> -> memref<128xi32, #tpu.memory_space<vmem>>
      %dma_start3A_146 = tpu.memref_slice %arg3[%add3A_77] : memref<327680xi32, #tpu.memory_space<hbm>> -> memref<128xi32, #tpu.memory_space<hbm>>
      tpu.enqueue_dma source(%dma_start3A_146 : memref<128xi32, #tpu.memory_space<hbm>>) target(%dma_start3A_145 : memref<128xi32, #tpu.memory_space<vmem>>) target_semaphore(%arg12 : memref<!tpu.dma_semaphore, #tpu.memory_space<semaphore_mem>>)
    } else {
    }
    %eq3A_83 = arith.constant 1 : i32
    %eq3A_84 = arith.cmpi eq, %arg0, %eq3A_83 : i32
    %convert_element_type3A_85 = arith.extui %eq3A_84 : i1 to i32
    %cond3A_86 = arith.constant 0 : i32
    %cond3A_87 = arith.cmpi ne, %convert_element_type3A_85, %cond3A_86 : i32
    scf.if %cond3A_87 {
      %dma_start3A_137 = arith.constant 1 : i32
      %dma_start3A_138 = arith.constant 0 : i32
      %dma_start3A_139 = arith.constant 0 : i32
      %dma_start3A_140 = tpu.memref_slice %arg7[%dma_start3A_137, %dma_start3A_138, %dma_start3A_139] : memref<3x1x128xi32, #tpu.memory_space<vmem>> -> memref<1x1x128xi32, #tpu.memory_space<vmem>>
      %dma_start3A_141 = tpu.memref_squeeze %dma_start3A_140 : memref<1x1x128xi32, #tpu.memory_space<vmem>> -> memref<128xi32, #tpu.memory_space<vmem>>
      %dma_start3A_142 = tpu.memref_slice %arg4[%add3A_77] : memref<327680xi32, #tpu.memory_space<hbm>> -> memref<128xi32, #tpu.memory_space<hbm>>
      %dma_start3A_143 = arith.constant 0 : i32
      %dma_start3A_144 = tpu.memref_slice %arg7[%dma_start3A_137, %dma_start3A_138, %dma_start3A_143] : memref<3x1x128xi32, #tpu.memory_space<vmem>> -> memref<1x1x128xi32, #tpu.memory_space<vmem>>
      %dma_start3A_145 = tpu.memref_squeeze %dma_start3A_144 : memref<1x1x128xi32, #tpu.memory_space<vmem>> -> memref<128xi32, #tpu.memory_space<vmem>>
      %dma_start3A_146 = tpu.memref_slice %arg4[%add3A_77] : memref<327680xi32, #tpu.memory_space<hbm>> -> memref<128xi32, #tpu.memory_space<hbm>>
      tpu.enqueue_dma source(%dma_start3A_146 : memref<128xi32, #tpu.memory_space<hbm>>) target(%dma_start3A_145 : memref<128xi32, #tpu.memory_space<vmem>>) target_semaphore(%arg12 : memref<!tpu.dma_semaphore, #tpu.memory_space<semaphore_mem>>)
    } else {
    }
    %add3A_88 = arith.constant 0 : i32
    %add3A_89 = arith.addi %add3A_77, %add3A_88 : i32
    %dma_start3A_90 = arith.constant 1 : i32
    %dma_start3A_91 = arith.constant 0 : i32
    %dma_start3A_92 = arith.constant 0 : i32
    %dma_start3A_93 = arith.constant 0 : i32
    %dma_start3A_94 = tpu.memref_slice %arg8[%dma_start3A_90, %dma_start3A_91, %dma_start3A_92, %dma_start3A_93] : memref<3x1x1x128xi32, #tpu.memory_space<vmem>> -> memref<1x1x1x128xi32, #tpu.memory_space<vmem>>
    %dma_start3A_95 = tpu.memref_squeeze %dma_start3A_94 : memref<1x1x1x128xi32, #tpu.memory_space<vmem>> -> memref<128xi32, #tpu.memory_space<vmem>>
    %dma_start3A_96 = tpu.memref_slice %arg5[%add3A_89] : memref<327680xi32, #tpu.memory_space<hbm>> -> memref<128xi32, #tpu.memory_space<hbm>>
    %dma_start3A_97 = arith.constant 0 : i32
    %dma_start3A_98 = tpu.memref_slice %arg8[%dma_start3A_90, %dma_start3A_91, %dma_start3A_92, %dma_start3A_97] : memref<3x1x1x128xi32, #tpu.memory_space<vmem>> -> memref<1x1x1x128xi32, #tpu.memory_space<vmem>>
    %dma_start3A_99 = tpu.memref_squeeze %dma_start3A_98 : memref<1x1x1x128xi32, #tpu.memory_space<vmem>> -> memref<128xi32, #tpu.memory_space<vmem>>
    %dma_start3A_100 = tpu.memref_slice %arg5[%add3A_89] : memref<327680xi32, #tpu.memory_space<hbm>> -> memref<128xi32, #tpu.memory_space<hbm>>
    tpu.enqueue_dma source(%dma_start3A_100 : memref<128xi32, #tpu.memory_space<hbm>>) target(%dma_start3A_99 : memref<128xi32, #tpu.memory_space<vmem>>) target_semaphore(%arg12 : memref<!tpu.dma_semaphore, #tpu.memory_space<semaphore_mem>>)
    %scan3A_101 = arith.constant 0 : i32
    %scan3A_102 = arith.constant 0 : i32
    %scan3A_103 = arith.constant 80 : i32
    %scan3A_104 = arith.addi %scan3A_102, %scan3A_103 : i32
    %scan3A_105 = arith.constant 1 : i32
    %scan3A_106 = scf.for %scan3A_137 = %scan3A_102 to %scan3A_104 step %scan3A_105 iter_args(%scan3A_138 = %scan3A_101) -> (i32)  : i32 {
      %jit3A = arith.constant 2 : i32
      %eq3A_139 = arith.constant 0 : i32
      %eq3A_140 = arith.cmpi eq, %jit3A, %eq3A_139 : i32
      %jit3A_141 = arith.constant 1 : i32
      %select_n3A = arith.select %eq3A_140, %jit3A_141, %jit3A : i32
      %rem3A = arith.remsi %scan3A_137, %select_n3A : i32
      %ne3A = arith.constant 0 : i32
      %ne3A_142 = arith.cmpi ne, %rem3A, %ne3A : i32
      %lt3A = arith.constant 0 : i32
      %lt3A_143 = arith.cmpi slt, %rem3A, %lt3A : i32
      %lt3A_144 = arith.constant 0 : i32
      %lt3A_145 = arith.cmpi slt, %select_n3A, %lt3A_144 : i32
      %ne3A_146 = arith.xori %lt3A_143, %lt3A_145 : i1
      %and3A = arith.andi %ne3A_146, %ne3A_142 : i1
      %add3A_147 = arith.addi %rem3A, %select_n3A : i32
      %select_n3A_148 = arith.select %and3A, %add3A_147, %rem3A : i32
      %sub3A = arith.constant 1 : i32
      %sub3A_149 = arith.subi %sub3A, %select_n3A_148 : i32
      %jit3A_150 = arith.constant 3 : i32
      %eq3A_151 = arith.constant 0 : i32
      %eq3A_152 = arith.cmpi eq, %jit3A_150, %eq3A_151 : i32
      %jit3A_153 = arith.constant 1 : i32
      %select_n3A_154 = arith.select %eq3A_152, %jit3A_153, %jit3A_150 : i32
      %rem3A_155 = arith.remsi %scan3A_137, %select_n3A_154 : i32
      %ne3A_156 = arith.constant 0 : i32
      %ne3A_157 = arith.cmpi ne, %rem3A_155, %ne3A_156 : i32
      %lt3A_158 = arith.constant 0 : i32
      %lt3A_159 = arith.cmpi slt, %rem3A_155, %lt3A_158 : i32
      %lt3A_160 = arith.constant 0 : i32
      %lt3A_161 = arith.cmpi slt, %select_n3A_154, %lt3A_160 : i32
      %ne3A_162 = arith.xori %lt3A_159, %lt3A_161 : i1
      %and3A_163 = arith.andi %ne3A_162, %ne3A_157 : i1
      %add3A_164 = arith.addi %rem3A_155, %select_n3A_154 : i32
      %select_n3A_165 = arith.select %and3A_163, %add3A_164, %rem3A_155 : i32
      %add3A_166 = arith.constant 1 : i32
      %add3A_167 = arith.addi %scan3A_137, %add3A_166 : i32
      %jit3A_168 = arith.constant 3 : i32
      %eq3A_169 = arith.constant 0 : i32
      %eq3A_170 = arith.cmpi eq, %jit3A_168, %eq3A_169 : i32
      %jit3A_171 = arith.constant 1 : i32
      %select_n3A_172 = arith.select %eq3A_170, %jit3A_171, %jit3A_168 : i32
      %rem3A_173 = arith.remsi %add3A_167, %select_n3A_172 : i32
      %ne3A_174 = arith.constant 0 : i32
      %ne3A_175 = arith.cmpi ne, %rem3A_173, %ne3A_174 : i32
      %lt3A_176 = arith.constant 0 : i32
      %lt3A_177 = arith.cmpi slt, %rem3A_173, %lt3A_176 : i32
      %lt3A_178 = arith.constant 0 : i32
      %lt3A_179 = arith.cmpi slt, %select_n3A_172, %lt3A_178 : i32
      %ne3A_180 = arith.xori %lt3A_177, %lt3A_179 : i1
      %and3A_181 = arith.andi %ne3A_180, %ne3A_175 : i1
      %add3A_182 = arith.addi %rem3A_173, %select_n3A_172 : i32
      %select_n3A_183 = arith.select %and3A_181, %add3A_182, %rem3A_173 : i32
      %add3A_184 = arith.constant 2 : i32
      %add3A_185 = arith.addi %scan3A_137, %add3A_184 : i32
      %jit3A_186 = arith.constant 3 : i32
      %eq3A_187 = arith.constant 0 : i32
      %eq3A_188 = arith.cmpi eq, %jit3A_186, %eq3A_187 : i32
      %jit3A_189 = arith.constant 1 : i32
      %select_n3A_190 = arith.select %eq3A_188, %jit3A_189, %jit3A_186 : i32
      %rem3A_191 = arith.remsi %add3A_185, %select_n3A_190 : i32
      %ne3A_192 = arith.constant 0 : i32
      %ne3A_193 = arith.cmpi ne, %rem3A_191, %ne3A_192 : i32
      %lt3A_194 = arith.constant 0 : i32
      %lt3A_195 = arith.cmpi slt, %rem3A_191, %lt3A_194 : i32
      %lt3A_196 = arith.constant 0 : i32
      %lt3A_197 = arith.cmpi slt, %select_n3A_190, %lt3A_196 : i32
      %ne3A_198 = arith.xori %lt3A_195, %lt3A_197 : i1
      %and3A_199 = arith.andi %ne3A_198, %ne3A_193 : i1
      %add3A_200 = arith.addi %rem3A_191, %select_n3A_190 : i32
      %select_n3A_201 = arith.select %and3A_199, %add3A_200, %rem3A_191 : i32
      %dma_wait3A_202 = arith.constant 0 : i32
      %dma_wait3A_203 = arith.constant 0 : i32
      %dma_wait3A_204 = arith.constant 0 : i32
      %dma_wait3A_205 = arith.constant 0 : i32
      %dma_wait3A_206 = tpu.memref_slice %arg9[%dma_wait3A_202, %dma_wait3A_203, %dma_wait3A_204, %dma_wait3A_205] : memref<2x1x128x128xf32, #tpu.memory_space<vmem>> -> memref<1x1x128x128xf32, #tpu.memory_space<vmem>>
      %dma_wait3A_207 = tpu.memref_squeeze %dma_wait3A_206 : memref<1x1x128x128xf32, #tpu.memory_space<vmem>> -> memref<128x128xf32, #tpu.memory_space<vmem>>
      %dma_wait3A_208 = arith.constant 0 : i32
      %dma_wait3A_209 = arith.constant 0 : i32
      %dma_wait3A_210 = tpu.memref_slice %arg2[%dma_wait3A_208, %dma_wait3A_209] : memref<20480x128xf32, #tpu.memory_space<hbm>> -> memref<128x128xf32, #tpu.memory_space<hbm>>
      %dma_wait3A_211 = arith.constant 0 : i32
      %dma_wait3A_212 = arith.constant 0 : i32
      %dma_wait3A_213 = tpu.memref_slice %arg9[%dma_wait3A_202, %dma_wait3A_203, %dma_wait3A_211, %dma_wait3A_212] : memref<2x1x128x128xf32, #tpu.memory_space<vmem>> -> memref<1x1x128x128xf32, #tpu.memory_space<vmem>>
      %dma_wait3A_214 = tpu.memref_squeeze %dma_wait3A_213 : memref<1x1x128x128xf32, #tpu.memory_space<vmem>> -> memref<128x128xf32, #tpu.memory_space<vmem>>
      %dma_wait3A_215 = arith.constant 0 : i32
      %dma_wait3A_216 = arith.constant 0 : i32
      %dma_wait3A_217 = tpu.memref_slice %arg2[%dma_wait3A_215, %dma_wait3A_216] : memref<20480x128xf32, #tpu.memory_space<hbm>> -> memref<128x128xf32, #tpu.memory_space<hbm>>
      tpu.wait_dma2 semaphore(%arg13 : memref<!tpu.dma_semaphore, #tpu.memory_space<semaphore_mem>>) src(%dma_wait3A_217 : memref<128x128xf32, #tpu.memory_space<hbm>>) dst(%dma_wait3A_214 : memref<128x128xf32, #tpu.memory_space<vmem>>)
      %gt3A = arith.constant 0 : i32
      %gt3A_218 = arith.cmpi sgt, %scan3A_137, %gt3A : i32
      %convert_element_type3A_219 = arith.extui %gt3A_218 : i1 to i32
      %cond3A_220 = arith.constant 0 : i32
      %cond3A_221 = arith.cmpi ne, %convert_element_type3A_219, %cond3A_220 : i32
      scf.if %cond3A_221 {
        %dma_wait3A_250 = arith.constant 0 : i32
        %dma_wait3A_251 = arith.constant 0 : i32
        %dma_wait3A_252 = arith.constant 0 : i32
        %dma_wait3A_253 = arith.constant 0 : i32
        %dma_wait3A_254 = tpu.memref_slice %arg9[%dma_wait3A_250, %dma_wait3A_251, %dma_wait3A_252, %dma_wait3A_253] : memref<2x1x128x128xf32, #tpu.memory_space<vmem>> -> memref<1x1x128x128xf32, #tpu.memory_space<vmem>>
        %dma_wait3A_255 = tpu.memref_squeeze %dma_wait3A_254 : memref<1x1x128x128xf32, #tpu.memory_space<vmem>> -> memref<128x128xf32, #tpu.memory_space<vmem>>
        %dma_wait3A_256 = arith.constant 0 : i32
        %dma_wait3A_257 = arith.constant 0 : i32
        %dma_wait3A_258 = tpu.memref_slice %arg2[%dma_wait3A_256, %dma_wait3A_257] : memref<20480x128xf32, #tpu.memory_space<hbm>> -> memref<128x128xf32, #tpu.memory_space<hbm>>
        %dma_wait3A_259 = arith.constant 0 : i32
        %dma_wait3A_260 = arith.constant 0 : i32
        %dma_wait3A_261 = tpu.memref_slice %arg9[%dma_wait3A_250, %dma_wait3A_251, %dma_wait3A_259, %dma_wait3A_260] : memref<2x1x128x128xf32, #tpu.memory_space<vmem>> -> memref<1x1x128x128xf32, #tpu.memory_space<vmem>>
        %dma_wait3A_262 = tpu.memref_squeeze %dma_wait3A_261 : memref<1x1x128x128xf32, #tpu.memory_space<vmem>> -> memref<128x128xf32, #tpu.memory_space<vmem>>
        %dma_wait3A_263 = arith.constant 0 : i32
        %dma_wait3A_264 = arith.constant 0 : i32
        %dma_wait3A_265 = tpu.memref_slice %arg2[%dma_wait3A_263, %dma_wait3A_264] : memref<20480x128xf32, #tpu.memory_space<hbm>> -> memref<128x128xf32, #tpu.memory_space<hbm>>
        tpu.wait_dma2 semaphore(%arg14 : memref<!tpu.dma_semaphore, #tpu.memory_space<semaphore_mem>>) src(%dma_wait3A_265 : memref<128x128xf32, #tpu.memory_space<hbm>>) dst(%dma_wait3A_262 : memref<128x128xf32, #tpu.memory_space<vmem>>)
      } else {
      }
      %add3A_222 = arith.constant 1 : i32
      %add3A_223 = arith.addi %scan3A_137, %add3A_222 : i32
      %lt3A_224 = arith.constant 80 : i32
      %lt3A_225 = arith.cmpi slt, %add3A_223, %lt3A_224 : i32
      %convert_element_type3A_226 = arith.extui %lt3A_225 : i1 to i32
      %cond3A_227 = arith.constant 0 : i32
      %cond3A_228 = arith.cmpi ne, %convert_element_type3A_226, %cond3A_227 : i32
      scf.if %cond3A_228 {
        %dma_wait3A_250 = arith.constant 0 : i32
        %dma_wait3A_251 = arith.constant 0 : i32
        %dma_wait3A_252 = arith.constant 0 : i32
        %dma_wait3A_253 = tpu.memref_slice %arg7[%dma_wait3A_250, %dma_wait3A_251, %dma_wait3A_252] : memref<3x1x128xi32, #tpu.memory_space<vmem>> -> memref<1x1x128xi32, #tpu.memory_space<vmem>>
        %dma_wait3A_254 = tpu.memref_squeeze %dma_wait3A_253 : memref<1x1x128xi32, #tpu.memory_space<vmem>> -> memref<128xi32, #tpu.memory_space<vmem>>
        %dma_wait3A_255 = arith.constant 0 : i32
        %dma_wait3A_256 = tpu.memref_slice %arg3[%dma_wait3A_255] : memref<327680xi32, #tpu.memory_space<hbm>> -> memref<128xi32, #tpu.memory_space<hbm>>
        %dma_wait3A_257 = arith.constant 0 : i32
        %dma_wait3A_258 = tpu.memref_slice %arg7[%dma_wait3A_250, %dma_wait3A_251, %dma_wait3A_257] : memref<3x1x128xi32, #tpu.memory_space<vmem>> -> memref<1x1x128xi32, #tpu.memory_space<vmem>>
        %dma_wait3A_259 = tpu.memref_squeeze %dma_wait3A_258 : memref<1x1x128xi32, #tpu.memory_space<vmem>> -> memref<128xi32, #tpu.memory_space<vmem>>
        %dma_wait3A_260 = arith.constant 0 : i32
        %dma_wait3A_261 = tpu.memref_slice %arg3[%dma_wait3A_260] : memref<327680xi32, #tpu.memory_space<hbm>> -> memref<128xi32, #tpu.memory_space<hbm>>
        tpu.wait_dma2 semaphore(%arg12 : memref<!tpu.dma_semaphore, #tpu.memory_space<semaphore_mem>>) src(%dma_wait3A_261 : memref<128xi32, #tpu.memory_space<hbm>>) dst(%dma_wait3A_259 : memref<128xi32, #tpu.memory_space<vmem>>)
        %dma_wait3A_262 = arith.constant 0 : i32
        %dma_wait3A_263 = arith.constant 0 : i32
        %dma_wait3A_264 = arith.constant 0 : i32
        %dma_wait3A_265 = arith.constant 0 : i32
        %dma_wait3A_266 = tpu.memref_slice %arg8[%dma_wait3A_262, %dma_wait3A_263, %dma_wait3A_264, %dma_wait3A_265] : memref<3x1x1x128xi32, #tpu.memory_space<vmem>> -> memref<1x1x1x128xi32, #tpu.memory_space<vmem>>
        %dma_wait3A_267 = tpu.memref_squeeze %dma_wait3A_266 : memref<1x1x1x128xi32, #tpu.memory_space<vmem>> -> memref<128xi32, #tpu.memory_space<vmem>>
        %dma_wait3A_268 = arith.constant 0 : i32
        %dma_wait3A_269 = tpu.memref_slice %arg5[%dma_wait3A_268] : memref<327680xi32, #tpu.memory_space<hbm>> -> memref<128xi32, #tpu.memory_space<hbm>>
        %dma_wait3A_270 = arith.constant 0 : i32
        %dma_wait3A_271 = tpu.memref_slice %arg8[%dma_wait3A_262, %dma_wait3A_263, %dma_wait3A_264, %dma_wait3A_270] : memref<3x1x1x128xi32, #tpu.memory_space<vmem>> -> memref<1x1x1x128xi32, #tpu.memory_space<vmem>>
        %dma_wait3A_272 = tpu.memref_squeeze %dma_wait3A_271 : memref<1x1x1x128xi32, #tpu.memory_space<vmem>> -> memref<128xi32, #tpu.memory_space<vmem>>
        %dma_wait3A_273 = arith.constant 0 : i32
        %dma_wait3A_274 = tpu.memref_slice %arg5[%dma_wait3A_273] : memref<327680xi32, #tpu.memory_space<hbm>> -> memref<128xi32, #tpu.memory_space<hbm>>
        tpu.wait_dma2 semaphore(%arg12 : memref<!tpu.dma_semaphore, #tpu.memory_space<semaphore_mem>>) src(%dma_wait3A_274 : memref<128xi32, #tpu.memory_space<hbm>>) dst(%dma_wait3A_272 : memref<128xi32, #tpu.memory_space<vmem>>)
        %dma_start3A_275 = arith.constant 0 : i32
        %dma_start3A_276 = arith.constant 0 : i32
        %dma_start3A_277 = arith.constant 0 : i32
        %dma_start3A_278 = arith.constant 0 : i32
        %dma_start3A_279 = tpu.memref_slice %arg9[%sub3A_149, %dma_start3A_276, %dma_start3A_277, %dma_start3A_278] : memref<2x1x128x128xf32, #tpu.memory_space<vmem>> -> memref<1x1x128x128xf32, #tpu.memory_space<vmem>>
        %dma_start3A_280 = tpu.memref_squeeze %dma_start3A_279 : memref<1x1x128x128xf32, #tpu.memory_space<vmem>> -> memref<128x128xf32, #tpu.memory_space<vmem>>
        %dma_start3A_281 = arith.constant 0 : i32
        %dma_start3A_282 = tpu.memref_slice %arg7[%select_n3A_183, %dma_start3A_275, %dma_start3A_281] : memref<3x1x128xi32, #tpu.memory_space<vmem>> -> memref<1x1x128xi32, #tpu.memory_space<vmem>>
        %dma_start3A_283 = tpu.memref_squeeze %dma_start3A_282 : memref<1x1x128xi32, #tpu.memory_space<vmem>> -> memref<128xi32, #tpu.memory_space<vmem>>
        %dma_start3A_284 = arith.constant 0 : i32
        %dma_start3A_285 = arith.constant 0 : i32
        %dma_start3A_286 = tpu.memref_slice %arg2[%dma_start3A_284, %dma_start3A_285] : memref<20480x128xf32, #tpu.memory_space<hbm>> -> memref<20480x128xf32, #tpu.memory_space<hbm>>
        tpu.enqueue_indirect_dma source(%dma_start3A_286 : memref<20480x128xf32, #tpu.memory_space<hbm>>) target(%dma_start3A_280 : memref<128x128xf32, #tpu.memory_space<vmem>>) offsets(%dma_start3A_283 : memref<128xi32, #tpu.memory_space<vmem>>) semaphore(%arg13 : memref<!tpu.dma_semaphore, #tpu.memory_space<semaphore_mem>>)
      } else {
      }
      %dma_start3A_229 = arith.constant 0 : i32
      %dma_start3A_230 = arith.constant 0 : i32
      %dma_start3A_231 = arith.constant 0 : i32
      %dma_start3A_232 = arith.constant 0 : i32
      %dma_start3A_233 = arith.constant 0 : i32
      %dma_start3A_234 = tpu.memref_slice %arg9[%select_n3A_148, %dma_start3A_229, %dma_start3A_232, %dma_start3A_233] : memref<2x1x128x128xf32, #tpu.memory_space<vmem>> -> memref<1x1x128x128xf32, #tpu.memory_space<vmem>>
      %dma_start3A_235 = tpu.memref_squeeze %dma_start3A_234 : memref<1x1x128x128xf32, #tpu.memory_space<vmem>> -> memref<128x128xf32, #tpu.memory_space<vmem>>
      %dma_start3A_236 = arith.constant 0 : i32
      %dma_start3A_237 = tpu.memref_slice %arg8[%select_n3A_165, %dma_start3A_230, %dma_start3A_231, %dma_start3A_236] : memref<3x1x1x128xi32, #tpu.memory_space<vmem>> -> memref<1x1x1x128xi32, #tpu.memory_space<vmem>>
      %dma_start3A_238 = tpu.memref_squeeze %dma_start3A_237 : memref<1x1x1x128xi32, #tpu.memory_space<vmem>> -> memref<128xi32, #tpu.memory_space<vmem>>
      %dma_start3A_239 = arith.constant 0 : i32
      %dma_start3A_240 = arith.constant 0 : i32
      %dma_start3A_241 = tpu.memref_slice %arg11[%dma_start3A_239, %dma_start3A_240] : memref<10240x128xf32, #tpu.memory_space<vmem_shared>> -> memref<10240x128xf32, #tpu.memory_space<vmem_shared>>
      tpu.enqueue_indirect_dma source(%dma_start3A_235 : memref<128x128xf32, #tpu.memory_space<vmem>>) target(%dma_start3A_241 : memref<10240x128xf32, #tpu.memory_space<vmem_shared>>) offsets(%dma_start3A_238 : memref<128xi32, #tpu.memory_space<vmem>>) semaphore(%arg14 : memref<!tpu.dma_semaphore, #tpu.memory_space<semaphore_mem>>) {add = true}
      %add3A_242 = arith.constant 2 : i32
      %add3A_243 = arith.addi %scan3A_137, %add3A_242 : i32
      %lt3A_244 = arith.constant 80 : i32
      %lt3A_245 = arith.cmpi slt, %add3A_243, %lt3A_244 : i32
      %convert_element_type3A_246 = arith.extui %lt3A_245 : i1 to i32
      %cond3A_247 = arith.constant 0 : i32
      %cond3A_248 = arith.cmpi ne, %convert_element_type3A_246, %cond3A_247 : i32
      scf.if %cond3A_248 {
        %add3A_250 = arith.constant 2 : i32
        %add3A_251 = arith.addi %scan3A_137, %add3A_250 : i32
        %mul3A_252 = arith.constant 256 : i32
        %mul3A_253 = arith.muli %add3A_251, %mul3A_252 : i32
        %add3A_254 = arith.addi %add3A, %mul3A_253 : i32
        %eq3A_255 = arith.constant 0 : i32
        %eq3A_256 = arith.cmpi eq, %arg0, %eq3A_255 : i32
        %convert_element_type3A_257 = arith.extui %eq3A_256 : i1 to i32
        %cond3A_258 = arith.constant 0 : i32
        %cond3A_259 = arith.cmpi ne, %convert_element_type3A_257, %cond3A_258 : i32
        scf.if %cond3A_259 {
          %dma_start3A_277 = arith.constant 0 : i32
          %dma_start3A_278 = arith.constant 0 : i32
          %dma_start3A_279 = tpu.memref_slice %arg7[%select_n3A_201, %dma_start3A_277, %dma_start3A_278] : memref<3x1x128xi32, #tpu.memory_space<vmem>> -> memref<1x1x128xi32, #tpu.memory_space<vmem>>
          %dma_start3A_280 = tpu.memref_squeeze %dma_start3A_279 : memref<1x1x128xi32, #tpu.memory_space<vmem>> -> memref<128xi32, #tpu.memory_space<vmem>>
          %dma_start3A_281 = tpu.memref_slice %arg3[%add3A_254] : memref<327680xi32, #tpu.memory_space<hbm>> -> memref<128xi32, #tpu.memory_space<hbm>>
          %dma_start3A_282 = arith.constant 0 : i32
          %dma_start3A_283 = tpu.memref_slice %arg7[%select_n3A_201, %dma_start3A_277, %dma_start3A_282] : memref<3x1x128xi32, #tpu.memory_space<vmem>> -> memref<1x1x128xi32, #tpu.memory_space<vmem>>
          %dma_start3A_284 = tpu.memref_squeeze %dma_start3A_283 : memref<1x1x128xi32, #tpu.memory_space<vmem>> -> memref<128xi32, #tpu.memory_space<vmem>>
          %dma_start3A_285 = tpu.memref_slice %arg3[%add3A_254] : memref<327680xi32, #tpu.memory_space<hbm>> -> memref<128xi32, #tpu.memory_space<hbm>>
          tpu.enqueue_dma source(%dma_start3A_285 : memref<128xi32, #tpu.memory_space<hbm>>) target(%dma_start3A_284 : memref<128xi32, #tpu.memory_space<vmem>>) target_semaphore(%arg12 : memref<!tpu.dma_semaphore, #tpu.memory_space<semaphore_mem>>)
        } else {
        }
        %eq3A_260 = arith.constant 1 : i32
        %eq3A_261 = arith.cmpi eq, %arg0, %eq3A_260 : i32
        %convert_element_type3A_262 = arith.extui %eq3A_261 : i1 to i32
        %cond3A_263 = arith.constant 0 : i32
        %cond3A_264 = arith.cmpi ne, %convert_element_type3A_262, %cond3A_263 : i32
        scf.if %cond3A_264 {
          %dma_start3A_277 = arith.constant 0 : i32
          %dma_start3A_278 = arith.constant 0 : i32
          %dma_start3A_279 = tpu.memref_slice %arg7[%select_n3A_201, %dma_start3A_277, %dma_start3A_278] : memref<3x1x128xi32, #tpu.memory_space<vmem>> -> memref<1x1x128xi32, #tpu.memory_space<vmem>>
          %dma_start3A_280 = tpu.memref_squeeze %dma_start3A_279 : memref<1x1x128xi32, #tpu.memory_space<vmem>> -> memref<128xi32, #tpu.memory_space<vmem>>
          %dma_start3A_281 = tpu.memref_slice %arg4[%add3A_254] : memref<327680xi32, #tpu.memory_space<hbm>> -> memref<128xi32, #tpu.memory_space<hbm>>
          %dma_start3A_282 = arith.constant 0 : i32
          %dma_start3A_283 = tpu.memref_slice %arg7[%select_n3A_201, %dma_start3A_277, %dma_start3A_282] : memref<3x1x128xi32, #tpu.memory_space<vmem>> -> memref<1x1x128xi32, #tpu.memory_space<vmem>>
          %dma_start3A_284 = tpu.memref_squeeze %dma_start3A_283 : memref<1x1x128xi32, #tpu.memory_space<vmem>> -> memref<128xi32, #tpu.memory_space<vmem>>
          %dma_start3A_285 = tpu.memref_slice %arg4[%add3A_254] : memref<327680xi32, #tpu.memory_space<hbm>> -> memref<128xi32, #tpu.memory_space<hbm>>
          tpu.enqueue_dma source(%dma_start3A_285 : memref<128xi32, #tpu.memory_space<hbm>>) target(%dma_start3A_284 : memref<128xi32, #tpu.memory_space<vmem>>) target_semaphore(%arg12 : memref<!tpu.dma_semaphore, #tpu.memory_space<semaphore_mem>>)
        } else {
        }
        %add3A_265 = arith.constant 0 : i32
        %add3A_266 = arith.addi %add3A_254, %add3A_265 : i32
        %dma_start3A_267 = arith.constant 0 : i32
        %dma_start3A_268 = arith.constant 0 : i32
        %dma_start3A_269 = arith.constant 0 : i32
        %dma_start3A_270 = tpu.memref_slice %arg8[%select_n3A_201, %dma_start3A_267, %dma_start3A_268, %dma_start3A_269] : memref<3x1x1x128xi32, #tpu.memory_space<vmem>> -> memref<1x1x1x128xi32, #tpu.memory_space<vmem>>
        %dma_start3A_271 = tpu.memref_squeeze %dma_start3A_270 : memref<1x1x1x128xi32, #tpu.memory_space<vmem>> -> memref<128xi32, #tpu.memory_space<vmem>>
        %dma_start3A_272 = tpu.memref_slice %arg5[%add3A_266] : memref<327680xi32, #tpu.memory_space<hbm>> -> memref<128xi32, #tpu.memory_space<hbm>>
        %dma_start3A_273 = arith.constant 0 : i32
        %dma_start3A_274 = tpu.memref_slice %arg8[%select_n3A_201, %dma_start3A_267, %dma_start3A_268, %dma_start3A_273] : memref<3x1x1x128xi32, #tpu.memory_space<vmem>> -> memref<1x1x1x128xi32, #tpu.memory_space<vmem>>
        %dma_start3A_275 = tpu.memref_squeeze %dma_start3A_274 : memref<1x1x1x128xi32, #tpu.memory_space<vmem>> -> memref<128xi32, #tpu.memory_space<vmem>>
        %dma_start3A_276 = tpu.memref_slice %arg5[%add3A_266] : memref<327680xi32, #tpu.memory_space<hbm>> -> memref<128xi32, #tpu.memory_space<hbm>>
        tpu.enqueue_dma source(%dma_start3A_276 : memref<128xi32, #tpu.memory_space<hbm>>) target(%dma_start3A_275 : memref<128xi32, #tpu.memory_space<vmem>>) target_semaphore(%arg12 : memref<!tpu.dma_semaphore, #tpu.memory_space<semaphore_mem>>)
      } else {
      }
      %scan3A_249 = arith.constant 0 : i32
      scf.yield %scan3A_249 : i32
    }
    %scan3A_107 = arith.constant 80 : i32
    %dma_wait3A_108 = arith.constant 0 : i32
    %dma_wait3A_109 = arith.constant 0 : i32
    %dma_wait3A_110 = arith.constant 0 : i32
    %dma_wait3A_111 = arith.constant 0 : i32
    %dma_wait3A_112 = tpu.memref_slice %arg9[%dma_wait3A_108, %dma_wait3A_109, %dma_wait3A_110, %dma_wait3A_111] : memref<2x1x128x128xf32, #tpu.memory_space<vmem>> -> memref<1x1x128x128xf32, #tpu.memory_space<vmem>>
    %dma_wait3A_113 = tpu.memref_squeeze %dma_wait3A_112 : memref<1x1x128x128xf32, #tpu.memory_space<vmem>> -> memref<128x128xf32, #tpu.memory_space<vmem>>
    %dma_wait3A_114 = arith.constant 0 : i32
    %dma_wait3A_115 = arith.constant 0 : i32
    %dma_wait3A_116 = tpu.memref_slice %arg2[%dma_wait3A_114, %dma_wait3A_115] : memref<20480x128xf32, #tpu.memory_space<hbm>> -> memref<128x128xf32, #tpu.memory_space<hbm>>
    %dma_wait3A_117 = arith.constant 0 : i32
    %dma_wait3A_118 = arith.constant 0 : i32
    %dma_wait3A_119 = tpu.memref_slice %arg9[%dma_wait3A_108, %dma_wait3A_109, %dma_wait3A_117, %dma_wait3A_118] : memref<2x1x128x128xf32, #tpu.memory_space<vmem>> -> memref<1x1x128x128xf32, #tpu.memory_space<vmem>>
    %dma_wait3A_120 = tpu.memref_squeeze %dma_wait3A_119 : memref<1x1x128x128xf32, #tpu.memory_space<vmem>> -> memref<128x128xf32, #tpu.memory_space<vmem>>
    %dma_wait3A_121 = arith.constant 0 : i32
    %dma_wait3A_122 = arith.constant 0 : i32
    %dma_wait3A_123 = tpu.memref_slice %arg2[%dma_wait3A_121, %dma_wait3A_122] : memref<20480x128xf32, #tpu.memory_space<hbm>> -> memref<128x128xf32, #tpu.memory_space<hbm>>
    tpu.wait_dma2 semaphore(%arg14 : memref<!tpu.dma_semaphore, #tpu.memory_space<semaphore_mem>>) src(%dma_wait3A_123 : memref<128x128xf32, #tpu.memory_space<hbm>>) dst(%dma_wait3A_120 : memref<128x128xf32, #tpu.memory_space<vmem>>)
    %barrier3A_124 = arith.constant 0 : index
    tpu.barrier barrier_id(%barrier3A_124)
    %mul3A_125 = arith.constant 640 : i32
    %mul3A_126 = arith.muli %arg1, %mul3A_125 : i32
    %eq3A_127 = arith.constant 0 : i32
    %eq3A_128 = arith.cmpi eq, %arg0, %eq3A_127 : i32
    %convert_element_type3A_129 = arith.extui %eq3A_128 : i1 to i32
    %cond3A_130 = arith.constant 0 : i32
    %cond3A_131 = arith.cmpi ne, %convert_element_type3A_129, %cond3A_130 : i32
    scf.if %cond3A_131 {
      %run_scoped3A = arith.constant 0 : i32
      "tpu.region"() ({
        %run_scoped3A_137 = tpu.sem_alloc : memref<!tpu.dma_semaphore, #tpu.memory_space<semaphore_mem>>
        %dma_start3A_138 = arith.constant 0 : i32
        %dma_start3A_139 = tpu.memref_slice %arg6[%run_scoped3A, %mul3A_126, %dma_start3A_138] : memref<2x10240x128xf32, #tpu.memory_space<hbm>> -> memref<1x640x128xf32, #tpu.memory_space<hbm>>
        %dma_start3A_140 = tpu.memref_squeeze %dma_start3A_139 : memref<1x640x128xf32, #tpu.memory_space<hbm>> -> memref<640x128xf32, #tpu.memory_space<hbm>>
        %dma_start3A_141 = arith.constant 0 : i32
        %dma_start3A_142 = tpu.memref_slice %arg11[%mul3A_126, %dma_start3A_141] : memref<10240x128xf32, #tpu.memory_space<vmem_shared>> -> memref<640x128xf32, #tpu.memory_space<vmem_shared>>
        tpu.enqueue_dma source(%dma_start3A_142 : memref<640x128xf32, #tpu.memory_space<vmem_shared>>) target(%dma_start3A_140 : memref<640x128xf32, #tpu.memory_space<hbm>>) target_semaphore(%run_scoped3A_137 : memref<!tpu.dma_semaphore, #tpu.memory_space<semaphore_mem>>)
        %dma_wait3A_143 = arith.constant 0 : i32
        %dma_wait3A_144 = tpu.memref_slice %arg6[%run_scoped3A, %mul3A_126, %dma_wait3A_143] : memref<2x10240x128xf32, #tpu.memory_space<hbm>> -> memref<1x640x128xf32, #tpu.memory_space<hbm>>
        %dma_wait3A_145 = tpu.memref_squeeze %dma_wait3A_144 : memref<1x640x128xf32, #tpu.memory_space<hbm>> -> memref<640x128xf32, #tpu.memory_space<hbm>>
        %dma_wait3A_146 = arith.constant 0 : i32
        %dma_wait3A_147 = tpu.memref_slice %arg11[%mul3A_126, %dma_wait3A_146] : memref<10240x128xf32, #tpu.memory_space<vmem_shared>> -> memref<640x128xf32, #tpu.memory_space<vmem_shared>>
        tpu.wait_dma2 semaphore(%run_scoped3A_137 : memref<!tpu.dma_semaphore, #tpu.memory_space<semaphore_mem>>) src(%dma_wait3A_147 : memref<640x128xf32, #tpu.memory_space<vmem_shared>>) dst(%dma_wait3A_145 : memref<640x128xf32, #tpu.memory_space<hbm>>)
        tpu.yield
      }) : () -> ()
    } else {
    }
    %eq3A_132 = arith.constant 1 : i32
    %eq3A_133 = arith.cmpi eq, %arg0, %eq3A_132 : i32
    %convert_element_type3A_134 = arith.extui %eq3A_133 : i1 to i32
    %cond3A_135 = arith.constant 0 : i32
    %cond3A_136 = arith.cmpi ne, %convert_element_type3A_134, %cond3A_135 : i32
    scf.if %cond3A_136 {
      %run_scoped3A = arith.constant 1 : i32
      "tpu.region"() ({
        %run_scoped3A_137 = tpu.sem_alloc : memref<!tpu.dma_semaphore, #tpu.memory_space<semaphore_mem>>
        %dma_start3A_138 = arith.constant 0 : i32
        %dma_start3A_139 = tpu.memref_slice %arg6[%run_scoped3A, %mul3A_126, %dma_start3A_138] : memref<2x10240x128xf32, #tpu.memory_space<hbm>> -> memref<1x640x128xf32, #tpu.memory_space<hbm>>
        %dma_start3A_140 = tpu.memref_squeeze %dma_start3A_139 : memref<1x640x128xf32, #tpu.memory_space<hbm>> -> memref<640x128xf32, #tpu.memory_space<hbm>>
        %dma_start3A_141 = arith.constant 0 : i32
        %dma_start3A_142 = tpu.memref_slice %arg11[%mul3A_126, %dma_start3A_141] : memref<10240x128xf32, #tpu.memory_space<vmem_shared>> -> memref<640x128xf32, #tpu.memory_space<vmem_shared>>
        tpu.enqueue_dma source(%dma_start3A_142 : memref<640x128xf32, #tpu.memory_space<vmem_shared>>) target(%dma_start3A_140 : memref<640x128xf32, #tpu.memory_space<hbm>>) target_semaphore(%run_scoped3A_137 : memref<!tpu.dma_semaphore, #tpu.memory_space<semaphore_mem>>)
        %dma_wait3A_143 = arith.constant 0 : i32
        %dma_wait3A_144 = tpu.memref_slice %arg6[%run_scoped3A, %mul3A_126, %dma_wait3A_143] : memref<2x10240x128xf32, #tpu.memory_space<hbm>> -> memref<1x640x128xf32, #tpu.memory_space<hbm>>
        %dma_wait3A_145 = tpu.memref_squeeze %dma_wait3A_144 : memref<1x640x128xf32, #tpu.memory_space<hbm>> -> memref<640x128xf32, #tpu.memory_space<hbm>>
        %dma_wait3A_146 = arith.constant 0 : i32
        %dma_wait3A_147 = tpu.memref_slice %arg11[%mul3A_126, %dma_wait3A_146] : memref<10240x128xf32, #tpu.memory_space<vmem_shared>> -> memref<640x128xf32, #tpu.memory_space<vmem_shared>>
        tpu.wait_dma2 semaphore(%run_scoped3A_137 : memref<!tpu.dma_semaphore, #tpu.memory_space<semaphore_mem>>) src(%dma_wait3A_147 : memref<640x128xf32, #tpu.memory_space<vmem_shared>>) dst(%dma_wait3A_145 : memref<640x128xf32, #tpu.memory_space<hbm>>)
        tpu.yield
      }) : () -> ()
    } else {
    }
    return
  }
}

#map = affine_map<(d0, d1) -> (0, 0)>
#map1 = affine_map<(d0, d1) -> (0)>
#map2 = affine_map<(d0, d1) -> (0, 0, 0)>
module attributes {stable_mosaic.version = 14 : i64} {
  func.func @_agg_body(%arg0: i32, %arg1: i32, %arg2: memref<20480x128xf32, #tpu.memory_space<hbm>>, %arg3: memref<327680xi32, #tpu.memory_space<hbm>>, %arg4: memref<327680xi32, #tpu.memory_space<hbm>>, %arg5: memref<327680xi32, #tpu.memory_space<hbm>>, %arg6: memref<2x10240x128xf32, #tpu.memory_space<hbm>>, %arg7: memref<3x1x128xi32, #tpu.memory_space<vmem>>, %arg8: memref<3x1x1x128xi32, #tpu.memory_space<vmem>>, %arg9: memref<2x1x128x128xf32, #tpu.memory_space<vmem>>, %arg10: memref<32x128xf32, #tpu.memory_space<vmem>>, %arg11: memref<10240x128xf32, #tpu.memory_space<vmem_shared>>, %arg12: memref<!tpu.dma_semaphore, #tpu.memory_space<semaphore_mem>>, %arg13: memref<!tpu.dma_semaphore, #tpu.memory_space<semaphore_mem>>, %arg14: memref<!tpu.dma_semaphore, #tpu.memory_space<semaphore_mem>>) attributes {dimension_semantics = [#tpu.dimension_semantics<core_parallel>, #tpu.dimension_semantics<subcore_parallel>], iteration_bounds = array<i64: 2, 16>, scalar_prefetch = 0 : i64, scratch_operands = 8 : i64, tpu.core_type = #tpu.core_type<sc_vector_subcore>, window_params = [{transform_indices = #map}, {transform_indices = #map1}, {transform_indices = #map1}, {transform_indices = #map1}, {transform_indices = #map2}]} {
    %mul3A = arith.constant 20480 : i32
    %mul3A_0 = arith.muli %arg1, %mul3A : i32
    %broadcast_in_dim3A = arith.constant 0.000000e+00 : f32
    %broadcast_in_dim3A_1 = vector.broadcast %broadcast_in_dim3A : f32 to vector<16xf32>
    %scan3A = arith.constant 0 : i32
    %scan3A_2 = arith.constant 0 : i32
    %scan3A_3 = arith.constant 256 : i32
    %scan3A_4 = arith.addi %scan3A_2, %scan3A_3 : i32
    %scan3A_5 = arith.constant 1 : i32
    %scan3A_6 = scf.for %scan3A_134 = %scan3A_2 to %scan3A_4 step %scan3A_5 iter_args(%scan3A_135 = %scan3A) -> (i32)  : i32 {
      %jit3A = arith.constant 8 : i32
      %div3A = arith.divsi %scan3A_134, %jit3A : i32
      %sign3A = arith.constant 0 : i32
      %sign3A_136 = arith.cmpi sgt, %scan3A_134, %sign3A : i32
      %sign3A_137 = arith.extui %sign3A_136 : i1 to i32
      %sign3A_138 = arith.constant 0 : i32
      %sign3A_139 = arith.cmpi slt, %scan3A_134, %sign3A_138 : i32
      %sign3A_140 = arith.extui %sign3A_139 : i1 to i32
      %sign3A_141 = arith.subi %sign3A_137, %sign3A_140 : i32
      %sign3A_142 = arith.constant 0 : i32
      %sign3A_143 = arith.cmpi sgt, %jit3A, %sign3A_142 : i32
      %sign3A_144 = arith.extui %sign3A_143 : i1 to i32
      %sign3A_145 = arith.constant 0 : i32
      %sign3A_146 = arith.cmpi slt, %jit3A, %sign3A_145 : i32
      %sign3A_147 = arith.extui %sign3A_146 : i1 to i32
      %sign3A_148 = arith.subi %sign3A_144, %sign3A_147 : i32
      %ne3A = arith.cmpi ne, %sign3A_141, %sign3A_148 : i32
      %rem3A = arith.remsi %scan3A_134, %jit3A : i32
      %ne3A_149 = arith.constant 0 : i32
      %ne3A_150 = arith.cmpi ne, %rem3A, %ne3A_149 : i32
      %and3A = arith.andi %ne3A, %ne3A_150 : i1
      %sub3A = arith.constant 1 : i32
      %sub3A_151 = arith.subi %div3A, %sub3A : i32
      %select_n3A = arith.select %and3A, %sub3A_151, %div3A : i32
      %jit3A_152 = arith.constant 8 : i32
      %eq3A_153 = arith.constant 0 : i32
      %eq3A_154 = arith.cmpi eq, %jit3A_152, %eq3A_153 : i32
      %jit3A_155 = arith.constant 1 : i32
      %select_n3A_156 = arith.select %eq3A_154, %jit3A_155, %jit3A_152 : i32
      %rem3A_157 = arith.remsi %scan3A_134, %select_n3A_156 : i32
      %ne3A_158 = arith.constant 0 : i32
      %ne3A_159 = arith.cmpi ne, %rem3A_157, %ne3A_158 : i32
      %lt3A = arith.constant 0 : i32
      %lt3A_160 = arith.cmpi slt, %rem3A_157, %lt3A : i32
      %lt3A_161 = arith.constant 0 : i32
      %lt3A_162 = arith.cmpi slt, %select_n3A_156, %lt3A_161 : i32
      %ne3A_163 = arith.xori %lt3A_160, %lt3A_162 : i1
      %and3A_164 = arith.andi %ne3A_163, %ne3A_159 : i1
      %add3A_165 = arith.addi %rem3A_157, %select_n3A_156 : i32
      %select_n3A_166 = arith.select %and3A_164, %add3A_165, %rem3A_157 : i32
      %mul3A_167 = arith.constant 16 : i32
      %mul3A_168 = arith.muli %select_n3A_166, %mul3A_167 : i32
      %swap3A = arith.index_cast %select_n3A : i32 to index
      %swap3A_169 = arith.index_cast %mul3A_168 : i32 to index
      %swap3A_170 = tpu.vector_load %arg10[%swap3A, %swap3A_169] {strides = array<i32>} : memref<32x128xf32, #tpu.memory_space<vmem>>, vector<1x16xf32>,
      %swap3A_171 = vector.shape_cast %swap3A_170 : vector<1x16xf32> to vector<16xf32>
      %swap3A_172 = vector.shape_cast %broadcast_in_dim3A_1 : vector<16xf32> to vector<1x16xf32>
      tpu.vector_store %arg10[%swap3A, %swap3A_169], %swap3A_172 {strides = array<i32>} : memref<32x128xf32, #tpu.memory_space<vmem>>, vector<1x16xf32>,
      %scan3A_173 = arith.constant 0 : i32
      scf.yield %scan3A_173 : i32
    }
    %scan3A_7 = arith.constant 256 : i32
    %scan3A_8 = arith.constant 0 : i32
    %scan3A_9 = arith.constant 0 : i32
    %scan3A_10 = arith.constant 20 : i32
    %scan3A_11 = arith.addi %scan3A_9, %scan3A_10 : i32
    %scan3A_12 = arith.constant 1 : i32
    %scan3A_13 = scf.for %scan3A_134 = %scan3A_9 to %scan3A_11 step %scan3A_12 iter_args(%scan3A_135 = %scan3A_8) -> (i32)  : i32 {
      %mul3A_136 = arith.constant 640 : i32
      %mul3A_137 = arith.muli %arg1, %mul3A_136 : i32
      %mul3A_138 = arith.constant 32 : i32
      %mul3A_139 = arith.muli %scan3A_134, %mul3A_138 : i32
      %add3A_140 = arith.addi %mul3A_137, %mul3A_139 : i32
      "tpu.region"() ({
        %run_scoped3A = tpu.sem_alloc : memref<!tpu.dma_semaphore, #tpu.memory_space<semaphore_mem>>
        %dma_start3A_142 = arith.constant 0 : i32
        %dma_start3A_143 = tpu.memref_slice %arg11[%add3A_140, %dma_start3A_142] : memref<10240x128xf32, #tpu.memory_space<vmem_shared>> -> memref<32x128xf32, #tpu.memory_space<vmem_shared>>
        %dma_start3A_144 = arith.constant 0 : i32
        %dma_start3A_145 = tpu.memref_slice %arg11[%add3A_140, %dma_start3A_144] : memref<10240x128xf32, #tpu.memory_space<vmem_shared>> -> memref<32x128xf32, #tpu.memory_space<vmem_shared>>
        tpu.enqueue_dma source(%arg10 : memref<32x128xf32, #tpu.memory_space<vmem>>) target(%dma_start3A_145 : memref<32x128xf32, #tpu.memory_space<vmem_shared>>) target_semaphore(%run_scoped3A : memref<!tpu.dma_semaphore, #tpu.memory_space<semaphore_mem>>)
        %dma_wait3A_146 = arith.constant 0 : i32
        %dma_wait3A_147 = tpu.memref_slice %arg11[%add3A_140, %dma_wait3A_146] : memref<10240x128xf32, #tpu.memory_space<vmem_shared>> -> memref<32x128xf32, #tpu.memory_space<vmem_shared>>
        %dma_wait3A_148 = arith.constant 0 : i32
        %dma_wait3A_149 = tpu.memref_slice %arg11[%add3A_140, %dma_wait3A_148] : memref<10240x128xf32, #tpu.memory_space<vmem_shared>> -> memref<32x128xf32, #tpu.memory_space<vmem_shared>>
        tpu.wait_dma2 semaphore(%run_scoped3A : memref<!tpu.dma_semaphore, #tpu.memory_space<semaphore_mem>>) src(%arg10 : memref<32x128xf32, #tpu.memory_space<vmem>>) dst(%dma_wait3A_149 : memref<32x128xf32, #tpu.memory_space<vmem_shared>>)
        tpu.yield
      }) : () -> ()
      %scan3A_141 = arith.constant 0 : i32
      scf.yield %scan3A_141 : i32
    }
    %scan3A_14 = arith.constant 20 : i32
    %barrier3A = arith.constant 0 : index
    tpu.barrier barrier_id(%barrier3A)
    %add3A = arith.constant 0 : i32
    %add3A_15 = arith.addi %mul3A_0, %add3A : i32
    %eq3A = arith.constant 0 : i32
    %eq3A_16 = arith.cmpi eq, %arg0, %eq3A : i32
    %convert_element_type3A = arith.extui %eq3A_16 : i1 to i32
    %cond3A = arith.constant 0 : i32
    %cond3A_17 = arith.cmpi ne, %convert_element_type3A, %cond3A : i32
    scf.if %cond3A_17 {
      %dma_start3A_134 = arith.constant 0 : i32
      %dma_start3A_135 = arith.constant 0 : i32
      %dma_start3A_136 = arith.constant 0 : i32
      %dma_start3A_137 = tpu.memref_slice %arg7[%dma_start3A_134, %dma_start3A_135, %dma_start3A_136] : memref<3x1x128xi32, #tpu.memory_space<vmem>> -> memref<1x1x128xi32, #tpu.memory_space<vmem>>
      %dma_start3A_138 = tpu.memref_squeeze %dma_start3A_137 : memref<1x1x128xi32, #tpu.memory_space<vmem>> -> memref<128xi32, #tpu.memory_space<vmem>>
      %dma_start3A_139 = tpu.memref_slice %arg3[%add3A_15] : memref<327680xi32, #tpu.memory_space<hbm>> -> memref<128xi32, #tpu.memory_space<hbm>>
      %dma_start3A_140 = arith.constant 0 : i32
      %dma_start3A_141 = tpu.memref_slice %arg7[%dma_start3A_134, %dma_start3A_135, %dma_start3A_140] : memref<3x1x128xi32, #tpu.memory_space<vmem>> -> memref<1x1x128xi32, #tpu.memory_space<vmem>>
      %dma_start3A_142 = tpu.memref_squeeze %dma_start3A_141 : memref<1x1x128xi32, #tpu.memory_space<vmem>> -> memref<128xi32, #tpu.memory_space<vmem>>
      %dma_start3A_143 = tpu.memref_slice %arg3[%add3A_15] : memref<327680xi32, #tpu.memory_space<hbm>> -> memref<128xi32, #tpu.memory_space<hbm>>
      tpu.enqueue_dma source(%dma_start3A_143 : memref<128xi32, #tpu.memory_space<hbm>>) target(%dma_start3A_142 : memref<128xi32, #tpu.memory_space<vmem>>) target_semaphore(%arg12 : memref<!tpu.dma_semaphore, #tpu.memory_space<semaphore_mem>>)
    } else {
    }
    %eq3A_18 = arith.constant 1 : i32
    %eq3A_19 = arith.cmpi eq, %arg0, %eq3A_18 : i32
    %convert_element_type3A_20 = arith.extui %eq3A_19 : i1 to i32
    %cond3A_21 = arith.constant 0 : i32
    %cond3A_22 = arith.cmpi ne, %convert_element_type3A_20, %cond3A_21 : i32
    scf.if %cond3A_22 {
      %dma_start3A_134 = arith.constant 0 : i32
      %dma_start3A_135 = arith.constant 0 : i32
      %dma_start3A_136 = arith.constant 0 : i32
      %dma_start3A_137 = tpu.memref_slice %arg7[%dma_start3A_134, %dma_start3A_135, %dma_start3A_136] : memref<3x1x128xi32, #tpu.memory_space<vmem>> -> memref<1x1x128xi32, #tpu.memory_space<vmem>>
      %dma_start3A_138 = tpu.memref_squeeze %dma_start3A_137 : memref<1x1x128xi32, #tpu.memory_space<vmem>> -> memref<128xi32, #tpu.memory_space<vmem>>
      %dma_start3A_139 = tpu.memref_slice %arg4[%add3A_15] : memref<327680xi32, #tpu.memory_space<hbm>> -> memref<128xi32, #tpu.memory_space<hbm>>
      %dma_start3A_140 = arith.constant 0 : i32
      %dma_start3A_141 = tpu.memref_slice %arg7[%dma_start3A_134, %dma_start3A_135, %dma_start3A_140] : memref<3x1x128xi32, #tpu.memory_space<vmem>> -> memref<1x1x128xi32, #tpu.memory_space<vmem>>
      %dma_start3A_142 = tpu.memref_squeeze %dma_start3A_141 : memref<1x1x128xi32, #tpu.memory_space<vmem>> -> memref<128xi32, #tpu.memory_space<vmem>>
      %dma_start3A_143 = tpu.memref_slice %arg4[%add3A_15] : memref<327680xi32, #tpu.memory_space<hbm>> -> memref<128xi32, #tpu.memory_space<hbm>>
      tpu.enqueue_dma source(%dma_start3A_143 : memref<128xi32, #tpu.memory_space<hbm>>) target(%dma_start3A_142 : memref<128xi32, #tpu.memory_space<vmem>>) target_semaphore(%arg12 : memref<!tpu.dma_semaphore, #tpu.memory_space<semaphore_mem>>)
    } else {
    }
    %add3A_23 = arith.constant 0 : i32
    %add3A_24 = arith.addi %add3A_15, %add3A_23 : i32
    %dma_start3A = arith.constant 0 : i32
    %dma_start3A_25 = arith.constant 0 : i32
    %dma_start3A_26 = arith.constant 0 : i32
    %dma_start3A_27 = arith.constant 0 : i32
    %dma_start3A_28 = tpu.memref_slice %arg8[%dma_start3A, %dma_start3A_25, %dma_start3A_26, %dma_start3A_27] : memref<3x1x1x128xi32, #tpu.memory_space<vmem>> -> memref<1x1x1x128xi32, #tpu.memory_space<vmem>>
    %dma_start3A_29 = tpu.memref_squeeze %dma_start3A_28 : memref<1x1x1x128xi32, #tpu.memory_space<vmem>> -> memref<128xi32, #tpu.memory_space<vmem>>
    %dma_start3A_30 = tpu.memref_slice %arg5[%add3A_24] : memref<327680xi32, #tpu.memory_space<hbm>> -> memref<128xi32, #tpu.memory_space<hbm>>
    %dma_start3A_31 = arith.constant 0 : i32
    %dma_start3A_32 = tpu.memref_slice %arg8[%dma_start3A, %dma_start3A_25, %dma_start3A_26, %dma_start3A_31] : memref<3x1x1x128xi32, #tpu.memory_space<vmem>> -> memref<1x1x1x128xi32, #tpu.memory_space<vmem>>
    %dma_start3A_33 = tpu.memref_squeeze %dma_start3A_32 : memref<1x1x1x128xi32, #tpu.memory_space<vmem>> -> memref<128xi32, #tpu.memory_space<vmem>>
    %dma_start3A_34 = tpu.memref_slice %arg5[%add3A_24] : memref<327680xi32, #tpu.memory_space<hbm>> -> memref<128xi32, #tpu.memory_space<hbm>>
    tpu.enqueue_dma source(%dma_start3A_34 : memref<128xi32, #tpu.memory_space<hbm>>) target(%dma_start3A_33 : memref<128xi32, #tpu.memory_space<vmem>>) target_semaphore(%arg12 : memref<!tpu.dma_semaphore, #tpu.memory_space<semaphore_mem>>)
    %dma_wait3A = arith.constant 0 : i32
    %dma_wait3A_35 = arith.constant 0 : i32
    %dma_wait3A_36 = arith.constant 0 : i32
    %dma_wait3A_37 = tpu.memref_slice %arg7[%dma_wait3A, %dma_wait3A_35, %dma_wait3A_36] : memref<3x1x128xi32, #tpu.memory_space<vmem>> -> memref<1x1x128xi32, #tpu.memory_space<vmem>>
    %dma_wait3A_38 = tpu.memref_squeeze %dma_wait3A_37 : memref<1x1x128xi32, #tpu.memory_space<vmem>> -> memref<128xi32, #tpu.memory_space<vmem>>
    %dma_wait3A_39 = arith.constant 0 : i32
    %dma_wait3A_40 = tpu.memref_slice %arg3[%dma_wait3A_39] : memref<327680xi32, #tpu.memory_space<hbm>> -> memref<128xi32, #tpu.memory_space<hbm>>
    %dma_wait3A_41 = arith.constant 0 : i32
    %dma_wait3A_42 = tpu.memref_slice %arg7[%dma_wait3A, %dma_wait3A_35, %dma_wait3A_41] : memref<3x1x128xi32, #tpu.memory_space<vmem>> -> memref<1x1x128xi32, #tpu.memory_space<vmem>>
    %dma_wait3A_43 = tpu.memref_squeeze %dma_wait3A_42 : memref<1x1x128xi32, #tpu.memory_space<vmem>> -> memref<128xi32, #tpu.memory_space<vmem>>
    %dma_wait3A_44 = arith.constant 0 : i32
    %dma_wait3A_45 = tpu.memref_slice %arg3[%dma_wait3A_44] : memref<327680xi32, #tpu.memory_space<hbm>> -> memref<128xi32, #tpu.memory_space<hbm>>
    tpu.wait_dma2 semaphore(%arg12 : memref<!tpu.dma_semaphore, #tpu.memory_space<semaphore_mem>>) src(%dma_wait3A_45 : memref<128xi32, #tpu.memory_space<hbm>>) dst(%dma_wait3A_43 : memref<128xi32, #tpu.memory_space<vmem>>)
    %dma_wait3A_46 = arith.constant 0 : i32
    %dma_wait3A_47 = arith.constant 0 : i32
    %dma_wait3A_48 = arith.constant 0 : i32
    %dma_wait3A_49 = arith.constant 0 : i32
    %dma_wait3A_50 = tpu.memref_slice %arg8[%dma_wait3A_46, %dma_wait3A_47, %dma_wait3A_48, %dma_wait3A_49] : memref<3x1x1x128xi32, #tpu.memory_space<vmem>> -> memref<1x1x1x128xi32, #tpu.memory_space<vmem>>
    %dma_wait3A_51 = tpu.memref_squeeze %dma_wait3A_50 : memref<1x1x1x128xi32, #tpu.memory_space<vmem>> -> memref<128xi32, #tpu.memory_space<vmem>>
    %dma_wait3A_52 = arith.constant 0 : i32
    %dma_wait3A_53 = tpu.memref_slice %arg5[%dma_wait3A_52] : memref<327680xi32, #tpu.memory_space<hbm>> -> memref<128xi32, #tpu.memory_space<hbm>>
    %dma_wait3A_54 = arith.constant 0 : i32
    %dma_wait3A_55 = tpu.memref_slice %arg8[%dma_wait3A_46, %dma_wait3A_47, %dma_wait3A_48, %dma_wait3A_54] : memref<3x1x1x128xi32, #tpu.memory_space<vmem>> -> memref<1x1x1x128xi32, #tpu.memory_space<vmem>>
    %dma_wait3A_56 = tpu.memref_squeeze %dma_wait3A_55 : memref<1x1x1x128xi32, #tpu.memory_space<vmem>> -> memref<128xi32, #tpu.memory_space<vmem>>
    %dma_wait3A_57 = arith.constant 0 : i32
    %dma_wait3A_58 = tpu.memref_slice %arg5[%dma_wait3A_57] : memref<327680xi32, #tpu.memory_space<hbm>> -> memref<128xi32, #tpu.memory_space<hbm>>
    tpu.wait_dma2 semaphore(%arg12 : memref<!tpu.dma_semaphore, #tpu.memory_space<semaphore_mem>>) src(%dma_wait3A_58 : memref<128xi32, #tpu.memory_space<hbm>>) dst(%dma_wait3A_56 : memref<128xi32, #tpu.memory_space<vmem>>)
    %dma_start3A_59 = arith.constant 0 : i32
    %dma_start3A_60 = arith.constant 0 : i32
    %dma_start3A_61 = arith.constant 0 : i32
    %dma_start3A_62 = arith.constant 0 : i32
    %dma_start3A_63 = arith.constant 0 : i32
    %dma_start3A_64 = arith.constant 0 : i32
    %dma_start3A_65 = tpu.memref_slice %arg9[%dma_start3A_61, %dma_start3A_62, %dma_start3A_63, %dma_start3A_64] : memref<2x1x128x128xf32, #tpu.memory_space<vmem>> -> memref<1x1x128x128xf32, #tpu.memory_space<vmem>>
    %dma_start3A_66 = tpu.memref_squeeze %dma_start3A_65 : memref<1x1x128x128xf32, #tpu.memory_space<vmem>> -> memref<128x128xf32, #tpu.memory_space<vmem>>
    %dma_start3A_67 = arith.constant 0 : i32
    %dma_start3A_68 = tpu.memref_slice %arg7[%dma_start3A_59, %dma_start3A_60, %dma_start3A_67] : memref<3x1x128xi32, #tpu.memory_space<vmem>> -> memref<1x1x128xi32, #tpu.memory_space<vmem>>
    %dma_start3A_69 = tpu.memref_squeeze %dma_start3A_68 : memref<1x1x128xi32, #tpu.memory_space<vmem>> -> memref<128xi32, #tpu.memory_space<vmem>>
    %dma_start3A_70 = arith.constant 0 : i32
    %dma_start3A_71 = arith.constant 0 : i32
    %dma_start3A_72 = tpu.memref_slice %arg2[%dma_start3A_70, %dma_start3A_71] : memref<20480x128xf32, #tpu.memory_space<hbm>> -> memref<20480x128xf32, #tpu.memory_space<hbm>>
    tpu.enqueue_indirect_dma source(%dma_start3A_72 : memref<20480x128xf32, #tpu.memory_space<hbm>>) target(%dma_start3A_66 : memref<128x128xf32, #tpu.memory_space<vmem>>) offsets(%dma_start3A_69 : memref<128xi32, #tpu.memory_space<vmem>>) semaphore(%arg13 : memref<!tpu.dma_semaphore, #tpu.memory_space<semaphore_mem>>)
    %add3A_73 = arith.constant 128 : i32
    %add3A_74 = arith.addi %mul3A_0, %add3A_73 : i32
    %eq3A_75 = arith.constant 0 : i32
    %eq3A_76 = arith.cmpi eq, %arg0, %eq3A_75 : i32
    %convert_element_type3A_77 = arith.extui %eq3A_76 : i1 to i32
    %cond3A_78 = arith.constant 0 : i32
    %cond3A_79 = arith.cmpi ne, %convert_element_type3A_77, %cond3A_78 : i32
    scf.if %cond3A_79 {
      %dma_start3A_134 = arith.constant 1 : i32
      %dma_start3A_135 = arith.constant 0 : i32
      %dma_start3A_136 = arith.constant 0 : i32
      %dma_start3A_137 = tpu.memref_slice %arg7[%dma_start3A_134, %dma_start3A_135, %dma_start3A_136] : memref<3x1x128xi32, #tpu.memory_space<vmem>> -> memref<1x1x128xi32, #tpu.memory_space<vmem>>
      %dma_start3A_138 = tpu.memref_squeeze %dma_start3A_137 : memref<1x1x128xi32, #tpu.memory_space<vmem>> -> memref<128xi32, #tpu.memory_space<vmem>>
      %dma_start3A_139 = tpu.memref_slice %arg3[%add3A_74] : memref<327680xi32, #tpu.memory_space<hbm>> -> memref<128xi32, #tpu.memory_space<hbm>>
      %dma_start3A_140 = arith.constant 0 : i32
      %dma_start3A_141 = tpu.memref_slice %arg7[%dma_start3A_134, %dma_start3A_135, %dma_start3A_140] : memref<3x1x128xi32, #tpu.memory_space<vmem>> -> memref<1x1x128xi32, #tpu.memory_space<vmem>>
      %dma_start3A_142 = tpu.memref_squeeze %dma_start3A_141 : memref<1x1x128xi32, #tpu.memory_space<vmem>> -> memref<128xi32, #tpu.memory_space<vmem>>
      %dma_start3A_143 = tpu.memref_slice %arg3[%add3A_74] : memref<327680xi32, #tpu.memory_space<hbm>> -> memref<128xi32, #tpu.memory_space<hbm>>
      tpu.enqueue_dma source(%dma_start3A_143 : memref<128xi32, #tpu.memory_space<hbm>>) target(%dma_start3A_142 : memref<128xi32, #tpu.memory_space<vmem>>) target_semaphore(%arg12 : memref<!tpu.dma_semaphore, #tpu.memory_space<semaphore_mem>>)
    } else {
    }
    %eq3A_80 = arith.constant 1 : i32
    %eq3A_81 = arith.cmpi eq, %arg0, %eq3A_80 : i32
    %convert_element_type3A_82 = arith.extui %eq3A_81 : i1 to i32
    %cond3A_83 = arith.constant 0 : i32
    %cond3A_84 = arith.cmpi ne, %convert_element_type3A_82, %cond3A_83 : i32
    scf.if %cond3A_84 {
      %dma_start3A_134 = arith.constant 1 : i32
      %dma_start3A_135 = arith.constant 0 : i32
      %dma_start3A_136 = arith.constant 0 : i32
      %dma_start3A_137 = tpu.memref_slice %arg7[%dma_start3A_134, %dma_start3A_135, %dma_start3A_136] : memref<3x1x128xi32, #tpu.memory_space<vmem>> -> memref<1x1x128xi32, #tpu.memory_space<vmem>>
      %dma_start3A_138 = tpu.memref_squeeze %dma_start3A_137 : memref<1x1x128xi32, #tpu.memory_space<vmem>> -> memref<128xi32, #tpu.memory_space<vmem>>
      %dma_start3A_139 = tpu.memref_slice %arg4[%add3A_74] : memref<327680xi32, #tpu.memory_space<hbm>> -> memref<128xi32, #tpu.memory_space<hbm>>
      %dma_start3A_140 = arith.constant 0 : i32
      %dma_start3A_141 = tpu.memref_slice %arg7[%dma_start3A_134, %dma_start3A_135, %dma_start3A_140] : memref<3x1x128xi32, #tpu.memory_space<vmem>> -> memref<1x1x128xi32, #tpu.memory_space<vmem>>
      %dma_start3A_142 = tpu.memref_squeeze %dma_start3A_141 : memref<1x1x128xi32, #tpu.memory_space<vmem>> -> memref<128xi32, #tpu.memory_space<vmem>>
      %dma_start3A_143 = tpu.memref_slice %arg4[%add3A_74] : memref<327680xi32, #tpu.memory_space<hbm>> -> memref<128xi32, #tpu.memory_space<hbm>>
      tpu.enqueue_dma source(%dma_start3A_143 : memref<128xi32, #tpu.memory_space<hbm>>) target(%dma_start3A_142 : memref<128xi32, #tpu.memory_space<vmem>>) target_semaphore(%arg12 : memref<!tpu.dma_semaphore, #tpu.memory_space<semaphore_mem>>)
    } else {
    }
    %add3A_85 = arith.constant 0 : i32
    %add3A_86 = arith.addi %add3A_74, %add3A_85 : i32
    %dma_start3A_87 = arith.constant 1 : i32
    %dma_start3A_88 = arith.constant 0 : i32
    %dma_start3A_89 = arith.constant 0 : i32
    %dma_start3A_90 = arith.constant 0 : i32
    %dma_start3A_91 = tpu.memref_slice %arg8[%dma_start3A_87, %dma_start3A_88, %dma_start3A_89, %dma_start3A_90] : memref<3x1x1x128xi32, #tpu.memory_space<vmem>> -> memref<1x1x1x128xi32, #tpu.memory_space<vmem>>
    %dma_start3A_92 = tpu.memref_squeeze %dma_start3A_91 : memref<1x1x1x128xi32, #tpu.memory_space<vmem>> -> memref<128xi32, #tpu.memory_space<vmem>>
    %dma_start3A_93 = tpu.memref_slice %arg5[%add3A_86] : memref<327680xi32, #tpu.memory_space<hbm>> -> memref<128xi32, #tpu.memory_space<hbm>>
    %dma_start3A_94 = arith.constant 0 : i32
    %dma_start3A_95 = tpu.memref_slice %arg8[%dma_start3A_87, %dma_start3A_88, %dma_start3A_89, %dma_start3A_94] : memref<3x1x1x128xi32, #tpu.memory_space<vmem>> -> memref<1x1x1x128xi32, #tpu.memory_space<vmem>>
    %dma_start3A_96 = tpu.memref_squeeze %dma_start3A_95 : memref<1x1x1x128xi32, #tpu.memory_space<vmem>> -> memref<128xi32, #tpu.memory_space<vmem>>
    %dma_start3A_97 = tpu.memref_slice %arg5[%add3A_86] : memref<327680xi32, #tpu.memory_space<hbm>> -> memref<128xi32, #tpu.memory_space<hbm>>
    tpu.enqueue_dma source(%dma_start3A_97 : memref<128xi32, #tpu.memory_space<hbm>>) target(%dma_start3A_96 : memref<128xi32, #tpu.memory_space<vmem>>) target_semaphore(%arg12 : memref<!tpu.dma_semaphore, #tpu.memory_space<semaphore_mem>>)
    %scan3A_98 = arith.constant 0 : i32
    %scan3A_99 = arith.constant 0 : i32
    %scan3A_100 = arith.constant 160 : i32
    %scan3A_101 = arith.addi %scan3A_99, %scan3A_100 : i32
    %scan3A_102 = arith.constant 1 : i32
    %scan3A_103 = scf.for %scan3A_134 = %scan3A_99 to %scan3A_101 step %scan3A_102 iter_args(%scan3A_135 = %scan3A_98) -> (i32)  : i32 {
      %jit3A = arith.constant 2 : i32
      %eq3A_136 = arith.constant 0 : i32
      %eq3A_137 = arith.cmpi eq, %jit3A, %eq3A_136 : i32
      %jit3A_138 = arith.constant 1 : i32
      %select_n3A = arith.select %eq3A_137, %jit3A_138, %jit3A : i32
      %rem3A = arith.remsi %scan3A_134, %select_n3A : i32
      %ne3A = arith.constant 0 : i32
      %ne3A_139 = arith.cmpi ne, %rem3A, %ne3A : i32
      %lt3A = arith.constant 0 : i32
      %lt3A_140 = arith.cmpi slt, %rem3A, %lt3A : i32
      %lt3A_141 = arith.constant 0 : i32
      %lt3A_142 = arith.cmpi slt, %select_n3A, %lt3A_141 : i32
      %ne3A_143 = arith.xori %lt3A_140, %lt3A_142 : i1
      %and3A = arith.andi %ne3A_143, %ne3A_139 : i1
      %add3A_144 = arith.addi %rem3A, %select_n3A : i32
      %select_n3A_145 = arith.select %and3A, %add3A_144, %rem3A : i32
      %sub3A = arith.constant 1 : i32
      %sub3A_146 = arith.subi %sub3A, %select_n3A_145 : i32
      %jit3A_147 = arith.constant 3 : i32
      %eq3A_148 = arith.constant 0 : i32
      %eq3A_149 = arith.cmpi eq, %jit3A_147, %eq3A_148 : i32
      %jit3A_150 = arith.constant 1 : i32
      %select_n3A_151 = arith.select %eq3A_149, %jit3A_150, %jit3A_147 : i32
      %rem3A_152 = arith.remsi %scan3A_134, %select_n3A_151 : i32
      %ne3A_153 = arith.constant 0 : i32
      %ne3A_154 = arith.cmpi ne, %rem3A_152, %ne3A_153 : i32
      %lt3A_155 = arith.constant 0 : i32
      %lt3A_156 = arith.cmpi slt, %rem3A_152, %lt3A_155 : i32
      %lt3A_157 = arith.constant 0 : i32
      %lt3A_158 = arith.cmpi slt, %select_n3A_151, %lt3A_157 : i32
      %ne3A_159 = arith.xori %lt3A_156, %lt3A_158 : i1
      %and3A_160 = arith.andi %ne3A_159, %ne3A_154 : i1
      %add3A_161 = arith.addi %rem3A_152, %select_n3A_151 : i32
      %select_n3A_162 = arith.select %and3A_160, %add3A_161, %rem3A_152 : i32
      %add3A_163 = arith.constant 1 : i32
      %add3A_164 = arith.addi %scan3A_134, %add3A_163 : i32
      %jit3A_165 = arith.constant 3 : i32
      %eq3A_166 = arith.constant 0 : i32
      %eq3A_167 = arith.cmpi eq, %jit3A_165, %eq3A_166 : i32
      %jit3A_168 = arith.constant 1 : i32
      %select_n3A_169 = arith.select %eq3A_167, %jit3A_168, %jit3A_165 : i32
      %rem3A_170 = arith.remsi %add3A_164, %select_n3A_169 : i32
      %ne3A_171 = arith.constant 0 : i32
      %ne3A_172 = arith.cmpi ne, %rem3A_170, %ne3A_171 : i32
      %lt3A_173 = arith.constant 0 : i32
      %lt3A_174 = arith.cmpi slt, %rem3A_170, %lt3A_173 : i32
      %lt3A_175 = arith.constant 0 : i32
      %lt3A_176 = arith.cmpi slt, %select_n3A_169, %lt3A_175 : i32
      %ne3A_177 = arith.xori %lt3A_174, %lt3A_176 : i1
      %and3A_178 = arith.andi %ne3A_177, %ne3A_172 : i1
      %add3A_179 = arith.addi %rem3A_170, %select_n3A_169 : i32
      %select_n3A_180 = arith.select %and3A_178, %add3A_179, %rem3A_170 : i32
      %add3A_181 = arith.constant 2 : i32
      %add3A_182 = arith.addi %scan3A_134, %add3A_181 : i32
      %jit3A_183 = arith.constant 3 : i32
      %eq3A_184 = arith.constant 0 : i32
      %eq3A_185 = arith.cmpi eq, %jit3A_183, %eq3A_184 : i32
      %jit3A_186 = arith.constant 1 : i32
      %select_n3A_187 = arith.select %eq3A_185, %jit3A_186, %jit3A_183 : i32
      %rem3A_188 = arith.remsi %add3A_182, %select_n3A_187 : i32
      %ne3A_189 = arith.constant 0 : i32
      %ne3A_190 = arith.cmpi ne, %rem3A_188, %ne3A_189 : i32
      %lt3A_191 = arith.constant 0 : i32
      %lt3A_192 = arith.cmpi slt, %rem3A_188, %lt3A_191 : i32
      %lt3A_193 = arith.constant 0 : i32
      %lt3A_194 = arith.cmpi slt, %select_n3A_187, %lt3A_193 : i32
      %ne3A_195 = arith.xori %lt3A_192, %lt3A_194 : i1
      %and3A_196 = arith.andi %ne3A_195, %ne3A_190 : i1
      %add3A_197 = arith.addi %rem3A_188, %select_n3A_187 : i32
      %select_n3A_198 = arith.select %and3A_196, %add3A_197, %rem3A_188 : i32
      %dma_wait3A_199 = arith.constant 0 : i32
      %dma_wait3A_200 = arith.constant 0 : i32
      %dma_wait3A_201 = arith.constant 0 : i32
      %dma_wait3A_202 = arith.constant 0 : i32
      %dma_wait3A_203 = tpu.memref_slice %arg9[%dma_wait3A_199, %dma_wait3A_200, %dma_wait3A_201, %dma_wait3A_202] : memref<2x1x128x128xf32, #tpu.memory_space<vmem>> -> memref<1x1x128x128xf32, #tpu.memory_space<vmem>>
      %dma_wait3A_204 = tpu.memref_squeeze %dma_wait3A_203 : memref<1x1x128x128xf32, #tpu.memory_space<vmem>> -> memref<128x128xf32, #tpu.memory_space<vmem>>
      %dma_wait3A_205 = arith.constant 0 : i32
      %dma_wait3A_206 = arith.constant 0 : i32
      %dma_wait3A_207 = tpu.memref_slice %arg2[%dma_wait3A_205, %dma_wait3A_206] : memref<20480x128xf32, #tpu.memory_space<hbm>> -> memref<128x128xf32, #tpu.memory_space<hbm>>
      %dma_wait3A_208 = arith.constant 0 : i32
      %dma_wait3A_209 = arith.constant 0 : i32
      %dma_wait3A_210 = tpu.memref_slice %arg9[%dma_wait3A_199, %dma_wait3A_200, %dma_wait3A_208, %dma_wait3A_209] : memref<2x1x128x128xf32, #tpu.memory_space<vmem>> -> memref<1x1x128x128xf32, #tpu.memory_space<vmem>>
      %dma_wait3A_211 = tpu.memref_squeeze %dma_wait3A_210 : memref<1x1x128x128xf32, #tpu.memory_space<vmem>> -> memref<128x128xf32, #tpu.memory_space<vmem>>
      %dma_wait3A_212 = arith.constant 0 : i32
      %dma_wait3A_213 = arith.constant 0 : i32
      %dma_wait3A_214 = tpu.memref_slice %arg2[%dma_wait3A_212, %dma_wait3A_213] : memref<20480x128xf32, #tpu.memory_space<hbm>> -> memref<128x128xf32, #tpu.memory_space<hbm>>
      tpu.wait_dma2 semaphore(%arg13 : memref<!tpu.dma_semaphore, #tpu.memory_space<semaphore_mem>>) src(%dma_wait3A_214 : memref<128x128xf32, #tpu.memory_space<hbm>>) dst(%dma_wait3A_211 : memref<128x128xf32, #tpu.memory_space<vmem>>)
      %gt3A = arith.constant 0 : i32
      %gt3A_215 = arith.cmpi sgt, %scan3A_134, %gt3A : i32
      %convert_element_type3A_216 = arith.extui %gt3A_215 : i1 to i32
      %cond3A_217 = arith.constant 0 : i32
      %cond3A_218 = arith.cmpi ne, %convert_element_type3A_216, %cond3A_217 : i32
      scf.if %cond3A_218 {
        %dma_wait3A_247 = arith.constant 0 : i32
        %dma_wait3A_248 = arith.constant 0 : i32
        %dma_wait3A_249 = arith.constant 0 : i32
        %dma_wait3A_250 = arith.constant 0 : i32
        %dma_wait3A_251 = tpu.memref_slice %arg9[%dma_wait3A_247, %dma_wait3A_248, %dma_wait3A_249, %dma_wait3A_250] : memref<2x1x128x128xf32, #tpu.memory_space<vmem>> -> memref<1x1x128x128xf32, #tpu.memory_space<vmem>>
        %dma_wait3A_252 = tpu.memref_squeeze %dma_wait3A_251 : memref<1x1x128x128xf32, #tpu.memory_space<vmem>> -> memref<128x128xf32, #tpu.memory_space<vmem>>
        %dma_wait3A_253 = arith.constant 0 : i32
        %dma_wait3A_254 = arith.constant 0 : i32
        %dma_wait3A_255 = tpu.memref_slice %arg2[%dma_wait3A_253, %dma_wait3A_254] : memref<20480x128xf32, #tpu.memory_space<hbm>> -> memref<128x128xf32, #tpu.memory_space<hbm>>
        %dma_wait3A_256 = arith.constant 0 : i32
        %dma_wait3A_257 = arith.constant 0 : i32
        %dma_wait3A_258 = tpu.memref_slice %arg9[%dma_wait3A_247, %dma_wait3A_248, %dma_wait3A_256, %dma_wait3A_257] : memref<2x1x128x128xf32, #tpu.memory_space<vmem>> -> memref<1x1x128x128xf32, #tpu.memory_space<vmem>>
        %dma_wait3A_259 = tpu.memref_squeeze %dma_wait3A_258 : memref<1x1x128x128xf32, #tpu.memory_space<vmem>> -> memref<128x128xf32, #tpu.memory_space<vmem>>
        %dma_wait3A_260 = arith.constant 0 : i32
        %dma_wait3A_261 = arith.constant 0 : i32
        %dma_wait3A_262 = tpu.memref_slice %arg2[%dma_wait3A_260, %dma_wait3A_261] : memref<20480x128xf32, #tpu.memory_space<hbm>> -> memref<128x128xf32, #tpu.memory_space<hbm>>
        tpu.wait_dma2 semaphore(%arg14 : memref<!tpu.dma_semaphore, #tpu.memory_space<semaphore_mem>>) src(%dma_wait3A_262 : memref<128x128xf32, #tpu.memory_space<hbm>>) dst(%dma_wait3A_259 : memref<128x128xf32, #tpu.memory_space<vmem>>)
      } else {
      }
      %add3A_219 = arith.constant 1 : i32
      %add3A_220 = arith.addi %scan3A_134, %add3A_219 : i32
      %lt3A_221 = arith.constant 160 : i32
      %lt3A_222 = arith.cmpi slt, %add3A_220, %lt3A_221 : i32
      %convert_element_type3A_223 = arith.extui %lt3A_222 : i1 to i32
      %cond3A_224 = arith.constant 0 : i32
      %cond3A_225 = arith.cmpi ne, %convert_element_type3A_223, %cond3A_224 : i32
      scf.if %cond3A_225 {
        %dma_wait3A_247 = arith.constant 0 : i32
        %dma_wait3A_248 = arith.constant 0 : i32
        %dma_wait3A_249 = arith.constant 0 : i32
        %dma_wait3A_250 = tpu.memref_slice %arg7[%dma_wait3A_247, %dma_wait3A_248, %dma_wait3A_249] : memref<3x1x128xi32, #tpu.memory_space<vmem>> -> memref<1x1x128xi32, #tpu.memory_space<vmem>>
        %dma_wait3A_251 = tpu.memref_squeeze %dma_wait3A_250 : memref<1x1x128xi32, #tpu.memory_space<vmem>> -> memref<128xi32, #tpu.memory_space<vmem>>
        %dma_wait3A_252 = arith.constant 0 : i32
        %dma_wait3A_253 = tpu.memref_slice %arg3[%dma_wait3A_252] : memref<327680xi32, #tpu.memory_space<hbm>> -> memref<128xi32, #tpu.memory_space<hbm>>
        %dma_wait3A_254 = arith.constant 0 : i32
        %dma_wait3A_255 = tpu.memref_slice %arg7[%dma_wait3A_247, %dma_wait3A_248, %dma_wait3A_254] : memref<3x1x128xi32, #tpu.memory_space<vmem>> -> memref<1x1x128xi32, #tpu.memory_space<vmem>>
        %dma_wait3A_256 = tpu.memref_squeeze %dma_wait3A_255 : memref<1x1x128xi32, #tpu.memory_space<vmem>> -> memref<128xi32, #tpu.memory_space<vmem>>
        %dma_wait3A_257 = arith.constant 0 : i32
        %dma_wait3A_258 = tpu.memref_slice %arg3[%dma_wait3A_257] : memref<327680xi32, #tpu.memory_space<hbm>> -> memref<128xi32, #tpu.memory_space<hbm>>
        tpu.wait_dma2 semaphore(%arg12 : memref<!tpu.dma_semaphore, #tpu.memory_space<semaphore_mem>>) src(%dma_wait3A_258 : memref<128xi32, #tpu.memory_space<hbm>>) dst(%dma_wait3A_256 : memref<128xi32, #tpu.memory_space<vmem>>)
        %dma_wait3A_259 = arith.constant 0 : i32
        %dma_wait3A_260 = arith.constant 0 : i32
        %dma_wait3A_261 = arith.constant 0 : i32
        %dma_wait3A_262 = arith.constant 0 : i32
        %dma_wait3A_263 = tpu.memref_slice %arg8[%dma_wait3A_259, %dma_wait3A_260, %dma_wait3A_261, %dma_wait3A_262] : memref<3x1x1x128xi32, #tpu.memory_space<vmem>> -> memref<1x1x1x128xi32, #tpu.memory_space<vmem>>
        %dma_wait3A_264 = tpu.memref_squeeze %dma_wait3A_263 : memref<1x1x1x128xi32, #tpu.memory_space<vmem>> -> memref<128xi32, #tpu.memory_space<vmem>>
        %dma_wait3A_265 = arith.constant 0 : i32
        %dma_wait3A_266 = tpu.memref_slice %arg5[%dma_wait3A_265] : memref<327680xi32, #tpu.memory_space<hbm>> -> memref<128xi32, #tpu.memory_space<hbm>>
        %dma_wait3A_267 = arith.constant 0 : i32
        %dma_wait3A_268 = tpu.memref_slice %arg8[%dma_wait3A_259, %dma_wait3A_260, %dma_wait3A_261, %dma_wait3A_267] : memref<3x1x1x128xi32, #tpu.memory_space<vmem>> -> memref<1x1x1x128xi32, #tpu.memory_space<vmem>>
        %dma_wait3A_269 = tpu.memref_squeeze %dma_wait3A_268 : memref<1x1x1x128xi32, #tpu.memory_space<vmem>> -> memref<128xi32, #tpu.memory_space<vmem>>
        %dma_wait3A_270 = arith.constant 0 : i32
        %dma_wait3A_271 = tpu.memref_slice %arg5[%dma_wait3A_270] : memref<327680xi32, #tpu.memory_space<hbm>> -> memref<128xi32, #tpu.memory_space<hbm>>
        tpu.wait_dma2 semaphore(%arg12 : memref<!tpu.dma_semaphore, #tpu.memory_space<semaphore_mem>>) src(%dma_wait3A_271 : memref<128xi32, #tpu.memory_space<hbm>>) dst(%dma_wait3A_269 : memref<128xi32, #tpu.memory_space<vmem>>)
        %dma_start3A_272 = arith.constant 0 : i32
        %dma_start3A_273 = arith.constant 0 : i32
        %dma_start3A_274 = arith.constant 0 : i32
        %dma_start3A_275 = arith.constant 0 : i32
        %dma_start3A_276 = tpu.memref_slice %arg9[%sub3A_146, %dma_start3A_273, %dma_start3A_274, %dma_start3A_275] : memref<2x1x128x128xf32, #tpu.memory_space<vmem>> -> memref<1x1x128x128xf32, #tpu.memory_space<vmem>>
        %dma_start3A_277 = tpu.memref_squeeze %dma_start3A_276 : memref<1x1x128x128xf32, #tpu.memory_space<vmem>> -> memref<128x128xf32, #tpu.memory_space<vmem>>
        %dma_start3A_278 = arith.constant 0 : i32
        %dma_start3A_279 = tpu.memref_slice %arg7[%select_n3A_180, %dma_start3A_272, %dma_start3A_278] : memref<3x1x128xi32, #tpu.memory_space<vmem>> -> memref<1x1x128xi32, #tpu.memory_space<vmem>>
        %dma_start3A_280 = tpu.memref_squeeze %dma_start3A_279 : memref<1x1x128xi32, #tpu.memory_space<vmem>> -> memref<128xi32, #tpu.memory_space<vmem>>
        %dma_start3A_281 = arith.constant 0 : i32
        %dma_start3A_282 = arith.constant 0 : i32
        %dma_start3A_283 = tpu.memref_slice %arg2[%dma_start3A_281, %dma_start3A_282] : memref<20480x128xf32, #tpu.memory_space<hbm>> -> memref<20480x128xf32, #tpu.memory_space<hbm>>
        tpu.enqueue_indirect_dma source(%dma_start3A_283 : memref<20480x128xf32, #tpu.memory_space<hbm>>) target(%dma_start3A_277 : memref<128x128xf32, #tpu.memory_space<vmem>>) offsets(%dma_start3A_280 : memref<128xi32, #tpu.memory_space<vmem>>) semaphore(%arg13 : memref<!tpu.dma_semaphore, #tpu.memory_space<semaphore_mem>>)
      } else {
      }
      %dma_start3A_226 = arith.constant 0 : i32
      %dma_start3A_227 = arith.constant 0 : i32
      %dma_start3A_228 = arith.constant 0 : i32
      %dma_start3A_229 = arith.constant 0 : i32
      %dma_start3A_230 = arith.constant 0 : i32
      %dma_start3A_231 = tpu.memref_slice %arg9[%select_n3A_145, %dma_start3A_226, %dma_start3A_229, %dma_start3A_230] : memref<2x1x128x128xf32, #tpu.memory_space<vmem>> -> memref<1x1x128x128xf32, #tpu.memory_space<vmem>>
      %dma_start3A_232 = tpu.memref_squeeze %dma_start3A_231 : memref<1x1x128x128xf32, #tpu.memory_space<vmem>> -> memref<128x128xf32, #tpu.memory_space<vmem>>
      %dma_start3A_233 = arith.constant 0 : i32
      %dma_start3A_234 = tpu.memref_slice %arg8[%select_n3A_162, %dma_start3A_227, %dma_start3A_228, %dma_start3A_233] : memref<3x1x1x128xi32, #tpu.memory_space<vmem>> -> memref<1x1x1x128xi32, #tpu.memory_space<vmem>>
      %dma_start3A_235 = tpu.memref_squeeze %dma_start3A_234 : memref<1x1x1x128xi32, #tpu.memory_space<vmem>> -> memref<128xi32, #tpu.memory_space<vmem>>
      %dma_start3A_236 = arith.constant 0 : i32
      %dma_start3A_237 = arith.constant 0 : i32
      %dma_start3A_238 = tpu.memref_slice %arg11[%dma_start3A_236, %dma_start3A_237] : memref<10240x128xf32, #tpu.memory_space<vmem_shared>> -> memref<10240x128xf32, #tpu.memory_space<vmem_shared>>
      tpu.enqueue_indirect_dma source(%dma_start3A_232 : memref<128x128xf32, #tpu.memory_space<vmem>>) target(%dma_start3A_238 : memref<10240x128xf32, #tpu.memory_space<vmem_shared>>) offsets(%dma_start3A_235 : memref<128xi32, #tpu.memory_space<vmem>>) semaphore(%arg14 : memref<!tpu.dma_semaphore, #tpu.memory_space<semaphore_mem>>) {add = true}
      %add3A_239 = arith.constant 2 : i32
      %add3A_240 = arith.addi %scan3A_134, %add3A_239 : i32
      %lt3A_241 = arith.constant 160 : i32
      %lt3A_242 = arith.cmpi slt, %add3A_240, %lt3A_241 : i32
      %convert_element_type3A_243 = arith.extui %lt3A_242 : i1 to i32
      %cond3A_244 = arith.constant 0 : i32
      %cond3A_245 = arith.cmpi ne, %convert_element_type3A_243, %cond3A_244 : i32
      scf.if %cond3A_245 {
        %add3A_247 = arith.constant 2 : i32
        %add3A_248 = arith.addi %scan3A_134, %add3A_247 : i32
        %mul3A_249 = arith.constant 128 : i32
        %mul3A_250 = arith.muli %add3A_248, %mul3A_249 : i32
        %add3A_251 = arith.addi %mul3A_0, %mul3A_250 : i32
        %eq3A_252 = arith.constant 0 : i32
        %eq3A_253 = arith.cmpi eq, %arg0, %eq3A_252 : i32
        %convert_element_type3A_254 = arith.extui %eq3A_253 : i1 to i32
        %cond3A_255 = arith.constant 0 : i32
        %cond3A_256 = arith.cmpi ne, %convert_element_type3A_254, %cond3A_255 : i32
        scf.if %cond3A_256 {
          %dma_start3A_274 = arith.constant 0 : i32
          %dma_start3A_275 = arith.constant 0 : i32
          %dma_start3A_276 = tpu.memref_slice %arg7[%select_n3A_198, %dma_start3A_274, %dma_start3A_275] : memref<3x1x128xi32, #tpu.memory_space<vmem>> -> memref<1x1x128xi32, #tpu.memory_space<vmem>>
          %dma_start3A_277 = tpu.memref_squeeze %dma_start3A_276 : memref<1x1x128xi32, #tpu.memory_space<vmem>> -> memref<128xi32, #tpu.memory_space<vmem>>
          %dma_start3A_278 = tpu.memref_slice %arg3[%add3A_251] : memref<327680xi32, #tpu.memory_space<hbm>> -> memref<128xi32, #tpu.memory_space<hbm>>
          %dma_start3A_279 = arith.constant 0 : i32
          %dma_start3A_280 = tpu.memref_slice %arg7[%select_n3A_198, %dma_start3A_274, %dma_start3A_279] : memref<3x1x128xi32, #tpu.memory_space<vmem>> -> memref<1x1x128xi32, #tpu.memory_space<vmem>>
          %dma_start3A_281 = tpu.memref_squeeze %dma_start3A_280 : memref<1x1x128xi32, #tpu.memory_space<vmem>> -> memref<128xi32, #tpu.memory_space<vmem>>
          %dma_start3A_282 = tpu.memref_slice %arg3[%add3A_251] : memref<327680xi32, #tpu.memory_space<hbm>> -> memref<128xi32, #tpu.memory_space<hbm>>
          tpu.enqueue_dma source(%dma_start3A_282 : memref<128xi32, #tpu.memory_space<hbm>>) target(%dma_start3A_281 : memref<128xi32, #tpu.memory_space<vmem>>) target_semaphore(%arg12 : memref<!tpu.dma_semaphore, #tpu.memory_space<semaphore_mem>>)
        } else {
        }
        %eq3A_257 = arith.constant 1 : i32
        %eq3A_258 = arith.cmpi eq, %arg0, %eq3A_257 : i32
        %convert_element_type3A_259 = arith.extui %eq3A_258 : i1 to i32
        %cond3A_260 = arith.constant 0 : i32
        %cond3A_261 = arith.cmpi ne, %convert_element_type3A_259, %cond3A_260 : i32
        scf.if %cond3A_261 {
          %dma_start3A_274 = arith.constant 0 : i32
          %dma_start3A_275 = arith.constant 0 : i32
          %dma_start3A_276 = tpu.memref_slice %arg7[%select_n3A_198, %dma_start3A_274, %dma_start3A_275] : memref<3x1x128xi32, #tpu.memory_space<vmem>> -> memref<1x1x128xi32, #tpu.memory_space<vmem>>
          %dma_start3A_277 = tpu.memref_squeeze %dma_start3A_276 : memref<1x1x128xi32, #tpu.memory_space<vmem>> -> memref<128xi32, #tpu.memory_space<vmem>>
          %dma_start3A_278 = tpu.memref_slice %arg4[%add3A_251] : memref<327680xi32, #tpu.memory_space<hbm>> -> memref<128xi32, #tpu.memory_space<hbm>>
          %dma_start3A_279 = arith.constant 0 : i32
          %dma_start3A_280 = tpu.memref_slice %arg7[%select_n3A_198, %dma_start3A_274, %dma_start3A_279] : memref<3x1x128xi32, #tpu.memory_space<vmem>> -> memref<1x1x128xi32, #tpu.memory_space<vmem>>
          %dma_start3A_281 = tpu.memref_squeeze %dma_start3A_280 : memref<1x1x128xi32, #tpu.memory_space<vmem>> -> memref<128xi32, #tpu.memory_space<vmem>>
          %dma_start3A_282 = tpu.memref_slice %arg4[%add3A_251] : memref<327680xi32, #tpu.memory_space<hbm>> -> memref<128xi32, #tpu.memory_space<hbm>>
          tpu.enqueue_dma source(%dma_start3A_282 : memref<128xi32, #tpu.memory_space<hbm>>) target(%dma_start3A_281 : memref<128xi32, #tpu.memory_space<vmem>>) target_semaphore(%arg12 : memref<!tpu.dma_semaphore, #tpu.memory_space<semaphore_mem>>)
        } else {
        }
        %add3A_262 = arith.constant 0 : i32
        %add3A_263 = arith.addi %add3A_251, %add3A_262 : i32
        %dma_start3A_264 = arith.constant 0 : i32
        %dma_start3A_265 = arith.constant 0 : i32
        %dma_start3A_266 = arith.constant 0 : i32
        %dma_start3A_267 = tpu.memref_slice %arg8[%select_n3A_198, %dma_start3A_264, %dma_start3A_265, %dma_start3A_266] : memref<3x1x1x128xi32, #tpu.memory_space<vmem>> -> memref<1x1x1x128xi32, #tpu.memory_space<vmem>>
        %dma_start3A_268 = tpu.memref_squeeze %dma_start3A_267 : memref<1x1x1x128xi32, #tpu.memory_space<vmem>> -> memref<128xi32, #tpu.memory_space<vmem>>
        %dma_start3A_269 = tpu.memref_slice %arg5[%add3A_263] : memref<327680xi32, #tpu.memory_space<hbm>> -> memref<128xi32, #tpu.memory_space<hbm>>
        %dma_start3A_270 = arith.constant 0 : i32
        %dma_start3A_271 = tpu.memref_slice %arg8[%select_n3A_198, %dma_start3A_264, %dma_start3A_265, %dma_start3A_270] : memref<3x1x1x128xi32, #tpu.memory_space<vmem>> -> memref<1x1x1x128xi32, #tpu.memory_space<vmem>>
        %dma_start3A_272 = tpu.memref_squeeze %dma_start3A_271 : memref<1x1x1x128xi32, #tpu.memory_space<vmem>> -> memref<128xi32, #tpu.memory_space<vmem>>
        %dma_start3A_273 = tpu.memref_slice %arg5[%add3A_263] : memref<327680xi32, #tpu.memory_space<hbm>> -> memref<128xi32, #tpu.memory_space<hbm>>
        tpu.enqueue_dma source(%dma_start3A_273 : memref<128xi32, #tpu.memory_space<hbm>>) target(%dma_start3A_272 : memref<128xi32, #tpu.memory_space<vmem>>) target_semaphore(%arg12 : memref<!tpu.dma_semaphore, #tpu.memory_space<semaphore_mem>>)
      } else {
      }
      %scan3A_246 = arith.constant 0 : i32
      scf.yield %scan3A_246 : i32
    }
    %scan3A_104 = arith.constant 160 : i32
    %dma_wait3A_105 = arith.constant 0 : i32
    %dma_wait3A_106 = arith.constant 0 : i32
    %dma_wait3A_107 = arith.constant 0 : i32
    %dma_wait3A_108 = arith.constant 0 : i32
    %dma_wait3A_109 = tpu.memref_slice %arg9[%dma_wait3A_105, %dma_wait3A_106, %dma_wait3A_107, %dma_wait3A_108] : memref<2x1x128x128xf32, #tpu.memory_space<vmem>> -> memref<1x1x128x128xf32, #tpu.memory_space<vmem>>
    %dma_wait3A_110 = tpu.memref_squeeze %dma_wait3A_109 : memref<1x1x128x128xf32, #tpu.memory_space<vmem>> -> memref<128x128xf32, #tpu.memory_space<vmem>>
    %dma_wait3A_111 = arith.constant 0 : i32
    %dma_wait3A_112 = arith.constant 0 : i32
    %dma_wait3A_113 = tpu.memref_slice %arg2[%dma_wait3A_111, %dma_wait3A_112] : memref<20480x128xf32, #tpu.memory_space<hbm>> -> memref<128x128xf32, #tpu.memory_space<hbm>>
    %dma_wait3A_114 = arith.constant 0 : i32
    %dma_wait3A_115 = arith.constant 0 : i32
    %dma_wait3A_116 = tpu.memref_slice %arg9[%dma_wait3A_105, %dma_wait3A_106, %dma_wait3A_114, %dma_wait3A_115] : memref<2x1x128x128xf32, #tpu.memory_space<vmem>> -> memref<1x1x128x128xf32, #tpu.memory_space<vmem>>
    %dma_wait3A_117 = tpu.memref_squeeze %dma_wait3A_116 : memref<1x1x128x128xf32, #tpu.memory_space<vmem>> -> memref<128x128xf32, #tpu.memory_space<vmem>>
    %dma_wait3A_118 = arith.constant 0 : i32
    %dma_wait3A_119 = arith.constant 0 : i32
    %dma_wait3A_120 = tpu.memref_slice %arg2[%dma_wait3A_118, %dma_wait3A_119] : memref<20480x128xf32, #tpu.memory_space<hbm>> -> memref<128x128xf32, #tpu.memory_space<hbm>>
    tpu.wait_dma2 semaphore(%arg14 : memref<!tpu.dma_semaphore, #tpu.memory_space<semaphore_mem>>) src(%dma_wait3A_120 : memref<128x128xf32, #tpu.memory_space<hbm>>) dst(%dma_wait3A_117 : memref<128x128xf32, #tpu.memory_space<vmem>>)
    %barrier3A_121 = arith.constant 0 : index
    tpu.barrier barrier_id(%barrier3A_121)
    %mul3A_122 = arith.constant 640 : i32
    %mul3A_123 = arith.muli %arg1, %mul3A_122 : i32
    %eq3A_124 = arith.constant 0 : i32
    %eq3A_125 = arith.cmpi eq, %arg0, %eq3A_124 : i32
    %convert_element_type3A_126 = arith.extui %eq3A_125 : i1 to i32
    %cond3A_127 = arith.constant 0 : i32
    %cond3A_128 = arith.cmpi ne, %convert_element_type3A_126, %cond3A_127 : i32
    scf.if %cond3A_128 {
      %run_scoped3A = arith.constant 0 : i32
      "tpu.region"() ({
        %run_scoped3A_134 = tpu.sem_alloc : memref<!tpu.dma_semaphore, #tpu.memory_space<semaphore_mem>>
        %dma_start3A_135 = arith.constant 0 : i32
        %dma_start3A_136 = tpu.memref_slice %arg6[%run_scoped3A, %mul3A_123, %dma_start3A_135] : memref<2x10240x128xf32, #tpu.memory_space<hbm>> -> memref<1x640x128xf32, #tpu.memory_space<hbm>>
        %dma_start3A_137 = tpu.memref_squeeze %dma_start3A_136 : memref<1x640x128xf32, #tpu.memory_space<hbm>> -> memref<640x128xf32, #tpu.memory_space<hbm>>
        %dma_start3A_138 = arith.constant 0 : i32
        %dma_start3A_139 = tpu.memref_slice %arg11[%mul3A_123, %dma_start3A_138] : memref<10240x128xf32, #tpu.memory_space<vmem_shared>> -> memref<640x128xf32, #tpu.memory_space<vmem_shared>>
        tpu.enqueue_dma source(%dma_start3A_139 : memref<640x128xf32, #tpu.memory_space<vmem_shared>>) target(%dma_start3A_137 : memref<640x128xf32, #tpu.memory_space<hbm>>) target_semaphore(%run_scoped3A_134 : memref<!tpu.dma_semaphore, #tpu.memory_space<semaphore_mem>>)
        %dma_wait3A_140 = arith.constant 0 : i32
        %dma_wait3A_141 = tpu.memref_slice %arg6[%run_scoped3A, %mul3A_123, %dma_wait3A_140] : memref<2x10240x128xf32, #tpu.memory_space<hbm>> -> memref<1x640x128xf32, #tpu.memory_space<hbm>>
        %dma_wait3A_142 = tpu.memref_squeeze %dma_wait3A_141 : memref<1x640x128xf32, #tpu.memory_space<hbm>> -> memref<640x128xf32, #tpu.memory_space<hbm>>
        %dma_wait3A_143 = arith.constant 0 : i32
        %dma_wait3A_144 = tpu.memref_slice %arg11[%mul3A_123, %dma_wait3A_143] : memref<10240x128xf32, #tpu.memory_space<vmem_shared>> -> memref<640x128xf32, #tpu.memory_space<vmem_shared>>
        tpu.wait_dma2 semaphore(%run_scoped3A_134 : memref<!tpu.dma_semaphore, #tpu.memory_space<semaphore_mem>>) src(%dma_wait3A_144 : memref<640x128xf32, #tpu.memory_space<vmem_shared>>) dst(%dma_wait3A_142 : memref<640x128xf32, #tpu.memory_space<hbm>>)
        tpu.yield
      }) : () -> ()
    } else {
    }
    %eq3A_129 = arith.constant 1 : i32
    %eq3A_130 = arith.cmpi eq, %arg0, %eq3A_129 : i32
    %convert_element_type3A_131 = arith.extui %eq3A_130 : i1 to i32
    %cond3A_132 = arith.constant 0 : i32
    %cond3A_133 = arith.cmpi ne, %convert_element_type3A_131, %cond3A_132 : i32
    scf.if %cond3A_133 {
      %run_scoped3A = arith.constant 1 : i32
      "tpu.region"() ({
        %run_scoped3A_134 = tpu.sem_alloc : memref<!tpu.dma_semaphore, #tpu.memory_space<semaphore_mem>>
        %dma_start3A_135 = arith.constant 0 : i32
        %dma_start3A_136 = tpu.memref_slice %arg6[%run_scoped3A, %mul3A_123, %dma_start3A_135] : memref<2x10240x128xf32, #tpu.memory_space<hbm>> -> memref<1x640x128xf32, #tpu.memory_space<hbm>>
        %dma_start3A_137 = tpu.memref_squeeze %dma_start3A_136 : memref<1x640x128xf32, #tpu.memory_space<hbm>> -> memref<640x128xf32, #tpu.memory_space<hbm>>
        %dma_start3A_138 = arith.constant 0 : i32
        %dma_start3A_139 = tpu.memref_slice %arg11[%mul3A_123, %dma_start3A_138] : memref<10240x128xf32, #tpu.memory_space<vmem_shared>> -> memref<640x128xf32, #tpu.memory_space<vmem_shared>>
        tpu.enqueue_dma source(%dma_start3A_139 : memref<640x128xf32, #tpu.memory_space<vmem_shared>>) target(%dma_start3A_137 : memref<640x128xf32, #tpu.memory_space<hbm>>) target_semaphore(%run_scoped3A_134 : memref<!tpu.dma_semaphore, #tpu.memory_space<semaphore_mem>>)
        %dma_wait3A_140 = arith.constant 0 : i32
        %dma_wait3A_141 = tpu.memref_slice %arg6[%run_scoped3A, %mul3A_123, %dma_wait3A_140] : memref<2x10240x128xf32, #tpu.memory_space<hbm>> -> memref<1x640x128xf32, #tpu.memory_space<hbm>>
        %dma_wait3A_142 = tpu.memref_squeeze %dma_wait3A_141 : memref<1x640x128xf32, #tpu.memory_space<hbm>> -> memref<640x128xf32, #tpu.memory_space<hbm>>
        %dma_wait3A_143 = arith.constant 0 : i32
        %dma_wait3A_144 = tpu.memref_slice %arg11[%mul3A_123, %dma_wait3A_143] : memref<10240x128xf32, #tpu.memory_space<vmem_shared>> -> memref<640x128xf32, #tpu.memory_space<vmem_shared>>
        tpu.wait_dma2 semaphore(%run_scoped3A_134 : memref<!tpu.dma_semaphore, #tpu.memory_space<semaphore_mem>>) src(%dma_wait3A_144 : memref<640x128xf32, #tpu.memory_space<vmem_shared>>) dst(%dma_wait3A_142 : memref<640x128xf32, #tpu.memory_space<hbm>>)
        tpu.yield
      }) : () -> ()
    } else {
    }
    return
  }
}

#map = affine_map<(d0, d1) -> (0, 0)>
#map1 = affine_map<(d0, d1) -> (0)>
#map2 = affine_map<(d0, d1) -> (0, 0, 0)>
module attributes {stable_mosaic.version = 14 : i64} {
  func.func @_agg_body(%arg0: i32, %arg1: i32, %arg2: memref<20480x128xf32, #tpu.memory_space<hbm>>, %arg3: memref<327680xi32, #tpu.memory_space<hbm>>, %arg4: memref<327680xi32, #tpu.memory_space<hbm>>, %arg5: memref<327680xi32, #tpu.memory_space<hbm>>, %arg6: memref<2x10240x128xf32, #tpu.memory_space<hbm>>, %arg7: memref<3x1x128xi32, #tpu.memory_space<vmem>>, %arg8: memref<3x1x1x128xi32, #tpu.memory_space<vmem>>, %arg9: memref<2x1x128x128xf32, #tpu.memory_space<vmem>>, %arg10: memref<32x128xf32, #tpu.memory_space<vmem>>, %arg11: memref<10240x128xf32, #tpu.memory_space<vmem_shared>>, %arg12: memref<!tpu.dma_semaphore, #tpu.memory_space<semaphore_mem>>, %arg13: memref<!tpu.dma_semaphore, #tpu.memory_space<semaphore_mem>>, %arg14: memref<!tpu.dma_semaphore, #tpu.memory_space<semaphore_mem>>) attributes {dimension_semantics = [#tpu.dimension_semantics<core_parallel>, #tpu.dimension_semantics<subcore_parallel>], iteration_bounds = array<i64: 2, 16>, scalar_prefetch = 0 : i64, scratch_operands = 8 : i64, tpu.core_type = #tpu.core_type<sc_vector_subcore>, window_params = [{transform_indices = #map}, {transform_indices = #map1}, {transform_indices = #map1}, {transform_indices = #map1}, {transform_indices = #map2}]} {
    %mul3A = arith.constant 20480 : i32
    %mul3A_0 = arith.muli %arg1, %mul3A : i32
    %mul3A_1 = arith.constant 128 : i32
    %mul3A_2 = arith.muli %arg0, %mul3A_1 : i32
    %add3A = arith.addi %mul3A_0, %mul3A_2 : i32
    %broadcast_in_dim3A = arith.constant 0.000000e+00 : f32
    %broadcast_in_dim3A_3 = vector.broadcast %broadcast_in_dim3A : f32 to vector<16xf32>
    %scan3A = arith.constant 0 : i32
    %scan3A_4 = arith.constant 0 : i32
    %scan3A_5 = arith.constant 256 : i32
    %scan3A_6 = arith.addi %scan3A_4, %scan3A_5 : i32
    %scan3A_7 = arith.constant 1 : i32
    %scan3A_8 = scf.for %scan3A_137 = %scan3A_4 to %scan3A_6 step %scan3A_7 iter_args(%scan3A_138 = %scan3A) -> (i32)  : i32 {
      %jit3A = arith.constant 8 : i32
      %div3A = arith.divsi %scan3A_137, %jit3A : i32
      %sign3A = arith.constant 0 : i32
      %sign3A_139 = arith.cmpi sgt, %scan3A_137, %sign3A : i32
      %sign3A_140 = arith.extui %sign3A_139 : i1 to i32
      %sign3A_141 = arith.constant 0 : i32
      %sign3A_142 = arith.cmpi slt, %scan3A_137, %sign3A_141 : i32
      %sign3A_143 = arith.extui %sign3A_142 : i1 to i32
      %sign3A_144 = arith.subi %sign3A_140, %sign3A_143 : i32
      %sign3A_145 = arith.constant 0 : i32
      %sign3A_146 = arith.cmpi sgt, %jit3A, %sign3A_145 : i32
      %sign3A_147 = arith.extui %sign3A_146 : i1 to i32
      %sign3A_148 = arith.constant 0 : i32
      %sign3A_149 = arith.cmpi slt, %jit3A, %sign3A_148 : i32
      %sign3A_150 = arith.extui %sign3A_149 : i1 to i32
      %sign3A_151 = arith.subi %sign3A_147, %sign3A_150 : i32
      %ne3A = arith.cmpi ne, %sign3A_144, %sign3A_151 : i32
      %rem3A = arith.remsi %scan3A_137, %jit3A : i32
      %ne3A_152 = arith.constant 0 : i32
      %ne3A_153 = arith.cmpi ne, %rem3A, %ne3A_152 : i32
      %and3A = arith.andi %ne3A, %ne3A_153 : i1
      %sub3A = arith.constant 1 : i32
      %sub3A_154 = arith.subi %div3A, %sub3A : i32
      %select_n3A = arith.select %and3A, %sub3A_154, %div3A : i32
      %jit3A_155 = arith.constant 8 : i32
      %eq3A_156 = arith.constant 0 : i32
      %eq3A_157 = arith.cmpi eq, %jit3A_155, %eq3A_156 : i32
      %jit3A_158 = arith.constant 1 : i32
      %select_n3A_159 = arith.select %eq3A_157, %jit3A_158, %jit3A_155 : i32
      %rem3A_160 = arith.remsi %scan3A_137, %select_n3A_159 : i32
      %ne3A_161 = arith.constant 0 : i32
      %ne3A_162 = arith.cmpi ne, %rem3A_160, %ne3A_161 : i32
      %lt3A = arith.constant 0 : i32
      %lt3A_163 = arith.cmpi slt, %rem3A_160, %lt3A : i32
      %lt3A_164 = arith.constant 0 : i32
      %lt3A_165 = arith.cmpi slt, %select_n3A_159, %lt3A_164 : i32
      %ne3A_166 = arith.xori %lt3A_163, %lt3A_165 : i1
      %and3A_167 = arith.andi %ne3A_166, %ne3A_162 : i1
      %add3A_168 = arith.addi %rem3A_160, %select_n3A_159 : i32
      %select_n3A_169 = arith.select %and3A_167, %add3A_168, %rem3A_160 : i32
      %mul3A_170 = arith.constant 16 : i32
      %mul3A_171 = arith.muli %select_n3A_169, %mul3A_170 : i32
      %swap3A = arith.index_cast %select_n3A : i32 to index
      %swap3A_172 = arith.index_cast %mul3A_171 : i32 to index
      %swap3A_173 = tpu.vector_load %arg10[%swap3A, %swap3A_172] {strides = array<i32>} : memref<32x128xf32, #tpu.memory_space<vmem>>, vector<1x16xf32>,
      %swap3A_174 = vector.shape_cast %swap3A_173 : vector<1x16xf32> to vector<16xf32>
      %swap3A_175 = vector.shape_cast %broadcast_in_dim3A_3 : vector<16xf32> to vector<1x16xf32>
      tpu.vector_store %arg10[%swap3A, %swap3A_172], %swap3A_175 {strides = array<i32>} : memref<32x128xf32, #tpu.memory_space<vmem>>, vector<1x16xf32>,
      %scan3A_176 = arith.constant 0 : i32
      scf.yield %scan3A_176 : i32
    }
    %scan3A_9 = arith.constant 256 : i32
    %scan3A_10 = arith.constant 0 : i32
    %scan3A_11 = arith.constant 0 : i32
    %scan3A_12 = arith.constant 20 : i32
    %scan3A_13 = arith.addi %scan3A_11, %scan3A_12 : i32
    %scan3A_14 = arith.constant 1 : i32
    %scan3A_15 = scf.for %scan3A_137 = %scan3A_11 to %scan3A_13 step %scan3A_14 iter_args(%scan3A_138 = %scan3A_10) -> (i32)  : i32 {
      %mul3A_139 = arith.constant 640 : i32
      %mul3A_140 = arith.muli %arg1, %mul3A_139 : i32
      %mul3A_141 = arith.constant 32 : i32
      %mul3A_142 = arith.muli %scan3A_137, %mul3A_141 : i32
      %add3A_143 = arith.addi %mul3A_140, %mul3A_142 : i32
      "tpu.region"() ({
        %run_scoped3A = tpu.sem_alloc : memref<!tpu.dma_semaphore, #tpu.memory_space<semaphore_mem>>
        %dma_start3A_145 = arith.constant 0 : i32
        %dma_start3A_146 = tpu.memref_slice %arg11[%add3A_143, %dma_start3A_145] : memref<10240x128xf32, #tpu.memory_space<vmem_shared>> -> memref<32x128xf32, #tpu.memory_space<vmem_shared>>
        %dma_start3A_147 = arith.constant 0 : i32
        %dma_start3A_148 = tpu.memref_slice %arg11[%add3A_143, %dma_start3A_147] : memref<10240x128xf32, #tpu.memory_space<vmem_shared>> -> memref<32x128xf32, #tpu.memory_space<vmem_shared>>
        tpu.enqueue_dma source(%arg10 : memref<32x128xf32, #tpu.memory_space<vmem>>) target(%dma_start3A_148 : memref<32x128xf32, #tpu.memory_space<vmem_shared>>) target_semaphore(%run_scoped3A : memref<!tpu.dma_semaphore, #tpu.memory_space<semaphore_mem>>)
        %dma_wait3A_149 = arith.constant 0 : i32
        %dma_wait3A_150 = tpu.memref_slice %arg11[%add3A_143, %dma_wait3A_149] : memref<10240x128xf32, #tpu.memory_space<vmem_shared>> -> memref<32x128xf32, #tpu.memory_space<vmem_shared>>
        %dma_wait3A_151 = arith.constant 0 : i32
        %dma_wait3A_152 = tpu.memref_slice %arg11[%add3A_143, %dma_wait3A_151] : memref<10240x128xf32, #tpu.memory_space<vmem_shared>> -> memref<32x128xf32, #tpu.memory_space<vmem_shared>>
        tpu.wait_dma2 semaphore(%run_scoped3A : memref<!tpu.dma_semaphore, #tpu.memory_space<semaphore_mem>>) src(%arg10 : memref<32x128xf32, #tpu.memory_space<vmem>>) dst(%dma_wait3A_152 : memref<32x128xf32, #tpu.memory_space<vmem_shared>>)
        tpu.yield
      }) : () -> ()
      %scan3A_144 = arith.constant 0 : i32
      scf.yield %scan3A_144 : i32
    }
    %scan3A_16 = arith.constant 20 : i32
    %barrier3A = arith.constant 0 : index
    tpu.barrier barrier_id(%barrier3A)
    %add3A_17 = arith.constant 0 : i32
    %add3A_18 = arith.addi %add3A, %add3A_17 : i32
    %eq3A = arith.constant 0 : i32
    %eq3A_19 = arith.cmpi eq, %arg0, %eq3A : i32
    %convert_element_type3A = arith.extui %eq3A_19 : i1 to i32
    %cond3A = arith.constant 0 : i32
    %cond3A_20 = arith.cmpi ne, %convert_element_type3A, %cond3A : i32
    scf.if %cond3A_20 {
      %dma_start3A_137 = arith.constant 0 : i32
      %dma_start3A_138 = arith.constant 0 : i32
      %dma_start3A_139 = arith.constant 0 : i32
      %dma_start3A_140 = tpu.memref_slice %arg7[%dma_start3A_137, %dma_start3A_138, %dma_start3A_139] : memref<3x1x128xi32, #tpu.memory_space<vmem>> -> memref<1x1x128xi32, #tpu.memory_space<vmem>>
      %dma_start3A_141 = tpu.memref_squeeze %dma_start3A_140 : memref<1x1x128xi32, #tpu.memory_space<vmem>> -> memref<128xi32, #tpu.memory_space<vmem>>
      %dma_start3A_142 = tpu.memref_slice %arg3[%add3A_18] : memref<327680xi32, #tpu.memory_space<hbm>> -> memref<128xi32, #tpu.memory_space<hbm>>
      %dma_start3A_143 = arith.constant 0 : i32
      %dma_start3A_144 = tpu.memref_slice %arg7[%dma_start3A_137, %dma_start3A_138, %dma_start3A_143] : memref<3x1x128xi32, #tpu.memory_space<vmem>> -> memref<1x1x128xi32, #tpu.memory_space<vmem>>
      %dma_start3A_145 = tpu.memref_squeeze %dma_start3A_144 : memref<1x1x128xi32, #tpu.memory_space<vmem>> -> memref<128xi32, #tpu.memory_space<vmem>>
      %dma_start3A_146 = tpu.memref_slice %arg3[%add3A_18] : memref<327680xi32, #tpu.memory_space<hbm>> -> memref<128xi32, #tpu.memory_space<hbm>>
      tpu.enqueue_dma source(%dma_start3A_146 : memref<128xi32, #tpu.memory_space<hbm>>) target(%dma_start3A_145 : memref<128xi32, #tpu.memory_space<vmem>>) target_semaphore(%arg12 : memref<!tpu.dma_semaphore, #tpu.memory_space<semaphore_mem>>)
    } else {
    }
    %eq3A_21 = arith.constant 1 : i32
    %eq3A_22 = arith.cmpi eq, %arg0, %eq3A_21 : i32
    %convert_element_type3A_23 = arith.extui %eq3A_22 : i1 to i32
    %cond3A_24 = arith.constant 0 : i32
    %cond3A_25 = arith.cmpi ne, %convert_element_type3A_23, %cond3A_24 : i32
    scf.if %cond3A_25 {
      %dma_start3A_137 = arith.constant 0 : i32
      %dma_start3A_138 = arith.constant 0 : i32
      %dma_start3A_139 = arith.constant 0 : i32
      %dma_start3A_140 = tpu.memref_slice %arg7[%dma_start3A_137, %dma_start3A_138, %dma_start3A_139] : memref<3x1x128xi32, #tpu.memory_space<vmem>> -> memref<1x1x128xi32, #tpu.memory_space<vmem>>
      %dma_start3A_141 = tpu.memref_squeeze %dma_start3A_140 : memref<1x1x128xi32, #tpu.memory_space<vmem>> -> memref<128xi32, #tpu.memory_space<vmem>>
      %dma_start3A_142 = tpu.memref_slice %arg4[%add3A_18] : memref<327680xi32, #tpu.memory_space<hbm>> -> memref<128xi32, #tpu.memory_space<hbm>>
      %dma_start3A_143 = arith.constant 0 : i32
      %dma_start3A_144 = tpu.memref_slice %arg7[%dma_start3A_137, %dma_start3A_138, %dma_start3A_143] : memref<3x1x128xi32, #tpu.memory_space<vmem>> -> memref<1x1x128xi32, #tpu.memory_space<vmem>>
      %dma_start3A_145 = tpu.memref_squeeze %dma_start3A_144 : memref<1x1x128xi32, #tpu.memory_space<vmem>> -> memref<128xi32, #tpu.memory_space<vmem>>
      %dma_start3A_146 = tpu.memref_slice %arg4[%add3A_18] : memref<327680xi32, #tpu.memory_space<hbm>> -> memref<128xi32, #tpu.memory_space<hbm>>
      tpu.enqueue_dma source(%dma_start3A_146 : memref<128xi32, #tpu.memory_space<hbm>>) target(%dma_start3A_145 : memref<128xi32, #tpu.memory_space<vmem>>) target_semaphore(%arg12 : memref<!tpu.dma_semaphore, #tpu.memory_space<semaphore_mem>>)
    } else {
    }
    %add3A_26 = arith.constant 0 : i32
    %add3A_27 = arith.addi %add3A_18, %add3A_26 : i32
    %dma_start3A = arith.constant 0 : i32
    %dma_start3A_28 = arith.constant 0 : i32
    %dma_start3A_29 = arith.constant 0 : i32
    %dma_start3A_30 = arith.constant 0 : i32
    %dma_start3A_31 = tpu.memref_slice %arg8[%dma_start3A, %dma_start3A_28, %dma_start3A_29, %dma_start3A_30] : memref<3x1x1x128xi32, #tpu.memory_space<vmem>> -> memref<1x1x1x128xi32, #tpu.memory_space<vmem>>
    %dma_start3A_32 = tpu.memref_squeeze %dma_start3A_31 : memref<1x1x1x128xi32, #tpu.memory_space<vmem>> -> memref<128xi32, #tpu.memory_space<vmem>>
    %dma_start3A_33 = tpu.memref_slice %arg5[%add3A_27] : memref<327680xi32, #tpu.memory_space<hbm>> -> memref<128xi32, #tpu.memory_space<hbm>>
    %dma_start3A_34 = arith.constant 0 : i32
    %dma_start3A_35 = tpu.memref_slice %arg8[%dma_start3A, %dma_start3A_28, %dma_start3A_29, %dma_start3A_34] : memref<3x1x1x128xi32, #tpu.memory_space<vmem>> -> memref<1x1x1x128xi32, #tpu.memory_space<vmem>>
    %dma_start3A_36 = tpu.memref_squeeze %dma_start3A_35 : memref<1x1x1x128xi32, #tpu.memory_space<vmem>> -> memref<128xi32, #tpu.memory_space<vmem>>
    %dma_start3A_37 = tpu.memref_slice %arg5[%add3A_27] : memref<327680xi32, #tpu.memory_space<hbm>> -> memref<128xi32, #tpu.memory_space<hbm>>
    tpu.enqueue_dma source(%dma_start3A_37 : memref<128xi32, #tpu.memory_space<hbm>>) target(%dma_start3A_36 : memref<128xi32, #tpu.memory_space<vmem>>) target_semaphore(%arg12 : memref<!tpu.dma_semaphore, #tpu.memory_space<semaphore_mem>>)
    %dma_wait3A = arith.constant 0 : i32
    %dma_wait3A_38 = arith.constant 0 : i32
    %dma_wait3A_39 = arith.constant 0 : i32
    %dma_wait3A_40 = tpu.memref_slice %arg7[%dma_wait3A, %dma_wait3A_38, %dma_wait3A_39] : memref<3x1x128xi32, #tpu.memory_space<vmem>> -> memref<1x1x128xi32, #tpu.memory_space<vmem>>
    %dma_wait3A_41 = tpu.memref_squeeze %dma_wait3A_40 : memref<1x1x128xi32, #tpu.memory_space<vmem>> -> memref<128xi32, #tpu.memory_space<vmem>>
    %dma_wait3A_42 = arith.constant 0 : i32
    %dma_wait3A_43 = tpu.memref_slice %arg3[%dma_wait3A_42] : memref<327680xi32, #tpu.memory_space<hbm>> -> memref<128xi32, #tpu.memory_space<hbm>>
    %dma_wait3A_44 = arith.constant 0 : i32
    %dma_wait3A_45 = tpu.memref_slice %arg7[%dma_wait3A, %dma_wait3A_38, %dma_wait3A_44] : memref<3x1x128xi32, #tpu.memory_space<vmem>> -> memref<1x1x128xi32, #tpu.memory_space<vmem>>
    %dma_wait3A_46 = tpu.memref_squeeze %dma_wait3A_45 : memref<1x1x128xi32, #tpu.memory_space<vmem>> -> memref<128xi32, #tpu.memory_space<vmem>>
    %dma_wait3A_47 = arith.constant 0 : i32
    %dma_wait3A_48 = tpu.memref_slice %arg3[%dma_wait3A_47] : memref<327680xi32, #tpu.memory_space<hbm>> -> memref<128xi32, #tpu.memory_space<hbm>>
    tpu.wait_dma2 semaphore(%arg12 : memref<!tpu.dma_semaphore, #tpu.memory_space<semaphore_mem>>) src(%dma_wait3A_48 : memref<128xi32, #tpu.memory_space<hbm>>) dst(%dma_wait3A_46 : memref<128xi32, #tpu.memory_space<vmem>>)
    %dma_wait3A_49 = arith.constant 0 : i32
    %dma_wait3A_50 = arith.constant 0 : i32
    %dma_wait3A_51 = arith.constant 0 : i32
    %dma_wait3A_52 = arith.constant 0 : i32
    %dma_wait3A_53 = tpu.memref_slice %arg8[%dma_wait3A_49, %dma_wait3A_50, %dma_wait3A_51, %dma_wait3A_52] : memref<3x1x1x128xi32, #tpu.memory_space<vmem>> -> memref<1x1x1x128xi32, #tpu.memory_space<vmem>>
    %dma_wait3A_54 = tpu.memref_squeeze %dma_wait3A_53 : memref<1x1x1x128xi32, #tpu.memory_space<vmem>> -> memref<128xi32, #tpu.memory_space<vmem>>
    %dma_wait3A_55 = arith.constant 0 : i32
    %dma_wait3A_56 = tpu.memref_slice %arg5[%dma_wait3A_55] : memref<327680xi32, #tpu.memory_space<hbm>> -> memref<128xi32, #tpu.memory_space<hbm>>
    %dma_wait3A_57 = arith.constant 0 : i32
    %dma_wait3A_58 = tpu.memref_slice %arg8[%dma_wait3A_49, %dma_wait3A_50, %dma_wait3A_51, %dma_wait3A_57] : memref<3x1x1x128xi32, #tpu.memory_space<vmem>> -> memref<1x1x1x128xi32, #tpu.memory_space<vmem>>
    %dma_wait3A_59 = tpu.memref_squeeze %dma_wait3A_58 : memref<1x1x1x128xi32, #tpu.memory_space<vmem>> -> memref<128xi32, #tpu.memory_space<vmem>>
    %dma_wait3A_60 = arith.constant 0 : i32
    %dma_wait3A_61 = tpu.memref_slice %arg5[%dma_wait3A_60] : memref<327680xi32, #tpu.memory_space<hbm>> -> memref<128xi32, #tpu.memory_space<hbm>>
    tpu.wait_dma2 semaphore(%arg12 : memref<!tpu.dma_semaphore, #tpu.memory_space<semaphore_mem>>) src(%dma_wait3A_61 : memref<128xi32, #tpu.memory_space<hbm>>) dst(%dma_wait3A_59 : memref<128xi32, #tpu.memory_space<vmem>>)
    %dma_start3A_62 = arith.constant 0 : i32
    %dma_start3A_63 = arith.constant 0 : i32
    %dma_start3A_64 = arith.constant 0 : i32
    %dma_start3A_65 = arith.constant 0 : i32
    %dma_start3A_66 = arith.constant 0 : i32
    %dma_start3A_67 = arith.constant 0 : i32
    %dma_start3A_68 = tpu.memref_slice %arg9[%dma_start3A_64, %dma_start3A_65, %dma_start3A_66, %dma_start3A_67] : memref<2x1x128x128xf32, #tpu.memory_space<vmem>> -> memref<1x1x128x128xf32, #tpu.memory_space<vmem>>
    %dma_start3A_69 = tpu.memref_squeeze %dma_start3A_68 : memref<1x1x128x128xf32, #tpu.memory_space<vmem>> -> memref<128x128xf32, #tpu.memory_space<vmem>>
    %dma_start3A_70 = arith.constant 0 : i32
    %dma_start3A_71 = tpu.memref_slice %arg7[%dma_start3A_62, %dma_start3A_63, %dma_start3A_70] : memref<3x1x128xi32, #tpu.memory_space<vmem>> -> memref<1x1x128xi32, #tpu.memory_space<vmem>>
    %dma_start3A_72 = tpu.memref_squeeze %dma_start3A_71 : memref<1x1x128xi32, #tpu.memory_space<vmem>> -> memref<128xi32, #tpu.memory_space<vmem>>
    %dma_start3A_73 = arith.constant 0 : i32
    %dma_start3A_74 = arith.constant 0 : i32
    %dma_start3A_75 = tpu.memref_slice %arg2[%dma_start3A_73, %dma_start3A_74] : memref<20480x128xf32, #tpu.memory_space<hbm>> -> memref<20480x128xf32, #tpu.memory_space<hbm>>
    tpu.enqueue_indirect_dma source(%dma_start3A_75 : memref<20480x128xf32, #tpu.memory_space<hbm>>) target(%dma_start3A_69 : memref<128x128xf32, #tpu.memory_space<vmem>>) offsets(%dma_start3A_72 : memref<128xi32, #tpu.memory_space<vmem>>) semaphore(%arg13 : memref<!tpu.dma_semaphore, #tpu.memory_space<semaphore_mem>>)
    %add3A_76 = arith.constant 256 : i32
    %add3A_77 = arith.addi %add3A, %add3A_76 : i32
    %eq3A_78 = arith.constant 0 : i32
    %eq3A_79 = arith.cmpi eq, %arg0, %eq3A_78 : i32
    %convert_element_type3A_80 = arith.extui %eq3A_79 : i1 to i32
    %cond3A_81 = arith.constant 0 : i32
    %cond3A_82 = arith.cmpi ne, %convert_element_type3A_80, %cond3A_81 : i32
    scf.if %cond3A_82 {
      %dma_start3A_137 = arith.constant 1 : i32
      %dma_start3A_138 = arith.constant 0 : i32
      %dma_start3A_139 = arith.constant 0 : i32
      %dma_start3A_140 = tpu.memref_slice %arg7[%dma_start3A_137, %dma_start3A_138, %dma_start3A_139] : memref<3x1x128xi32, #tpu.memory_space<vmem>> -> memref<1x1x128xi32, #tpu.memory_space<vmem>>
      %dma_start3A_141 = tpu.memref_squeeze %dma_start3A_140 : memref<1x1x128xi32, #tpu.memory_space<vmem>> -> memref<128xi32, #tpu.memory_space<vmem>>
      %dma_start3A_142 = tpu.memref_slice %arg3[%add3A_77] : memref<327680xi32, #tpu.memory_space<hbm>> -> memref<128xi32, #tpu.memory_space<hbm>>
      %dma_start3A_143 = arith.constant 0 : i32
      %dma_start3A_144 = tpu.memref_slice %arg7[%dma_start3A_137, %dma_start3A_138, %dma_start3A_143] : memref<3x1x128xi32, #tpu.memory_space<vmem>> -> memref<1x1x128xi32, #tpu.memory_space<vmem>>
      %dma_start3A_145 = tpu.memref_squeeze %dma_start3A_144 : memref<1x1x128xi32, #tpu.memory_space<vmem>> -> memref<128xi32, #tpu.memory_space<vmem>>
      %dma_start3A_146 = tpu.memref_slice %arg3[%add3A_77] : memref<327680xi32, #tpu.memory_space<hbm>> -> memref<128xi32, #tpu.memory_space<hbm>>
      tpu.enqueue_dma source(%dma_start3A_146 : memref<128xi32, #tpu.memory_space<hbm>>) target(%dma_start3A_145 : memref<128xi32, #tpu.memory_space<vmem>>) target_semaphore(%arg12 : memref<!tpu.dma_semaphore, #tpu.memory_space<semaphore_mem>>)
    } else {
    }
    %eq3A_83 = arith.constant 1 : i32
    %eq3A_84 = arith.cmpi eq, %arg0, %eq3A_83 : i32
    %convert_element_type3A_85 = arith.extui %eq3A_84 : i1 to i32
    %cond3A_86 = arith.constant 0 : i32
    %cond3A_87 = arith.cmpi ne, %convert_element_type3A_85, %cond3A_86 : i32
    scf.if %cond3A_87 {
      %dma_start3A_137 = arith.constant 1 : i32
      %dma_start3A_138 = arith.constant 0 : i32
      %dma_start3A_139 = arith.constant 0 : i32
      %dma_start3A_140 = tpu.memref_slice %arg7[%dma_start3A_137, %dma_start3A_138, %dma_start3A_139] : memref<3x1x128xi32, #tpu.memory_space<vmem>> -> memref<1x1x128xi32, #tpu.memory_space<vmem>>
      %dma_start3A_141 = tpu.memref_squeeze %dma_start3A_140 : memref<1x1x128xi32, #tpu.memory_space<vmem>> -> memref<128xi32, #tpu.memory_space<vmem>>
      %dma_start3A_142 = tpu.memref_slice %arg4[%add3A_77] : memref<327680xi32, #tpu.memory_space<hbm>> -> memref<128xi32, #tpu.memory_space<hbm>>
      %dma_start3A_143 = arith.constant 0 : i32
      %dma_start3A_144 = tpu.memref_slice %arg7[%dma_start3A_137, %dma_start3A_138, %dma_start3A_143] : memref<3x1x128xi32, #tpu.memory_space<vmem>> -> memref<1x1x128xi32, #tpu.memory_space<vmem>>
      %dma_start3A_145 = tpu.memref_squeeze %dma_start3A_144 : memref<1x1x128xi32, #tpu.memory_space<vmem>> -> memref<128xi32, #tpu.memory_space<vmem>>
      %dma_start3A_146 = tpu.memref_slice %arg4[%add3A_77] : memref<327680xi32, #tpu.memory_space<hbm>> -> memref<128xi32, #tpu.memory_space<hbm>>
      tpu.enqueue_dma source(%dma_start3A_146 : memref<128xi32, #tpu.memory_space<hbm>>) target(%dma_start3A_145 : memref<128xi32, #tpu.memory_space<vmem>>) target_semaphore(%arg12 : memref<!tpu.dma_semaphore, #tpu.memory_space<semaphore_mem>>)
    } else {
    }
    %add3A_88 = arith.constant 0 : i32
    %add3A_89 = arith.addi %add3A_77, %add3A_88 : i32
    %dma_start3A_90 = arith.constant 1 : i32
    %dma_start3A_91 = arith.constant 0 : i32
    %dma_start3A_92 = arith.constant 0 : i32
    %dma_start3A_93 = arith.constant 0 : i32
    %dma_start3A_94 = tpu.memref_slice %arg8[%dma_start3A_90, %dma_start3A_91, %dma_start3A_92, %dma_start3A_93] : memref<3x1x1x128xi32, #tpu.memory_space<vmem>> -> memref<1x1x1x128xi32, #tpu.memory_space<vmem>>
    %dma_start3A_95 = tpu.memref_squeeze %dma_start3A_94 : memref<1x1x1x128xi32, #tpu.memory_space<vmem>> -> memref<128xi32, #tpu.memory_space<vmem>>
    %dma_start3A_96 = tpu.memref_slice %arg5[%add3A_89] : memref<327680xi32, #tpu.memory_space<hbm>> -> memref<128xi32, #tpu.memory_space<hbm>>
    %dma_start3A_97 = arith.constant 0 : i32
    %dma_start3A_98 = tpu.memref_slice %arg8[%dma_start3A_90, %dma_start3A_91, %dma_start3A_92, %dma_start3A_97] : memref<3x1x1x128xi32, #tpu.memory_space<vmem>> -> memref<1x1x1x128xi32, #tpu.memory_space<vmem>>
    %dma_start3A_99 = tpu.memref_squeeze %dma_start3A_98 : memref<1x1x1x128xi32, #tpu.memory_space<vmem>> -> memref<128xi32, #tpu.memory_space<vmem>>
    %dma_start3A_100 = tpu.memref_slice %arg5[%add3A_89] : memref<327680xi32, #tpu.memory_space<hbm>> -> memref<128xi32, #tpu.memory_space<hbm>>
    tpu.enqueue_dma source(%dma_start3A_100 : memref<128xi32, #tpu.memory_space<hbm>>) target(%dma_start3A_99 : memref<128xi32, #tpu.memory_space<vmem>>) target_semaphore(%arg12 : memref<!tpu.dma_semaphore, #tpu.memory_space<semaphore_mem>>)
    %scan3A_101 = arith.constant 0 : i32
    %scan3A_102 = arith.constant 0 : i32
    %scan3A_103 = arith.constant 80 : i32
    %scan3A_104 = arith.addi %scan3A_102, %scan3A_103 : i32
    %scan3A_105 = arith.constant 1 : i32
    %scan3A_106 = scf.for %scan3A_137 = %scan3A_102 to %scan3A_104 step %scan3A_105 iter_args(%scan3A_138 = %scan3A_101) -> (i32)  : i32 {
      %jit3A = arith.constant 2 : i32
      %eq3A_139 = arith.constant 0 : i32
      %eq3A_140 = arith.cmpi eq, %jit3A, %eq3A_139 : i32
      %jit3A_141 = arith.constant 1 : i32
      %select_n3A = arith.select %eq3A_140, %jit3A_141, %jit3A : i32
      %rem3A = arith.remsi %scan3A_137, %select_n3A : i32
      %ne3A = arith.constant 0 : i32
      %ne3A_142 = arith.cmpi ne, %rem3A, %ne3A : i32
      %lt3A = arith.constant 0 : i32
      %lt3A_143 = arith.cmpi slt, %rem3A, %lt3A : i32
      %lt3A_144 = arith.constant 0 : i32
      %lt3A_145 = arith.cmpi slt, %select_n3A, %lt3A_144 : i32
      %ne3A_146 = arith.xori %lt3A_143, %lt3A_145 : i1
      %and3A = arith.andi %ne3A_146, %ne3A_142 : i1
      %add3A_147 = arith.addi %rem3A, %select_n3A : i32
      %select_n3A_148 = arith.select %and3A, %add3A_147, %rem3A : i32
      %sub3A = arith.constant 1 : i32
      %sub3A_149 = arith.subi %sub3A, %select_n3A_148 : i32
      %jit3A_150 = arith.constant 3 : i32
      %eq3A_151 = arith.constant 0 : i32
      %eq3A_152 = arith.cmpi eq, %jit3A_150, %eq3A_151 : i32
      %jit3A_153 = arith.constant 1 : i32
      %select_n3A_154 = arith.select %eq3A_152, %jit3A_153, %jit3A_150 : i32
      %rem3A_155 = arith.remsi %scan3A_137, %select_n3A_154 : i32
      %ne3A_156 = arith.constant 0 : i32
      %ne3A_157 = arith.cmpi ne, %rem3A_155, %ne3A_156 : i32
      %lt3A_158 = arith.constant 0 : i32
      %lt3A_159 = arith.cmpi slt, %rem3A_155, %lt3A_158 : i32
      %lt3A_160 = arith.constant 0 : i32
      %lt3A_161 = arith.cmpi slt, %select_n3A_154, %lt3A_160 : i32
      %ne3A_162 = arith.xori %lt3A_159, %lt3A_161 : i1
      %and3A_163 = arith.andi %ne3A_162, %ne3A_157 : i1
      %add3A_164 = arith.addi %rem3A_155, %select_n3A_154 : i32
      %select_n3A_165 = arith.select %and3A_163, %add3A_164, %rem3A_155 : i32
      %add3A_166 = arith.constant 1 : i32
      %add3A_167 = arith.addi %scan3A_137, %add3A_166 : i32
      %jit3A_168 = arith.constant 3 : i32
      %eq3A_169 = arith.constant 0 : i32
      %eq3A_170 = arith.cmpi eq, %jit3A_168, %eq3A_169 : i32
      %jit3A_171 = arith.constant 1 : i32
      %select_n3A_172 = arith.select %eq3A_170, %jit3A_171, %jit3A_168 : i32
      %rem3A_173 = arith.remsi %add3A_167, %select_n3A_172 : i32
      %ne3A_174 = arith.constant 0 : i32
      %ne3A_175 = arith.cmpi ne, %rem3A_173, %ne3A_174 : i32
      %lt3A_176 = arith.constant 0 : i32
      %lt3A_177 = arith.cmpi slt, %rem3A_173, %lt3A_176 : i32
      %lt3A_178 = arith.constant 0 : i32
      %lt3A_179 = arith.cmpi slt, %select_n3A_172, %lt3A_178 : i32
      %ne3A_180 = arith.xori %lt3A_177, %lt3A_179 : i1
      %and3A_181 = arith.andi %ne3A_180, %ne3A_175 : i1
      %add3A_182 = arith.addi %rem3A_173, %select_n3A_172 : i32
      %select_n3A_183 = arith.select %and3A_181, %add3A_182, %rem3A_173 : i32
      %add3A_184 = arith.constant 2 : i32
      %add3A_185 = arith.addi %scan3A_137, %add3A_184 : i32
      %jit3A_186 = arith.constant 3 : i32
      %eq3A_187 = arith.constant 0 : i32
      %eq3A_188 = arith.cmpi eq, %jit3A_186, %eq3A_187 : i32
      %jit3A_189 = arith.constant 1 : i32
      %select_n3A_190 = arith.select %eq3A_188, %jit3A_189, %jit3A_186 : i32
      %rem3A_191 = arith.remsi %add3A_185, %select_n3A_190 : i32
      %ne3A_192 = arith.constant 0 : i32
      %ne3A_193 = arith.cmpi ne, %rem3A_191, %ne3A_192 : i32
      %lt3A_194 = arith.constant 0 : i32
      %lt3A_195 = arith.cmpi slt, %rem3A_191, %lt3A_194 : i32
      %lt3A_196 = arith.constant 0 : i32
      %lt3A_197 = arith.cmpi slt, %select_n3A_190, %lt3A_196 : i32
      %ne3A_198 = arith.xori %lt3A_195, %lt3A_197 : i1
      %and3A_199 = arith.andi %ne3A_198, %ne3A_193 : i1
      %add3A_200 = arith.addi %rem3A_191, %select_n3A_190 : i32
      %select_n3A_201 = arith.select %and3A_199, %add3A_200, %rem3A_191 : i32
      %dma_wait3A_202 = arith.constant 0 : i32
      %dma_wait3A_203 = arith.constant 0 : i32
      %dma_wait3A_204 = arith.constant 0 : i32
      %dma_wait3A_205 = arith.constant 0 : i32
      %dma_wait3A_206 = tpu.memref_slice %arg9[%dma_wait3A_202, %dma_wait3A_203, %dma_wait3A_204, %dma_wait3A_205] : memref<2x1x128x128xf32, #tpu.memory_space<vmem>> -> memref<1x1x128x128xf32, #tpu.memory_space<vmem>>
      %dma_wait3A_207 = tpu.memref_squeeze %dma_wait3A_206 : memref<1x1x128x128xf32, #tpu.memory_space<vmem>> -> memref<128x128xf32, #tpu.memory_space<vmem>>
      %dma_wait3A_208 = arith.constant 0 : i32
      %dma_wait3A_209 = arith.constant 0 : i32
      %dma_wait3A_210 = tpu.memref_slice %arg2[%dma_wait3A_208, %dma_wait3A_209] : memref<20480x128xf32, #tpu.memory_space<hbm>> -> memref<128x128xf32, #tpu.memory_space<hbm>>
      %dma_wait3A_211 = arith.constant 0 : i32
      %dma_wait3A_212 = arith.constant 0 : i32
      %dma_wait3A_213 = tpu.memref_slice %arg9[%dma_wait3A_202, %dma_wait3A_203, %dma_wait3A_211, %dma_wait3A_212] : memref<2x1x128x128xf32, #tpu.memory_space<vmem>> -> memref<1x1x128x128xf32, #tpu.memory_space<vmem>>
      %dma_wait3A_214 = tpu.memref_squeeze %dma_wait3A_213 : memref<1x1x128x128xf32, #tpu.memory_space<vmem>> -> memref<128x128xf32, #tpu.memory_space<vmem>>
      %dma_wait3A_215 = arith.constant 0 : i32
      %dma_wait3A_216 = arith.constant 0 : i32
      %dma_wait3A_217 = tpu.memref_slice %arg2[%dma_wait3A_215, %dma_wait3A_216] : memref<20480x128xf32, #tpu.memory_space<hbm>> -> memref<128x128xf32, #tpu.memory_space<hbm>>
      tpu.wait_dma2 semaphore(%arg13 : memref<!tpu.dma_semaphore, #tpu.memory_space<semaphore_mem>>) src(%dma_wait3A_217 : memref<128x128xf32, #tpu.memory_space<hbm>>) dst(%dma_wait3A_214 : memref<128x128xf32, #tpu.memory_space<vmem>>)
      %gt3A = arith.constant 0 : i32
      %gt3A_218 = arith.cmpi sgt, %scan3A_137, %gt3A : i32
      %convert_element_type3A_219 = arith.extui %gt3A_218 : i1 to i32
      %cond3A_220 = arith.constant 0 : i32
      %cond3A_221 = arith.cmpi ne, %convert_element_type3A_219, %cond3A_220 : i32
      scf.if %cond3A_221 {
        %dma_wait3A_250 = arith.constant 0 : i32
        %dma_wait3A_251 = arith.constant 0 : i32
        %dma_wait3A_252 = arith.constant 0 : i32
        %dma_wait3A_253 = arith.constant 0 : i32
        %dma_wait3A_254 = tpu.memref_slice %arg9[%dma_wait3A_250, %dma_wait3A_251, %dma_wait3A_252, %dma_wait3A_253] : memref<2x1x128x128xf32, #tpu.memory_space<vmem>> -> memref<1x1x128x128xf32, #tpu.memory_space<vmem>>
        %dma_wait3A_255 = tpu.memref_squeeze %dma_wait3A_254 : memref<1x1x128x128xf32, #tpu.memory_space<vmem>> -> memref<128x128xf32, #tpu.memory_space<vmem>>
        %dma_wait3A_256 = arith.constant 0 : i32
        %dma_wait3A_257 = arith.constant 0 : i32
        %dma_wait3A_258 = tpu.memref_slice %arg2[%dma_wait3A_256, %dma_wait3A_257] : memref<20480x128xf32, #tpu.memory_space<hbm>> -> memref<128x128xf32, #tpu.memory_space<hbm>>
        %dma_wait3A_259 = arith.constant 0 : i32
        %dma_wait3A_260 = arith.constant 0 : i32
        %dma_wait3A_261 = tpu.memref_slice %arg9[%dma_wait3A_250, %dma_wait3A_251, %dma_wait3A_259, %dma_wait3A_260] : memref<2x1x128x128xf32, #tpu.memory_space<vmem>> -> memref<1x1x128x128xf32, #tpu.memory_space<vmem>>
        %dma_wait3A_262 = tpu.memref_squeeze %dma_wait3A_261 : memref<1x1x128x128xf32, #tpu.memory_space<vmem>> -> memref<128x128xf32, #tpu.memory_space<vmem>>
        %dma_wait3A_263 = arith.constant 0 : i32
        %dma_wait3A_264 = arith.constant 0 : i32
        %dma_wait3A_265 = tpu.memref_slice %arg2[%dma_wait3A_263, %dma_wait3A_264] : memref<20480x128xf32, #tpu.memory_space<hbm>> -> memref<128x128xf32, #tpu.memory_space<hbm>>
        tpu.wait_dma2 semaphore(%arg14 : memref<!tpu.dma_semaphore, #tpu.memory_space<semaphore_mem>>) src(%dma_wait3A_265 : memref<128x128xf32, #tpu.memory_space<hbm>>) dst(%dma_wait3A_262 : memref<128x128xf32, #tpu.memory_space<vmem>>)
      } else {
      }
      %add3A_222 = arith.constant 1 : i32
      %add3A_223 = arith.addi %scan3A_137, %add3A_222 : i32
      %lt3A_224 = arith.constant 80 : i32
      %lt3A_225 = arith.cmpi slt, %add3A_223, %lt3A_224 : i32
      %convert_element_type3A_226 = arith.extui %lt3A_225 : i1 to i32
      %cond3A_227 = arith.constant 0 : i32
      %cond3A_228 = arith.cmpi ne, %convert_element_type3A_226, %cond3A_227 : i32
      scf.if %cond3A_228 {
        %dma_wait3A_250 = arith.constant 0 : i32
        %dma_wait3A_251 = arith.constant 0 : i32
        %dma_wait3A_252 = arith.constant 0 : i32
        %dma_wait3A_253 = tpu.memref_slice %arg7[%dma_wait3A_250, %dma_wait3A_251, %dma_wait3A_252] : memref<3x1x128xi32, #tpu.memory_space<vmem>> -> memref<1x1x128xi32, #tpu.memory_space<vmem>>
        %dma_wait3A_254 = tpu.memref_squeeze %dma_wait3A_253 : memref<1x1x128xi32, #tpu.memory_space<vmem>> -> memref<128xi32, #tpu.memory_space<vmem>>
        %dma_wait3A_255 = arith.constant 0 : i32
        %dma_wait3A_256 = tpu.memref_slice %arg3[%dma_wait3A_255] : memref<327680xi32, #tpu.memory_space<hbm>> -> memref<128xi32, #tpu.memory_space<hbm>>
        %dma_wait3A_257 = arith.constant 0 : i32
        %dma_wait3A_258 = tpu.memref_slice %arg7[%dma_wait3A_250, %dma_wait3A_251, %dma_wait3A_257] : memref<3x1x128xi32, #tpu.memory_space<vmem>> -> memref<1x1x128xi32, #tpu.memory_space<vmem>>
        %dma_wait3A_259 = tpu.memref_squeeze %dma_wait3A_258 : memref<1x1x128xi32, #tpu.memory_space<vmem>> -> memref<128xi32, #tpu.memory_space<vmem>>
        %dma_wait3A_260 = arith.constant 0 : i32
        %dma_wait3A_261 = tpu.memref_slice %arg3[%dma_wait3A_260] : memref<327680xi32, #tpu.memory_space<hbm>> -> memref<128xi32, #tpu.memory_space<hbm>>
        tpu.wait_dma2 semaphore(%arg12 : memref<!tpu.dma_semaphore, #tpu.memory_space<semaphore_mem>>) src(%dma_wait3A_261 : memref<128xi32, #tpu.memory_space<hbm>>) dst(%dma_wait3A_259 : memref<128xi32, #tpu.memory_space<vmem>>)
        %dma_wait3A_262 = arith.constant 0 : i32
        %dma_wait3A_263 = arith.constant 0 : i32
        %dma_wait3A_264 = arith.constant 0 : i32
        %dma_wait3A_265 = arith.constant 0 : i32
        %dma_wait3A_266 = tpu.memref_slice %arg8[%dma_wait3A_262, %dma_wait3A_263, %dma_wait3A_264, %dma_wait3A_265] : memref<3x1x1x128xi32, #tpu.memory_space<vmem>> -> memref<1x1x1x128xi32, #tpu.memory_space<vmem>>
        %dma_wait3A_267 = tpu.memref_squeeze %dma_wait3A_266 : memref<1x1x1x128xi32, #tpu.memory_space<vmem>> -> memref<128xi32, #tpu.memory_space<vmem>>
        %dma_wait3A_268 = arith.constant 0 : i32
        %dma_wait3A_269 = tpu.memref_slice %arg5[%dma_wait3A_268] : memref<327680xi32, #tpu.memory_space<hbm>> -> memref<128xi32, #tpu.memory_space<hbm>>
        %dma_wait3A_270 = arith.constant 0 : i32
        %dma_wait3A_271 = tpu.memref_slice %arg8[%dma_wait3A_262, %dma_wait3A_263, %dma_wait3A_264, %dma_wait3A_270] : memref<3x1x1x128xi32, #tpu.memory_space<vmem>> -> memref<1x1x1x128xi32, #tpu.memory_space<vmem>>
        %dma_wait3A_272 = tpu.memref_squeeze %dma_wait3A_271 : memref<1x1x1x128xi32, #tpu.memory_space<vmem>> -> memref<128xi32, #tpu.memory_space<vmem>>
        %dma_wait3A_273 = arith.constant 0 : i32
        %dma_wait3A_274 = tpu.memref_slice %arg5[%dma_wait3A_273] : memref<327680xi32, #tpu.memory_space<hbm>> -> memref<128xi32, #tpu.memory_space<hbm>>
        tpu.wait_dma2 semaphore(%arg12 : memref<!tpu.dma_semaphore, #tpu.memory_space<semaphore_mem>>) src(%dma_wait3A_274 : memref<128xi32, #tpu.memory_space<hbm>>) dst(%dma_wait3A_272 : memref<128xi32, #tpu.memory_space<vmem>>)
        %dma_start3A_275 = arith.constant 0 : i32
        %dma_start3A_276 = arith.constant 0 : i32
        %dma_start3A_277 = arith.constant 0 : i32
        %dma_start3A_278 = arith.constant 0 : i32
        %dma_start3A_279 = tpu.memref_slice %arg9[%sub3A_149, %dma_start3A_276, %dma_start3A_277, %dma_start3A_278] : memref<2x1x128x128xf32, #tpu.memory_space<vmem>> -> memref<1x1x128x128xf32, #tpu.memory_space<vmem>>
        %dma_start3A_280 = tpu.memref_squeeze %dma_start3A_279 : memref<1x1x128x128xf32, #tpu.memory_space<vmem>> -> memref<128x128xf32, #tpu.memory_space<vmem>>
        %dma_start3A_281 = arith.constant 0 : i32
        %dma_start3A_282 = tpu.memref_slice %arg7[%select_n3A_183, %dma_start3A_275, %dma_start3A_281] : memref<3x1x128xi32, #tpu.memory_space<vmem>> -> memref<1x1x128xi32, #tpu.memory_space<vmem>>
        %dma_start3A_283 = tpu.memref_squeeze %dma_start3A_282 : memref<1x1x128xi32, #tpu.memory_space<vmem>> -> memref<128xi32, #tpu.memory_space<vmem>>
        %dma_start3A_284 = arith.constant 0 : i32
        %dma_start3A_285 = arith.constant 0 : i32
        %dma_start3A_286 = tpu.memref_slice %arg2[%dma_start3A_284, %dma_start3A_285] : memref<20480x128xf32, #tpu.memory_space<hbm>> -> memref<20480x128xf32, #tpu.memory_space<hbm>>
        tpu.enqueue_indirect_dma source(%dma_start3A_286 : memref<20480x128xf32, #tpu.memory_space<hbm>>) target(%dma_start3A_280 : memref<128x128xf32, #tpu.memory_space<vmem>>) offsets(%dma_start3A_283 : memref<128xi32, #tpu.memory_space<vmem>>) semaphore(%arg13 : memref<!tpu.dma_semaphore, #tpu.memory_space<semaphore_mem>>)
      } else {
      }
      %dma_start3A_229 = arith.constant 0 : i32
      %dma_start3A_230 = arith.constant 0 : i32
      %dma_start3A_231 = arith.constant 0 : i32
      %dma_start3A_232 = arith.constant 0 : i32
      %dma_start3A_233 = arith.constant 0 : i32
      %dma_start3A_234 = tpu.memref_slice %arg9[%select_n3A_148, %dma_start3A_229, %dma_start3A_232, %dma_start3A_233] : memref<2x1x128x128xf32, #tpu.memory_space<vmem>> -> memref<1x1x128x128xf32, #tpu.memory_space<vmem>>
      %dma_start3A_235 = tpu.memref_squeeze %dma_start3A_234 : memref<1x1x128x128xf32, #tpu.memory_space<vmem>> -> memref<128x128xf32, #tpu.memory_space<vmem>>
      %dma_start3A_236 = arith.constant 0 : i32
      %dma_start3A_237 = tpu.memref_slice %arg8[%select_n3A_165, %dma_start3A_230, %dma_start3A_231, %dma_start3A_236] : memref<3x1x1x128xi32, #tpu.memory_space<vmem>> -> memref<1x1x1x128xi32, #tpu.memory_space<vmem>>
      %dma_start3A_238 = tpu.memref_squeeze %dma_start3A_237 : memref<1x1x1x128xi32, #tpu.memory_space<vmem>> -> memref<128xi32, #tpu.memory_space<vmem>>
      %dma_start3A_239 = arith.constant 0 : i32
      %dma_start3A_240 = arith.constant 0 : i32
      %dma_start3A_241 = tpu.memref_slice %arg11[%dma_start3A_239, %dma_start3A_240] : memref<10240x128xf32, #tpu.memory_space<vmem_shared>> -> memref<10240x128xf32, #tpu.memory_space<vmem_shared>>
      tpu.enqueue_indirect_dma source(%dma_start3A_235 : memref<128x128xf32, #tpu.memory_space<vmem>>) target(%dma_start3A_241 : memref<10240x128xf32, #tpu.memory_space<vmem_shared>>) offsets(%dma_start3A_238 : memref<128xi32, #tpu.memory_space<vmem>>) semaphore(%arg14 : memref<!tpu.dma_semaphore, #tpu.memory_space<semaphore_mem>>) {add = true}
      %add3A_242 = arith.constant 2 : i32
      %add3A_243 = arith.addi %scan3A_137, %add3A_242 : i32
      %lt3A_244 = arith.constant 80 : i32
      %lt3A_245 = arith.cmpi slt, %add3A_243, %lt3A_244 : i32
      %convert_element_type3A_246 = arith.extui %lt3A_245 : i1 to i32
      %cond3A_247 = arith.constant 0 : i32
      %cond3A_248 = arith.cmpi ne, %convert_element_type3A_246, %cond3A_247 : i32
      scf.if %cond3A_248 {
        %add3A_250 = arith.constant 2 : i32
        %add3A_251 = arith.addi %scan3A_137, %add3A_250 : i32
        %mul3A_252 = arith.constant 256 : i32
        %mul3A_253 = arith.muli %add3A_251, %mul3A_252 : i32
        %add3A_254 = arith.addi %add3A, %mul3A_253 : i32
        %eq3A_255 = arith.constant 0 : i32
        %eq3A_256 = arith.cmpi eq, %arg0, %eq3A_255 : i32
        %convert_element_type3A_257 = arith.extui %eq3A_256 : i1 to i32
        %cond3A_258 = arith.constant 0 : i32
        %cond3A_259 = arith.cmpi ne, %convert_element_type3A_257, %cond3A_258 : i32
        scf.if %cond3A_259 {
          %dma_start3A_277 = arith.constant 0 : i32
          %dma_start3A_278 = arith.constant 0 : i32
          %dma_start3A_279 = tpu.memref_slice %arg7[%select_n3A_201, %dma_start3A_277, %dma_start3A_278] : memref<3x1x128xi32, #tpu.memory_space<vmem>> -> memref<1x1x128xi32, #tpu.memory_space<vmem>>
          %dma_start3A_280 = tpu.memref_squeeze %dma_start3A_279 : memref<1x1x128xi32, #tpu.memory_space<vmem>> -> memref<128xi32, #tpu.memory_space<vmem>>
          %dma_start3A_281 = tpu.memref_slice %arg3[%add3A_254] : memref<327680xi32, #tpu.memory_space<hbm>> -> memref<128xi32, #tpu.memory_space<hbm>>
          %dma_start3A_282 = arith.constant 0 : i32
          %dma_start3A_283 = tpu.memref_slice %arg7[%select_n3A_201, %dma_start3A_277, %dma_start3A_282] : memref<3x1x128xi32, #tpu.memory_space<vmem>> -> memref<1x1x128xi32, #tpu.memory_space<vmem>>
          %dma_start3A_284 = tpu.memref_squeeze %dma_start3A_283 : memref<1x1x128xi32, #tpu.memory_space<vmem>> -> memref<128xi32, #tpu.memory_space<vmem>>
          %dma_start3A_285 = tpu.memref_slice %arg3[%add3A_254] : memref<327680xi32, #tpu.memory_space<hbm>> -> memref<128xi32, #tpu.memory_space<hbm>>
          tpu.enqueue_dma source(%dma_start3A_285 : memref<128xi32, #tpu.memory_space<hbm>>) target(%dma_start3A_284 : memref<128xi32, #tpu.memory_space<vmem>>) target_semaphore(%arg12 : memref<!tpu.dma_semaphore, #tpu.memory_space<semaphore_mem>>)
        } else {
        }
        %eq3A_260 = arith.constant 1 : i32
        %eq3A_261 = arith.cmpi eq, %arg0, %eq3A_260 : i32
        %convert_element_type3A_262 = arith.extui %eq3A_261 : i1 to i32
        %cond3A_263 = arith.constant 0 : i32
        %cond3A_264 = arith.cmpi ne, %convert_element_type3A_262, %cond3A_263 : i32
        scf.if %cond3A_264 {
          %dma_start3A_277 = arith.constant 0 : i32
          %dma_start3A_278 = arith.constant 0 : i32
          %dma_start3A_279 = tpu.memref_slice %arg7[%select_n3A_201, %dma_start3A_277, %dma_start3A_278] : memref<3x1x128xi32, #tpu.memory_space<vmem>> -> memref<1x1x128xi32, #tpu.memory_space<vmem>>
          %dma_start3A_280 = tpu.memref_squeeze %dma_start3A_279 : memref<1x1x128xi32, #tpu.memory_space<vmem>> -> memref<128xi32, #tpu.memory_space<vmem>>
          %dma_start3A_281 = tpu.memref_slice %arg4[%add3A_254] : memref<327680xi32, #tpu.memory_space<hbm>> -> memref<128xi32, #tpu.memory_space<hbm>>
          %dma_start3A_282 = arith.constant 0 : i32
          %dma_start3A_283 = tpu.memref_slice %arg7[%select_n3A_201, %dma_start3A_277, %dma_start3A_282] : memref<3x1x128xi32, #tpu.memory_space<vmem>> -> memref<1x1x128xi32, #tpu.memory_space<vmem>>
          %dma_start3A_284 = tpu.memref_squeeze %dma_start3A_283 : memref<1x1x128xi32, #tpu.memory_space<vmem>> -> memref<128xi32, #tpu.memory_space<vmem>>
          %dma_start3A_285 = tpu.memref_slice %arg4[%add3A_254] : memref<327680xi32, #tpu.memory_space<hbm>> -> memref<128xi32, #tpu.memory_space<hbm>>
          tpu.enqueue_dma source(%dma_start3A_285 : memref<128xi32, #tpu.memory_space<hbm>>) target(%dma_start3A_284 : memref<128xi32, #tpu.memory_space<vmem>>) target_semaphore(%arg12 : memref<!tpu.dma_semaphore, #tpu.memory_space<semaphore_mem>>)
        } else {
        }
        %add3A_265 = arith.constant 0 : i32
        %add3A_266 = arith.addi %add3A_254, %add3A_265 : i32
        %dma_start3A_267 = arith.constant 0 : i32
        %dma_start3A_268 = arith.constant 0 : i32
        %dma_start3A_269 = arith.constant 0 : i32
        %dma_start3A_270 = tpu.memref_slice %arg8[%select_n3A_201, %dma_start3A_267, %dma_start3A_268, %dma_start3A_269] : memref<3x1x1x128xi32, #tpu.memory_space<vmem>> -> memref<1x1x1x128xi32, #tpu.memory_space<vmem>>
        %dma_start3A_271 = tpu.memref_squeeze %dma_start3A_270 : memref<1x1x1x128xi32, #tpu.memory_space<vmem>> -> memref<128xi32, #tpu.memory_space<vmem>>
        %dma_start3A_272 = tpu.memref_slice %arg5[%add3A_266] : memref<327680xi32, #tpu.memory_space<hbm>> -> memref<128xi32, #tpu.memory_space<hbm>>
        %dma_start3A_273 = arith.constant 0 : i32
        %dma_start3A_274 = tpu.memref_slice %arg8[%select_n3A_201, %dma_start3A_267, %dma_start3A_268, %dma_start3A_273] : memref<3x1x1x128xi32, #tpu.memory_space<vmem>> -> memref<1x1x1x128xi32, #tpu.memory_space<vmem>>
        %dma_start3A_275 = tpu.memref_squeeze %dma_start3A_274 : memref<1x1x1x128xi32, #tpu.memory_space<vmem>> -> memref<128xi32, #tpu.memory_space<vmem>>
        %dma_start3A_276 = tpu.memref_slice %arg5[%add3A_266] : memref<327680xi32, #tpu.memory_space<hbm>> -> memref<128xi32, #tpu.memory_space<hbm>>
        tpu.enqueue_dma source(%dma_start3A_276 : memref<128xi32, #tpu.memory_space<hbm>>) target(%dma_start3A_275 : memref<128xi32, #tpu.memory_space<vmem>>) target_semaphore(%arg12 : memref<!tpu.dma_semaphore, #tpu.memory_space<semaphore_mem>>)
      } else {
      }
      %scan3A_249 = arith.constant 0 : i32
      scf.yield %scan3A_249 : i32
    }
    %scan3A_107 = arith.constant 80 : i32
    %dma_wait3A_108 = arith.constant 0 : i32
    %dma_wait3A_109 = arith.constant 0 : i32
    %dma_wait3A_110 = arith.constant 0 : i32
    %dma_wait3A_111 = arith.constant 0 : i32
    %dma_wait3A_112 = tpu.memref_slice %arg9[%dma_wait3A_108, %dma_wait3A_109, %dma_wait3A_110, %dma_wait3A_111] : memref<2x1x128x128xf32, #tpu.memory_space<vmem>> -> memref<1x1x128x128xf32, #tpu.memory_space<vmem>>
    %dma_wait3A_113 = tpu.memref_squeeze %dma_wait3A_112 : memref<1x1x128x128xf32, #tpu.memory_space<vmem>> -> memref<128x128xf32, #tpu.memory_space<vmem>>
    %dma_wait3A_114 = arith.constant 0 : i32
    %dma_wait3A_115 = arith.constant 0 : i32
    %dma_wait3A_116 = tpu.memref_slice %arg2[%dma_wait3A_114, %dma_wait3A_115] : memref<20480x128xf32, #tpu.memory_space<hbm>> -> memref<128x128xf32, #tpu.memory_space<hbm>>
    %dma_wait3A_117 = arith.constant 0 : i32
    %dma_wait3A_118 = arith.constant 0 : i32
    %dma_wait3A_119 = tpu.memref_slice %arg9[%dma_wait3A_108, %dma_wait3A_109, %dma_wait3A_117, %dma_wait3A_118] : memref<2x1x128x128xf32, #tpu.memory_space<vmem>> -> memref<1x1x128x128xf32, #tpu.memory_space<vmem>>
    %dma_wait3A_120 = tpu.memref_squeeze %dma_wait3A_119 : memref<1x1x128x128xf32, #tpu.memory_space<vmem>> -> memref<128x128xf32, #tpu.memory_space<vmem>>
    %dma_wait3A_121 = arith.constant 0 : i32
    %dma_wait3A_122 = arith.constant 0 : i32
    %dma_wait3A_123 = tpu.memref_slice %arg2[%dma_wait3A_121, %dma_wait3A_122] : memref<20480x128xf32, #tpu.memory_space<hbm>> -> memref<128x128xf32, #tpu.memory_space<hbm>>
    tpu.wait_dma2 semaphore(%arg14 : memref<!tpu.dma_semaphore, #tpu.memory_space<semaphore_mem>>) src(%dma_wait3A_123 : memref<128x128xf32, #tpu.memory_space<hbm>>) dst(%dma_wait3A_120 : memref<128x128xf32, #tpu.memory_space<vmem>>)
    %barrier3A_124 = arith.constant 0 : index
    tpu.barrier barrier_id(%barrier3A_124)
    %mul3A_125 = arith.constant 640 : i32
    %mul3A_126 = arith.muli %arg1, %mul3A_125 : i32
    %eq3A_127 = arith.constant 0 : i32
    %eq3A_128 = arith.cmpi eq, %arg0, %eq3A_127 : i32
    %convert_element_type3A_129 = arith.extui %eq3A_128 : i1 to i32
    %cond3A_130 = arith.constant 0 : i32
    %cond3A_131 = arith.cmpi ne, %convert_element_type3A_129, %cond3A_130 : i32
    scf.if %cond3A_131 {
      %run_scoped3A = arith.constant 0 : i32
      "tpu.region"() ({
        %run_scoped3A_137 = tpu.sem_alloc : memref<!tpu.dma_semaphore, #tpu.memory_space<semaphore_mem>>
        %dma_start3A_138 = arith.constant 0 : i32
        %dma_start3A_139 = tpu.memref_slice %arg6[%run_scoped3A, %mul3A_126, %dma_start3A_138] : memref<2x10240x128xf32, #tpu.memory_space<hbm>> -> memref<1x640x128xf32, #tpu.memory_space<hbm>>
        %dma_start3A_140 = tpu.memref_squeeze %dma_start3A_139 : memref<1x640x128xf32, #tpu.memory_space<hbm>> -> memref<640x128xf32, #tpu.memory_space<hbm>>
        %dma_start3A_141 = arith.constant 0 : i32
        %dma_start3A_142 = tpu.memref_slice %arg11[%mul3A_126, %dma_start3A_141] : memref<10240x128xf32, #tpu.memory_space<vmem_shared>> -> memref<640x128xf32, #tpu.memory_space<vmem_shared>>
        tpu.enqueue_dma source(%dma_start3A_142 : memref<640x128xf32, #tpu.memory_space<vmem_shared>>) target(%dma_start3A_140 : memref<640x128xf32, #tpu.memory_space<hbm>>) target_semaphore(%run_scoped3A_137 : memref<!tpu.dma_semaphore, #tpu.memory_space<semaphore_mem>>)
        %dma_wait3A_143 = arith.constant 0 : i32
        %dma_wait3A_144 = tpu.memref_slice %arg6[%run_scoped3A, %mul3A_126, %dma_wait3A_143] : memref<2x10240x128xf32, #tpu.memory_space<hbm>> -> memref<1x640x128xf32, #tpu.memory_space<hbm>>
        %dma_wait3A_145 = tpu.memref_squeeze %dma_wait3A_144 : memref<1x640x128xf32, #tpu.memory_space<hbm>> -> memref<640x128xf32, #tpu.memory_space<hbm>>
        %dma_wait3A_146 = arith.constant 0 : i32
        %dma_wait3A_147 = tpu.memref_slice %arg11[%mul3A_126, %dma_wait3A_146] : memref<10240x128xf32, #tpu.memory_space<vmem_shared>> -> memref<640x128xf32, #tpu.memory_space<vmem_shared>>
        tpu.wait_dma2 semaphore(%run_scoped3A_137 : memref<!tpu.dma_semaphore, #tpu.memory_space<semaphore_mem>>) src(%dma_wait3A_147 : memref<640x128xf32, #tpu.memory_space<vmem_shared>>) dst(%dma_wait3A_145 : memref<640x128xf32, #tpu.memory_space<hbm>>)
        tpu.yield
      }) : () -> ()
    } else {
    }
    %eq3A_132 = arith.constant 1 : i32
    %eq3A_133 = arith.cmpi eq, %arg0, %eq3A_132 : i32
    %convert_element_type3A_134 = arith.extui %eq3A_133 : i1 to i32
    %cond3A_135 = arith.constant 0 : i32
    %cond3A_136 = arith.cmpi ne, %convert_element_type3A_134, %cond3A_135 : i32
    scf.if %cond3A_136 {
      %run_scoped3A = arith.constant 1 : i32
      "tpu.region"() ({
        %run_scoped3A_137 = tpu.sem_alloc : memref<!tpu.dma_semaphore, #tpu.memory_space<semaphore_mem>>
        %dma_start3A_138 = arith.constant 0 : i32
        %dma_start3A_139 = tpu.memref_slice %arg6[%run_scoped3A, %mul3A_126, %dma_start3A_138] : memref<2x10240x128xf32, #tpu.memory_space<hbm>> -> memref<1x640x128xf32, #tpu.memory_space<hbm>>
        %dma_start3A_140 = tpu.memref_squeeze %dma_start3A_139 : memref<1x640x128xf32, #tpu.memory_space<hbm>> -> memref<640x128xf32, #tpu.memory_space<hbm>>
        %dma_start3A_141 = arith.constant 0 : i32
        %dma_start3A_142 = tpu.memref_slice %arg11[%mul3A_126, %dma_start3A_141] : memref<10240x128xf32, #tpu.memory_space<vmem_shared>> -> memref<640x128xf32, #tpu.memory_space<vmem_shared>>
        tpu.enqueue_dma source(%dma_start3A_142 : memref<640x128xf32, #tpu.memory_space<vmem_shared>>) target(%dma_start3A_140 : memref<640x128xf32, #tpu.memory_space<hbm>>) target_semaphore(%run_scoped3A_137 : memref<!tpu.dma_semaphore, #tpu.memory_space<semaphore_mem>>)
        %dma_wait3A_143 = arith.constant 0 : i32
        %dma_wait3A_144 = tpu.memref_slice %arg6[%run_scoped3A, %mul3A_126, %dma_wait3A_143] : memref<2x10240x128xf32, #tpu.memory_space<hbm>> -> memref<1x640x128xf32, #tpu.memory_space<hbm>>
        %dma_wait3A_145 = tpu.memref_squeeze %dma_wait3A_144 : memref<1x640x128xf32, #tpu.memory_space<hbm>> -> memref<640x128xf32, #tpu.memory_space<hbm>>
        %dma_wait3A_146 = arith.constant 0 : i32
        %dma_wait3A_147 = tpu.memref_slice %arg11[%mul3A_126, %dma_wait3A_146] : memref<10240x128xf32, #tpu.memory_space<vmem_shared>> -> memref<640x128xf32, #tpu.memory_space<vmem_shared>>
        tpu.wait_dma2 semaphore(%run_scoped3A_137 : memref<!tpu.dma_semaphore, #tpu.memory_space<semaphore_mem>>) src(%dma_wait3A_147 : memref<640x128xf32, #tpu.memory_space<vmem_shared>>) dst(%dma_wait3A_145 : memref<640x128xf32, #tpu.memory_space<hbm>>)
        tpu.yield
      }) : () -> ()
    } else {
    }
    return
  }
}

#map = affine_map<(d0, d1) -> (0)>
#map1 = affine_map<(d0, d1) -> (0, 0, 0)>
module attributes {stable_mosaic.version = 14 : i64} {
  func.func @_deg_body(%arg0: i32, %arg1: i32, %arg2: memref<327680xi32, #tpu.memory_space<hbm>>, %arg3: memref<2x10240x128xf32, #tpu.memory_space<hbm>>, %arg4: memref<2x128xi32, #tpu.memory_space<vmem>>, %arg5: memref<128x128xf32, #tpu.memory_space<vmem>>, %arg6: memref<32x128xf32, #tpu.memory_space<vmem>>, %arg7: memref<10240x128xf32, #tpu.memory_space<vmem_shared>>) attributes {dimension_semantics = [#tpu.dimension_semantics<core_parallel>, #tpu.dimension_semantics<subcore_parallel>], iteration_bounds = array<i64: 2, 16>, scalar_prefetch = 0 : i64, scratch_operands = 4 : i64, tpu.core_type = #tpu.core_type<sc_vector_subcore>, window_params = [{transform_indices = #map}, {transform_indices = #map1}]} {
    %mul3A = arith.constant 16 : i32
    %mul3A_0 = arith.muli %arg0, %mul3A : i32
    %add3A = arith.addi %mul3A_0, %arg1 : i32
    %broadcast_in_dim3A = arith.constant 1.000000e+00 : f32
    %broadcast_in_dim3A_1 = vector.broadcast %broadcast_in_dim3A : f32 to vector<16xf32>
    %scan3A = arith.constant 0 : i32
    %scan3A_2 = arith.constant 0 : i32
    %scan3A_3 = arith.constant 1024 : i32
    %scan3A_4 = arith.addi %scan3A_2, %scan3A_3 : i32
    %scan3A_5 = arith.constant 1 : i32
    %scan3A_6 = scf.for %scan3A_41 = %scan3A_2 to %scan3A_4 step %scan3A_5 iter_args(%scan3A_42 = %scan3A) -> (i32)  : i32 {
      %jit3A = arith.constant 8 : i32
      %div3A = arith.divsi %scan3A_41, %jit3A : i32
      %sign3A = arith.constant 0 : i32
      %sign3A_43 = arith.cmpi sgt, %scan3A_41, %sign3A : i32
      %sign3A_44 = arith.extui %sign3A_43 : i1 to i32
      %sign3A_45 = arith.constant 0 : i32
      %sign3A_46 = arith.cmpi slt, %scan3A_41, %sign3A_45 : i32
      %sign3A_47 = arith.extui %sign3A_46 : i1 to i32
      %sign3A_48 = arith.subi %sign3A_44, %sign3A_47 : i32
      %sign3A_49 = arith.constant 0 : i32
      %sign3A_50 = arith.cmpi sgt, %jit3A, %sign3A_49 : i32
      %sign3A_51 = arith.extui %sign3A_50 : i1 to i32
      %sign3A_52 = arith.constant 0 : i32
      %sign3A_53 = arith.cmpi slt, %jit3A, %sign3A_52 : i32
      %sign3A_54 = arith.extui %sign3A_53 : i1 to i32
      %sign3A_55 = arith.subi %sign3A_51, %sign3A_54 : i32
      %ne3A = arith.cmpi ne, %sign3A_48, %sign3A_55 : i32
      %rem3A = arith.remsi %scan3A_41, %jit3A : i32
      %ne3A_56 = arith.constant 0 : i32
      %ne3A_57 = arith.cmpi ne, %rem3A, %ne3A_56 : i32
      %and3A = arith.andi %ne3A, %ne3A_57 : i1
      %sub3A = arith.constant 1 : i32
      %sub3A_58 = arith.subi %div3A, %sub3A : i32
      %select_n3A = arith.select %and3A, %sub3A_58, %div3A : i32
      %jit3A_59 = arith.constant 8 : i32
      %eq3A_60 = arith.constant 0 : i32
      %eq3A_61 = arith.cmpi eq, %jit3A_59, %eq3A_60 : i32
      %jit3A_62 = arith.constant 1 : i32
      %select_n3A_63 = arith.select %eq3A_61, %jit3A_62, %jit3A_59 : i32
      %rem3A_64 = arith.remsi %scan3A_41, %select_n3A_63 : i32
      %ne3A_65 = arith.constant 0 : i32
      %ne3A_66 = arith.cmpi ne, %rem3A_64, %ne3A_65 : i32
      %lt3A = arith.constant 0 : i32
      %lt3A_67 = arith.cmpi slt, %rem3A_64, %lt3A : i32
      %lt3A_68 = arith.constant 0 : i32
      %lt3A_69 = arith.cmpi slt, %select_n3A_63, %lt3A_68 : i32
      %ne3A_70 = arith.xori %lt3A_67, %lt3A_69 : i1
      %and3A_71 = arith.andi %ne3A_70, %ne3A_66 : i1
      %add3A_72 = arith.addi %rem3A_64, %select_n3A_63 : i32
      %select_n3A_73 = arith.select %and3A_71, %add3A_72, %rem3A_64 : i32
      %mul3A_74 = arith.constant 16 : i32
      %mul3A_75 = arith.muli %select_n3A_73, %mul3A_74 : i32
      %swap3A = arith.index_cast %select_n3A : i32 to index
      %swap3A_76 = arith.index_cast %mul3A_75 : i32 to index
      %swap3A_77 = tpu.vector_load %arg5[%swap3A, %swap3A_76] {strides = array<i32>} : memref<128x128xf32, #tpu.memory_space<vmem>>, vector<1x16xf32>,
      %swap3A_78 = vector.shape_cast %swap3A_77 : vector<1x16xf32> to vector<16xf32>
      %swap3A_79 = vector.shape_cast %broadcast_in_dim3A_1 : vector<16xf32> to vector<1x16xf32>
      tpu.vector_store %arg5[%swap3A, %swap3A_76], %swap3A_79 {strides = array<i32>} : memref<128x128xf32, #tpu.memory_space<vmem>>, vector<1x16xf32>,
      %scan3A_80 = arith.constant 0 : i32
      scf.yield %scan3A_80 : i32
    }
    %scan3A_7 = arith.constant 1024 : i32
    %broadcast_in_dim3A_8 = arith.constant 0.000000e+00 : f32
    %broadcast_in_dim3A_9 = vector.broadcast %broadcast_in_dim3A_8 : f32 to vector<16xf32>
    %scan3A_10 = arith.constant 0 : i32
    %scan3A_11 = arith.constant 0 : i32
    %scan3A_12 = arith.constant 256 : i32
    %scan3A_13 = arith.addi %scan3A_11, %scan3A_12 : i32
    %scan3A_14 = arith.constant 1 : i32
    %scan3A_15 = scf.for %scan3A_41 = %scan3A_11 to %scan3A_13 step %scan3A_14 iter_args(%scan3A_42 = %scan3A_10) -> (i32)  : i32 {
      %jit3A = arith.constant 8 : i32
      %div3A = arith.divsi %scan3A_41, %jit3A : i32
      %sign3A = arith.constant 0 : i32
      %sign3A_43 = arith.cmpi sgt, %scan3A_41, %sign3A : i32
      %sign3A_44 = arith.extui %sign3A_43 : i1 to i32
      %sign3A_45 = arith.constant 0 : i32
      %sign3A_46 = arith.cmpi slt, %scan3A_41, %sign3A_45 : i32
      %sign3A_47 = arith.extui %sign3A_46 : i1 to i32
      %sign3A_48 = arith.subi %sign3A_44, %sign3A_47 : i32
      %sign3A_49 = arith.constant 0 : i32
      %sign3A_50 = arith.cmpi sgt, %jit3A, %sign3A_49 : i32
      %sign3A_51 = arith.extui %sign3A_50 : i1 to i32
      %sign3A_52 = arith.constant 0 : i32
      %sign3A_53 = arith.cmpi slt, %jit3A, %sign3A_52 : i32
      %sign3A_54 = arith.extui %sign3A_53 : i1 to i32
      %sign3A_55 = arith.subi %sign3A_51, %sign3A_54 : i32
      %ne3A = arith.cmpi ne, %sign3A_48, %sign3A_55 : i32
      %rem3A = arith.remsi %scan3A_41, %jit3A : i32
      %ne3A_56 = arith.constant 0 : i32
      %ne3A_57 = arith.cmpi ne, %rem3A, %ne3A_56 : i32
      %and3A = arith.andi %ne3A, %ne3A_57 : i1
      %sub3A = arith.constant 1 : i32
      %sub3A_58 = arith.subi %div3A, %sub3A : i32
      %select_n3A = arith.select %and3A, %sub3A_58, %div3A : i32
      %jit3A_59 = arith.constant 8 : i32
      %eq3A_60 = arith.constant 0 : i32
      %eq3A_61 = arith.cmpi eq, %jit3A_59, %eq3A_60 : i32
      %jit3A_62 = arith.constant 1 : i32
      %select_n3A_63 = arith.select %eq3A_61, %jit3A_62, %jit3A_59 : i32
      %rem3A_64 = arith.remsi %scan3A_41, %select_n3A_63 : i32
      %ne3A_65 = arith.constant 0 : i32
      %ne3A_66 = arith.cmpi ne, %rem3A_64, %ne3A_65 : i32
      %lt3A = arith.constant 0 : i32
      %lt3A_67 = arith.cmpi slt, %rem3A_64, %lt3A : i32
      %lt3A_68 = arith.constant 0 : i32
      %lt3A_69 = arith.cmpi slt, %select_n3A_63, %lt3A_68 : i32
      %ne3A_70 = arith.xori %lt3A_67, %lt3A_69 : i1
      %and3A_71 = arith.andi %ne3A_70, %ne3A_66 : i1
      %add3A_72 = arith.addi %rem3A_64, %select_n3A_63 : i32
      %select_n3A_73 = arith.select %and3A_71, %add3A_72, %rem3A_64 : i32
      %mul3A_74 = arith.constant 16 : i32
      %mul3A_75 = arith.muli %select_n3A_73, %mul3A_74 : i32
      %swap3A = arith.index_cast %select_n3A : i32 to index
      %swap3A_76 = arith.index_cast %mul3A_75 : i32 to index
      %swap3A_77 = tpu.vector_load %arg6[%swap3A, %swap3A_76] {strides = array<i32>} : memref<32x128xf32, #tpu.memory_space<vmem>>, vector<1x16xf32>,
      %swap3A_78 = vector.shape_cast %swap3A_77 : vector<1x16xf32> to vector<16xf32>
      %swap3A_79 = vector.shape_cast %broadcast_in_dim3A_9 : vector<16xf32> to vector<1x16xf32>
      tpu.vector_store %arg6[%swap3A, %swap3A_76], %swap3A_79 {strides = array<i32>} : memref<32x128xf32, #tpu.memory_space<vmem>>, vector<1x16xf32>,
      %scan3A_80 = arith.constant 0 : i32
      scf.yield %scan3A_80 : i32
    }
    %scan3A_16 = arith.constant 256 : i32
    %scan3A_17 = arith.constant 0 : i32
    %scan3A_18 = arith.constant 0 : i32
    %scan3A_19 = arith.constant 20 : i32
    %scan3A_20 = arith.addi %scan3A_18, %scan3A_19 : i32
    %scan3A_21 = arith.constant 1 : i32
    %scan3A_22 = scf.for %scan3A_41 = %scan3A_18 to %scan3A_20 step %scan3A_21 iter_args(%scan3A_42 = %scan3A_17) -> (i32)  : i32 {
      %mul3A_43 = arith.constant 640 : i32
      %mul3A_44 = arith.muli %arg1, %mul3A_43 : i32
      %mul3A_45 = arith.constant 32 : i32
      %mul3A_46 = arith.muli %scan3A_41, %mul3A_45 : i32
      %add3A_47 = arith.addi %mul3A_44, %mul3A_46 : i32
      "tpu.region"() ({
        %run_scoped3A = tpu.sem_alloc : memref<!tpu.dma_semaphore, #tpu.memory_space<semaphore_mem>>
        %dma_start3A = arith.constant 0 : i32
        %dma_start3A_49 = tpu.memref_slice %arg7[%add3A_47, %dma_start3A] : memref<10240x128xf32, #tpu.memory_space<vmem_shared>> -> memref<32x128xf32, #tpu.memory_space<vmem_shared>>
        %dma_start3A_50 = arith.constant 0 : i32
        %dma_start3A_51 = tpu.memref_slice %arg7[%add3A_47, %dma_start3A_50] : memref<10240x128xf32, #tpu.memory_space<vmem_shared>> -> memref<32x128xf32, #tpu.memory_space<vmem_shared>>
        tpu.enqueue_dma source(%arg6 : memref<32x128xf32, #tpu.memory_space<vmem>>) target(%dma_start3A_51 : memref<32x128xf32, #tpu.memory_space<vmem_shared>>) target_semaphore(%run_scoped3A : memref<!tpu.dma_semaphore, #tpu.memory_space<semaphore_mem>>)
        %dma_wait3A = arith.constant 0 : i32
        %dma_wait3A_52 = tpu.memref_slice %arg7[%add3A_47, %dma_wait3A] : memref<10240x128xf32, #tpu.memory_space<vmem_shared>> -> memref<32x128xf32, #tpu.memory_space<vmem_shared>>
        %dma_wait3A_53 = arith.constant 0 : i32
        %dma_wait3A_54 = tpu.memref_slice %arg7[%add3A_47, %dma_wait3A_53] : memref<10240x128xf32, #tpu.memory_space<vmem_shared>> -> memref<32x128xf32, #tpu.memory_space<vmem_shared>>
        tpu.wait_dma2 semaphore(%run_scoped3A : memref<!tpu.dma_semaphore, #tpu.memory_space<semaphore_mem>>) src(%arg6 : memref<32x128xf32, #tpu.memory_space<vmem>>) dst(%dma_wait3A_54 : memref<32x128xf32, #tpu.memory_space<vmem_shared>>)
        tpu.yield
      }) : () -> ()
      %scan3A_48 = arith.constant 0 : i32
      scf.yield %scan3A_48 : i32
    }
    %scan3A_23 = arith.constant 20 : i32
    %barrier3A = arith.constant 0 : index
    tpu.barrier barrier_id(%barrier3A)
    %scan3A_24 = arith.constant 0 : i32
    %scan3A_25 = arith.constant 0 : i32
    %scan3A_26 = arith.constant 80 : i32
    %scan3A_27 = arith.addi %scan3A_25, %scan3A_26 : i32
    %scan3A_28 = arith.constant 1 : i32
    %scan3A_29 = scf.for %scan3A_41 = %scan3A_25 to %scan3A_27 step %scan3A_28 iter_args(%scan3A_42 = %scan3A_24) -> (i32)  : i32 {
      %mul3A_43 = arith.constant 10240 : i32
      %mul3A_44 = arith.muli %add3A, %mul3A_43 : i32
      %mul3A_45 = arith.constant 128 : i32
      %mul3A_46 = arith.muli %scan3A_41, %mul3A_45 : i32
      %add3A_47 = arith.addi %mul3A_44, %mul3A_46 : i32
      %run_scoped3A = arith.constant 0 : i32
      "tpu.region"() ({
        %run_scoped3A_50 = tpu.sem_alloc : memref<!tpu.dma_semaphore, #tpu.memory_space<semaphore_mem>>
        %dma_start3A = arith.constant 0 : i32
        %dma_start3A_51 = tpu.memref_slice %arg4[%run_scoped3A, %dma_start3A] : memref<2x128xi32, #tpu.memory_space<vmem>> -> memref<1x128xi32, #tpu.memory_space<vmem>>
        %dma_start3A_52 = tpu.memref_squeeze %dma_start3A_51 : memref<1x128xi32, #tpu.memory_space<vmem>> -> memref<128xi32, #tpu.memory_space<vmem>>
        %dma_start3A_53 = tpu.memref_slice %arg2[%add3A_47] : memref<327680xi32, #tpu.memory_space<hbm>> -> memref<128xi32, #tpu.memory_space<hbm>>
        %dma_start3A_54 = arith.constant 0 : i32
        %dma_start3A_55 = tpu.memref_slice %arg4[%run_scoped3A, %dma_start3A_54] : memref<2x128xi32, #tpu.memory_space<vmem>> -> memref<1x128xi32, #tpu.memory_space<vmem>>
        %dma_start3A_56 = tpu.memref_squeeze %dma_start3A_55 : memref<1x128xi32, #tpu.memory_space<vmem>> -> memref<128xi32, #tpu.memory_space<vmem>>
        %dma_start3A_57 = tpu.memref_slice %arg2[%add3A_47] : memref<327680xi32, #tpu.memory_space<hbm>> -> memref<128xi32, #tpu.memory_space<hbm>>
        tpu.enqueue_dma source(%dma_start3A_57 : memref<128xi32, #tpu.memory_space<hbm>>) target(%dma_start3A_56 : memref<128xi32, #tpu.memory_space<vmem>>) target_semaphore(%run_scoped3A_50 : memref<!tpu.dma_semaphore, #tpu.memory_space<semaphore_mem>>)
        %dma_wait3A = arith.constant 0 : i32
        %dma_wait3A_58 = tpu.memref_slice %arg4[%run_scoped3A, %dma_wait3A] : memref<2x128xi32, #tpu.memory_space<vmem>> -> memref<1x128xi32, #tpu.memory_space<vmem>>
        %dma_wait3A_59 = tpu.memref_squeeze %dma_wait3A_58 : memref<1x128xi32, #tpu.memory_space<vmem>> -> memref<128xi32, #tpu.memory_space<vmem>>
        %dma_wait3A_60 = tpu.memref_slice %arg2[%add3A_47] : memref<327680xi32, #tpu.memory_space<hbm>> -> memref<128xi32, #tpu.memory_space<hbm>>
        %dma_wait3A_61 = arith.constant 0 : i32
        %dma_wait3A_62 = tpu.memref_slice %arg4[%run_scoped3A, %dma_wait3A_61] : memref<2x128xi32, #tpu.memory_space<vmem>> -> memref<1x128xi32, #tpu.memory_space<vmem>>
        %dma_wait3A_63 = tpu.memref_squeeze %dma_wait3A_62 : memref<1x128xi32, #tpu.memory_space<vmem>> -> memref<128xi32, #tpu.memory_space<vmem>>
        %dma_wait3A_64 = tpu.memref_slice %arg2[%add3A_47] : memref<327680xi32, #tpu.memory_space<hbm>> -> memref<128xi32, #tpu.memory_space<hbm>>
        tpu.wait_dma2 semaphore(%run_scoped3A_50 : memref<!tpu.dma_semaphore, #tpu.memory_space<semaphore_mem>>) src(%dma_wait3A_64 : memref<128xi32, #tpu.memory_space<hbm>>) dst(%dma_wait3A_63 : memref<128xi32, #tpu.memory_space<vmem>>)
        tpu.yield
      }) : () -> ()
      %run_scoped3A_48 = arith.constant 0 : i32
      "tpu.region"() ({
        %run_scoped3A_50 = tpu.sem_alloc : memref<!tpu.dma_semaphore, #tpu.memory_space<semaphore_mem>>
        %dma_start3A = arith.constant 0 : i32
        %dma_start3A_51 = tpu.memref_slice %arg4[%run_scoped3A_48, %dma_start3A] : memref<2x128xi32, #tpu.memory_space<vmem>> -> memref<1x128xi32, #tpu.memory_space<vmem>>
        %dma_start3A_52 = tpu.memref_squeeze %dma_start3A_51 : memref<1x128xi32, #tpu.memory_space<vmem>> -> memref<128xi32, #tpu.memory_space<vmem>>
        %dma_start3A_53 = arith.constant 0 : i32
        %dma_start3A_54 = arith.constant 0 : i32
        %dma_start3A_55 = tpu.memref_slice %arg7[%dma_start3A_53, %dma_start3A_54] : memref<10240x128xf32, #tpu.memory_space<vmem_shared>> -> memref<10240x128xf32, #tpu.memory_space<vmem_shared>>
        tpu.enqueue_indirect_dma source(%arg5 : memref<128x128xf32, #tpu.memory_space<vmem>>) target(%dma_start3A_55 : memref<10240x128xf32, #tpu.memory_space<vmem_shared>>) offsets(%dma_start3A_52 : memref<128xi32, #tpu.memory_space<vmem>>) semaphore(%run_scoped3A_50 : memref<!tpu.dma_semaphore, #tpu.memory_space<semaphore_mem>>) {add = true}
        %dma_wait3A = arith.constant 0 : i32
        %dma_wait3A_56 = tpu.memref_slice %arg4[%run_scoped3A_48, %dma_wait3A] : memref<2x128xi32, #tpu.memory_space<vmem>> -> memref<1x128xi32, #tpu.memory_space<vmem>>
        %dma_wait3A_57 = tpu.memref_squeeze %dma_wait3A_56 : memref<1x128xi32, #tpu.memory_space<vmem>> -> memref<128xi32, #tpu.memory_space<vmem>>
        %dma_wait3A_58 = arith.constant 0 : i32
        %dma_wait3A_59 = arith.constant 0 : i32
        %dma_wait3A_60 = tpu.memref_slice %arg7[%dma_wait3A_58, %dma_wait3A_59] : memref<10240x128xf32, #tpu.memory_space<vmem_shared>> -> memref<10240x128xf32, #tpu.memory_space<vmem_shared>>
        tpu.wait_indirect_dma semaphore(%run_scoped3A_50 : memref<!tpu.dma_semaphore, #tpu.memory_space<semaphore_mem>>) src(%arg5 : memref<128x128xf32, #tpu.memory_space<vmem>>) dst(%dma_wait3A_60 : memref<10240x128xf32, #tpu.memory_space<vmem_shared>>)
        tpu.yield
      }) : () -> ()
      %scan3A_49 = arith.constant 0 : i32
      scf.yield %scan3A_49 : i32
    }
    %scan3A_30 = arith.constant 80 : i32
    %barrier3A_31 = arith.constant 0 : index
    tpu.barrier barrier_id(%barrier3A_31)
    %mul3A_32 = arith.constant 640 : i32
    %mul3A_33 = arith.muli %arg1, %mul3A_32 : i32
    %eq3A = arith.constant 0 : i32
    %eq3A_34 = arith.cmpi eq, %arg0, %eq3A : i32
    %convert_element_type3A = arith.extui %eq3A_34 : i1 to i32
    %cond3A = arith.constant 0 : i32
    %cond3A_35 = arith.cmpi ne, %convert_element_type3A, %cond3A : i32
    scf.if %cond3A_35 {
      %run_scoped3A = arith.constant 0 : i32
      "tpu.region"() ({
        %run_scoped3A_41 = tpu.sem_alloc : memref<!tpu.dma_semaphore, #tpu.memory_space<semaphore_mem>>
        %dma_start3A = arith.constant 0 : i32
        %dma_start3A_42 = tpu.memref_slice %arg3[%run_scoped3A, %mul3A_33, %dma_start3A] : memref<2x10240x128xf32, #tpu.memory_space<hbm>> -> memref<1x640x128xf32, #tpu.memory_space<hbm>>
        %dma_start3A_43 = tpu.memref_squeeze %dma_start3A_42 : memref<1x640x128xf32, #tpu.memory_space<hbm>> -> memref<640x128xf32, #tpu.memory_space<hbm>>
        %dma_start3A_44 = arith.constant 0 : i32
        %dma_start3A_45 = tpu.memref_slice %arg7[%mul3A_33, %dma_start3A_44] : memref<10240x128xf32, #tpu.memory_space<vmem_shared>> -> memref<640x128xf32, #tpu.memory_space<vmem_shared>>
        tpu.enqueue_dma source(%dma_start3A_45 : memref<640x128xf32, #tpu.memory_space<vmem_shared>>) target(%dma_start3A_43 : memref<640x128xf32, #tpu.memory_space<hbm>>) target_semaphore(%run_scoped3A_41 : memref<!tpu.dma_semaphore, #tpu.memory_space<semaphore_mem>>)
        %dma_wait3A = arith.constant 0 : i32
        %dma_wait3A_46 = tpu.memref_slice %arg3[%run_scoped3A, %mul3A_33, %dma_wait3A] : memref<2x10240x128xf32, #tpu.memory_space<hbm>> -> memref<1x640x128xf32, #tpu.memory_space<hbm>>
        %dma_wait3A_47 = tpu.memref_squeeze %dma_wait3A_46 : memref<1x640x128xf32, #tpu.memory_space<hbm>> -> memref<640x128xf32, #tpu.memory_space<hbm>>
        %dma_wait3A_48 = arith.constant 0 : i32
        %dma_wait3A_49 = tpu.memref_slice %arg7[%mul3A_33, %dma_wait3A_48] : memref<10240x128xf32, #tpu.memory_space<vmem_shared>> -> memref<640x128xf32, #tpu.memory_space<vmem_shared>>
        tpu.wait_dma2 semaphore(%run_scoped3A_41 : memref<!tpu.dma_semaphore, #tpu.memory_space<semaphore_mem>>) src(%dma_wait3A_49 : memref<640x128xf32, #tpu.memory_space<vmem_shared>>) dst(%dma_wait3A_47 : memref<640x128xf32, #tpu.memory_space<hbm>>)
        tpu.yield
      }) : () -> ()
    } else {
    }
    %eq3A_36 = arith.constant 1 : i32
    %eq3A_37 = arith.cmpi eq, %arg0, %eq3A_36 : i32
    %convert_element_type3A_38 = arith.extui %eq3A_37 : i1 to i32
    %cond3A_39 = arith.constant 0 : i32
    %cond3A_40 = arith.cmpi ne, %convert_element_type3A_38, %cond3A_39 : i32
    scf.if %cond3A_40 {
      %run_scoped3A = arith.constant 1 : i32
      "tpu.region"() ({
        %run_scoped3A_41 = tpu.sem_alloc : memref<!tpu.dma_semaphore, #tpu.memory_space<semaphore_mem>>
        %dma_start3A = arith.constant 0 : i32
        %dma_start3A_42 = tpu.memref_slice %arg3[%run_scoped3A, %mul3A_33, %dma_start3A] : memref<2x10240x128xf32, #tpu.memory_space<hbm>> -> memref<1x640x128xf32, #tpu.memory_space<hbm>>
        %dma_start3A_43 = tpu.memref_squeeze %dma_start3A_42 : memref<1x640x128xf32, #tpu.memory_space<hbm>> -> memref<640x128xf32, #tpu.memory_space<hbm>>
        %dma_start3A_44 = arith.constant 0 : i32
        %dma_start3A_45 = tpu.memref_slice %arg7[%mul3A_33, %dma_start3A_44] : memref<10240x128xf32, #tpu.memory_space<vmem_shared>> -> memref<640x128xf32, #tpu.memory_space<vmem_shared>>
        tpu.enqueue_dma source(%dma_start3A_45 : memref<640x128xf32, #tpu.memory_space<vmem_shared>>) target(%dma_start3A_43 : memref<640x128xf32, #tpu.memory_space<hbm>>) target_semaphore(%run_scoped3A_41 : memref<!tpu.dma_semaphore, #tpu.memory_space<semaphore_mem>>)
        %dma_wait3A = arith.constant 0 : i32
        %dma_wait3A_46 = tpu.memref_slice %arg3[%run_scoped3A, %mul3A_33, %dma_wait3A] : memref<2x10240x128xf32, #tpu.memory_space<hbm>> -> memref<1x640x128xf32, #tpu.memory_space<hbm>>
        %dma_wait3A_47 = tpu.memref_squeeze %dma_wait3A_46 : memref<1x640x128xf32, #tpu.memory_space<hbm>> -> memref<640x128xf32, #tpu.memory_space<hbm>>
        %dma_wait3A_48 = arith.constant 0 : i32
        %dma_wait3A_49 = tpu.memref_slice %arg7[%mul3A_33, %dma_wait3A_48] : memref<10240x128xf32, #tpu.memory_space<vmem_shared>> -> memref<640x128xf32, #tpu.memory_space<vmem_shared>>
        tpu.wait_dma2 semaphore(%run_scoped3A_41 : memref<!tpu.dma_semaphore, #tpu.memory_space<semaphore_mem>>) src(%dma_wait3A_49 : memref<640x128xf32, #tpu.memory_space<vmem_shared>>) dst(%dma_wait3A_47 : memref<640x128xf32, #tpu.memory_space<hbm>>)
        tpu.yield
      }) : () -> ()
    } else {
    }
    return
  }
}

module attributes {stable_mosaic.version = 14 : i64} {
  func.func @_tc1_body(%arg0: i32, %arg1: memref<512x3000xf32, #tpu.memory_space<vmem>>, %arg2: memref<3000x256xf32, #tpu.memory_space<vmem>>, %arg3: memref<2x512x128xf32, #tpu.memory_space<vmem>>) attributes {dimension_semantics = [#tpu.dimension_semantics<arbitrary>], iteration_bounds = array<i64: 20>, scalar_prefetch = 0 : i64, scratch_operands = 0 : i64, tpu.core_type = #tpu.core_type<tc>, window_params = [{transform_indices = @transform_0, window_bounds = array<i64: 512, 3000>}, {pipeline_mode = #tpu.pipeline_mode<synchronous>, transform_indices = @transform_1, window_bounds = array<i64: 3000, 256>}, {transform_indices = @transform_2, window_bounds = array<i64: 2, 512, 128>}]} {
    %get3A = arith.constant 0 : index
    %get3A_0 = arith.constant 0 : index
    %get3A_1 = vector.load %arg1[%get3A, %get3A_0] : memref<512x3000xf32, #tpu.memory_space<vmem>>, vector<512x3000xf32>
    %convert_element_type3A = arith.truncf %get3A_1 : vector<512x3000xf32> to vector<512x3000xbf16>
    %get3A_2 = arith.constant 0 : index
    %get3A_3 = arith.constant 0 : index
    %get3A_4 = vector.load %arg2[%get3A_2, %get3A_3] : memref<3000x256xf32, #tpu.memory_space<vmem>>, vector<3000x256xf32>
    %convert_element_type3A_5 = arith.truncf %get3A_4 : vector<3000x256xf32> to vector<3000x256xbf16>
    %dot_general3A = arith.constant dense<0.000000e+00> : vector<512x256xf32>
    %dot_general3A_6 = tpu.matmul %convert_element_type3A, %convert_element_type3A_5, %dot_general3A {dimension_numbers = #tpu.dot_dimension_numbers<[1], [0], [0], [1], [0, 0, 1, 1], [], []>, transpose_lhs_hint = false} : vector<512x3000xbf16>, vector<3000x256xbf16>, vector<512x256xf32> -> vector<512x256xf32>
    %slice3A = vector.extract_strided_slice %dot_general3A_6 {offsets = [0, 0], sizes = [512, 128], strides = [1, 1]} : vector<512x256xf32> to vector<512x128xf32>
    %swap3A = arith.constant 0 : index
    %swap3A_7 = arith.constant 0 : index
    %swap3A_8 = arith.constant 0 : index
    %swap3A_9 = vector.load %arg3[%swap3A, %swap3A_7, %swap3A_8] : memref<2x512x128xf32, #tpu.memory_space<vmem>>, vector<1x512x128xf32>
    %swap3A_10 = vector.shape_cast %swap3A_9 : vector<1x512x128xf32> to vector<512x128xf32>
    %swap3A_11 = vector.shape_cast %slice3A : vector<512x128xf32> to vector<1x512x128xf32>
    tpu.vector_store %arg3[%swap3A, %swap3A_7, %swap3A_8], %swap3A_11 {strides = array<i32>} : memref<2x512x128xf32, #tpu.memory_space<vmem>>, vector<1x512x128xf32>,
    %slice3A_12 = vector.extract_strided_slice %dot_general3A_6 {offsets = [0, 128], sizes = [512, 128], strides = [1, 1]} : vector<512x256xf32> to vector<512x128xf32>
    %swap3A_13 = arith.constant 1 : index
    %swap3A_14 = arith.constant 0 : index
    %swap3A_15 = arith.constant 0 : index
    %swap3A_16 = vector.load %arg3[%swap3A_13, %swap3A_14, %swap3A_15] : memref<2x512x128xf32, #tpu.memory_space<vmem>>, vector<1x512x128xf32>
    %swap3A_17 = vector.shape_cast %swap3A_16 : vector<1x512x128xf32> to vector<512x128xf32>
    %swap3A_18 = vector.shape_cast %slice3A_12 : vector<512x128xf32> to vector<1x512x128xf32>
    tpu.vector_store %arg3[%swap3A_13, %swap3A_14, %swap3A_15], %swap3A_18 {strides = array<i32>} : memref<2x512x128xf32, #tpu.memory_space<vmem>>, vector<1x512x128xf32>,
    return
  }
  func.func @transform_0(%arg0: i32) -> (i32, i32) {
    %c0_i32 = arith.constant 0 : i32
    %c0_i32_0 = arith.constant 0 : i32
    return %arg0, %c0_i32 : i32, i32
  }
  func.func @transform_1(%arg0: i32) -> (i32, i32) {
    %c0_i32 = arith.constant 0 : i32
    %c0_i32_0 = arith.constant 0 : i32
    %c0_i32_1 = arith.constant 0 : i32
    return %c0_i32, %c0_i32_0 : i32, i32
  }
  func.func @transform_2(%arg0: i32) -> (i32, i32, i32) {
    %c0_i32 = arith.constant 0 : i32
    %c0_i32_0 = arith.constant 0 : i32
    %c0_i32_1 = arith.constant 0 : i32
    return %c0_i32, %arg0, %c0_i32_0 : i32, i32, i32
  }
}

module attributes {stable_mosaic.version = 14 : i64} {
  func.func @_tc_scale_body(%arg0: i32, %arg1: memref<2x512x128xf32, #tpu.memory_space<vmem>>, %arg2: memref<2x512x128xf32, #tpu.memory_space<vmem>>, %arg3: memref<2x512x128xf32, #tpu.memory_space<vmem>>) attributes {dimension_semantics = [#tpu.dimension_semantics<arbitrary>], iteration_bounds = array<i64: 20>, scalar_prefetch = 0 : i64, scratch_operands = 0 : i64, tpu.core_type = #tpu.core_type<tc>, window_params = [{transform_indices = @transform_0, window_bounds = array<i64: 2, 512, 128>}, {transform_indices = @transform_1, window_bounds = array<i64: 2, 512, 128>}, {transform_indices = @transform_2, window_bounds = array<i64: 2, 512, 128>}]} {
    %get3A = arith.constant 0 : index
    %get3A_0 = arith.constant 0 : index
    %get3A_1 = arith.constant 0 : index
    %get3A_2 = vector.load %arg2[%get3A, %get3A_0, %get3A_1] : memref<2x512x128xf32, #tpu.memory_space<vmem>>, vector<1x512x1xf32>
    %get3A_3 = vector.shape_cast %get3A_2 : vector<1x512x1xf32> to vector<512xf32>
    %get3A_4 = arith.constant 1 : index
    %get3A_5 = arith.constant 0 : index
    %get3A_6 = arith.constant 0 : index
    %get3A_7 = vector.load %arg2[%get3A_4, %get3A_5, %get3A_6] : memref<2x512x128xf32, #tpu.memory_space<vmem>>, vector<1x512x1xf32>
    %get3A_8 = vector.shape_cast %get3A_7 : vector<1x512x1xf32> to vector<512xf32>
    %add3A = arith.addf %get3A_3, %get3A_8 : vector<512xf32>
    %add3A_9 = arith.constant 1.000000e+00 : f32
    %add3A_10 = vector.broadcast %add3A_9 : f32 to vector<512xf32>
    %add3A_11 = arith.addf %add3A, %add3A_10 : vector<512xf32>
    %rsqrt3A = math.rsqrt %add3A_11 : vector<512xf32>
    %broadcast_in_dim3A = vector.shape_cast %rsqrt3A : vector<512xf32> to vector<512x1xf32>
    %get3A_12 = arith.constant 0 : index
    %get3A_13 = arith.constant 0 : index
    %get3A_14 = arith.constant 0 : index
    %get3A_15 = vector.load %arg1[%get3A_12, %get3A_13, %get3A_14] : memref<2x512x128xf32, #tpu.memory_space<vmem>>, vector<1x512x128xf32>
    %get3A_16 = vector.shape_cast %get3A_15 : vector<1x512x128xf32> to vector<512x128xf32>
    %mul3A = vector.broadcast %broadcast_in_dim3A : vector<512x1xf32> to vector<512x128xf32>
    %mul3A_17 = arith.mulf %get3A_16, %mul3A : vector<512x128xf32>
    %swap3A = arith.constant 0 : index
    %swap3A_18 = arith.constant 0 : index
    %swap3A_19 = arith.constant 0 : index
    %swap3A_20 = vector.load %arg3[%swap3A, %swap3A_18, %swap3A_19] : memref<2x512x128xf32, #tpu.memory_space<vmem>>, vector<1x512x128xf32>
    %swap3A_21 = vector.shape_cast %swap3A_20 : vector<1x512x128xf32> to vector<512x128xf32>
    %swap3A_22 = vector.shape_cast %mul3A_17 : vector<512x128xf32> to vector<1x512x128xf32>
    tpu.vector_store %arg3[%swap3A, %swap3A_18, %swap3A_19], %swap3A_22 {strides = array<i32>} : memref<2x512x128xf32, #tpu.memory_space<vmem>>, vector<1x512x128xf32>,
    %get3A_23 = arith.constant 1 : index
    %get3A_24 = arith.constant 0 : index
    %get3A_25 = arith.constant 0 : index
    %get3A_26 = vector.load %arg1[%get3A_23, %get3A_24, %get3A_25] : memref<2x512x128xf32, #tpu.memory_space<vmem>>, vector<1x512x128xf32>
    %get3A_27 = vector.shape_cast %get3A_26 : vector<1x512x128xf32> to vector<512x128xf32>
    %mul3A_28 = vector.broadcast %broadcast_in_dim3A : vector<512x1xf32> to vector<512x128xf32>
    %mul3A_29 = arith.mulf %get3A_27, %mul3A_28 : vector<512x128xf32>
    %swap3A_30 = arith.constant 1 : index
    %swap3A_31 = arith.constant 0 : index
    %swap3A_32 = arith.constant 0 : index
    %swap3A_33 = vector.load %arg3[%swap3A_30, %swap3A_31, %swap3A_32] : memref<2x512x128xf32, #tpu.memory_space<vmem>>, vector<1x512x128xf32>
    %swap3A_34 = vector.shape_cast %swap3A_33 : vector<1x512x128xf32> to vector<512x128xf32>
    %swap3A_35 = vector.shape_cast %mul3A_29 : vector<512x128xf32> to vector<1x512x128xf32>
    tpu.vector_store %arg3[%swap3A_30, %swap3A_31, %swap3A_32], %swap3A_35 {strides = array<i32>} : memref<2x512x128xf32, #tpu.memory_space<vmem>>, vector<1x512x128xf32>,
    return
  }
  func.func @transform_0(%arg0: i32) -> (i32, i32, i32) {
    %c0_i32 = arith.constant 0 : i32
    %c0_i32_0 = arith.constant 0 : i32
    %c0_i32_1 = arith.constant 0 : i32
    return %c0_i32, %arg0, %c0_i32_0 : i32, i32, i32
  }
  func.func @transform_1(%arg0: i32) -> (i32, i32, i32) {
    %c0_i32 = arith.constant 0 : i32
    %c0_i32_0 = arith.constant 0 : i32
    %c0_i32_1 = arith.constant 0 : i32
    return %c0_i32, %arg0, %c0_i32_0 : i32, i32, i32
  }
  func.func @transform_2(%arg0: i32) -> (i32, i32, i32) {
    %c0_i32 = arith.constant 0 : i32
    %c0_i32_0 = arith.constant 0 : i32
    %c0_i32_1 = arith.constant 0 : i32
    return %c0_i32, %arg0, %c0_i32_0 : i32, i32, i32
  }
}

module attributes {stable_mosaic.version = 14 : i64} {
  func.func @_tc_mid_body(%arg0: i32, %arg1: memref<2x512x128xf32, #tpu.memory_space<vmem>>, %arg2: memref<2x512x128xf32, #tpu.memory_space<vmem>>, %arg3: memref<2x512x128xf32, #tpu.memory_space<vmem>>, %arg4: memref<256xf32, #tpu.memory_space<vmem>>, %arg5: memref<256x128xf32, #tpu.memory_space<vmem>>, %arg6: memref<2x512x128xf32, #tpu.memory_space<vmem>>) attributes {dimension_semantics = [#tpu.dimension_semantics<arbitrary>], iteration_bounds = array<i64: 20>, scalar_prefetch = 0 : i64, scratch_operands = 0 : i64, tpu.core_type = #tpu.core_type<tc>, window_params = [{transform_indices = @transform_0, window_bounds = array<i64: 2, 512, 128>}, {transform_indices = @transform_1, window_bounds = array<i64: 2, 512, 128>}, {transform_indices = @transform_2, window_bounds = array<i64: 2, 512, 128>}, {pipeline_mode = #tpu.pipeline_mode<synchronous>, transform_indices = @transform_3, window_bounds = array<i64: 256>}, {pipeline_mode = #tpu.pipeline_mode<synchronous>, transform_indices = @transform_4, window_bounds = array<i64: 256, 128>}, {transform_indices = @transform_5, window_bounds = array<i64: 2, 512, 128>}]} {
    %get3A = arith.constant 0 : index
    %get3A_0 = arith.constant 0 : index
    %get3A_1 = arith.constant 0 : index
    %get3A_2 = vector.load %arg3[%get3A, %get3A_0, %get3A_1] : memref<2x512x128xf32, #tpu.memory_space<vmem>>, vector<1x512x1xf32>
    %get3A_3 = vector.shape_cast %get3A_2 : vector<1x512x1xf32> to vector<512xf32>
    %get3A_4 = arith.constant 1 : index
    %get3A_5 = arith.constant 0 : index
    %get3A_6 = arith.constant 0 : index
    %get3A_7 = vector.load %arg3[%get3A_4, %get3A_5, %get3A_6] : memref<2x512x128xf32, #tpu.memory_space<vmem>>, vector<1x512x1xf32>
    %get3A_8 = vector.shape_cast %get3A_7 : vector<1x512x1xf32> to vector<512xf32>
    %add3A = arith.addf %get3A_3, %get3A_8 : vector<512xf32>
    %add3A_9 = arith.constant 1.000000e+00 : f32
    %add3A_10 = vector.broadcast %add3A_9 : f32 to vector<512xf32>
    %add3A_11 = arith.addf %add3A, %add3A_10 : vector<512xf32>
    %rsqrt3A = math.rsqrt %add3A_11 : vector<512xf32>
    %broadcast_in_dim3A = vector.shape_cast %rsqrt3A : vector<512xf32> to vector<512x1xf32>
    %get3A_12 = arith.constant 0 : index
    %get3A_13 = arith.constant 0 : index
    %get3A_14 = arith.constant 0 : index
    %get3A_15 = vector.load %arg1[%get3A_12, %get3A_13, %get3A_14] : memref<2x512x128xf32, #tpu.memory_space<vmem>>, vector<1x512x128xf32>
    %get3A_16 = vector.shape_cast %get3A_15 : vector<1x512x128xf32> to vector<512x128xf32>
    %get3A_17 = arith.constant 1 : index
    %get3A_18 = arith.constant 0 : index
    %get3A_19 = arith.constant 0 : index
    %get3A_20 = vector.load %arg1[%get3A_17, %get3A_18, %get3A_19] : memref<2x512x128xf32, #tpu.memory_space<vmem>>, vector<1x512x128xf32>
    %get3A_21 = vector.shape_cast %get3A_20 : vector<1x512x128xf32> to vector<512x128xf32>
    %concatenate3A = tpu.concatenate %get3A_16, %get3A_21 in 1 : vector<512x128xf32>, vector<512x128xf32> -> vector<512x256xf32>
    %get3A_22 = arith.constant 0 : index
    %get3A_23 = arith.constant 0 : index
    %get3A_24 = arith.constant 0 : index
    %get3A_25 = vector.load %arg2[%get3A_22, %get3A_23, %get3A_24] : memref<2x512x128xf32, #tpu.memory_space<vmem>>, vector<1x512x128xf32>
    %get3A_26 = vector.shape_cast %get3A_25 : vector<1x512x128xf32> to vector<512x128xf32>
    %get3A_27 = arith.constant 1 : index
    %get3A_28 = arith.constant 0 : index
    %get3A_29 = arith.constant 0 : index
    %get3A_30 = vector.load %arg2[%get3A_27, %get3A_28, %get3A_29] : memref<2x512x128xf32, #tpu.memory_space<vmem>>, vector<1x512x128xf32>
    %get3A_31 = vector.shape_cast %get3A_30 : vector<1x512x128xf32> to vector<512x128xf32>
    %concatenate3A_32 = tpu.concatenate %get3A_26, %get3A_31 in 1 : vector<512x128xf32>, vector<512x128xf32> -> vector<512x256xf32>
    %add3A_33 = arith.addf %concatenate3A, %concatenate3A_32 : vector<512x256xf32>
    %mul3A = vector.broadcast %broadcast_in_dim3A : vector<512x1xf32> to vector<512x256xf32>
    %mul3A_34 = arith.mulf %mul3A, %add3A_33 : vector<512x256xf32>
    %get3A_35 = arith.constant 0 : index
    %get3A_36 = vector.load %arg4[%get3A_35] : memref<256xf32, #tpu.memory_space<vmem>>, vector<256xf32>
    %broadcast_in_dim3A_37 = vector.shape_cast %get3A_36 : vector<256xf32> to vector<1x256xf32>
    %add3A_38 = vector.broadcast %broadcast_in_dim3A_37 : vector<1x256xf32> to vector<512x256xf32>
    %add3A_39 = arith.addf %mul3A_34, %add3A_38 : vector<512x256xf32>
    %max3A = arith.constant 0.000000e+00 : f32
    %max3A_40 = vector.broadcast %max3A : f32 to vector<512x256xf32>
    %max3A_41 = arith.maximumf %add3A_39, %max3A_40 : vector<512x256xf32>
    %get3A_42 = arith.constant 0 : index
    %get3A_43 = arith.constant 0 : index
    %get3A_44 = vector.load %arg5[%get3A_42, %get3A_43] : memref<256x128xf32, #tpu.memory_space<vmem>>, vector<256x128xf32>
    %dot_general3A = arith.constant dense<0.000000e+00> : vector<512x128xf32>
    %dot_general3A_45 = tpu.matmul %max3A_41, %get3A_44, %dot_general3A {dimension_numbers = #tpu.dot_dimension_numbers<[1], [0], [0], [1], [0, 0, 1, 1], [], []>, transpose_lhs_hint = false} : vector<512x256xf32>, vector<256x128xf32>, vector<512x128xf32> -> vector<512x128xf32>
    %mul3A_46 = vector.broadcast %broadcast_in_dim3A : vector<512x1xf32> to vector<512x128xf32>
    %mul3A_47 = arith.mulf %dot_general3A_45, %mul3A_46 : vector<512x128xf32>
    %swap3A = arith.constant 0 : index
    %swap3A_48 = arith.constant 0 : index
    %swap3A_49 = arith.constant 0 : index
    %swap3A_50 = vector.load %arg6[%swap3A, %swap3A_48, %swap3A_49] : memref<2x512x128xf32, #tpu.memory_space<vmem>>, vector<1x512x128xf32>
    %swap3A_51 = vector.shape_cast %swap3A_50 : vector<1x512x128xf32> to vector<512x128xf32>
    %swap3A_52 = vector.shape_cast %mul3A_47 : vector<512x128xf32> to vector<1x512x128xf32>
    tpu.vector_store %arg6[%swap3A, %swap3A_48, %swap3A_49], %swap3A_52 {strides = array<i32>} : memref<2x512x128xf32, #tpu.memory_space<vmem>>, vector<1x512x128xf32>,
    %swap3A_53 = arith.constant 1 : index
    %swap3A_54 = arith.constant 0 : index
    %swap3A_55 = arith.constant 0 : index
    %swap3A_56 = vector.load %arg6[%swap3A_53, %swap3A_54, %swap3A_55] : memref<2x512x128xf32, #tpu.memory_space<vmem>>, vector<1x512x128xf32>
    %swap3A_57 = vector.shape_cast %swap3A_56 : vector<1x512x128xf32> to vector<512x128xf32>
    %swap3A_58 = vector.shape_cast %mul3A_47 : vector<512x128xf32> to vector<1x512x128xf32>
    tpu.vector_store %arg6[%swap3A_53, %swap3A_54, %swap3A_55], %swap3A_58 {strides = array<i32>} : memref<2x512x128xf32, #tpu.memory_space<vmem>>, vector<1x512x128xf32>,
    return
  }
  func.func @transform_0(%arg0: i32) -> (i32, i32, i32) {
    %c0_i32 = arith.constant 0 : i32
    %c0_i32_0 = arith.constant 0 : i32
    %c0_i32_1 = arith.constant 0 : i32
    return %c0_i32, %arg0, %c0_i32_0 : i32, i32, i32
  }
  func.func @transform_1(%arg0: i32) -> (i32, i32, i32) {
    %c0_i32 = arith.constant 0 : i32
    %c0_i32_0 = arith.constant 0 : i32
    %c0_i32_1 = arith.constant 0 : i32
    return %c0_i32, %arg0, %c0_i32_0 : i32, i32, i32
  }
  func.func @transform_2(%arg0: i32) -> (i32, i32, i32) {
    %c0_i32 = arith.constant 0 : i32
    %c0_i32_0 = arith.constant 0 : i32
    %c0_i32_1 = arith.constant 0 : i32
    return %c0_i32, %arg0, %c0_i32_0 : i32, i32, i32
  }
  func.func @transform_3(%arg0: i32) -> i32 {
    %c0_i32 = arith.constant 0 : i32
    %c0_i32_0 = arith.constant 0 : i32
    return %c0_i32 : i32
  }
  func.func @transform_4(%arg0: i32) -> (i32, i32) {
    %c0_i32 = arith.constant 0 : i32
    %c0_i32_0 = arith.constant 0 : i32
    %c0_i32_1 = arith.constant 0 : i32
    return %c0_i32, %c0_i32_0 : i32, i32
  }
  func.func @transform_5(%arg0: i32) -> (i32, i32, i32) {
    %c0_i32 = arith.constant 0 : i32
    %c0_i32_0 = arith.constant 0 : i32
    %c0_i32_1 = arith.constant 0 : i32
    return %c0_i32, %arg0, %c0_i32_0 : i32, i32, i32
  }
}

module attributes {stable_mosaic.version = 14 : i64} {
  func.func @_tc_mid_body(%arg0: i32, %arg1: memref<2x512x128xf32, #tpu.memory_space<vmem>>, %arg2: memref<2x512x128xf32, #tpu.memory_space<vmem>>, %arg3: memref<2x512x128xf32, #tpu.memory_space<vmem>>, %arg4: memref<128xf32, #tpu.memory_space<vmem>>, %arg5: memref<128x64xf32, #tpu.memory_space<vmem>>, %arg6: memref<2x512x128xf32, #tpu.memory_space<vmem>>) attributes {dimension_semantics = [#tpu.dimension_semantics<arbitrary>], iteration_bounds = array<i64: 20>, scalar_prefetch = 0 : i64, scratch_operands = 0 : i64, tpu.core_type = #tpu.core_type<tc>, window_params = [{transform_indices = @transform_0, window_bounds = array<i64: 2, 512, 128>}, {transform_indices = @transform_1, window_bounds = array<i64: 2, 512, 128>}, {transform_indices = @transform_2, window_bounds = array<i64: 2, 512, 128>}, {pipeline_mode = #tpu.pipeline_mode<synchronous>, transform_indices = @transform_3, window_bounds = array<i64: 128>}, {pipeline_mode = #tpu.pipeline_mode<synchronous>, transform_indices = @transform_4, window_bounds = array<i64: 128, 64>}, {transform_indices = @transform_5, window_bounds = array<i64: 2, 512, 128>}]} {
    %get3A = arith.constant 0 : index
    %get3A_0 = arith.constant 0 : index
    %get3A_1 = arith.constant 0 : index
    %get3A_2 = vector.load %arg3[%get3A, %get3A_0, %get3A_1] : memref<2x512x128xf32, #tpu.memory_space<vmem>>, vector<1x512x1xf32>
    %get3A_3 = vector.shape_cast %get3A_2 : vector<1x512x1xf32> to vector<512xf32>
    %get3A_4 = arith.constant 1 : index
    %get3A_5 = arith.constant 0 : index
    %get3A_6 = arith.constant 0 : index
    %get3A_7 = vector.load %arg3[%get3A_4, %get3A_5, %get3A_6] : memref<2x512x128xf32, #tpu.memory_space<vmem>>, vector<1x512x1xf32>
    %get3A_8 = vector.shape_cast %get3A_7 : vector<1x512x1xf32> to vector<512xf32>
    %add3A = arith.addf %get3A_3, %get3A_8 : vector<512xf32>
    %add3A_9 = arith.constant 1.000000e+00 : f32
    %add3A_10 = vector.broadcast %add3A_9 : f32 to vector<512xf32>
    %add3A_11 = arith.addf %add3A, %add3A_10 : vector<512xf32>
    %rsqrt3A = math.rsqrt %add3A_11 : vector<512xf32>
    %broadcast_in_dim3A = vector.shape_cast %rsqrt3A : vector<512xf32> to vector<512x1xf32>
    %get3A_12 = arith.constant 0 : index
    %get3A_13 = arith.constant 0 : index
    %get3A_14 = arith.constant 0 : index
    %get3A_15 = vector.load %arg1[%get3A_12, %get3A_13, %get3A_14] : memref<2x512x128xf32, #tpu.memory_space<vmem>>, vector<1x512x128xf32>
    %get3A_16 = vector.shape_cast %get3A_15 : vector<1x512x128xf32> to vector<512x128xf32>
    %get3A_17 = arith.constant 1 : index
    %get3A_18 = arith.constant 0 : index
    %get3A_19 = arith.constant 0 : index
    %get3A_20 = vector.load %arg1[%get3A_17, %get3A_18, %get3A_19] : memref<2x512x128xf32, #tpu.memory_space<vmem>>, vector<1x512x128xf32>
    %get3A_21 = vector.shape_cast %get3A_20 : vector<1x512x128xf32> to vector<512x128xf32>
    %add3A_22 = arith.addf %get3A_16, %get3A_21 : vector<512x128xf32>
    %get3A_23 = arith.constant 0 : index
    %get3A_24 = arith.constant 0 : index
    %get3A_25 = arith.constant 0 : index
    %get3A_26 = vector.load %arg2[%get3A_23, %get3A_24, %get3A_25] : memref<2x512x128xf32, #tpu.memory_space<vmem>>, vector<1x512x128xf32>
    %get3A_27 = vector.shape_cast %get3A_26 : vector<1x512x128xf32> to vector<512x128xf32>
    %add3A_28 = arith.addf %add3A_22, %get3A_27 : vector<512x128xf32>
    %mul3A = vector.broadcast %broadcast_in_dim3A : vector<512x1xf32> to vector<512x128xf32>
    %mul3A_29 = arith.mulf %mul3A, %add3A_28 : vector<512x128xf32>
    %get3A_30 = arith.constant 0 : index
    %get3A_31 = vector.load %arg4[%get3A_30] : memref<128xf32, #tpu.memory_space<vmem>>, vector<128xf32>
    %broadcast_in_dim3A_32 = vector.shape_cast %get3A_31 : vector<128xf32> to vector<1x128xf32>
    %add3A_33 = vector.broadcast %broadcast_in_dim3A_32 : vector<1x128xf32> to vector<512x128xf32>
    %add3A_34 = arith.addf %mul3A_29, %add3A_33 : vector<512x128xf32>
    %get3A_35 = arith.constant 0 : index
    %get3A_36 = arith.constant 0 : index
    %get3A_37 = vector.load %arg5[%get3A_35, %get3A_36] : memref<128x64xf32, #tpu.memory_space<vmem>>, vector<128x64xf32>
    %dot_general3A = arith.constant dense<0.000000e+00> : vector<512x64xf32>
    %dot_general3A_38 = tpu.matmul %add3A_34, %get3A_37, %dot_general3A {dimension_numbers = #tpu.dot_dimension_numbers<[1], [0], [0], [1], [0, 0, 1, 1], [], []>, transpose_lhs_hint = false} : vector<512x128xf32>, vector<128x64xf32>, vector<512x64xf32> -> vector<512x64xf32>
    %mul3A_39 = vector.broadcast %broadcast_in_dim3A : vector<512x1xf32> to vector<512x64xf32>
    %mul3A_40 = arith.mulf %dot_general3A_38, %mul3A_39 : vector<512x64xf32>
    %broadcast_in_dim3A_41 = arith.constant 0.000000e+00 : f32
    %broadcast_in_dim3A_42 = vector.broadcast %broadcast_in_dim3A_41 : f32 to vector<512x64xf32>
    %concatenate3A = tpu.concatenate %mul3A_40, %broadcast_in_dim3A_42 in 1 : vector<512x64xf32>, vector<512x64xf32> -> vector<512x128xf32>
    %swap3A = arith.constant 0 : index
    %swap3A_43 = arith.constant 0 : index
    %swap3A_44 = arith.constant 0 : index
    %swap3A_45 = vector.load %arg6[%swap3A, %swap3A_43, %swap3A_44] : memref<2x512x128xf32, #tpu.memory_space<vmem>>, vector<1x512x128xf32>
    %swap3A_46 = vector.shape_cast %swap3A_45 : vector<1x512x128xf32> to vector<512x128xf32>
    %swap3A_47 = vector.shape_cast %concatenate3A : vector<512x128xf32> to vector<1x512x128xf32>
    tpu.vector_store %arg6[%swap3A, %swap3A_43, %swap3A_44], %swap3A_47 {strides = array<i32>} : memref<2x512x128xf32, #tpu.memory_space<vmem>>, vector<1x512x128xf32>,
    %swap3A_48 = arith.constant 1 : index
    %swap3A_49 = arith.constant 0 : index
    %swap3A_50 = arith.constant 0 : index
    %swap3A_51 = vector.load %arg6[%swap3A_48, %swap3A_49, %swap3A_50] : memref<2x512x128xf32, #tpu.memory_space<vmem>>, vector<1x512x128xf32>
    %swap3A_52 = vector.shape_cast %swap3A_51 : vector<1x512x128xf32> to vector<512x128xf32>
    %swap3A_53 = vector.shape_cast %concatenate3A : vector<512x128xf32> to vector<1x512x128xf32>
    tpu.vector_store %arg6[%swap3A_48, %swap3A_49, %swap3A_50], %swap3A_53 {strides = array<i32>} : memref<2x512x128xf32, #tpu.memory_space<vmem>>, vector<1x512x128xf32>,
    return
  }
  func.func @transform_0(%arg0: i32) -> (i32, i32, i32) {
    %c0_i32 = arith.constant 0 : i32
    %c0_i32_0 = arith.constant 0 : i32
    %c0_i32_1 = arith.constant 0 : i32
    return %c0_i32, %arg0, %c0_i32_0 : i32, i32, i32
  }
  func.func @transform_1(%arg0: i32) -> (i32, i32, i32) {
    %c0_i32 = arith.constant 0 : i32
    %c0_i32_0 = arith.constant 0 : i32
    %c0_i32_1 = arith.constant 0 : i32
    return %c0_i32, %arg0, %c0_i32_0 : i32, i32, i32
  }
  func.func @transform_2(%arg0: i32) -> (i32, i32, i32) {
    %c0_i32 = arith.constant 0 : i32
    %c0_i32_0 = arith.constant 0 : i32
    %c0_i32_1 = arith.constant 0 : i32
    return %c0_i32, %arg0, %c0_i32_0 : i32, i32, i32
  }
  func.func @transform_3(%arg0: i32) -> i32 {
    %c0_i32 = arith.constant 0 : i32
    %c0_i32_0 = arith.constant 0 : i32
    return %c0_i32 : i32
  }
  func.func @transform_4(%arg0: i32) -> (i32, i32) {
    %c0_i32 = arith.constant 0 : i32
    %c0_i32_0 = arith.constant 0 : i32
    %c0_i32_1 = arith.constant 0 : i32
    return %c0_i32, %c0_i32_0 : i32, i32
  }
  func.func @transform_5(%arg0: i32) -> (i32, i32, i32) {
    %c0_i32 = arith.constant 0 : i32
    %c0_i32_0 = arith.constant 0 : i32
    %c0_i32_1 = arith.constant 0 : i32
    return %c0_i32, %arg0, %c0_i32_0 : i32, i32, i32
  }
}

module attributes {stable_mosaic.version = 14 : i64} {
  func.func @_tc_final_body(%arg0: i32, %arg1: memref<2x512x128xf32, #tpu.memory_space<vmem>>, %arg2: memref<2x512x128xf32, #tpu.memory_space<vmem>>, %arg3: memref<2x512x128xf32, #tpu.memory_space<vmem>>, %arg4: memref<64xf32, #tpu.memory_space<vmem>>, %arg5: memref<64x1xf32, #tpu.memory_space<vmem>>, %arg6: memref<1xf32, #tpu.memory_space<vmem>>, %arg7: memref<512x64xf32, #tpu.memory_space<vmem>>, %arg8: memref<512x1xf32, #tpu.memory_space<vmem>>) attributes {dimension_semantics = [#tpu.dimension_semantics<arbitrary>], iteration_bounds = array<i64: 20>, scalar_prefetch = 0 : i64, scratch_operands = 0 : i64, tpu.core_type = #tpu.core_type<tc>, window_params = [{transform_indices = @transform_0, window_bounds = array<i64: 2, 512, 128>}, {transform_indices = @transform_1, window_bounds = array<i64: 2, 512, 128>}, {transform_indices = @transform_2, window_bounds = array<i64: 2, 512, 128>}, {pipeline_mode = #tpu.pipeline_mode<synchronous>, transform_indices = @transform_3, window_bounds = array<i64: 64>}, {pipeline_mode = #tpu.pipeline_mode<synchronous>, transform_indices = @transform_4, window_bounds = array<i64: 64, 1>}, {pipeline_mode = #tpu.pipeline_mode<synchronous>, transform_indices = @transform_5, window_bounds = array<i64: 1>}, {transform_indices = @transform_6, window_bounds = array<i64: 512, 64>}, {transform_indices = @transform_7, window_bounds = array<i64: 512, 1>}]} {
    %get3A = arith.constant 0 : index
    %get3A_0 = arith.constant 0 : index
    %get3A_1 = arith.constant 0 : index
    %get3A_2 = vector.load %arg3[%get3A, %get3A_0, %get3A_1] : memref<2x512x128xf32, #tpu.memory_space<vmem>>, vector<1x512x1xf32>
    %get3A_3 = vector.shape_cast %get3A_2 : vector<1x512x1xf32> to vector<512xf32>
    %get3A_4 = arith.constant 1 : index
    %get3A_5 = arith.constant 0 : index
    %get3A_6 = arith.constant 0 : index
    %get3A_7 = vector.load %arg3[%get3A_4, %get3A_5, %get3A_6] : memref<2x512x128xf32, #tpu.memory_space<vmem>>, vector<1x512x1xf32>
    %get3A_8 = vector.shape_cast %get3A_7 : vector<1x512x1xf32> to vector<512xf32>
    %add3A = arith.addf %get3A_3, %get3A_8 : vector<512xf32>
    %add3A_9 = arith.constant 1.000000e+00 : f32
    %add3A_10 = vector.broadcast %add3A_9 : f32 to vector<512xf32>
    %add3A_11 = arith.addf %add3A, %add3A_10 : vector<512xf32>
    %rsqrt3A = math.rsqrt %add3A_11 : vector<512xf32>
    %broadcast_in_dim3A = vector.shape_cast %rsqrt3A : vector<512xf32> to vector<512x1xf32>
    %get3A_12 = arith.constant 0 : index
    %get3A_13 = arith.constant 0 : index
    %get3A_14 = arith.constant 0 : index
    %get3A_15 = vector.load %arg1[%get3A_12, %get3A_13, %get3A_14] : memref<2x512x128xf32, #tpu.memory_space<vmem>>, vector<1x512x128xf32>
    %get3A_16 = vector.shape_cast %get3A_15 : vector<1x512x128xf32> to vector<512x128xf32>
    %get3A_17 = arith.constant 1 : index
    %get3A_18 = arith.constant 0 : index
    %get3A_19 = arith.constant 0 : index
    %get3A_20 = vector.load %arg1[%get3A_17, %get3A_18, %get3A_19] : memref<2x512x128xf32, #tpu.memory_space<vmem>>, vector<1x512x128xf32>
    %get3A_21 = vector.shape_cast %get3A_20 : vector<1x512x128xf32> to vector<512x128xf32>
    %add3A_22 = arith.addf %get3A_16, %get3A_21 : vector<512x128xf32>
    %slice3A = vector.extract_strided_slice %add3A_22 {offsets = [0, 0], sizes = [512, 64], strides = [1, 1]} : vector<512x128xf32> to vector<512x64xf32>
    %get3A_23 = arith.constant 0 : index
    %get3A_24 = arith.constant 0 : index
    %get3A_25 = arith.constant 0 : index
    %get3A_26 = vector.load %arg2[%get3A_23, %get3A_24, %get3A_25] : memref<2x512x128xf32, #tpu.memory_space<vmem>>, vector<1x512x128xf32>
    %get3A_27 = vector.shape_cast %get3A_26 : vector<1x512x128xf32> to vector<512x128xf32>
    %slice3A_28 = vector.extract_strided_slice %get3A_27 {offsets = [0, 0], sizes = [512, 64], strides = [1, 1]} : vector<512x128xf32> to vector<512x64xf32>
    %add3A_29 = arith.addf %slice3A, %slice3A_28 : vector<512x64xf32>
    %mul3A = vector.broadcast %broadcast_in_dim3A : vector<512x1xf32> to vector<512x64xf32>
    %mul3A_30 = arith.mulf %mul3A, %add3A_29 : vector<512x64xf32>
    %get3A_31 = arith.constant 0 : index
    %get3A_32 = vector.load %arg4[%get3A_31] : memref<64xf32, #tpu.memory_space<vmem>>, vector<64xf32>
    %broadcast_in_dim3A_33 = vector.shape_cast %get3A_32 : vector<64xf32> to vector<1x64xf32>
    %add3A_34 = vector.broadcast %broadcast_in_dim3A_33 : vector<1x64xf32> to vector<512x64xf32>
    %add3A_35 = arith.addf %mul3A_30, %add3A_34 : vector<512x64xf32>
    %swap3A = arith.constant 0 : index
    %swap3A_36 = arith.constant 0 : index
    %swap3A_37 = vector.load %arg7[%swap3A, %swap3A_36] : memref<512x64xf32, #tpu.memory_space<vmem>>, vector<512x64xf32>
    tpu.vector_store %arg7[%swap3A, %swap3A_36], %add3A_35 {strides = array<i32>} : memref<512x64xf32, #tpu.memory_space<vmem>>, vector<512x64xf32>,
    %get3A_38 = arith.constant 0 : index
    %get3A_39 = arith.constant 0 : index
    %get3A_40 = vector.load %arg5[%get3A_38, %get3A_39] : memref<64x1xf32, #tpu.memory_space<vmem>>, vector<64x1xf32>
    %dot_general3A = arith.constant dense<0.000000e+00> : vector<512x1xf32>
    %dot_general3A_41 = tpu.matmul %add3A_35, %get3A_40, %dot_general3A {dimension_numbers = #tpu.dot_dimension_numbers<[1], [0], [0], [1], [0, 0, 1, 1], [], []>, transpose_lhs_hint = false} : vector<512x64xf32>, vector<64x1xf32>, vector<512x1xf32> -> vector<512x1xf32>
    %get3A_42 = arith.constant 0 : index
    %get3A_43 = vector.load %arg6[%get3A_42] : memref<1xf32, #tpu.memory_space<vmem>>, vector<1xf32>
    %get3A_44 = vector.extract %get3A_43[0] : f32 from vector<1xf32>
    %add3A_45 = vector.broadcast %get3A_44 : f32 to vector<512x1xf32>
    %add3A_46 = arith.addf %dot_general3A_41, %add3A_45 : vector<512x1xf32>
    %logistic3A = arith.negf %add3A_46 : vector<512x1xf32>
    %logistic3A_47 = math.exp %logistic3A : vector<512x1xf32>
    %logistic3A_48 = arith.constant 1.000000e+00 : f32
    %logistic3A_49 = vector.broadcast %logistic3A_48 : f32 to vector<512x1xf32>
    %logistic3A_50 = arith.addf %logistic3A_49, %logistic3A_47 : vector<512x1xf32>
    %logistic3A_51 = arith.divf %logistic3A_49, %logistic3A_50 : vector<512x1xf32>
    %swap3A_52 = arith.constant 0 : index
    %swap3A_53 = arith.constant 0 : index
    %swap3A_54 = vector.load %arg8[%swap3A_52, %swap3A_53] : memref<512x1xf32, #tpu.memory_space<vmem>>, vector<512x1xf32>
    tpu.vector_store %arg8[%swap3A_52, %swap3A_53], %logistic3A_51 {strides = array<i32>} : memref<512x1xf32, #tpu.memory_space<vmem>>, vector<512x1xf32>,
    return
  }
  func.func @transform_0(%arg0: i32) -> (i32, i32, i32) {
    %c0_i32 = arith.constant 0 : i32
    %c0_i32_0 = arith.constant 0 : i32
    %c0_i32_1 = arith.constant 0 : i32
    return %c0_i32, %arg0, %c0_i32_0 : i32, i32, i32
  }
  func.func @transform_1(%arg0: i32) -> (i32, i32, i32) {
    %c0_i32 = arith.constant 0 : i32
    %c0_i32_0 = arith.constant 0 : i32
    %c0_i32_1 = arith.constant 0 : i32
    return %c0_i32, %arg0, %c0_i32_0 : i32, i32, i32
  }
  func.func @transform_2(%arg0: i32) -> (i32, i32, i32) {
    %c0_i32 = arith.constant 0 : i32
    %c0_i32_0 = arith.constant 0 : i32
    %c0_i32_1 = arith.constant 0 : i32
    return %c0_i32, %arg0, %c0_i32_0 : i32, i32, i32
  }
  func.func @transform_3(%arg0: i32) -> i32 {
    %c0_i32 = arith.constant 0 : i32
    %c0_i32_0 = arith.constant 0 : i32
    return %c0_i32 : i32
  }
  func.func @transform_4(%arg0: i32) -> (i32, i32) {
    %c0_i32 = arith.constant 0 : i32
    %c0_i32_0 = arith.constant 0 : i32
    %c0_i32_1 = arith.constant 0 : i32
    return %c0_i32, %c0_i32_0 : i32, i32
  }
  func.func @transform_5(%arg0: i32) -> i32 {
    %c0_i32 = arith.constant 0 : i32
    %c0_i32_0 = arith.constant 0 : i32
    return %c0_i32 : i32
  }
  func.func @transform_6(%arg0: i32) -> (i32, i32) {
    %c0_i32 = arith.constant 0 : i32
    %c0_i32_0 = arith.constant 0 : i32
    return %arg0, %c0_i32 : i32, i32
  }
  func.func @transform_7(%arg0: i32) -> (i32, i32) {
    %c0_i32 = arith.constant 0 : i32
    %c0_i32_0 = arith.constant 0 : i32
    return %arg0, %c0_i32 : i32, i32
  }
}

</mosaic_0001>

<sc_bundles>
// kernel: kernel.11.cloned.1.call-start
scs
__scs_entry_jumppad:
0x0: {  	(pc) =	sbr.rel $0x88, $3  }
0x1: {  	(tag) =	ssettag $0x0;
	lr =	simm.s32 $0x1  }
0x2: {  	[smem:$0x3F97] =	sst lr;
	_ =	strace $0xD0000000  }
0x3: {  	_ = 	snop  }
0x4: {  	_ = 	snop  }
0x5: {  	_ = 	snop  }
0x6: {  	_ = 	snop  }
0x7: {  	_ = 	snop  }
__scs_overlays_trampoline_lowered:
0x8: {  	[smem:$0x3FA6] =	sst s0  }
0x9: {  	[smem:$0x3FA7] =	sst s1  }
0xa: {  	[smem:$0x3FA8] =	sst s2  }
0xb: {  	[smem:$0x3FA9] =	sst s3  }
0xc: {  	[smem:$0x3FAA] =	sst s4  }
0xd: {  	[smem:$0x3FAB] =	sst s5  }
0xe: {  	[smem:$0x3FAC] =	sst s6  }
0xf: {  	[smem:$0x3FAD] =	sst s7  }
0x10: {  	[smem:$0x3FAE] =	sst s8  }
0x11: {  	[smem:$0x3FAF] =	sst s9;
	s0 =	simm.s32 @!p0 $0x0  }
0x12: {  	s1 =	sld [smem:$0x3F95];
	s0 =	simm.s32 @p0 $0x1  }
0x13: {  	[smem:$0x3FB0] =	sst s0;
	s0 =	simm.s32 @!p1 $0x0  }
0x14: {  	s2 =	sld [smem:$0x3F94];
	s0 =	simm.s32 @p1 $0x1  }
0x15: {  	[smem:$0x3FB1] =	sst s0;
	s0 =	simm.s32 @!p2 $0x0  }
0x16: {  	s3 =	sld [smem:$0x3FDB];
	s0 =	simm.s32 @p2 $0x1  }
0x17: {  	s4 =	simm.s32 $0x1BF5;
	[smem:$0x3FB3] =	sst s0  }
0x18: {  	s0 =	sld [smem:$0x3F96];
	_ =	swait.ge [sflag:s4], $0x0  }
0x19: {  	s7 =	sld [smem:$0x3F97]  }
0x1a: {  	s8 =	sadd.s32 $0xFFFFE003, lr  }
0x1b: {  	s9 =	sadd.s32 $0xFFFFFEF7, lr;
	s5 =	simm.s32 $0xFFFFFFFF;
	p2 =	slt.u32 s8, $0xFFFFF086  }
0x1c: {  	p1 =	slt.u32 s9, $0xF7A;
	s5 =	simm.s32 @!p2 $0x0  }
0x1d: {  	s5 =	simm.s32 @p1 $0x1;
	p0 =	seq.s32 s7, s2  }
0x1e: {  	s7 =	smul.u32 @!p0 $0xF7A, s2;
	p2 =	seq.s32 @!p0 s5, $0x0  }
0x1f: {  	s9 =	smul.u32 $0xF7A, s1;
	s8 =	simm.s32 @!p0 $0x1BF5;
	p2 =	por !p2, p0  }
0x20: {  	[sflag:s8] =	ssyncset.s32 @!p0 $0xFFFFF086;
	s6 =	sadd.s32 @!p0 s3, s7;
	s7 =	simm.s32 @!p0 $0x108  }
0x21: {  	s3 =	sadd.s32 s3, s9;
	s6 =	sadd.s32 @!p0 $0x88, s6;
	s7 =	simm.s32 @p2 $0x1082  }
0x22: {  	[simem:s7], [sflag:s8] =	dma.local @!p0 [hbm:s6], $0xF7A  }
0x23: {  	s9 =	sor.u32 $0xD0000000, s2;
	s6 =	simm.s32 $0x108;
	_ =	swait.ge @!p0 [sflag:s8], $0x0  }
0x24: {  	s3 =	sadd.s32 $0x88, s3;
	s6 =	simm.s32 @!p1 $0x1082;
	[sflag:s4] =	ssyncset.s32 $0xFFFFF086  }
0x25: {  	[simem:s6], [sflag:s4] =	dma.local [hbm:s3], $0xF7A  }
0x26: {  	[smem:$0x3F97] =	sst s1;
	(tag) =	ssettag s2;
	_ =	strace s9  }
0x27: {  	s1 =	sld [smem:$0x3FA7]  }
0x28: {  	s2 =	sld [smem:$0x3FA8]  }
0x29: {  	s4 =	sld [smem:$0x3FAA]  }
0x2a: {  	p0 =	seq.s32 s5, $0x0;
	s5 =	sld [smem:$0x3FAB]  }
0x2b: {  	s6 =	sld [smem:$0x3FAC]  }
0x2c: {  	s7 =	sld [smem:$0x3FAD]  }
0x2d: {  	s3 =	simm.s32 $0x108;
	s8 =	sld [smem:$0x3FAE]  }
0x2e: {  	s3 =	simm.s32 @!p0 $0x1082;
	s9 =	sld [smem:$0x3FAF]  }
0x2f: {  	lr =	sadd.s32 s0, s3;
	s0 =	sld [smem:$0x3FA6]  }
0x30: {  	s3 =	sld [smem:$0x3FA9]  }
0x31: {  	[smem:$0x3FB2] =	sst s10  }
0x32: {  	s10 =	sld [smem:$0x3FB0];
	_ =	sdelay $0x3  }
0x33: {  	p0 =	seq.s32 s10, $0x1;
	s10 =	sld [smem:$0x3FB2];
	_ =	sdelay $0x3  }
0x34: {  	[smem:$0x3FB2] =	sst s10  }
0x35: {  	s10 =	sld [smem:$0x3FB1];
	_ =	sdelay $0x3  }
0x36: {  	p1 =	seq.s32 s10, $0x1;
	s10 =	sld [smem:$0x3FB2];
	_ =	sdelay $0x3  }
0x37: {  	[smem:$0x3FB2] =	sst s10  }
0x38: {  	s10 =	sld [smem:$0x3FB3]  }
0x39: {  	_ = 	snop;
	(pc) =	sbr.ind lr, $3  }
0x3a: {  	_ = 	snop  }
0x3b: {  	_ = 	snop  }
0x3c: {  	p2 =	seq.s32 s10, $0x1;
	s10 =	sld [smem:$0x3FB2]  }
0x3d: {  	_ =	shalt  }
0x3e: {  	_ =	shalt  }
0x3f: {  	_ =	shalt  }
0x40: {  	_ =	shalt  }
0x41: {  	_ =	shalt  }
0x42: {  	_ =	shalt  }
0x43: {  	_ =	shalt  }
0x44: {  	_ =	shalt  }
0x45: {  	_ =	shalt  }
0x46: {  	_ =	shalt  }
0x47: {  	_ =	shalt  }
0x48: {  	_ =	shalt  }
0x49: {  	_ =	shalt  }
0x4a: {  	_ =	shalt  }
0x4b: {  	_ =	shalt  }
0x4c: {  	_ =	shalt  }
0x4d: {  	_ =	shalt  }
0x4e: {  	_ =	shalt  }
0x4f: {  	_ =	shalt  }
0x50: {  	_ =	shalt  }
0x51: {  	_ =	shalt  }
0x52: {  	_ =	shalt  }
0x53: {  	_ =	shalt  }
0x54: {  	_ =	shalt  }
0x55: {  	_ =	shalt  }
0x56: {  	_ =	shalt  }
0x57: {  	_ =	shalt  }
0x58: {  	_ =	shalt  }
0x59: {  	_ =	shalt  }
0x5a: {  	_ =	shalt  }
0x5b: {  	_ =	shalt  }
0x5c: {  	_ =	shalt  }
0x5d: {  	_ =	shalt  }
0x5e: {  	_ =	shalt  }
0x5f: {  	_ =	shalt  }
0x60: {  	_ =	shalt  }
0x61: {  	_ =	shalt  }
0x62: {  	_ =	shalt  }
0x63: {  	_ =	shalt  }
0x64: {  	_ =	shalt  }
0x65: {  	_ =	shalt  }
0x66: {  	_ =	shalt  }
0x67: {  	_ =	shalt  }
0x68: {  	_ =	shalt  }
0x69: {  	_ =	shalt  }
0x6a: {  	_ =	shalt  }
0x6b: {  	_ =	shalt  }
0x6c: {  	_ =	shalt  }
0x6d: {  	_ =	shalt  }
0x6e: {  	_ =	shalt  }
0x6f: {  	_ =	shalt  }
0x70: {  	_ =	shalt  }
0x71: {  	_ =	shalt  }
0x72: {  	_ =	shalt  }
0x73: {  	_ =	shalt  }
0x74: {  	_ =	shalt  }
0x75: {  	_ =	shalt  }
0x76: {  	_ =	shalt  }
0x77: {  	_ =	shalt  }
0x78: {  	_ =	shalt  }
0x79: {  	_ =	shalt  }
0x7a: {  	_ =	shalt  }
0x7b: {  	_ =	shalt  }
0x7c: {  	_ =	shalt  }
0x7d: {  	_ =	shalt  }
0x7e: {  	_ =	shalt  }
0x7f: {  	_ =	shalt  }
0x80: {  	_ =	shalt  }
0x81: {  	_ =	shalt  }
0x82: {  	_ =	shalt  }
0x83: {  	_ =	shalt  }
0x84: {  	_ =	shalt  }
0x85: {  	_ =	shalt  }
0x86: {  	_ =	shalt  }
0x87: {  	_ =	shalt  }
.Lfunc_end0:
.L_simem_size_0:
called_computation_lowered:
.L_overlay_start_0:
0x88: {  	s2 =	sld [smem:$0x3FD9]  }
0x89: {  	s3 =	sld [smem:$0x3FFE];
	_ =	sdelay $0x1  }
0x8a: {  	s1 =	srdreg.scid  }
0x8b: {  	s0 =	sand.u32 $0x1, s1  }
0x8c: {  	s14 =	sshll.u32 s0, $0xA;
	s2 =	sadd.s32 s3, s2  }
0x8d: {  	s2 =	sadd.s32 s2, s14  }
0x8e: {  	[smem:$0x3FBE] =	sst s2  }
0x8f: {  	_ = 	snop  }
0x90: {  	s2 =	sld [smem:$0x3FD0];
	_ =	sdelay $0x2  }
0x91: {  	s15 =	simm.s32 $0xA;
	s4 =	simm.s32 $0x10  }
0x92: {  	[smem:s4], [sflag:s15] =	dma.local [hbm:s2], $0x1  }
0x93: {  	_ =	swait.eq [sflag:s15], $0x1  }
0x94: {  	[sflag:s15] =	ssyncset.done $0x0  }
0x95: {  	[sflag:s15] =	ssyncadd.s32 $0xFFFFFFFF  }
0x96: {  	s16 =	sld [smem:$0x11];
	(tm) =	ssettm $0x1  }
0x97: {  	s17 =	sld [smem:$0x3FFB];
	_ =	sdelay $0x3  }
0x98: {  	_ =	strace s17  }
0x99: {  	s3 =	sld [smem:$0x3FFC];
	_ =	sdelay $0x3  }
0x9a: {  	_ =	strace s3  }
0x9b: {  	s3 =	sld [smem:$0x3FFD];
	_ =	sdelay $0x3  }
0x9c: {  	_ =	strace s3  }
0x9d: {  	_ =	strace $0x8FFFFFFF  }
0x9e: {  	s18 =	sld [smem:$0x3FDB];
	_ =	sdelay $0x1  }
0x9f: {  	s19 =	simm.s32 $_scs_section_size  }
0xa0: {  	s5 =	simm.s32 $_size__tile_overlayer_lowered;
	s6 =	simm.s32 $_tile_overlayer_lowered  }
0xa1: {  	s22 =	simm.s32 $0x1BFF;
	s21 =	sshll.u32 s6, $0x1;
	s3 =	sadd.s32 s19, s18  }
0xa2: {  	s7 =	simm.s32 $0x0;
	s20 =	sshll.u32 s5, $0x1;
	s5 =	sadd.s32 s21, s3  }
0xa3: {  	[timem:s7], [sflag:s22] =	dma.local [hbm:s5], s20  }
0xa4: {  	_ =	swait.ge [sflag:s22], s20  }
0xa5: {  	s4 =	ssub.s32 $0x0, s20;
	[sflag:s22] =	ssyncset.done $0x0  }
0xa6: {  	[sflag:s22] =	ssyncadd.s32 s4;
	_ =	sdelay $0x1  }
0xa7: {  	s23 =	simm.s32 $0x1B8B  }
0xa8: {  	_ =	swait.ge [sflag:s23], $0x1  }
0xa9: {  	[sflag:s23] =	ssyncset.done $0x0  }
0xaa: {  	s25 =	simm.s32 $0x1B8E;
	s24 =	sld [smem:$0x3FFE];
	[sflag:s23] =	ssyncadd.s32 $0xFFFFFFFF  }
0xab: {  	s26 =	simm.s32 $execute0_lowered;
	[smem:$0x3FD2] =	sst s25  }
0xac: {  	s5 =	sshll.u32 s26, $0x1;
	_ =	strace $0x80000046;
	[dreg:$0x1] =	wrdreg $0xFFFFFFFF  }
0xad: {  	s28 =	simm.s32 $_size_execute0_lowered;
	s3 =	sadd.s32 s3, s5;
	[dreg:$0x0] =	wrdreg $0x0  }
0xae: {  	s5 =	sshll.u32 s28, $0x1;
	[dreg:$0x2] =	wrdreg s3  }
0xaf: {  	[dreg:$0x3] =	wrdreg s5  }
0xb0: {  	[dreg:$0x4] =	wrdreg $0xC0  }
0xb1: {  	_ =	task [dreg:s7], $0x5FFFF  }
0xb2: {  	[dreg:$0x1] =	wrdreg $0xFFFFFFFF  }
0xb3: {  	[dreg:$0x0] =	wrdreg $0x60  }
0xb4: {  	[dreg:$0x2] =	wrdreg s16  }
0xb5: {  	[dreg:$0x3] =	wrdreg s24  }
0xb6: {  	[dreg:$0x4] =	wrdreg $0x51000  }
0xb7: {  	[dreg:$0x5] =	wrdreg $0x9  }
0xb8: {  	_ =	task.clear_ibuf [dreg:s7], $0x6FFFF;
	_ =	strace $0x90000046  }
0xb9: {  	s29 =	simm.s32 $0x9;
	_ =	strace $0x80000048  }
0xba: {  	_ =	swait.ge [sflag:s29], $0x1  }
0xbb: {  	[sflag:s29] =	ssyncadd.s32 $0xFFFFFFFF  }
0xbc: {  	_ =	strace $0x90000048  }
0xbd: {  	_ =	sfence  }
0xbe: {  	s30 =	sld [smem:$0x0];
	_ =	sdelay $0x2  }
0xbf: {  	s31 =	sshll.u32 s1, $0xD;
	s1 =	sshrl.u32 s1, $0x2  }
0xc0: {  	s3 =	sand.u32 $0x4000, s31;
	s1 =	sadd.s32 s1, s30  }
0xc1: {  	s0 =	sor.u32 s3, s0;
	s1 =	sshll.u32 s1, $0x11  }
0xc2: {  	s0 =	sor.u32 s1, s0  }
0xc3: {  	s0 =	sadd.s32 $0x8F2B, s0  }
0xc4: {  	[sflag:s0] =	ssyncadd.remote.s32 $0x1  }
0xc5: {  	_ =	sfence.sel $0xFFFF  }
0xc6: {  	[dreg:$0x0] =	wrdreg $0xFFFFFFFF;
	(pc) =	sbr.abs _section_cstart, $3  }
0xc7: {  	[dreg:$0x1] =	wrdreg $0xFFFFFFFF  }
0xc8: {  	_ =	task.clear_ibuf [dreg:s7], $0x2FFFF;
	_ =	strace $0x9FFFFFFF  }
0xc9: {  	(tm) =	ssettm $0x7FFFFFFF  }
tec
execute0_lowered:
.L_overlay_start_1:
0x0: {  	(tag) =	ssettag $0x1  }
0x1: {  	s0 =	rddreg [dreg:$0x0]  }
0x2: {  	s1 =	rddreg [dreg:$0x1]  }
0x3: {  	s2 =	rddreg [dreg:$0x2];
	s21 =	stileid.u32  }
0x4: {  	s3 =	simm.s32 $0x0;
	s5 =	srdreg.scid;
	s4 =	smul.u32 $0x14000, s21  }
0x5: {  	s28 =	simm.s32 $0x4100;
	s29 =	simm.s32 $0x1;
	s6 =	smul.u32 $0x2800, s21  }
0x6: {  	s30 =	simm.s32 $0x80;
	s31 =	simm.s32 $0x100;
	s7 =	smul.u32 $0x50000, s21  }
0x7: {  	[smem:$0x7FF] =	sst s3;
	s5 =	sand.u32 $0x1, s5;
	s26 =	smul.u32 $0x500, s21  }
0x8: {  	_ =	strace $0x80000047;
	p0 =	seq.s32 s5, $0x1;
	s8 =	ssub.s32 $0x2, s5  }
0x9: {  	s5 =	smul.u32 $0x5000, s5;
	s4 =	sshrl.u32 s4, $0x3;
	s22 =	sshrl.u32 s8, $0x1  }
0xa: {  	s7 =	sshrl.u32 s7, $0x2;
	s4 =	sadd.s32 $0x28000, s4;
	s23 =	ssub.s32 s8, s22  }
0xb: {  	s0 =	sadd.s32 s5, s0;
	s6 =	smov.u32 @p0 s4;
	s4 =	sadd.s32 s7, s2  }
0xc: {  	s1 =	sadd.s32 s6, s1;
	s6 =	smax.u32 s23, $0x1;
	s24 =	sadd.s32 $0x1000, s4  }
0xd: {  	s25 =	sadd.s32 $0x2000, s4;
	s8 =	sadd.s32 $0x3000, s4;
	s9 =	sadd.s32 $0x4000, s4  }
0xe: {  	s10 =	sadd.s32 $0x5000, s4;
	s11 =	sadd.s32 $0x6000, s4;
	s12 =	sadd.s32 $0x7000, s4  }
0xf: {  	s13 =	sadd.s32 $0x8000, s4;
	s14 =	sadd.s32 $0x9000, s4;
	s15 =	sadd.s32 $0xA000, s4  }
0x10: {  	s16 =	sadd.s32 $0xB000, s4;
	s17 =	sadd.s32 $0xC000, s4;
	s18 =	sadd.s32 $0xD000, s4  }
0x11: {  	s19 =	sadd.s32 $0xE000, s4;
	s20 =	sadd.s32 $0xF000, s4;
	s21 =	sadd.s32 $0x10000, s4  }
0x12: {  	s22 =	sadd.s32 $0x11000, s4;
	s23 =	sadd.s32 s26, s0;
	[dreg:$0x4] =	wrdreg s6  }
0x13: {  	s26 =	sadd.s32 $0x13000, s4;
	s0 =	simm.s32 $0x0;
	[dreg:$0x5] =	wrdreg s24  }
0x14: {  	v0 =	vimm.f32 $1.000000000e+00;
	v1 =	vimm.f32 $0.0e+00;
	[dreg:$0x6] =	wrdreg s25;
	s24 =	sadd.s32 $0x12000, s4;
	s25 =	sadd.s32 $0x2600, s1  }
.LBB2_1:
0x15: {  	s1 =	simm.s32 $0x0;
	s5 =	simm.s32 $0x0  }
.LBB2_2:
0x16: {  	p0 =	sne.s32 s5, $0xFFC0  }
.Ltmp0:
0x17: {  	_ = 	snop;
	(pc) =	sbr.rel @p0 .LBB2_2-.Ltmp0, $4  }
0x18: {  	s6 =	sand.u32 $0xFE00, s5  }
0x19: {  	s7 =	sand.u32 $0x70, s1;
	s6 =	sshrl.u32 s6, $0x2  }
0x1a: {  	s6 =	sor.u32 s7, s6  }
0x1b: {  	s1 =	sadd.s32 $0x10, s1;
	s5 =	sadd.s32 $0x40, s5;
	[tilespmem:s6+$0x100] =	vst v0  }
0x1c: {  	s1 =	simm.s32 $0x0  }
0x1d: {  	s5 =	sand.u32 $0x3E00, s1  }
0x1e: {  	s6 =	sand.u32 $0x70, s1;
	s7 =	sshrl.u32 s5, $0x2  }
0x1f: {  	s5 =	simm.s32 $0x40;
	s6 =	sor.u32 s6, s7  }
.LBB2_4:
0x20: {  	p0 =	sne.s32 s5, $0x3FC0  }
0x21: {  	[tilespmem:s6+$0x4100] =	vst v1;
	s1 =	sadd.s32 $0x10, s1;
	s6 =	smov.u32 s5;
	s5 =	sadd.s32 $0x40, s5  }
.Ltmp1:
0x22: {  	(pc) =	sbr.rel @p0 .LBB2_4-.Ltmp1, $4  }
0x23: {  	_ = 	snop  }
0x24: {  	s6 =	sand.u32 $0x3E00, s6  }
0x25: {  	s7 =	sand.u32 $0x70, s1;
	s6 =	sshrl.u32 s6, $0x2  }
0x26: {  	s6 =	sor.u32 s7, s6  }
0x27: {  	[tilespmem:s6+$0x4100] =	vst v1  }
0x28: {  	[spmem:s4] =	stream.linear.scatter [tilespmem:s28], [sflag:$0x1], $0x1000, $0x38;
	[tilespmem:$0x19100] =	vst v63  }
0x29: {  	_ =	swait.ge [sflag:s29], $0x1000  }
0x2a: {  	[sflag:s29] =	ssyncset.done $0x0  }
0x2b: {  	s1 =	rddreg [dreg:$0x5];
	[sflag:s29] =	ssyncadd.s32 $0xFFFFF000  }
0x2c: {  	[spmem:s1] =	stream.linear.scatter [tilespmem:s28], [sflag:$0x1], $0x1000, $0x38;
	[tilespmem:$0x19100] =	vst v63  }
0x2d: {  	_ =	swait.ge [sflag:s29], $0x1000  }
0x2e: {  	[sflag:s29] =	ssyncset.done $0x0  }
0x2f: {  	s6 =	rddreg [dreg:$0x6];
	[sflag:s29] =	ssyncadd.s32 $0xFFFFF000  }
0x30: {  	[spmem:s6] =	stream.linear.scatter [tilespmem:s28], [sflag:$0x1], $0x1000, $0x38;
	[tilespmem:$0x19100] =	vst v63  }
0x31: {  	_ =	swait.ge [sflag:s29], $0x1000  }
0x32: {  	[sflag:s29] =	ssyncset.done $0x0  }
0x33: {  	[sflag:s29] =	ssyncadd.s32 $0xFFFFF000  }
0x34: {  	[spmem:s8] =	stream.linear.scatter [tilespmem:s28], [sflag:$0x1], $0x1000, $0x38;
	[tilespmem:$0x19100] =	vst v63  }
0x35: {  	_ =	swait.ge [sflag:s29], $0x1000  }
0x36: {  	[sflag:s29] =	ssyncset.done $0x0  }
0x37: {  	[sflag:s29] =	ssyncadd.s32 $0xFFFFF000  }
0x38: {  	[spmem:s9] =	stream.linear.scatter [tilespmem:s28], [sflag:$0x1], $0x1000, $0x38;
	[tilespmem:$0x19100] =	vst v63  }
0x39: {  	_ =	swait.ge [sflag:s29], $0x1000  }
0x3a: {  	[sflag:s29] =	ssyncset.done $0x0  }
0x3b: {  	[sflag:s29] =	ssyncadd.s32 $0xFFFFF000  }
0x3c: {  	[spmem:s10] =	stream.linear.scatter [tilespmem:s28], [sflag:$0x1], $0x1000, $0x38;
	[tilespmem:$0x19100] =	vst v63  }
0x3d: {  	_ =	swait.ge [sflag:s29], $0x1000  }
0x3e: {  	[sflag:s29] =	ssyncset.done $0x0  }
0x3f: {  	[sflag:s29] =	ssyncadd.s32 $0xFFFFF000  }
0x40: {  	[spmem:s11] =	stream.linear.scatter [tilespmem:s28], [sflag:$0x1], $0x1000, $0x38;
	[tilespmem:$0x19100] =	vst v63  }
0x41: {  	_ =	swait.ge [sflag:s29], $0x1000  }
0x42: {  	[sflag:s29] =	ssyncset.done $0x0  }
0x43: {  	[sflag:s29] =	ssyncadd.s32 $0xFFFFF000  }
0x44: {  	[spmem:s12] =	stream.linear.scatter [tilespmem:s28], [sflag:$0x1], $0x1000, $0x38;
	[tilespmem:$0x19100] =	vst v63  }
0x45: {  	_ =	swait.ge [sflag:s29], $0x1000  }
0x46: {  	[sflag:s29] =	ssyncset.done $0x0  }
0x47: {  	[sflag:s29] =	ssyncadd.s32 $0xFFFFF000  }
0x48: {  	[spmem:s13] =	stream.linear.scatter [tilespmem:s28], [sflag:$0x1], $0x1000, $0x38;
	[tilespmem:$0x19100] =	vst v63  }
0x49: {  	_ =	swait.ge [sflag:s29], $0x1000  }
0x4a: {  	[sflag:s29] =	ssyncset.done $0x0  }
0x4b: {  	[sflag:s29] =	ssyncadd.s32 $0xFFFFF000  }
0x4c: {  	[spmem:s14] =	stream.linear.scatter [tilespmem:s28], [sflag:$0x1], $0x1000, $0x38;
	[tilespmem:$0x19100] =	vst v63  }
0x4d: {  	_ =	swait.ge [sflag:s29], $0x1000  }
0x4e: {  	[sflag:s29] =	ssyncset.done $0x0  }
0x4f: {  	[sflag:s29] =	ssyncadd.s32 $0xFFFFF000  }
0x50: {  	[spmem:s15] =	stream.linear.scatter [tilespmem:s28], [sflag:$0x1], $0x1000, $0x38;
	[tilespmem:$0x19100] =	vst v63  }
0x51: {  	_ =	swait.ge [sflag:s29], $0x1000  }
0x52: {  	[sflag:s29] =	ssyncset.done $0x0  }
0x53: {  	[sflag:s29] =	ssyncadd.s32 $0xFFFFF000  }
0x54: {  	[spmem:s16] =	stream.linear.scatter [tilespmem:s28], [sflag:$0x1], $0x1000, $0x38;
	[tilespmem:$0x19100] =	vst v63  }
0x55: {  	_ =	swait.ge [sflag:s29], $0x1000  }
0x56: {  	[sflag:s29] =	ssyncset.done $0x0  }
0x57: {  	[sflag:s29] =	ssyncadd.s32 $0xFFFFF000  }
0x58: {  	[spmem:s17] =	stream.linear.scatter [tilespmem:s28], [sflag:$0x1], $0x1000, $0x38;
	[tilespmem:$0x19100] =	vst v63  }
0x59: {  	_ =	swait.ge [sflag:s29], $0x1000  }
0x5a: {  	[sflag:s29] =	ssyncset.done $0x0  }
0x5b: {  	[sflag:s29] =	ssyncadd.s32 $0xFFFFF000  }
0x5c: {  	[spmem:s18] =	stream.linear.scatter [tilespmem:s28], [sflag:$0x1], $0x1000, $0x38;
	[tilespmem:$0x19100] =	vst v63  }
0x5d: {  	_ =	swait.ge [sflag:s29], $0x1000  }
0x5e: {  	[sflag:s29] =	ssyncset.done $0x0  }
0x5f: {  	[sflag:s29] =	ssyncadd.s32 $0xFFFFF000  }
0x60: {  	[spmem:s19] =	stream.linear.scatter [tilespmem:s28], [sflag:$0x1], $0x1000, $0x38;
	[tilespmem:$0x19100] =	vst v63  }
0x61: {  	_ =	swait.ge [sflag:s29], $0x1000  }
0x62: {  	[sflag:s29] =	ssyncset.done $0x0  }
0x63: {  	[sflag:s29] =	ssyncadd.s32 $0xFFFFF000  }
0x64: {  	[spmem:s20] =	stream.linear.scatter [tilespmem:s28], [sflag:$0x1], $0x1000, $0x38;
	[tilespmem:$0x19100] =	vst v63  }
0x65: {  	_ =	swait.ge [sflag:s29], $0x1000  }
0x66: {  	[sflag:s29] =	ssyncset.done $0x0  }
0x67: {  	[sflag:s29] =	ssyncadd.s32 $0xFFFFF000  }
0x68: {  	[spmem:s21] =	stream.linear.scatter [tilespmem:s28], [sflag:$0x1], $0x1000, $0x38;
	[tilespmem:$0x19100] =	vst v63  }
0x69: {  	_ =	swait.ge [sflag:s29], $0x1000  }
0x6a: {  	[sflag:s29] =	ssyncset.done $0x0  }
0x6b: {  	[sflag:s29] =	ssyncadd.s32 $0xFFFFF000  }
0x6c: {  	[spmem:s22] =	stream.linear.scatter [tilespmem:s28], [sflag:$0x1], $0x1000, $0x38;
	[tilespmem:$0x19100] =	vst v63  }
0x6d: {  	_ =	swait.ge [sflag:s29], $0x1000  }
0x6e: {  	[sflag:s29] =	ssyncset.done $0x0  }
0x6f: {  	[sflag:s29] =	ssyncadd.s32 $0xFFFFF000  }
0x70: {  	[spmem:s24] =	stream.linear.scatter [tilespmem:s28], [sflag:$0x1], $0x1000, $0x38;
	[tilespmem:$0x19100] =	vst v63  }
0x71: {  	_ =	swait.ge [sflag:s29], $0x1000  }
0x72: {  	[sflag:s29] =	ssyncset.done $0x0  }
0x73: {  	[sflag:s29] =	ssyncadd.s32 $0xFFFFF000  }
0x74: {  	[spmem:s26] =	stream.linear.scatter [tilespmem:s28], [sflag:$0x1], $0x1000, $0x38;
	[tilespmem:$0x19100] =	vst v63  }
0x75: {  	_ =	swait.ge [sflag:s29], $0x1000  }
0x76: {  	[sflag:s29] =	ssyncset.done $0x0  }
0x77: {  	[sflag:s29] =	ssyncadd.s32 $0xFFFFF000  }
0x78: {  	s7 =	sadd.s32 $0x0, s23;
	[bflag:$0x0] =	sbarrier.arrive $0xFFFF  }
0x79: {  	[tilespmem:s3], [sflag:$0x1] =	stream.linear.gather [hbm4b:s7+s3], $0x80, $0x38;
	[tilespmem:$0x19100] =	vst v63  }
0x7a: {  	_ =	swait.ge [sflag:s29], $0x80  }
0x7b: {  	[sflag:s29] =	ssyncset.done $0x0  }
0x7c: {  	[sflag:s29] =	ssyncadd.s32 $0xFFFFFF80  }
0x7d: {  	[spmem:s2] =	stream.indirect.scatter.add.f32 [tilespmem:s31], [sflag:$0x1], $0x80, s3, s30, $0xb8;
	[tilespmem:$0x19100] =	vst v63  }
0x7e: {  	_ =	swait.ge [sflag:s29], $0x4000  }
0x7f: {  	s5 =	simm.s32 $0x20;
	s1 =	simm.s32 $0x10;
	[sflag:s29] =	ssyncset.done $0x0  }
.LBB2_6:
0x80: {  	s6 =	sadd.s32 s1, s23  }
0x81: {  	[sflag:s29] =	ssyncadd.s32 $0xFFFFC000;
	s1 =	smov.u32 s5;
	s7 =	sadd.s32 $0x10, s5  }
0x82: {  	[tilespmem:s3], [sflag:$0x1] =	stream.linear.gather [hbm4b:s6+s3], $0x80, $0x38;
	[tilespmem:$0x19100] =	vst v63  }
0x83: {  	p0 =	sne.s32 s5, $0x4F0;
	_ =	swait.ge [sflag:s29], $0x80  }
.Ltmp2:
0x84: {  	[sflag:s29] =	ssyncset.done $0x0;
	(pc) =	sbr.rel @p0 .LBB2_6-.Ltmp2, $4  }
0x85: {  	[sflag:s29] =	ssyncadd.s32 $0xFFFFFF80  }
0x86: {  	[spmem:s2] =	stream.indirect.scatter.add.f32 [tilespmem:s31], [sflag:$0x1], $0x80, s3, s30, $0xb8;
	[tilespmem:$0x19100] =	vst v63  }
0x87: {  	_ =	swait.ge [sflag:s29], $0x4000  }
0x88: {  	s5 =	smov.u32 s7;
	[sflag:s29] =	ssyncset.done $0x0  }
0x89: {  	s1 =	sadd.s32 s1, s23;
	[sflag:s29] =	ssyncadd.s32 $0xFFFFC000  }
0x8a: {  	[tilespmem:s3], [sflag:$0x1] =	stream.linear.gather [hbm4b:s1+s3], $0x80, $0x38;
	[tilespmem:$0x19100] =	vst v63  }
0x8b: {  	_ =	swait.ge [sflag:s29], $0x80  }
0x8c: {  	[sflag:s29] =	ssyncset.done $0x0  }
0x8d: {  	[sflag:s29] =	ssyncadd.s32 $0xFFFFFF80  }
0x8e: {  	[spmem:s2] =	stream.indirect.scatter.add.f32 [tilespmem:s31], [sflag:$0x1], $0x80, s3, s30, $0xb8;
	[tilespmem:$0x19100] =	vst v63  }
0x8f: {  	_ =	swait.ge [sflag:s29], $0x4000  }
0x90: {  	s6 =	stileid.u32;
	[sflag:s29] =	ssyncset.done $0x0  }
0x91: {  	s1 =	sshll.u32 s6, $0x6;
	[sflag:s29] =	ssyncadd.s32 $0xFFFFC000  }
0x92: {  	s5 =	sshrl.u32 s4, $0x3;
	s1 =	sor.u32 $0x1C01, s1;
	[bflag:$0x0] =	sbarrier.arrive $0xFFFF  }
0x93: {  	[hbm:s25], [sflag:s1] =	dma.local [spmem:s5], $0x2800  }
0x94: {  	_ =	swait.ge [sflag:s29], $0x2800  }
0x95: {  	s0 =	sadd.s32 $0x1, s0;
	s7 =	rddreg [dreg:$0x4]  }
0x96: {  	p0 =	sne.s32 s0, s7  }
.Ltmp3:
0x97: {  	_ = 	snop;
	(pc) =	sbr.rel @p0 .LBB2_1-.Ltmp3, $3  }
0x98: {  	_ =	sdelay $0x1  }
0x99: {  	[sflag:s29] =	ssyncset.done $0x0  }
0x9a: {  	[sflag:s29] =	ssyncadd.s32 $0xFFFFD800  }
0x9b: {  	_ =	sfence.sel $0x180000  }
0x9c: {  	[bflag:$0x0] =	sbarrier.arrive $0xFFFF  }
0x9d: {  	_ =	strace $0x90000047  }
0x9e: {  	s0 =	stileid.u32;
	[bflag:$0x2] =	sbarrier.arrive $0xFFFF  }
0x9f: {  	p0 =	sne.s32 s0, $0x0;
	s0 =	rddreg [dreg:$0x3]  }
0xa0: {  	s0 =	sadd.s32 @!p0 $0x100000, s0  }
0xa1: {  	[sflag:s0] =	ssyncadd.tile.s32 @!p0 $0x1;
	_ =	shalt  }
.Lfunc_end2:
_tile_overlayer_lowered:
.L_overlay_start_2:
0xa2: {  	(tag) =	ssettag $0x2  }
0xa3: {  	s0 =	rddreg [dreg:$0x0];
	s2 =	stileid.u32  }
0xa4: {  	s1 =	rddreg [dreg:$0x1];
	p0 =	sne.s32 s2, $0x0  }
0xa5: {  	s3 =	rddreg [dreg:$0x2];
	[bflag:$0x3] =	sbarrier.arrive $0xFFFF;
	s2 =	simm.s32 @!p0 $0x1C01  }
0xa6: {  	[timem:s3], [sflag:s2] =	dma.local @!p0 [hbm:s0], s1  }
0xa7: {  	s0 =	simm.s32 @!p0 $0x1  }
0xa8: {  	_ =	swait.ge @!p0 [sflag:s0], s1  }
0xa9: {  	s1 =	ssub.s32 @!p0 $0x0, s1;
	[sflag:s0] =	ssyncset.done @!p0 $0x0  }
0xaa: {  	[sflag:s0] =	ssyncadd.s32 @!p0 s1  }
0xab: {  	[bflag:$0x3] =	sbarrier.arrive $0xFFFF  }
0xac: {  	_ =	shalt  }

// kernel: kernel.14.cloned.1.call-start
scs
__scs_entry_jumppad:
0x0: {  	(pc) =	sbr.rel $0x88, $3  }
0x1: {  	(tag) =	ssettag $0x0;
	lr =	simm.s32 $0x1  }
0x2: {  	[smem:$0x3F97] =	sst lr;
	_ =	strace $0xD0000000  }
0x3: {  	_ = 	snop  }
0x4: {  	_ = 	snop  }
0x5: {  	_ = 	snop  }
0x6: {  	_ = 	snop  }
0x7: {  	_ = 	snop  }
__scs_overlays_trampoline_lowered:
0x8: {  	[smem:$0x3FA6] =	sst s0  }
0x9: {  	[smem:$0x3FA7] =	sst s1  }
0xa: {  	[smem:$0x3FA8] =	sst s2  }
0xb: {  	[smem:$0x3FA9] =	sst s3  }
0xc: {  	[smem:$0x3FAA] =	sst s4  }
0xd: {  	[smem:$0x3FAB] =	sst s5  }
0xe: {  	[smem:$0x3FAC] =	sst s6  }
0xf: {  	[smem:$0x3FAD] =	sst s7  }
0x10: {  	[smem:$0x3FAE] =	sst s8  }
0x11: {  	[smem:$0x3FAF] =	sst s9;
	s0 =	simm.s32 @!p0 $0x0  }
0x12: {  	s1 =	sld [smem:$0x3F95];
	s0 =	simm.s32 @p0 $0x1  }
0x13: {  	[smem:$0x3FB0] =	sst s0;
	s0 =	simm.s32 @!p1 $0x0  }
0x14: {  	s2 =	sld [smem:$0x3F94];
	s0 =	simm.s32 @p1 $0x1  }
0x15: {  	[smem:$0x3FB1] =	sst s0;
	s0 =	simm.s32 @!p2 $0x0  }
0x16: {  	s3 =	sld [smem:$0x3FDB];
	s0 =	simm.s32 @p2 $0x1  }
0x17: {  	s4 =	simm.s32 $0x1BF5;
	[smem:$0x3FB3] =	sst s0  }
0x18: {  	s0 =	sld [smem:$0x3F96];
	_ =	swait.ge [sflag:s4], $0x0  }
0x19: {  	s7 =	sld [smem:$0x3F97]  }
0x1a: {  	s8 =	sadd.s32 $0xFFFFE003, lr  }
0x1b: {  	s9 =	sadd.s32 $0xFFFFFEF7, lr;
	s5 =	simm.s32 $0xFFFFFFFF;
	p2 =	slt.u32 s8, $0xFFFFF086  }
0x1c: {  	p1 =	slt.u32 s9, $0xF7A;
	s5 =	simm.s32 @!p2 $0x0  }
0x1d: {  	s5 =	simm.s32 @p1 $0x1;
	p0 =	seq.s32 s7, s2  }
0x1e: {  	s7 =	smul.u32 @!p0 $0xF7A, s2;
	p2 =	seq.s32 @!p0 s5, $0x0  }
0x1f: {  	s9 =	smul.u32 $0xF7A, s1;
	s8 =	simm.s32 @!p0 $0x1BF5;
	p2 =	por !p2, p0  }
0x20: {  	[sflag:s8] =	ssyncset.s32 @!p0 $0xFFFFF086;
	s6 =	sadd.s32 @!p0 s3, s7;
	s7 =	simm.s32 @!p0 $0x108  }
0x21: {  	s3 =	sadd.s32 s3, s9;
	s6 =	sadd.s32 @!p0 $0x88, s6;
	s7 =	simm.s32 @p2 $0x1082  }
0x22: {  	[simem:s7], [sflag:s8] =	dma.local @!p0 [hbm:s6], $0xF7A  }
0x23: {  	s9 =	sor.u32 $0xD0000000, s2;
	s6 =	simm.s32 $0x108;
	_ =	swait.ge @!p0 [sflag:s8], $0x0  }
0x24: {  	s3 =	sadd.s32 $0x88, s3;
	s6 =	simm.s32 @!p1 $0x1082;
	[sflag:s4] =	ssyncset.s32 $0xFFFFF086  }
0x25: {  	[simem:s6], [sflag:s4] =	dma.local [hbm:s3], $0xF7A  }
0x26: {  	[smem:$0x3F97] =	sst s1;
	(tag) =	ssettag s2;
	_ =	strace s9  }
0x27: {  	s1 =	sld [smem:$0x3FA7]  }
0x28: {  	s2 =	sld [smem:$0x3FA8]  }
0x29: {  	s4 =	sld [smem:$0x3FAA]  }
0x2a: {  	p0 =	seq.s32 s5, $0x0;
	s5 =	sld [smem:$0x3FAB]  }
0x2b: {  	s6 =	sld [smem:$0x3FAC]  }
0x2c: {  	s7 =	sld [smem:$0x3FAD]  }
0x2d: {  	s3 =	simm.s32 $0x108;
	s8 =	sld [smem:$0x3FAE]  }
0x2e: {  	s3 =	simm.s32 @!p0 $0x1082;
	s9 =	sld [smem:$0x3FAF]  }
0x2f: {  	lr =	sadd.s32 s0, s3;
	s0 =	sld [smem:$0x3FA6]  }
0x30: {  	s3 =	sld [smem:$0x3FA9]  }
0x31: {  	[smem:$0x3FB2] =	sst s10  }
0x32: {  	s10 =	sld [smem:$0x3FB0];
	_ =	sdelay $0x3  }
0x33: {  	p0 =	seq.s32 s10, $0x1;
	s10 =	sld [smem:$0x3FB2];
	_ =	sdelay $0x3  }
0x34: {  	[smem:$0x3FB2] =	sst s10  }
0x35: {  	s10 =	sld [smem:$0x3FB1];
	_ =	sdelay $0x3  }
0x36: {  	p1 =	seq.s32 s10, $0x1;
	s10 =	sld [smem:$0x3FB2];
	_ =	sdelay $0x3  }
0x37: {  	[smem:$0x3FB2] =	sst s10  }
0x38: {  	s10 =	sld [smem:$0x3FB3]  }
0x39: {  	_ = 	snop;
	(pc) =	sbr.ind lr, $3  }
0x3a: {  	_ = 	snop  }
0x3b: {  	_ = 	snop  }
0x3c: {  	p2 =	seq.s32 s10, $0x1;
	s10 =	sld [smem:$0x3FB2]  }
0x3d: {  	_ =	shalt  }
0x3e: {  	_ =	shalt  }
0x3f: {  	_ =	shalt  }
0x40: {  	_ =	shalt  }
0x41: {  	_ =	shalt  }
0x42: {  	_ =	shalt  }
0x43: {  	_ =	shalt  }
0x44: {  	_ =	shalt  }
0x45: {  	_ =	shalt  }
0x46: {  	_ =	shalt  }
0x47: {  	_ =	shalt  }
0x48: {  	_ =	shalt  }
0x49: {  	_ =	shalt  }
0x4a: {  	_ =	shalt  }
0x4b: {  	_ =	shalt  }
0x4c: {  	_ =	shalt  }
0x4d: {  	_ =	shalt  }
0x4e: {  	_ =	shalt  }
0x4f: {  	_ =	shalt  }
0x50: {  	_ =	shalt  }
0x51: {  	_ =	shalt  }
0x52: {  	_ =	shalt  }
0x53: {  	_ =	shalt  }
0x54: {  	_ =	shalt  }
0x55: {  	_ =	shalt  }
0x56: {  	_ =	shalt  }
0x57: {  	_ =	shalt  }
0x58: {  	_ =	shalt  }
0x59: {  	_ =	shalt  }
0x5a: {  	_ =	shalt  }
0x5b: {  	_ =	shalt  }
0x5c: {  	_ =	shalt  }
0x5d: {  	_ =	shalt  }
0x5e: {  	_ =	shalt  }
0x5f: {  	_ =	shalt  }
0x60: {  	_ =	shalt  }
0x61: {  	_ =	shalt  }
0x62: {  	_ =	shalt  }
0x63: {  	_ =	shalt  }
0x64: {  	_ =	shalt  }
0x65: {  	_ =	shalt  }
0x66: {  	_ =	shalt  }
0x67: {  	_ =	shalt  }
0x68: {  	_ =	shalt  }
0x69: {  	_ =	shalt  }
0x6a: {  	_ =	shalt  }
0x6b: {  	_ =	shalt  }
0x6c: {  	_ =	shalt  }
0x6d: {  	_ =	shalt  }
0x6e: {  	_ =	shalt  }
0x6f: {  	_ =	shalt  }
0x70: {  	_ =	shalt  }
0x71: {  	_ =	shalt  }
0x72: {  	_ =	shalt  }
0x73: {  	_ =	shalt  }
0x74: {  	_ =	shalt  }
0x75: {  	_ =	shalt  }
0x76: {  	_ =	shalt  }
0x77: {  	_ =	shalt  }
0x78: {  	_ =	shalt  }
0x79: {  	_ =	shalt  }
0x7a: {  	_ =	shalt  }
0x7b: {  	_ =	shalt  }
0x7c: {  	_ =	shalt  }
0x7d: {  	_ =	shalt  }
0x7e: {  	_ =	shalt  }
0x7f: {  	_ =	shalt  }
0x80: {  	_ =	shalt  }
0x81: {  	_ =	shalt  }
0x82: {  	_ =	shalt  }
0x83: {  	_ =	shalt  }
0x84: {  	_ =	shalt  }
0x85: {  	_ =	shalt  }
0x86: {  	_ =	shalt  }
0x87: {  	_ =	shalt  }
.Lfunc_end0:
.L_simem_size_0:
called_computation.1_lowered:
.L_overlay_start_0:
0x88: {  	s2 =	sld [smem:$0x3FD9]  }
0x89: {  	s3 =	sld [smem:$0x3FFE];
	_ =	sdelay $0x1  }
0x8a: {  	s1 =	srdreg.scid  }
0x8b: {  	s0 =	sand.u32 $0x1, s1  }
0x8c: {  	s14 =	sshll.u32 s0, $0xA;
	s2 =	sadd.s32 s3, s2  }
0x8d: {  	s2 =	sadd.s32 s2, s14  }
0x8e: {  	[smem:$0x3FBE] =	sst s2  }
0x8f: {  	_ = 	snop  }
0x90: {  	s2 =	sld [smem:$0x3FD0];
	_ =	sdelay $0x2  }
0x91: {  	s15 =	simm.s32 $0xA;
	s4 =	simm.s32 $0x10  }
0x92: {  	[smem:s4], [sflag:s15] =	dma.local [hbm:s2], $0x1  }
0x93: {  	_ =	swait.eq [sflag:s15], $0x1  }
0x94: {  	[sflag:s15] =	ssyncset.done $0x0  }
0x95: {  	[sflag:s15] =	ssyncadd.s32 $0xFFFFFFFF  }
0x96: {  	s16 =	sld [smem:$0x11];
	(tm) =	ssettm $0x1  }
0x97: {  	s17 =	sld [smem:$0x3FFB];
	_ =	sdelay $0x3  }
0x98: {  	_ =	strace s17  }
0x99: {  	s3 =	sld [smem:$0x3FFC];
	_ =	sdelay $0x3  }
0x9a: {  	_ =	strace s3  }
0x9b: {  	s3 =	sld [smem:$0x3FFD];
	_ =	sdelay $0x3  }
0x9c: {  	_ =	strace s3  }
0x9d: {  	_ =	strace $0x8FFFFFFF  }
0x9e: {  	s18 =	sld [smem:$0x3FDB];
	_ =	sdelay $0x1  }
0x9f: {  	s19 =	simm.s32 $_scs_section_size  }
0xa0: {  	s5 =	simm.s32 $_size__tile_overlayer_lowered;
	s6 =	simm.s32 $_tile_overlayer_lowered  }
0xa1: {  	s22 =	simm.s32 $0x1BFF;
	s21 =	sshll.u32 s6, $0x1;
	s3 =	sadd.s32 s19, s18  }
0xa2: {  	s7 =	simm.s32 $0x0;
	s20 =	sshll.u32 s5, $0x1;
	s5 =	sadd.s32 s21, s3  }
0xa3: {  	[timem:s7], [sflag:s22] =	dma.local [hbm:s5], s20  }
0xa4: {  	_ =	swait.ge [sflag:s22], s20  }
0xa5: {  	s4 =	ssub.s32 $0x0, s20;
	[sflag:s22] =	ssyncset.done $0x0  }
0xa6: {  	[sflag:s22] =	ssyncadd.s32 s4;
	_ =	sdelay $0x1  }
0xa7: {  	s23 =	simm.s32 $0x1B8B  }
0xa8: {  	_ =	swait.ge [sflag:s23], $0x1  }
0xa9: {  	[sflag:s23] =	ssyncset.done $0x0  }
0xaa: {  	s25 =	simm.s32 $0x1B8E;
	s24 =	sld [smem:$0x3FFE];
	[sflag:s23] =	ssyncadd.s32 $0xFFFFFFFF  }
0xab: {  	s26 =	simm.s32 $execute0_lowered;
	[smem:$0x3FD2] =	sst s25  }
0xac: {  	s5 =	sshll.u32 s26, $0x1;
	_ =	strace $0x80000049;
	[dreg:$0x1] =	wrdreg $0xFFFFFFFF  }
0xad: {  	s28 =	simm.s32 $_size_execute0_lowered;
	s3 =	sadd.s32 s3, s5;
	[dreg:$0x0] =	wrdreg $0x0  }
0xae: {  	s5 =	sshll.u32 s28, $0x1;
	[dreg:$0x2] =	wrdreg s3  }
0xaf: {  	[dreg:$0x3] =	wrdreg s5  }
0xb0: {  	[dreg:$0x4] =	wrdreg $0xC0  }
0xb1: {  	_ =	task [dreg:s7], $0x5FFFF  }
0xb2: {  	[dreg:$0x1] =	wrdreg $0xFFFFFFFF  }
0xb3: {  	[dreg:$0x0] =	wrdreg $0x60  }
0xb4: {  	[dreg:$0x2] =	wrdreg s24  }
0xb5: {  	[dreg:$0x3] =	wrdreg s16  }
0xb6: {  	[dreg:$0x4] =	wrdreg $0x93000  }
0xb7: {  	[dreg:$0x5] =	wrdreg $0x9  }
0xb8: {  	_ =	task.clear_ibuf [dreg:s7], $0x6FFFF;
	_ =	strace $0x90000049  }
0xb9: {  	s29 =	simm.s32 $0x9;
	_ =	strace $0x8000004B  }
0xba: {  	_ =	swait.ge [sflag:s29], $0x1  }
0xbb: {  	[sflag:s29] =	ssyncadd.s32 $0xFFFFFFFF  }
0xbc: {  	_ =	strace $0x9000004B  }
0xbd: {  	_ =	sfence  }
0xbe: {  	s30 =	sld [smem:$0x0];
	_ =	sdelay $0x2  }
0xbf: {  	s31 =	sshll.u32 s1, $0xD;
	s1 =	sshrl.u32 s1, $0x2  }
0xc0: {  	s3 =	sand.u32 $0x4000, s31;
	s1 =	sadd.s32 s1, s30  }
0xc1: {  	s0 =	sor.u32 s3, s0;
	s1 =	sshll.u32 s1, $0x11  }
0xc2: {  	s0 =	sor.u32 s1, s0  }
0xc3: {  	s0 =	sadd.s32 $0x8F2B, s0  }
0xc4: {  	[sflag:s0] =	ssyncadd.remote.s32 $0x1  }
0xc5: {  	_ =	sfence.sel $0xFFFF  }
0xc6: {  	[dreg:$0x0] =	wrdreg $0xFFFFFFFF;
	(pc) =	sbr.abs _section_cstart, $3  }
0xc7: {  	[dreg:$0x1] =	wrdreg $0xFFFFFFFF  }
0xc8: {  	_ =	task.clear_ibuf [dreg:s7], $0x2FFFF;
	_ =	strace $0x9FFFFFFF  }
0xc9: {  	(tm) =	ssettm $0x7FFFFFFF  }
tec
execute0_lowered:
.L_overlay_start_1:
0x0: {  	(tag) =	ssettag $0x1  }
0x1: {  	s0 =	rddreg [dreg:$0x0]  }
0x2: {  	s1 =	rddreg [dreg:$0x1];
	s11 =	stileid.u32  }
0x3: {  	s2 =	rddreg [dreg:$0x2];
	s5 =	smul.u32 $0x14000, s11  }
0x4: {  	s3 =	simm.s32 $0x0;
	s6 =	srdreg.scid;
	s7 =	smul.u32 $0x2800, s11  }
0x5: {  	[smem:$0x7FF] =	sst s3;
	s4 =	sadd.s32 $0x66600, s0;
	s8 =	smul.u32 $0x5000, s11  }
0x6: {  	s6 =	sand.u32 $0x1, s6;
	s9 =	sadd.s32 $0x5C600, s0;
	s26 =	smul.u32 $0x50000, s11  }
0x7: {  	s10 =	sadd.s32 $0x52600, s0;
	s25 =	smul.u32 $0xA00, s11;
	s11 =	simm.s32 $0x3  }
0x8: {  	_ =	strace $0x8000004A;
	p0 =	seq.s32 s6, $0x0;
	s12 =	ssub.s32 $0x2, s6  }
0x9: {  	s5 =	sshrl.u32 s5, $0x3;
	s6 =	sshrl.u32 s12, $0x1;
	s8 =	sshrl.u32 s8, $0x3  }
0xa: {  	s10 =	smov.u32 @p0 s9;
	s9 =	simm.s32 $0x80;
	s5 =	sadd.s32 $0x28000, s5  }
0xb: {  	s6 =	ssub.s32 s12, s6;
	s13 =	sor.u32 $0x10, s8;
	s12 =	sadd.s32 s1, s8  }
0xc: {  	s8 =	sadd.s32 s10, s8;
	s5 =	smov.u32 @p0 s7;
	[dreg:$0x4] =	wrdreg s12  }
0xd: {  	s7 =	sshrl.u32 s26, $0x2;
	s14 =	sadd.s32 s1, s13;
	[dreg:$0x12] =	wrdreg s8  }
0xe: {  	s6 =	smax.u32 s6, $0x1;
	s0 =	sadd.s32 s5, s0;
	[dreg:$0x5] =	wrdreg s14  }
0xf: {  	s5 =	sadd.s32 s7, s2;
	[dreg:$0x6] =	wrdreg s6;
	s7 =	sadd.s32 s10, s13  }
0x10: {  	s1 =	sadd.s32 s25, s1;
	s15 =	sadd.s32 $0x1000, s5;
	[dreg:$0x13] =	wrdreg s7  }
0x11: {  	s8 =	simm.s32 $0x1;
	s16 =	sadd.s32 $0x2000, s5;
	[dreg:$0x7] =	wrdreg s15  }
0x12: {  	s12 =	simm.s32 $0x0;
	s17 =	sadd.s32 $0x3000, s5;
	[dreg:$0x8] =	wrdreg s16  }
0x13: {  	s6 =	sadd.s32 s25, s10;
	s18 =	sadd.s32 $0x4000, s5;
	[dreg:$0x9] =	wrdreg s17  }
0x14: {  	s10 =	simm.s32 $0x2;
	s19 =	sadd.s32 $0x5000, s5;
	[dreg:$0xa] =	wrdreg s18  }
0x15: {  	s20 =	sadd.s32 $0x6000, s5;
	s21 =	sadd.s32 $0x7000, s5;
	[dreg:$0xb] =	wrdreg s19  }
0x16: {  	s22 =	sadd.s32 $0x8000, s5;
	s23 =	sadd.s32 $0x9000, s5;
	[dreg:$0xc] =	wrdreg s20  }
0x17: {  	s24 =	sadd.s32 $0xA000, s5;
	s26 =	sadd.s32 $0xB000, s5;
	[dreg:$0xd] =	wrdreg s21  }
0x18: {  	s14 =	sadd.s32 $0x20, s6;
	s28 =	sadd.s32 $0xE000, s5;
	[dreg:$0xe] =	wrdreg s22  }
.Ltmp0:
0x19: {  	s29 =	sadd.s32 $0xF000, s5;
	[dreg:$0xf] =	wrdreg s23;
	(pc) =	sbr.rel .LBB2_1-.Ltmp0, $4  }
0x1a: {  	s30 =	sadd.s32 $0x10000, s5;
	s31 =	sadd.s32 $0x11000, s5;
	[dreg:$0x10] =	wrdreg s24  }
0x1b: {  	s6 =	simm.s32 $0x8300;
	s7 =	simm.s32 $0x4;
	[dreg:$0x11] =	wrdreg s26  }
0x1c: {  	s22 =	sadd.s32 $0xC000, s5;
	s23 =	sadd.s32 $0xB6600, s0;
	s15 =	sadd.s32 $0x20, s1  }
0x1d: {  	v0 =	vimm.f32 $0.0e+00;
	s26 =	sadd.s32 $0xD000, s5;
	s0 =	sadd.s32 $0x12000, s5;
	s1 =	sadd.s32 $0x13000, s5  }
.LBB2_5:
0x1e: {  	s13 =	sshll.u32 s17, $0x7  }
0x1f: {  	s16 =	simm.s32 $0x4300;
	s13 =	sadd.s32 $0x180, s13  }
0x20: {  	[spmem:s2] =	stream.indirect.scatter.add.f32 [tilespmem:s16], [sflag:$0x3], $0x80, s13, s9, $0xb8;
	[tilespmem:$0x1D300] =	vst v63  }
.LBB2_7:
0x21: {  	_ =	swait.ge [sflag:s11], $0x4000  }
0x22: {  	s13 =	stileid.u32;
	[sflag:s11] =	ssyncset.done $0x0  }
0x23: {  	s13 =	sshll.u32 s13, $0x6;
	[sflag:s11] =	ssyncadd.s32 $0xFFFFC000  }
0x24: {  	s16 =	sshrl.u32 s5, $0x3;
	s13 =	sor.u32 $0x1C04, s13;
	[bflag:$0x0] =	sbarrier.arrive $0xFFFF  }
0x25: {  	[hbm:s23], [sflag:s13] =	dma.local [spmem:s16], $0x2800  }
0x26: {  	_ =	swait.ge [sflag:s7], $0x2800  }
0x27: {  	s12 =	sadd.s32 $0x1, s12;
	s25 =	rddreg [dreg:$0x6]  }
0x28: {  	p0 =	sne.s32 s12, s25  }
.Ltmp1:
0x29: {  	_ = 	snop;
	(pc) =	sbr.rel @!p0 .LBB2_8-.Ltmp1, $3  }
0x2a: {  	_ =	sdelay $0x1  }
0x2b: {  	[sflag:s7] =	ssyncset.done $0x0  }
0x2c: {  	[sflag:s7] =	ssyncadd.s32 $0xFFFFD800  }
.LBB2_1:
0x2d: {  	s13 =	sand.u32 $0x3E00, s3  }
0x2e: {  	s16 =	sand.u32 $0x70, s3;
	s17 =	sshrl.u32 s13, $0x2  }
0x2f: {  	s13 =	simm.s32 $0x40;
	s17 =	sor.u32 s16, s17;
	s16 =	simm.s32 $0x0  }
.LBB2_2:
0x30: {  	p0 =	sne.s32 s13, $0x3FC0  }
0x31: {  	[tilespmem:s17+$0x8300] =	vst v0;
	s16 =	sadd.s32 $0x10, s16;
	s17 =	smov.u32 s13;
	s13 =	sadd.s32 $0x40, s13  }
.Ltmp2:
0x32: {  	(pc) =	sbr.rel @p0 .LBB2_2-.Ltmp2, $4  }
0x33: {  	_ = 	snop  }
0x34: {  	s17 =	sand.u32 $0x3E00, s17  }
0x35: {  	s24 =	sand.u32 $0x70, s16;
	s17 =	sshrl.u32 s17, $0x2  }
0x36: {  	s17 =	sor.u32 s24, s17  }
0x37: {  	[tilespmem:s17+$0x8300] =	vst v0  }
0x38: {  	[spmem:s5] =	stream.linear.scatter [tilespmem:s6], [sflag:$0x4], $0x1000, $0x38;
	[tilespmem:$0x1D300] =	vst v63  }
0x39: {  	_ =	swait.ge [sflag:s7], $0x1000  }
0x3a: {  	[sflag:s7] =	ssyncset.done $0x0  }
0x3b: {  	s13 =	rddreg [dreg:$0x7];
	[sflag:s7] =	ssyncadd.s32 $0xFFFFF000  }
0x3c: {  	[spmem:s13] =	stream.linear.scatter [tilespmem:s6], [sflag:$0x4], $0x1000, $0x38;
	[tilespmem:$0x1D300] =	vst v63  }
0x3d: {  	_ =	swait.ge [sflag:s7], $0x1000  }
0x3e: {  	[sflag:s7] =	ssyncset.done $0x0  }
0x3f: {  	s16 =	rddreg [dreg:$0x8];
	[sflag:s7] =	ssyncadd.s32 $0xFFFFF000  }
0x40: {  	[spmem:s16] =	stream.linear.scatter [tilespmem:s6], [sflag:$0x4], $0x1000, $0x38;
	[tilespmem:$0x1D300] =	vst v63  }
0x41: {  	_ =	swait.ge [sflag:s7], $0x1000  }
0x42: {  	[sflag:s7] =	ssyncset.done $0x0  }
0x43: {  	s17 =	rddreg [dreg:$0x9];
	[sflag:s7] =	ssyncadd.s32 $0xFFFFF000  }
0x44: {  	[spmem:s17] =	stream.linear.scatter [tilespmem:s6], [sflag:$0x4], $0x1000, $0x38;
	[tilespmem:$0x1D300] =	vst v63  }
0x45: {  	_ =	swait.ge [sflag:s7], $0x1000  }
0x46: {  	[sflag:s7] =	ssyncset.done $0x0  }
0x47: {  	s18 =	rddreg [dreg:$0xa];
	[sflag:s7] =	ssyncadd.s32 $0xFFFFF000  }
0x48: {  	[spmem:s18] =	stream.linear.scatter [tilespmem:s6], [sflag:$0x4], $0x1000, $0x38;
	[tilespmem:$0x1D300] =	vst v63  }
0x49: {  	_ =	swait.ge [sflag:s7], $0x1000  }
0x4a: {  	[sflag:s7] =	ssyncset.done $0x0  }
0x4b: {  	s19 =	rddreg [dreg:$0xb];
	[sflag:s7] =	ssyncadd.s32 $0xFFFFF000  }
0x4c: {  	[spmem:s19] =	stream.linear.scatter [tilespmem:s6], [sflag:$0x4], $0x1000, $0x38;
	[tilespmem:$0x1D300] =	vst v63  }
0x4d: {  	_ =	swait.ge [sflag:s7], $0x1000  }
0x4e: {  	[sflag:s7] =	ssyncset.done $0x0  }
0x4f: {  	s20 =	rddreg [dreg:$0xc];
	[sflag:s7] =	ssyncadd.s32 $0xFFFFF000  }
0x50: {  	[spmem:s20] =	stream.linear.scatter [tilespmem:s6], [sflag:$0x4], $0x1000, $0x38;
	[tilespmem:$0x1D300] =	vst v63  }
0x51: {  	_ =	swait.ge [sflag:s7], $0x1000  }
0x52: {  	[sflag:s7] =	ssyncset.done $0x0  }
0x53: {  	s21 =	rddreg [dreg:$0xd];
	[sflag:s7] =	ssyncadd.s32 $0xFFFFF000  }
0x54: {  	[spmem:s21] =	stream.linear.scatter [tilespmem:s6], [sflag:$0x4], $0x1000, $0x38;
	[tilespmem:$0x1D300] =	vst v63  }
0x55: {  	_ =	swait.ge [sflag:s7], $0x1000  }
0x56: {  	[sflag:s7] =	ssyncset.done $0x0  }
0x57: {  	s24 =	rddreg [dreg:$0xe];
	[sflag:s7] =	ssyncadd.s32 $0xFFFFF000  }
0x58: {  	[spmem:s24] =	stream.linear.scatter [tilespmem:s6], [sflag:$0x4], $0x1000, $0x38;
	[tilespmem:$0x1D300] =	vst v63  }
0x59: {  	_ =	swait.ge [sflag:s7], $0x1000  }
0x5a: {  	[sflag:s7] =	ssyncset.done $0x0  }
0x5b: {  	s25 =	rddreg [dreg:$0xf];
	[sflag:s7] =	ssyncadd.s32 $0xFFFFF000  }
0x5c: {  	[spmem:s25] =	stream.linear.scatter [tilespmem:s6], [sflag:$0x4], $0x1000, $0x38;
	[tilespmem:$0x1D300] =	vst v63  }
0x5d: {  	_ =	swait.ge [sflag:s7], $0x1000  }
0x5e: {  	[sflag:s7] =	ssyncset.done $0x0  }
0x5f: {  	s16 =	rddreg [dreg:$0x10];
	[sflag:s7] =	ssyncadd.s32 $0xFFFFF000  }
0x60: {  	[spmem:s16] =	stream.linear.scatter [tilespmem:s6], [sflag:$0x4], $0x1000, $0x38;
	[tilespmem:$0x1D300] =	vst v63  }
0x61: {  	_ =	swait.ge [sflag:s7], $0x1000  }
0x62: {  	[sflag:s7] =	ssyncset.done $0x0  }
0x63: {  	s17 =	rddreg [dreg:$0x11];
	[sflag:s7] =	ssyncadd.s32 $0xFFFFF000  }
0x64: {  	[spmem:s17] =	stream.linear.scatter [tilespmem:s6], [sflag:$0x4], $0x1000, $0x38;
	[tilespmem:$0x1D300] =	vst v63  }
0x65: {  	_ =	swait.ge [sflag:s7], $0x1000  }
0x66: {  	[sflag:s7] =	ssyncset.done $0x0  }
0x67: {  	[sflag:s7] =	ssyncadd.s32 $0xFFFFF000  }
0x68: {  	[spmem:s22] =	stream.linear.scatter [tilespmem:s6], [sflag:$0x4], $0x1000, $0x38;
	[tilespmem:$0x1D300] =	vst v63  }
0x69: {  	_ =	swait.ge [sflag:s7], $0x1000  }
0x6a: {  	[sflag:s7] =	ssyncset.done $0x0  }
0x6b: {  	[sflag:s7] =	ssyncadd.s32 $0xFFFFF000  }
0x6c: {  	[spmem:s26] =	stream.linear.scatter [tilespmem:s6], [sflag:$0x4], $0x1000, $0x38;
	[tilespmem:$0x1D300] =	vst v63  }
0x6d: {  	_ =	swait.ge [sflag:s7], $0x1000  }
0x6e: {  	[sflag:s7] =	ssyncset.done $0x0  }
0x6f: {  	[sflag:s7] =	ssyncadd.s32 $0xFFFFF000  }
0x70: {  	[spmem:s28] =	stream.linear.scatter [tilespmem:s6], [sflag:$0x4], $0x1000, $0x38;
	[tilespmem:$0x1D300] =	vst v63  }
0x71: {  	_ =	swait.ge [sflag:s7], $0x1000  }
0x72: {  	[sflag:s7] =	ssyncset.done $0x0  }
0x73: {  	[sflag:s7] =	ssyncadd.s32 $0xFFFFF000  }
0x74: {  	[spmem:s29] =	stream.linear.scatter [tilespmem:s6], [sflag:$0x4], $0x1000, $0x38;
	[tilespmem:$0x1D300] =	vst v63  }
0x75: {  	_ =	swait.ge [sflag:s7], $0x1000  }
0x76: {  	[sflag:s7] =	ssyncset.done $0x0  }
0x77: {  	[sflag:s7] =	ssyncadd.s32 $0xFFFFF000  }
0x78: {  	[spmem:s30] =	stream.linear.scatter [tilespmem:s6], [sflag:$0x4], $0x1000, $0x38;
	[tilespmem:$0x1D300] =	vst v63  }
0x79: {  	_ =	swait.ge [sflag:s7], $0x1000  }
0x7a: {  	[sflag:s7] =	ssyncset.done $0x0  }
0x7b: {  	[sflag:s7] =	ssyncadd.s32 $0xFFFFF000  }
0x7c: {  	[spmem:s31] =	stream.linear.scatter [tilespmem:s6], [sflag:$0x4], $0x1000, $0x38;
	[tilespmem:$0x1D300] =	vst v63  }
0x7d: {  	_ =	swait.ge [sflag:s7], $0x1000  }
0x7e: {  	[sflag:s7] =	ssyncset.done $0x0  }
0x7f: {  	[sflag:s7] =	ssyncadd.s32 $0xFFFFF000  }
0x80: {  	[spmem:s0] =	stream.linear.scatter [tilespmem:s6], [sflag:$0x4], $0x1000, $0x38;
	[tilespmem:$0x1D300] =	vst v63  }
0x81: {  	_ =	swait.ge [sflag:s7], $0x1000  }
0x82: {  	[sflag:s7] =	ssyncset.done $0x0  }
0x83: {  	[sflag:s7] =	ssyncadd.s32 $0xFFFFF000  }
0x84: {  	[spmem:s1] =	stream.linear.scatter [tilespmem:s6], [sflag:$0x4], $0x1000, $0x38;
	[tilespmem:$0x1D300] =	vst v63  }
0x85: {  	_ =	swait.ge [sflag:s7], $0x1000  }
0x86: {  	[sflag:s7] =	ssyncset.done $0x0  }
0x87: {  	[sflag:s7] =	ssyncadd.s32 $0xFFFFF000  }
0x88: {  	[bflag:$0x0] =	sbarrier.arrive $0xFFFF  }
0x89: {  	s18 =	rddreg [dreg:$0x12]  }
0x8a: {  	[tilespmem:s3], [sflag:$0x1] =	stream.linear.gather [hbm4b:s18+s3], $0x80, $0x38;
	[tilespmem:$0x1D300] =	vst v63  }
0x8b: {  	s16 =	simm.s32 $0x180;
	s19 =	rddreg [dreg:$0x4]  }
0x8c: {  	[tilespmem:s16], [sflag:$0x1] =	stream.linear.gather [hbm4b:s19+s3], $0x80, $0x38;
	[tilespmem:$0x1D300] =	vst v63  }
0x8d: {  	_ =	swait.ge [sflag:s8], $0x80  }
0x8e: {  	[sflag:s8] =	ssyncset.done $0x0  }
0x8f: {  	[sflag:s8] =	ssyncadd.s32 $0xFFFFFF80  }
0x90: {  	_ =	swait.ge [sflag:s8], $0x80  }
0x91: {  	[sflag:s8] =	ssyncset.done $0x0  }
0x92: {  	s20 =	simm.s32 $0x300;
	[sflag:s8] =	ssyncadd.s32 $0xFFFFFF80  }
0x93: {  	[tilespmem:s20], [sflag:$0x2] =	stream.indirect.gather [hbm4b:s4+s9], $0x80, s3, s9, $0xb8;
	[tilespmem:$0x1D300] =	vst v63  }
0x94: {  	s21 =	rddreg [dreg:$0x13]  }
0x95: {  	[tilespmem:s9], [sflag:$0x1] =	stream.linear.gather [hbm4b:s21+s3], $0x80, $0x38;
	[tilespmem:$0x1D300] =	vst v63  }
0x96: {  	s25 =	simm.s32 $0x200;
	s24 =	rddreg [dreg:$0x5]  }
0x97: {  	[tilespmem:s25], [sflag:$0x1] =	stream.linear.gather [hbm4b:s24+s3], $0x80, $0x38;
	[tilespmem:$0x1D300] =	vst v63  }
0x98: {  	s13 =	simm.s32 $0x2;
	s25 =	smov.u32 s14;
	s24 =	smov.u32 s15  }
.LBB2_4:
0x99: {  	s16 =	sadd.s32 $0xFFFFFFFE, s13  }
0x9a: {  	p0 =	seq.s32 s13, $0x2;
	s17 =	smul.u32 $0xAB, s16  }
0x9b: {  	p1 =	sne.s32 @!p0 s13, $0xA1  }
0x9c: {  	_ =	swait.ge [sflag:s10], $0x4000;
	p1 =	por p0, p1;
	s17 =	sshrl.u32 s17, $0x9  }
.Ltmp3:
0x9d: {  	[sflag:s10] =	ssyncset.done $0x0;
	s17 =	sand.u32 $0x7F, s17;
	(pc) =	sbr.rel @!p1 .LBB2_5-.Ltmp3, $4  }
0x9e: {  	s18 =	simm.s32 @!p0 $0x3;
	[sflag:s10] =	ssyncadd.s32 $0xFFFFC000;
	s17 =	smul.u32 $0x3, s17  }
0x9f: {  	_ =	swait.ge @!p0 [sflag:s18], $0x4000  }
0xa0: {  	[sflag:s18] =	ssyncset.done @!p0 $0x0;
	s17 =	ssub.s32 s16, s17  }
0xa1: {  	[sflag:s18] =	ssyncadd.s32 @!p0 $0xFFFFC000;
	s17 =	sand.u32 $0xFF, s17  }
0xa2: {  	s18 =	sadd.s32 $0xFFFFFFFF, s13  }
0xa3: {  	s19 =	sand.u32 $0xFF, s18  }
0xa4: {  	_ =	swait.ge [sflag:s8], $0x80;
	s19 =	smul.u32 $0xAB, s19  }
0xa5: {  	s20 =	sand.u32 $0xFF, s13;
	[sflag:s8] =	ssyncset.done $0x0  }
0xa6: {  	s20 =	smul.u32 $0xAB, s20;
	[sflag:s8] =	ssyncadd.s32 $0xFFFFFF80;
	s19 =	sshrl.u32 s19, $0x9  }
0xa7: {  	_ =	swait.ge [sflag:s8], $0x80;
	s19 =	smul.u32 $0x3, s19  }
0xa8: {  	s21 =	sand.u32 $0x1, s16;
	s17 =	sshll.u32 s17, $0x7;
	[sflag:s8] =	ssyncset.done $0x0  }
0xa9: {  	s18 =	ssub.s32 s18, s19;
	s19 =	sshrl.u32 s20, $0x9;
	s20 =	sshll.u32 s21, $0xE  }
0xaa: {  	[sflag:s8] =	ssyncadd.s32 $0xFFFFFF80;
	s18 =	sand.u32 $0xFF, s18;
	s21 =	sxor.u32 $0x4000, s20  }
0xab: {  	s19 =	smul.u32 $0x3, s19;
	s21 =	sor.u32 $0x300, s21;
	s18 =	sshll.u32 s18, $0x7  }
0xac: {  	[tilespmem:s21], [sflag:$0x2] =	stream.indirect.gather [hbm4b:s4+s9], $0x80, s18, s9, $0xb8;
	[tilespmem:$0x1D300] =	vst v63  }
0xad: {  	s17 =	sadd.s32 $0x180, s17;
	s18 =	ssub.s32 s13, s19;
	s21 =	sor.u32 $0x300, s20  }
0xae: {  	[spmem:s2] =	stream.indirect.scatter.add.f32 [tilespmem:s21], [sflag:$0x3], $0x80, s17, s9, $0xb8;
	[tilespmem:$0x1D300] =	vst v63  }
0xaf: {  	p0 =	sgt.u32 s16, $0x9D;
	s17 =	sand.u32 $0xFF, s18  }
0xb0: {  	s16 =	sshll.u32 @!p0 s17, $0x7;
	s17 =	simm.s32 @!p0 $0x0  }
0xb1: {  	[tilespmem:s16], [sflag:$0x1] =	stream.linear.gather @!p0 [hbm4b:s25+s17], $0x80, $0x38;
	[tilespmem:$0x1D300] =	vst v63  }
0xb2: {  	s13 =	sadd.s32 $0x1, s13;
	s16 =	sadd.s32 @!p0 $0x180, s16  }
0xb3: {  	[tilespmem:s16], [sflag:$0x1] =	stream.linear.gather @!p0 [hbm4b:s24+s17], $0x80, $0x38;
	[tilespmem:$0x1D300] =	vst v63  }
0xb4: {  	p0 =	sne.s32 s13, $0xA2  }
.Ltmp4:
0xb5: {  	_ = 	snop;
	(pc) =	sbr.rel @p0 .LBB2_4-.Ltmp4, $4  }
.Ltmp5:
0xb6: {  	_ = 	snop;
	(pc) =	sbr.rel @!p0 .LBB2_7-.Ltmp5, $4  }
0xb7: {  	_ = 	snop  }
0xb8: {  	_ = 	snop  }
0xb9: {  	s25 =	sadd.s32 $0x10, s25;
	s24 =	sadd.s32 $0x10, s24  }
0xba: {  	_ = 	snop  }
.LBB2_8:
0xbb: {  	_ =	sfence.sel $0x180000  }
0xbc: {  	[bflag:$0x0] =	sbarrier.arrive $0xFFFF  }
0xbd: {  	_ =	strace $0x9000004A  }
0xbe: {  	s0 =	stileid.u32;
	[bflag:$0x2] =	sbarrier.arrive $0xFFFF  }
0xbf: {  	p0 =	sne.s32 s0, $0x0;
	s0 =	rddreg [dreg:$0x3]  }
0xc0: {  	s0 =	sadd.s32 @!p0 $0x100000, s0  }
0xc1: {  	[sflag:s0] =	ssyncadd.tile.s32 @!p0 $0x1;
	_ =	shalt  }
.Lfunc_end2:
_tile_overlayer_lowered:
.L_overlay_start_2:
0xc2: {  	(tag) =	ssettag $0x2  }
0xc3: {  	s0 =	rddreg [dreg:$0x0];
	s2 =	stileid.u32  }
0xc4: {  	s1 =	rddreg [dreg:$0x1];
	p0 =	sne.s32 s2, $0x0  }
0xc5: {  	s3 =	rddreg [dreg:$0x2];
	[bflag:$0x3] =	sbarrier.arrive $0xFFFF;
	s2 =	simm.s32 @!p0 $0x1C04  }
0xc6: {  	[timem:s3], [sflag:s2] =	dma.local @!p0 [hbm:s0], s1  }
0xc7: {  	s0 =	simm.s32 @!p0 $0x4  }
0xc8: {  	_ =	swait.ge @!p0 [sflag:s0], s1  }
0xc9: {  	s1 =	ssub.s32 @!p0 $0x0, s1;
	[sflag:s0] =	ssyncset.done @!p0 $0x0  }
0xca: {  	[sflag:s0] =	ssyncadd.s32 @!p0 s1  }
0xcb: {  	[bflag:$0x3] =	sbarrier.arrive $0xFFFF  }
0xcc: {  	_ =	shalt  }

// kernel: kernel.17.cloned.1.call-start
scs
__scs_entry_jumppad:
0x0: {  	(pc) =	sbr.rel $0x88, $3  }
0x1: {  	(tag) =	ssettag $0x0;
	lr =	simm.s32 $0x1  }
0x2: {  	[smem:$0x3F97] =	sst lr;
	_ =	strace $0xD0000000  }
0x3: {  	_ = 	snop  }
0x4: {  	_ = 	snop  }
0x5: {  	_ = 	snop  }
0x6: {  	_ = 	snop  }
0x7: {  	_ = 	snop  }
__scs_overlays_trampoline_lowered:
0x8: {  	[smem:$0x3FA6] =	sst s0  }
0x9: {  	[smem:$0x3FA7] =	sst s1  }
0xa: {  	[smem:$0x3FA8] =	sst s2  }
0xb: {  	[smem:$0x3FA9] =	sst s3  }
0xc: {  	[smem:$0x3FAA] =	sst s4  }
0xd: {  	[smem:$0x3FAB] =	sst s5  }
0xe: {  	[smem:$0x3FAC] =	sst s6  }
0xf: {  	[smem:$0x3FAD] =	sst s7  }
0x10: {  	[smem:$0x3FAE] =	sst s8  }
0x11: {  	[smem:$0x3FAF] =	sst s9;
	s0 =	simm.s32 @!p0 $0x0  }
0x12: {  	s1 =	sld [smem:$0x3F95];
	s0 =	simm.s32 @p0 $0x1  }
0x13: {  	[smem:$0x3FB0] =	sst s0;
	s0 =	simm.s32 @!p1 $0x0  }
0x14: {  	s2 =	sld [smem:$0x3F94];
	s0 =	simm.s32 @p1 $0x1  }
0x15: {  	[smem:$0x3FB1] =	sst s0;
	s0 =	simm.s32 @!p2 $0x0  }
0x16: {  	s3 =	sld [smem:$0x3FDB];
	s0 =	simm.s32 @p2 $0x1  }
0x17: {  	s4 =	simm.s32 $0x1BF5;
	[smem:$0x3FB3] =	sst s0  }
0x18: {  	s0 =	sld [smem:$0x3F96];
	_ =	swait.ge [sflag:s4], $0x0  }
0x19: {  	s7 =	sld [smem:$0x3F97]  }
0x1a: {  	s8 =	sadd.s32 $0xFFFFE003, lr  }
0x1b: {  	s9 =	sadd.s32 $0xFFFFFEF7, lr;
	s5 =	simm.s32 $0xFFFFFFFF;
	p2 =	slt.u32 s8, $0xFFFFF086  }
0x1c: {  	p1 =	slt.u32 s9, $0xF7A;
	s5 =	simm.s32 @!p2 $0x0  }
0x1d: {  	s5 =	simm.s32 @p1 $0x1;
	p0 =	seq.s32 s7, s2  }
0x1e: {  	s7 =	smul.u32 @!p0 $0xF7A, s2;
	p2 =	seq.s32 @!p0 s5, $0x0  }
0x1f: {  	s9 =	smul.u32 $0xF7A, s1;
	s8 =	simm.s32 @!p0 $0x1BF5;
	p2 =	por !p2, p0  }
0x20: {  	[sflag:s8] =	ssyncset.s32 @!p0 $0xFFFFF086;
	s6 =	sadd.s32 @!p0 s3, s7;
	s7 =	simm.s32 @!p0 $0x108  }
0x21: {  	s3 =	sadd.s32 s3, s9;
	s6 =	sadd.s32 @!p0 $0x88, s6;
	s7 =	simm.s32 @p2 $0x1082  }
0x22: {  	[simem:s7], [sflag:s8] =	dma.local @!p0 [hbm:s6], $0xF7A  }
0x23: {  	s9 =	sor.u32 $0xD0000000, s2;
	s6 =	simm.s32 $0x108;
	_ =	swait.ge @!p0 [sflag:s8], $0x0  }
0x24: {  	s3 =	sadd.s32 $0x88, s3;
	s6 =	simm.s32 @!p1 $0x1082;
	[sflag:s4] =	ssyncset.s32 $0xFFFFF086  }
0x25: {  	[simem:s6], [sflag:s4] =	dma.local [hbm:s3], $0xF7A  }
0x26: {  	[smem:$0x3F97] =	sst s1;
	(tag) =	ssettag s2;
	_ =	strace s9  }
0x27: {  	s1 =	sld [smem:$0x3FA7]  }
0x28: {  	s2 =	sld [smem:$0x3FA8]  }
0x29: {  	s4 =	sld [smem:$0x3FAA]  }
0x2a: {  	p0 =	seq.s32 s5, $0x0;
	s5 =	sld [smem:$0x3FAB]  }
0x2b: {  	s6 =	sld [smem:$0x3FAC]  }
0x2c: {  	s7 =	sld [smem:$0x3FAD]  }
0x2d: {  	s3 =	simm.s32 $0x108;
	s8 =	sld [smem:$0x3FAE]  }
0x2e: {  	s3 =	simm.s32 @!p0 $0x1082;
	s9 =	sld [smem:$0x3FAF]  }
0x2f: {  	lr =	sadd.s32 s0, s3;
	s0 =	sld [smem:$0x3FA6]  }
0x30: {  	s3 =	sld [smem:$0x3FA9]  }
0x31: {  	[smem:$0x3FB2] =	sst s10  }
0x32: {  	s10 =	sld [smem:$0x3FB0];
	_ =	sdelay $0x3  }
0x33: {  	p0 =	seq.s32 s10, $0x1;
	s10 =	sld [smem:$0x3FB2];
	_ =	sdelay $0x3  }
0x34: {  	[smem:$0x3FB2] =	sst s10  }
0x35: {  	s10 =	sld [smem:$0x3FB1];
	_ =	sdelay $0x3  }
0x36: {  	p1 =	seq.s32 s10, $0x1;
	s10 =	sld [smem:$0x3FB2];
	_ =	sdelay $0x3  }
0x37: {  	[smem:$0x3FB2] =	sst s10  }
0x38: {  	s10 =	sld [smem:$0x3FB3]  }
0x39: {  	_ = 	snop;
	(pc) =	sbr.ind lr, $3  }
0x3a: {  	_ = 	snop  }
0x3b: {  	_ = 	snop  }
0x3c: {  	p2 =	seq.s32 s10, $0x1;
	s10 =	sld [smem:$0x3FB2]  }
0x3d: {  	_ =	shalt  }
0x3e: {  	_ =	shalt  }
0x3f: {  	_ =	shalt  }
0x40: {  	_ =	shalt  }
0x41: {  	_ =	shalt  }
0x42: {  	_ =	shalt  }
0x43: {  	_ =	shalt  }
0x44: {  	_ =	shalt  }
0x45: {  	_ =	shalt  }
0x46: {  	_ =	shalt  }
0x47: {  	_ =	shalt  }
0x48: {  	_ =	shalt  }
0x49: {  	_ =	shalt  }
0x4a: {  	_ =	shalt  }
0x4b: {  	_ =	shalt  }
0x4c: {  	_ =	shalt  }
0x4d: {  	_ =	shalt  }
0x4e: {  	_ =	shalt  }
0x4f: {  	_ =	shalt  }
0x50: {  	_ =	shalt  }
0x51: {  	_ =	shalt  }
0x52: {  	_ =	shalt  }
0x53: {  	_ =	shalt  }
0x54: {  	_ =	shalt  }
0x55: {  	_ =	shalt  }
0x56: {  	_ =	shalt  }
0x57: {  	_ =	shalt  }
0x58: {  	_ =	shalt  }
0x59: {  	_ =	shalt  }
0x5a: {  	_ =	shalt  }
0x5b: {  	_ =	shalt  }
0x5c: {  	_ =	shalt  }
0x5d: {  	_ =	shalt  }
0x5e: {  	_ =	shalt  }
0x5f: {  	_ =	shalt  }
0x60: {  	_ =	shalt  }
0x61: {  	_ =	shalt  }
0x62: {  	_ =	shalt  }
0x63: {  	_ =	shalt  }
0x64: {  	_ =	shalt  }
0x65: {  	_ =	shalt  }
0x66: {  	_ =	shalt  }
0x67: {  	_ =	shalt  }
0x68: {  	_ =	shalt  }
0x69: {  	_ =	shalt  }
0x6a: {  	_ =	shalt  }
0x6b: {  	_ =	shalt  }
0x6c: {  	_ =	shalt  }
0x6d: {  	_ =	shalt  }
0x6e: {  	_ =	shalt  }
0x6f: {  	_ =	shalt  }
0x70: {  	_ =	shalt  }
0x71: {  	_ =	shalt  }
0x72: {  	_ =	shalt  }
0x73: {  	_ =	shalt  }
0x74: {  	_ =	shalt  }
0x75: {  	_ =	shalt  }
0x76: {  	_ =	shalt  }
0x77: {  	_ =	shalt  }
0x78: {  	_ =	shalt  }
0x79: {  	_ =	shalt  }
0x7a: {  	_ =	shalt  }
0x7b: {  	_ =	shalt  }
0x7c: {  	_ =	shalt  }
0x7d: {  	_ =	shalt  }
0x7e: {  	_ =	shalt  }
0x7f: {  	_ =	shalt  }
0x80: {  	_ =	shalt  }
0x81: {  	_ =	shalt  }
0x82: {  	_ =	shalt  }
0x83: {  	_ =	shalt  }
0x84: {  	_ =	shalt  }
0x85: {  	_ =	shalt  }
0x86: {  	_ =	shalt  }
0x87: {  	_ =	shalt  }
.Lfunc_end0:
.L_simem_size_0:
called_computation.2_lowered:
.L_overlay_start_0:
0x88: {  	s2 =	sld [smem:$0x3FD9]  }
0x89: {  	s3 =	sld [smem:$0x3FFE];
	_ =	sdelay $0x1  }
0x8a: {  	s1 =	srdreg.scid  }
0x8b: {  	s0 =	sand.u32 $0x1, s1  }
0x8c: {  	s14 =	sshll.u32 s0, $0xA;
	s2 =	sadd.s32 s3, s2  }
0x8d: {  	s2 =	sadd.s32 s2, s14  }
0x8e: {  	[smem:$0x3FBE] =	sst s2  }
0x8f: {  	_ = 	snop  }
0x90: {  	s2 =	sld [smem:$0x3FD0];
	_ =	sdelay $0x2  }
0x91: {  	s15 =	simm.s32 $0xA;
	s4 =	simm.s32 $0x10  }
0x92: {  	[smem:s4], [sflag:s15] =	dma.local [hbm:s2], $0x1  }
0x93: {  	_ =	swait.eq [sflag:s15], $0x1  }
0x94: {  	[sflag:s15] =	ssyncset.done $0x0  }
0x95: {  	[sflag:s15] =	ssyncadd.s32 $0xFFFFFFFF  }
0x96: {  	s16 =	sld [smem:$0x11];
	(tm) =	ssettm $0x1  }
0x97: {  	s17 =	sld [smem:$0x3FFB];
	_ =	sdelay $0x3  }
0x98: {  	_ =	strace s17  }
0x99: {  	s3 =	sld [smem:$0x3FFC];
	_ =	sdelay $0x3  }
0x9a: {  	_ =	strace s3  }
0x9b: {  	s3 =	sld [smem:$0x3FFD];
	_ =	sdelay $0x3  }
0x9c: {  	_ =	strace s3  }
0x9d: {  	_ =	strace $0x8FFFFFFF  }
0x9e: {  	s18 =	sld [smem:$0x3FDB];
	_ =	sdelay $0x1  }
0x9f: {  	s19 =	simm.s32 $_scs_section_size  }
0xa0: {  	s5 =	simm.s32 $_size__tile_overlayer_lowered;
	s6 =	simm.s32 $_tile_overlayer_lowered  }
0xa1: {  	s22 =	simm.s32 $0x1BFF;
	s21 =	sshll.u32 s6, $0x1;
	s3 =	sadd.s32 s19, s18  }
0xa2: {  	s7 =	simm.s32 $0x0;
	s20 =	sshll.u32 s5, $0x1;
	s5 =	sadd.s32 s21, s3  }
0xa3: {  	[timem:s7], [sflag:s22] =	dma.local [hbm:s5], s20  }
0xa4: {  	_ =	swait.ge [sflag:s22], s20  }
0xa5: {  	s4 =	ssub.s32 $0x0, s20;
	[sflag:s22] =	ssyncset.done $0x0  }
0xa6: {  	[sflag:s22] =	ssyncadd.s32 s4;
	_ =	sdelay $0x1  }
0xa7: {  	s23 =	simm.s32 $0x1B8B  }
0xa8: {  	_ =	swait.ge [sflag:s23], $0x1  }
0xa9: {  	[sflag:s23] =	ssyncset.done $0x0  }
0xaa: {  	s25 =	simm.s32 $0x1B8E;
	s24 =	sld [smem:$0x3FFE];
	[sflag:s23] =	ssyncadd.s32 $0xFFFFFFFF  }
0xab: {  	s26 =	simm.s32 $execute0_lowered;
	[smem:$0x3FD2] =	sst s25  }
0xac: {  	s5 =	sshll.u32 s26, $0x1;
	_ =	strace $0x8000004C;
	[dreg:$0x1] =	wrdreg $0xFFFFFFFF  }
0xad: {  	s28 =	simm.s32 $_size_execute0_lowered;
	s3 =	sadd.s32 s3, s5;
	[dreg:$0x0] =	wrdreg $0x0  }
0xae: {  	s5 =	sshll.u32 s28, $0x1;
	[dreg:$0x2] =	wrdreg s3  }
0xaf: {  	[dreg:$0x3] =	wrdreg s5  }
0xb0: {  	[dreg:$0x4] =	wrdreg $0xC0  }
0xb1: {  	_ =	task [dreg:s7], $0x5FFFF  }
0xb2: {  	[dreg:$0x1] =	wrdreg $0xFFFFFFFF  }
0xb3: {  	[dreg:$0x0] =	wrdreg $0x60  }
0xb4: {  	[dreg:$0x2] =	wrdreg s24  }
0xb5: {  	[dreg:$0x3] =	wrdreg s16  }
0xb6: {  	[dreg:$0x4] =	wrdreg $0x93000  }
0xb7: {  	[dreg:$0x5] =	wrdreg $0x9  }
0xb8: {  	_ =	task.clear_ibuf [dreg:s7], $0x6FFFF;
	_ =	strace $0x9000004C  }
0xb9: {  	s29 =	simm.s32 $0x9;
	_ =	strace $0x8000004E  }
0xba: {  	_ =	swait.ge [sflag:s29], $0x1  }
0xbb: {  	[sflag:s29] =	ssyncadd.s32 $0xFFFFFFFF  }
0xbc: {  	_ =	strace $0x9000004E  }
0xbd: {  	_ =	sfence  }
0xbe: {  	s30 =	sld [smem:$0x0];
	_ =	sdelay $0x2  }
0xbf: {  	s31 =	sshll.u32 s1, $0xD;
	s1 =	sshrl.u32 s1, $0x2  }
0xc0: {  	s3 =	sand.u32 $0x4000, s31;
	s1 =	sadd.s32 s1, s30  }
0xc1: {  	s0 =	sor.u32 s3, s0;
	s1 =	sshll.u32 s1, $0x11  }
0xc2: {  	s0 =	sor.u32 s1, s0  }
0xc3: {  	s0 =	sadd.s32 $0x8F2B, s0  }
0xc4: {  	[sflag:s0] =	ssyncadd.remote.s32 $0x1  }
0xc5: {  	_ =	sfence.sel $0xFFFF  }
0xc6: {  	[dreg:$0x0] =	wrdreg $0xFFFFFFFF;
	(pc) =	sbr.abs _section_cstart, $3  }
0xc7: {  	[dreg:$0x1] =	wrdreg $0xFFFFFFFF  }
0xc8: {  	_ =	task.clear_ibuf [dreg:s7], $0x2FFFF;
	_ =	strace $0x9FFFFFFF  }
0xc9: {  	(tm) =	ssettm $0x7FFFFFFF  }
tec
execute0_lowered:
.L_overlay_start_1:
0x0: {  	(tag) =	ssettag $0x1  }
0x1: {  	s0 =	rddreg [dreg:$0x0]  }
0x2: {  	s1 =	rddreg [dreg:$0x1]  }
0x3: {  	s2 =	rddreg [dreg:$0x2];
	s11 =	stileid.u32  }
0x4: {  	s3 =	simm.s32 $0x0;
	s7 =	srdreg.scid;
	s5 =	smul.u32 $0x14000, s11  }
0x5: {  	[smem:$0x7FF] =	sst s3;
	s8 =	smul.u32 $0x2800, s11  }
0x6: {  	s4 =	sadd.s32 $0x66600, s0;
	s6 =	sadd.s32 $0x5C600, s0;
	s9 =	smul.u32 $0x5000, s11  }
0x7: {  	s7 =	sand.u32 $0x1, s7;
	s10 =	sadd.s32 $0x52600, s0;
	s22 =	smul.u32 $0x50000, s11  }
0x8: {  	_ =	strace $0x8000004D;
	p0 =	seq.s32 s7, $0x0;
	s23 =	ssub.s32 $0x2, s7  }
0x9: {  	s7 =	sshll.u32 s7, $0x7;
	s5 =	sshrl.u32 s5, $0x3;
	s24 =	sshrl.u32 s23, $0x1  }
0xa: {  	s7 =	sor.u32 s7, s9;
	s9 =	sshrl.u32 s9, $0x3;
	s5 =	sadd.s32 $0x28000, s5  }
0xb: {  	s11 =	ssub.s32 s23, s24;
	s25 =	sshrl.u32 s7, $0x3;
	s9 =	sadd.s32 s6, s9  }
0xc: {  	s7 =	sor.u32 $0x200, s7;
	s5 =	smov.u32 @p0 s8;
	s8 =	sshrl.u32 s22, $0x2  }
0xd: {  	s12 =	sor.u32 $0x20, s25;
	s11 =	smax.u32 s11, $0x1;
	s0 =	sadd.s32 s5, s0  }
0xe: {  	s5 =	sadd.s32 s8, s2;
	s8 =	sadd.s32 s1, s25;
	[dreg:$0x7] =	wrdreg s11  }
0xf: {  	s13 =	sadd.s32 s10, s25;
	s26 =	sadd.s32 s1, s12;
	[dreg:$0x5] =	wrdreg s8  }
0x10: {  	s10 =	smov.u32 @p0 s6;
	s13 =	smov.u32 @p0 s9;
	[dreg:$0x6] =	wrdreg s26  }
0x11: {  	s24 =	sshrl.u32 s7, $0x3;
	s14 =	sadd.s32 $0x1000, s5;
	[dreg:$0x4] =	wrdreg s13  }
0x12: {  	s7 =	simm.s32 $0x8300;
	s15 =	sadd.s32 $0x2000, s5;
	[dreg:$0x8] =	wrdreg s14  }
0x13: {  	s9 =	simm.s32 $0x1;
	s16 =	sadd.s32 $0x3000, s5;
	[dreg:$0x9] =	wrdreg s15  }
0x14: {  	s11 =	simm.s32 $0x2;
	s17 =	sadd.s32 $0x4000, s5;
	[dreg:$0xa] =	wrdreg s16  }
0x15: {  	s18 =	sadd.s32 $0x5000, s5;
	s19 =	sadd.s32 $0x6000, s5;
	[dreg:$0xb] =	wrdreg s17  }
0x16: {  	s20 =	sadd.s32 $0x7000, s5;
	s21 =	sadd.s32 $0x8000, s5;
	[dreg:$0xc] =	wrdreg s18  }
0x17: {  	s22 =	sadd.s32 $0x9000, s5;
	s23 =	sadd.s32 $0xA000, s5;
	[dreg:$0xd] =	wrdreg s19  }
0x18: {  	s25 =	sadd.s32 $0xB000, s5;
	s26 =	sadd.s32 s10, s12;
	[dreg:$0xe] =	wrdreg s20  }
0x19: {  	s28 =	sadd.s32 $0xE000, s5;
	s29 =	sadd.s32 $0xF000, s5;
	[dreg:$0xf] =	wrdreg s21  }
0x1a: {  	s30 =	sadd.s32 $0x10000, s5;
	s31 =	sadd.s32 $0x11000, s5;
	[dreg:$0x10] =	wrdreg s22  }
.Ltmp0:
0x1b: {  	s8 =	simm.s32 $0x4;
	[dreg:$0x11] =	wrdreg s23;
	(pc) =	sbr.rel .LBB2_1-.Ltmp0, $4  }
0x1c: {  	s12 =	simm.s32 $0x3;
	s13 =	simm.s32 $0x0;
	[dreg:$0x12] =	wrdreg s25  }
0x1d: {  	[dreg:$0x13] =	wrdreg s26;
	s16 =	sadd.s32 s24, s1;
	s15 =	sadd.s32 s24, s10  }
0x1e: {  	s24 =	sadd.s32 $0xC000, s5;
	s25 =	sadd.s32 $0xB6600, s0;
	s26 =	sadd.s32 $0xD000, s5  }
0x1f: {  	v0 =	vimm.f32 $0.0e+00;
	s0 =	sadd.s32 $0x12000, s5;
	s1 =	sadd.s32 $0x13000, s5;
	s10 =	simm.s32 $0x80  }
.LBB2_5:
0x20: {  	s6 =	sshll.u32 s6, $0x7  }
0x21: {  	s14 =	simm.s32 $0x4300;
	s6 =	sadd.s32 $0x180, s6  }
0x22: {  	[spmem:s2] =	stream.indirect.scatter.add.f32 [tilespmem:s14], [sflag:$0x3], $0x80, s6, s10, $0xb8;
	[tilespmem:$0x1D300] =	vst v63  }
.LBB2_7:
0x23: {  	_ =	swait.ge [sflag:s12], $0x4000  }
0x24: {  	s6 =	stileid.u32;
	[sflag:s12] =	ssyncset.done $0x0  }
0x25: {  	s6 =	sshll.u32 s6, $0x6;
	[sflag:s12] =	ssyncadd.s32 $0xFFFFC000  }
0x26: {  	s14 =	sshrl.u32 s5, $0x3;
	s6 =	sor.u32 $0x1C04, s6;
	[bflag:$0x0] =	sbarrier.arrive $0xFFFF  }
0x27: {  	[hbm:s25], [sflag:s6] =	dma.local [spmem:s14], $0x2800  }
0x28: {  	_ =	swait.ge [sflag:s8], $0x2800  }
0x29: {  	s13 =	sadd.s32 $0x1, s13;
	s23 =	rddreg [dreg:$0x7]  }
0x2a: {  	p0 =	sne.s32 s13, s23  }
.Ltmp1:
0x2b: {  	_ = 	snop;
	(pc) =	sbr.rel @!p0 .LBB2_8-.Ltmp1, $3  }
0x2c: {  	_ =	sdelay $0x1  }
0x2d: {  	[sflag:s8] =	ssyncset.done $0x0  }
0x2e: {  	[sflag:s8] =	ssyncadd.s32 $0xFFFFD800  }
.LBB2_1:
0x2f: {  	s6 =	sand.u32 $0x3E00, s3  }
0x30: {  	s14 =	sand.u32 $0x70, s3;
	s17 =	sshrl.u32 s6, $0x2  }
0x31: {  	s6 =	simm.s32 $0x40;
	s17 =	sor.u32 s14, s17;
	s14 =	simm.s32 $0x0  }
.LBB2_2:
0x32: {  	p0 =	sne.s32 s6, $0x3FC0  }
0x33: {  	[tilespmem:s17+$0x8300] =	vst v0;
	s14 =	sadd.s32 $0x10, s14;
	s17 =	smov.u32 s6;
	s6 =	sadd.s32 $0x40, s6  }
.Ltmp2:
0x34: {  	(pc) =	sbr.rel @p0 .LBB2_2-.Ltmp2, $4  }
0x35: {  	_ = 	snop  }
0x36: {  	s17 =	sand.u32 $0x3E00, s17  }
0x37: {  	s18 =	sand.u32 $0x70, s14;
	s17 =	sshrl.u32 s17, $0x2  }
0x38: {  	s17 =	sor.u32 s18, s17  }
0x39: {  	[tilespmem:s17+$0x8300] =	vst v0  }
0x3a: {  	[spmem:s5] =	stream.linear.scatter [tilespmem:s7], [sflag:$0x4], $0x1000, $0x38;
	[tilespmem:$0x1D300] =	vst v63  }
0x3b: {  	_ =	swait.ge [sflag:s8], $0x1000  }
0x3c: {  	[sflag:s8] =	ssyncset.done $0x0  }
0x3d: {  	s6 =	rddreg [dreg:$0x8];
	[sflag:s8] =	ssyncadd.s32 $0xFFFFF000  }
0x3e: {  	[spmem:s6] =	stream.linear.scatter [tilespmem:s7], [sflag:$0x4], $0x1000, $0x38;
	[tilespmem:$0x1D300] =	vst v63  }
0x3f: {  	_ =	swait.ge [sflag:s8], $0x1000  }
0x40: {  	[sflag:s8] =	ssyncset.done $0x0  }
0x41: {  	s14 =	rddreg [dreg:$0x9];
	[sflag:s8] =	ssyncadd.s32 $0xFFFFF000  }
0x42: {  	[spmem:s14] =	stream.linear.scatter [tilespmem:s7], [sflag:$0x4], $0x1000, $0x38;
	[tilespmem:$0x1D300] =	vst v63  }
0x43: {  	_ =	swait.ge [sflag:s8], $0x1000  }
0x44: {  	[sflag:s8] =	ssyncset.done $0x0  }
0x45: {  	s17 =	rddreg [dreg:$0xa];
	[sflag:s8] =	ssyncadd.s32 $0xFFFFF000  }
0x46: {  	[spmem:s17] =	stream.linear.scatter [tilespmem:s7], [sflag:$0x4], $0x1000, $0x38;
	[tilespmem:$0x1D300] =	vst v63  }
0x47: {  	_ =	swait.ge [sflag:s8], $0x1000  }
0x48: {  	[sflag:s8] =	ssyncset.done $0x0  }
0x49: {  	s18 =	rddreg [dreg:$0xb];
	[sflag:s8] =	ssyncadd.s32 $0xFFFFF000  }
0x4a: {  	[spmem:s18] =	stream.linear.scatter [tilespmem:s7], [sflag:$0x4], $0x1000, $0x38;
	[tilespmem:$0x1D300] =	vst v63  }
0x4b: {  	_ =	swait.ge [sflag:s8], $0x1000  }
0x4c: {  	[sflag:s8] =	ssyncset.done $0x0  }
0x4d: {  	s19 =	rddreg [dreg:$0xc];
	[sflag:s8] =	ssyncadd.s32 $0xFFFFF000  }
0x4e: {  	[spmem:s19] =	stream.linear.scatter [tilespmem:s7], [sflag:$0x4], $0x1000, $0x38;
	[tilespmem:$0x1D300] =	vst v63  }
0x4f: {  	_ =	swait.ge [sflag:s8], $0x1000  }
0x50: {  	[sflag:s8] =	ssyncset.done $0x0  }
0x51: {  	s20 =	rddreg [dreg:$0xd];
	[sflag:s8] =	ssyncadd.s32 $0xFFFFF000  }
0x52: {  	[spmem:s20] =	stream.linear.scatter [tilespmem:s7], [sflag:$0x4], $0x1000, $0x38;
	[tilespmem:$0x1D300] =	vst v63  }
0x53: {  	_ =	swait.ge [sflag:s8], $0x1000  }
0x54: {  	[sflag:s8] =	ssyncset.done $0x0  }
0x55: {  	s21 =	rddreg [dreg:$0xe];
	[sflag:s8] =	ssyncadd.s32 $0xFFFFF000  }
0x56: {  	[spmem:s21] =	stream.linear.scatter [tilespmem:s7], [sflag:$0x4], $0x1000, $0x38;
	[tilespmem:$0x1D300] =	vst v63  }
0x57: {  	_ =	swait.ge [sflag:s8], $0x1000  }
0x58: {  	[sflag:s8] =	ssyncset.done $0x0  }
0x59: {  	s22 =	rddreg [dreg:$0xf];
	[sflag:s8] =	ssyncadd.s32 $0xFFFFF000  }
0x5a: {  	[spmem:s22] =	stream.linear.scatter [tilespmem:s7], [sflag:$0x4], $0x1000, $0x38;
	[tilespmem:$0x1D300] =	vst v63  }
0x5b: {  	_ =	swait.ge [sflag:s8], $0x1000  }
0x5c: {  	[sflag:s8] =	ssyncset.done $0x0  }
0x5d: {  	s23 =	rddreg [dreg:$0x10];
	[sflag:s8] =	ssyncadd.s32 $0xFFFFF000  }
0x5e: {  	[spmem:s23] =	stream.linear.scatter [tilespmem:s7], [sflag:$0x4], $0x1000, $0x38;
	[tilespmem:$0x1D300] =	vst v63  }
0x5f: {  	_ =	swait.ge [sflag:s8], $0x1000  }
0x60: {  	[sflag:s8] =	ssyncset.done $0x0  }
0x61: {  	s14 =	rddreg [dreg:$0x11];
	[sflag:s8] =	ssyncadd.s32 $0xFFFFF000  }
0x62: {  	[spmem:s14] =	stream.linear.scatter [tilespmem:s7], [sflag:$0x4], $0x1000, $0x38;
	[tilespmem:$0x1D300] =	vst v63  }
0x63: {  	_ =	swait.ge [sflag:s8], $0x1000  }
0x64: {  	[sflag:s8] =	ssyncset.done $0x0  }
0x65: {  	s17 =	rddreg [dreg:$0x12];
	[sflag:s8] =	ssyncadd.s32 $0xFFFFF000  }
0x66: {  	[spmem:s17] =	stream.linear.scatter [tilespmem:s7], [sflag:$0x4], $0x1000, $0x38;
	[tilespmem:$0x1D300] =	vst v63  }
0x67: {  	_ =	swait.ge [sflag:s8], $0x1000  }
0x68: {  	[sflag:s8] =	ssyncset.done $0x0  }
0x69: {  	[sflag:s8] =	ssyncadd.s32 $0xFFFFF000  }
0x6a: {  	[spmem:s24] =	stream.linear.scatter [tilespmem:s7], [sflag:$0x4], $0x1000, $0x38;
	[tilespmem:$0x1D300] =	vst v63  }
0x6b: {  	_ =	swait.ge [sflag:s8], $0x1000  }
0x6c: {  	[sflag:s8] =	ssyncset.done $0x0  }
0x6d: {  	[sflag:s8] =	ssyncadd.s32 $0xFFFFF000  }
0x6e: {  	[spmem:s26] =	stream.linear.scatter [tilespmem:s7], [sflag:$0x4], $0x1000, $0x38;
	[tilespmem:$0x1D300] =	vst v63  }
0x6f: {  	_ =	swait.ge [sflag:s8], $0x1000  }
0x70: {  	[sflag:s8] =	ssyncset.done $0x0  }
0x71: {  	[sflag:s8] =	ssyncadd.s32 $0xFFFFF000  }
0x72: {  	[spmem:s28] =	stream.linear.scatter [tilespmem:s7], [sflag:$0x4], $0x1000, $0x38;
	[tilespmem:$0x1D300] =	vst v63  }
0x73: {  	_ =	swait.ge [sflag:s8], $0x1000  }
0x74: {  	[sflag:s8] =	ssyncset.done $0x0  }
0x75: {  	[sflag:s8] =	ssyncadd.s32 $0xFFFFF000  }
0x76: {  	[spmem:s29] =	stream.linear.scatter [tilespmem:s7], [sflag:$0x4], $0x1000, $0x38;
	[tilespmem:$0x1D300] =	vst v63  }
0x77: {  	_ =	swait.ge [sflag:s8], $0x1000  }
0x78: {  	[sflag:s8] =	ssyncset.done $0x0  }
0x79: {  	[sflag:s8] =	ssyncadd.s32 $0xFFFFF000  }
0x7a: {  	[spmem:s30] =	stream.linear.scatter [tilespmem:s7], [sflag:$0x4], $0x1000, $0x38;
	[tilespmem:$0x1D300] =	vst v63  }
0x7b: {  	_ =	swait.ge [sflag:s8], $0x1000  }
0x7c: {  	[sflag:s8] =	ssyncset.done $0x0  }
0x7d: {  	[sflag:s8] =	ssyncadd.s32 $0xFFFFF000  }
0x7e: {  	[spmem:s31] =	stream.linear.scatter [tilespmem:s7], [sflag:$0x4], $0x1000, $0x38;
	[tilespmem:$0x1D300] =	vst v63  }
0x7f: {  	_ =	swait.ge [sflag:s8], $0x1000  }
0x80: {  	[sflag:s8] =	ssyncset.done $0x0  }
0x81: {  	[sflag:s8] =	ssyncadd.s32 $0xFFFFF000  }
0x82: {  	[spmem:s0] =	stream.linear.scatter [tilespmem:s7], [sflag:$0x4], $0x1000, $0x38;
	[tilespmem:$0x1D300] =	vst v63  }
0x83: {  	_ =	swait.ge [sflag:s8], $0x1000  }
0x84: {  	[sflag:s8] =	ssyncset.done $0x0  }
0x85: {  	[sflag:s8] =	ssyncadd.s32 $0xFFFFF000  }
0x86: {  	[spmem:s1] =	stream.linear.scatter [tilespmem:s7], [sflag:$0x4], $0x1000, $0x38;
	[tilespmem:$0x1D300] =	vst v63  }
0x87: {  	_ =	swait.ge [sflag:s8], $0x1000  }
0x88: {  	[sflag:s8] =	ssyncset.done $0x0  }
0x89: {  	[sflag:s8] =	ssyncadd.s32 $0xFFFFF000  }
0x8a: {  	[bflag:$0x0] =	sbarrier.arrive $0xFFFF  }
0x8b: {  	s18 =	rddreg [dreg:$0x4]  }
0x8c: {  	[tilespmem:s3], [sflag:$0x1] =	stream.linear.gather [hbm4b:s18+s3], $0x80, $0x38;
	[tilespmem:$0x1D300] =	vst v63  }
0x8d: {  	s14 =	simm.s32 $0x180;
	s19 =	rddreg [dreg:$0x5]  }
0x8e: {  	[tilespmem:s14], [sflag:$0x1] =	stream.linear.gather [hbm4b:s19+s3], $0x80, $0x38;
	[tilespmem:$0x1D300] =	vst v63  }
0x8f: {  	_ =	swait.ge [sflag:s9], $0x80  }
0x90: {  	[sflag:s9] =	ssyncset.done $0x0  }
0x91: {  	[sflag:s9] =	ssyncadd.s32 $0xFFFFFF80  }
0x92: {  	_ =	swait.ge [sflag:s9], $0x80  }
0x93: {  	[sflag:s9] =	ssyncset.done $0x0  }
0x94: {  	s20 =	simm.s32 $0x300;
	[sflag:s9] =	ssyncadd.s32 $0xFFFFFF80  }
0x95: {  	[tilespmem:s20], [sflag:$0x2] =	stream.indirect.gather [hbm4b:s4+s10], $0x80, s3, s10, $0xb8;
	[tilespmem:$0x1D300] =	vst v63  }
0x96: {  	s21 =	rddreg [dreg:$0x13]  }
0x97: {  	[tilespmem:s10], [sflag:$0x1] =	stream.linear.gather [hbm4b:s21+s3], $0x80, $0x38;
	[tilespmem:$0x1D300] =	vst v63  }
0x98: {  	s23 =	simm.s32 $0x200;
	s22 =	rddreg [dreg:$0x6]  }
0x99: {  	[tilespmem:s23], [sflag:$0x1] =	stream.linear.gather [hbm4b:s22+s3], $0x80, $0x38;
	[tilespmem:$0x1D300] =	vst v63  }
0x9a: {  	s14 =	simm.s32 $0x2;
	s23 =	smov.u32 s15;
	s22 =	smov.u32 s16  }
.LBB2_4:
0x9b: {  	s18 =	smul.u32 $0xAB, s14  }
0x9c: {  	p0 =	seq.s32 s14, $0x2  }
0x9d: {  	p1 =	sne.s32 @!p0 s14, $0x51;
	s6 =	sadd.s32 $0xFFFFFEAA, s18  }
0x9e: {  	_ =	swait.ge [sflag:s11], $0x4000;
	p1 =	por p0, p1;
	s6 =	sshrl.u32 s6, $0x9  }
.Ltmp3:
0x9f: {  	[sflag:s11] =	ssyncset.done $0x0;
	s6 =	sand.u32 $0x7F, s6;
	(pc) =	sbr.rel @!p1 .LBB2_5-.Ltmp3, $4  }
0xa0: {  	s19 =	simm.s32 @!p0 $0x3;
	[sflag:s11] =	ssyncadd.s32 $0xFFFFC000;
	s6 =	smul.u32 $0x3, s6  }
0xa1: {  	s17 =	sadd.s32 $0xFFFFFFFE, s14;
	_ =	swait.ge @!p0 [sflag:s19], $0x4000  }
0xa2: {  	[sflag:s19] =	ssyncset.done @!p0 $0x0;
	s6 =	ssub.s32 s17, s6  }
0xa3: {  	[sflag:s19] =	ssyncadd.s32 @!p0 $0xFFFFC000;
	s6 =	sand.u32 $0xFF, s6  }
0xa4: {  	s19 =	sadd.s32 $0xFFFFFF55, s18  }
0xa5: {  	s19 =	sshrl.u32 s19, $0x9  }
0xa6: {  	_ =	swait.ge [sflag:s9], $0x80;
	s19 =	sand.u32 $0x7F, s19  }
0xa7: {  	s20 =	sand.u32 $0x1, s17;
	s21 =	sshrl.u32 s18, $0x9;
	s19 =	smul.u32 $0x3, s19  }
0xa8: {  	s6 =	sshll.u32 s6, $0x7;
	[sflag:s9] =	ssyncset.done $0x0;
	s18 =	sand.u32 $0x7F, s21  }
0xa9: {  	s20 =	sshll.u32 s20, $0xE;
	[sflag:s9] =	ssyncadd.s32 $0xFFFFFF80;
	s19 =	sxor.u32 $0xFFFFFFFF, s19  }
0xaa: {  	s18 =	smul.u32 $0x3, s18;
	_ =	swait.ge [sflag:s9], $0x80;
	s19 =	sadd.s32 s14, s19  }
0xab: {  	s21 =	sxor.u32 $0x4000, s20;
	[sflag:s9] =	ssyncset.done $0x0;
	s19 =	sand.u32 $0xFF, s19  }
0xac: {  	s21 =	sor.u32 $0x300, s21;
	[sflag:s9] =	ssyncadd.s32 $0xFFFFFF80;
	s19 =	sshll.u32 s19, $0x7  }
0xad: {  	[tilespmem:s21], [sflag:$0x2] =	stream.indirect.gather [hbm4b:s4+s10], $0x80, s19, s10, $0xb8;
	[tilespmem:$0x1D300] =	vst v63  }
0xae: {  	s6 =	sadd.s32 $0x180, s6;
	s18 =	ssub.s32 s14, s18;
	s21 =	sor.u32 $0x300, s20  }
0xaf: {  	[spmem:s2] =	stream.indirect.scatter.add.f32 [tilespmem:s21], [sflag:$0x3], $0x80, s6, s10, $0xb8;
	[tilespmem:$0x1D300] =	vst v63  }
0xb0: {  	p0 =	sgt.u32 s17, $0x4D;
	s6 =	sand.u32 $0xFF, s18  }
0xb1: {  	s17 =	simm.s32 @!p0 $0x0;
	s6 =	sshll.u32 @!p0 s6, $0x7  }
0xb2: {  	[tilespmem:s6], [sflag:$0x1] =	stream.linear.gather @!p0 [hbm4b:s23+s17], $0x80, $0x38;
	[tilespmem:$0x1D300] =	vst v63  }
0xb3: {  	s14 =	sadd.s32 $0x1, s14;
	s6 =	sadd.s32 @!p0 $0x180, s6  }
0xb4: {  	[tilespmem:s6], [sflag:$0x1] =	stream.linear.gather @!p0 [hbm4b:s22+s17], $0x80, $0x38;
	[tilespmem:$0x1D300] =	vst v63  }
0xb5: {  	p0 =	sne.s32 s14, $0x52  }
.Ltmp4:
0xb6: {  	_ = 	snop;
	(pc) =	sbr.rel @p0 .LBB2_4-.Ltmp4, $4  }
.Ltmp5:
0xb7: {  	_ = 	snop;
	(pc) =	sbr.rel @!p0 .LBB2_7-.Ltmp5, $4  }
0xb8: {  	_ = 	snop  }
0xb9: {  	_ = 	snop  }
0xba: {  	s23 =	sadd.s32 $0x20, s23;
	s22 =	sadd.s32 $0x20, s22  }
0xbb: {  	_ = 	snop  }
.LBB2_8:
0xbc: {  	_ =	sfence.sel $0x180000  }
0xbd: {  	[bflag:$0x0] =	sbarrier.arrive $0xFFFF  }
0xbe: {  	_ =	strace $0x9000004D  }
0xbf: {  	s0 =	stileid.u32;
	[bflag:$0x2] =	sbarrier.arrive $0xFFFF  }
0xc0: {  	p0 =	sne.s32 s0, $0x0;
	s0 =	rddreg [dreg:$0x3]  }
0xc1: {  	s0 =	sadd.s32 @!p0 $0x100000, s0  }
0xc2: {  	[sflag:s0] =	ssyncadd.tile.s32 @!p0 $0x1;
	_ =	shalt  }
.Lfunc_end2:
_tile_overlayer_lowered:
.L_overlay_start_2:
0xc3: {  	(tag) =	ssettag $0x2  }
0xc4: {  	s0 =	rddreg [dreg:$0x0];
	s2 =	stileid.u32  }
0xc5: {  	s1 =	rddreg [dreg:$0x1];
	p0 =	sne.s32 s2, $0x0  }
0xc6: {  	s3 =	rddreg [dreg:$0x2];
	[bflag:$0x3] =	sbarrier.arrive $0xFFFF;
	s2 =	simm.s32 @!p0 $0x1C04  }
0xc7: {  	[timem:s3], [sflag:s2] =	dma.local @!p0 [hbm:s0], s1  }
0xc8: {  	s0 =	simm.s32 @!p0 $0x4  }
0xc9: {  	_ =	swait.ge @!p0 [sflag:s0], s1  }
0xca: {  	s1 =	ssub.s32 @!p0 $0x0, s1;
	[sflag:s0] =	ssyncset.done @!p0 $0x0  }
0xcb: {  	[sflag:s0] =	ssyncadd.s32 @!p0 s1  }
0xcc: {  	[bflag:$0x3] =	sbarrier.arrive $0xFFFF  }
0xcd: {  	_ =	shalt  }

// kernel: kernel.20.cloned.1.call-start
scs
__scs_entry_jumppad:
0x0: {  	(pc) =	sbr.rel $0x88, $3  }
0x1: {  	(tag) =	ssettag $0x0;
	lr =	simm.s32 $0x1  }
0x2: {  	[smem:$0x3F97] =	sst lr;
	_ =	strace $0xD0000000  }
0x3: {  	_ = 	snop  }
0x4: {  	_ = 	snop  }
0x5: {  	_ = 	snop  }
0x6: {  	_ = 	snop  }
0x7: {  	_ = 	snop  }
__scs_overlays_trampoline_lowered:
0x8: {  	[smem:$0x3FA6] =	sst s0  }
0x9: {  	[smem:$0x3FA7] =	sst s1  }
0xa: {  	[smem:$0x3FA8] =	sst s2  }
0xb: {  	[smem:$0x3FA9] =	sst s3  }
0xc: {  	[smem:$0x3FAA] =	sst s4  }
0xd: {  	[smem:$0x3FAB] =	sst s5  }
0xe: {  	[smem:$0x3FAC] =	sst s6  }
0xf: {  	[smem:$0x3FAD] =	sst s7  }
0x10: {  	[smem:$0x3FAE] =	sst s8  }
0x11: {  	[smem:$0x3FAF] =	sst s9;
	s0 =	simm.s32 @!p0 $0x0  }
0x12: {  	s1 =	sld [smem:$0x3F95];
	s0 =	simm.s32 @p0 $0x1  }
0x13: {  	[smem:$0x3FB0] =	sst s0;
	s0 =	simm.s32 @!p1 $0x0  }
0x14: {  	s2 =	sld [smem:$0x3F94];
	s0 =	simm.s32 @p1 $0x1  }
0x15: {  	[smem:$0x3FB1] =	sst s0;
	s0 =	simm.s32 @!p2 $0x0  }
0x16: {  	s3 =	sld [smem:$0x3FDB];
	s0 =	simm.s32 @p2 $0x1  }
0x17: {  	s4 =	simm.s32 $0x1BF5;
	[smem:$0x3FB3] =	sst s0  }
0x18: {  	s0 =	sld [smem:$0x3F96];
	_ =	swait.ge [sflag:s4], $0x0  }
0x19: {  	s7 =	sld [smem:$0x3F97]  }
0x1a: {  	s8 =	sadd.s32 $0xFFFFE003, lr  }
0x1b: {  	s9 =	sadd.s32 $0xFFFFFEF7, lr;
	s5 =	simm.s32 $0xFFFFFFFF;
	p2 =	slt.u32 s8, $0xFFFFF086  }
0x1c: {  	p1 =	slt.u32 s9, $0xF7A;
	s5 =	simm.s32 @!p2 $0x0  }
0x1d: {  	s5 =	simm.s32 @p1 $0x1;
	p0 =	seq.s32 s7, s2  }
0x1e: {  	s7 =	smul.u32 @!p0 $0xF7A, s2;
	p2 =	seq.s32 @!p0 s5, $0x0  }
0x1f: {  	s9 =	smul.u32 $0xF7A, s1;
	s8 =	simm.s32 @!p0 $0x1BF5;
	p2 =	por !p2, p0  }
0x20: {  	[sflag:s8] =	ssyncset.s32 @!p0 $0xFFFFF086;
	s6 =	sadd.s32 @!p0 s3, s7;
	s7 =	simm.s32 @!p0 $0x108  }
0x21: {  	s3 =	sadd.s32 s3, s9;
	s6 =	sadd.s32 @!p0 $0x88, s6;
	s7 =	simm.s32 @p2 $0x1082  }
0x22: {  	[simem:s7], [sflag:s8] =	dma.local @!p0 [hbm:s6], $0xF7A  }
0x23: {  	s9 =	sor.u32 $0xD0000000, s2;
	s6 =	simm.s32 $0x108;
	_ =	swait.ge @!p0 [sflag:s8], $0x0  }
0x24: {  	s3 =	sadd.s32 $0x88, s3;
	s6 =	simm.s32 @!p1 $0x1082;
	[sflag:s4] =	ssyncset.s32 $0xFFFFF086  }
0x25: {  	[simem:s6], [sflag:s4] =	dma.local [hbm:s3], $0xF7A  }
0x26: {  	[smem:$0x3F97] =	sst s1;
	(tag) =	ssettag s2;
	_ =	strace s9  }
0x27: {  	s1 =	sld [smem:$0x3FA7]  }
0x28: {  	s2 =	sld [smem:$0x3FA8]  }
0x29: {  	s4 =	sld [smem:$0x3FAA]  }
0x2a: {  	p0 =	seq.s32 s5, $0x0;
	s5 =	sld [smem:$0x3FAB]  }
0x2b: {  	s6 =	sld [smem:$0x3FAC]  }
0x2c: {  	s7 =	sld [smem:$0x3FAD]  }
0x2d: {  	s3 =	simm.s32 $0x108;
	s8 =	sld [smem:$0x3FAE]  }
0x2e: {  	s3 =	simm.s32 @!p0 $0x1082;
	s9 =	sld [smem:$0x3FAF]  }
0x2f: {  	lr =	sadd.s32 s0, s3;
	s0 =	sld [smem:$0x3FA6]  }
0x30: {  	s3 =	sld [smem:$0x3FA9]  }
0x31: {  	[smem:$0x3FB2] =	sst s10  }
0x32: {  	s10 =	sld [smem:$0x3FB0];
	_ =	sdelay $0x3  }
0x33: {  	p0 =	seq.s32 s10, $0x1;
	s10 =	sld [smem:$0x3FB2];
	_ =	sdelay $0x3  }
0x34: {  	[smem:$0x3FB2] =	sst s10  }
0x35: {  	s10 =	sld [smem:$0x3FB1];
	_ =	sdelay $0x3  }
0x36: {  	p1 =	seq.s32 s10, $0x1;
	s10 =	sld [smem:$0x3FB2];
	_ =	sdelay $0x3  }
0x37: {  	[smem:$0x3FB2] =	sst s10  }
0x38: {  	s10 =	sld [smem:$0x3FB3]  }
0x39: {  	_ = 	snop;
	(pc) =	sbr.ind lr, $3  }
0x3a: {  	_ = 	snop  }
0x3b: {  	_ = 	snop  }
0x3c: {  	p2 =	seq.s32 s10, $0x1;
	s10 =	sld [smem:$0x3FB2]  }
0x3d: {  	_ =	shalt  }
0x3e: {  	_ =	shalt  }
0x3f: {  	_ =	shalt  }
0x40: {  	_ =	shalt  }
0x41: {  	_ =	shalt  }
0x42: {  	_ =	shalt  }
0x43: {  	_ =	shalt  }
0x44: {  	_ =	shalt  }
0x45: {  	_ =	shalt  }
0x46: {  	_ =	shalt  }
0x47: {  	_ =	shalt  }
0x48: {  	_ =	shalt  }
0x49: {  	_ =	shalt  }
0x4a: {  	_ =	shalt  }
0x4b: {  	_ =	shalt  }
0x4c: {  	_ =	shalt  }
0x4d: {  	_ =	shalt  }
0x4e: {  	_ =	shalt  }
0x4f: {  	_ =	shalt  }
0x50: {  	_ =	shalt  }
0x51: {  	_ =	shalt  }
0x52: {  	_ =	shalt  }
0x53: {  	_ =	shalt  }
0x54: {  	_ =	shalt  }
0x55: {  	_ =	shalt  }
0x56: {  	_ =	shalt  }
0x57: {  	_ =	shalt  }
0x58: {  	_ =	shalt  }
0x59: {  	_ =	shalt  }
0x5a: {  	_ =	shalt  }
0x5b: {  	_ =	shalt  }
0x5c: {  	_ =	shalt  }
0x5d: {  	_ =	shalt  }
0x5e: {  	_ =	shalt  }
0x5f: {  	_ =	shalt  }
0x60: {  	_ =	shalt  }
0x61: {  	_ =	shalt  }
0x62: {  	_ =	shalt  }
0x63: {  	_ =	shalt  }
0x64: {  	_ =	shalt  }
0x65: {  	_ =	shalt  }
0x66: {  	_ =	shalt  }
0x67: {  	_ =	shalt  }
0x68: {  	_ =	shalt  }
0x69: {  	_ =	shalt  }
0x6a: {  	_ =	shalt  }
0x6b: {  	_ =	shalt  }
0x6c: {  	_ =	shalt  }
0x6d: {  	_ =	shalt  }
0x6e: {  	_ =	shalt  }
0x6f: {  	_ =	shalt  }
0x70: {  	_ =	shalt  }
0x71: {  	_ =	shalt  }
0x72: {  	_ =	shalt  }
0x73: {  	_ =	shalt  }
0x74: {  	_ =	shalt  }
0x75: {  	_ =	shalt  }
0x76: {  	_ =	shalt  }
0x77: {  	_ =	shalt  }
0x78: {  	_ =	shalt  }
0x79: {  	_ =	shalt  }
0x7a: {  	_ =	shalt  }
0x7b: {  	_ =	shalt  }
0x7c: {  	_ =	shalt  }
0x7d: {  	_ =	shalt  }
0x7e: {  	_ =	shalt  }
0x7f: {  	_ =	shalt  }
0x80: {  	_ =	shalt  }
0x81: {  	_ =	shalt  }
0x82: {  	_ =	shalt  }
0x83: {  	_ =	shalt  }
0x84: {  	_ =	shalt  }
0x85: {  	_ =	shalt  }
0x86: {  	_ =	shalt  }
0x87: {  	_ =	shalt  }
.Lfunc_end0:
.L_simem_size_0:
called_computation.3_lowered:
.L_overlay_start_0:
0x88: {  	s2 =	sld [smem:$0x3FD9]  }
0x89: {  	s3 =	sld [smem:$0x3FFE];
	_ =	sdelay $0x1  }
0x8a: {  	s1 =	srdreg.scid  }
0x8b: {  	s0 =	sand.u32 $0x1, s1  }
0x8c: {  	s14 =	sshll.u32 s0, $0xA;
	s2 =	sadd.s32 s3, s2  }
0x8d: {  	s2 =	sadd.s32 s2, s14  }
0x8e: {  	[smem:$0x3FBE] =	sst s2  }
0x8f: {  	_ = 	snop  }
0x90: {  	s2 =	sld [smem:$0x3FD0];
	_ =	sdelay $0x2  }
0x91: {  	s15 =	simm.s32 $0xA;
	s4 =	simm.s32 $0x10  }
0x92: {  	[smem:s4], [sflag:s15] =	dma.local [hbm:s2], $0x1  }
0x93: {  	_ =	swait.eq [sflag:s15], $0x1  }
0x94: {  	[sflag:s15] =	ssyncset.done $0x0  }
0x95: {  	[sflag:s15] =	ssyncadd.s32 $0xFFFFFFFF  }
0x96: {  	s16 =	sld [smem:$0x11];
	(tm) =	ssettm $0x1  }
0x97: {  	s17 =	sld [smem:$0x3FFB];
	_ =	sdelay $0x3  }
0x98: {  	_ =	strace s17  }
0x99: {  	s3 =	sld [smem:$0x3FFC];
	_ =	sdelay $0x3  }
0x9a: {  	_ =	strace s3  }
0x9b: {  	s3 =	sld [smem:$0x3FFD];
	_ =	sdelay $0x3  }
0x9c: {  	_ =	strace s3  }
0x9d: {  	_ =	strace $0x8FFFFFFF  }
0x9e: {  	s18 =	sld [smem:$0x3FDB];
	_ =	sdelay $0x1  }
0x9f: {  	s19 =	simm.s32 $_scs_section_size  }
0xa0: {  	s5 =	simm.s32 $_size__tile_overlayer_lowered;
	s6 =	simm.s32 $_tile_overlayer_lowered  }
0xa1: {  	s22 =	simm.s32 $0x1BFF;
	s21 =	sshll.u32 s6, $0x1;
	s3 =	sadd.s32 s19, s18  }
0xa2: {  	s7 =	simm.s32 $0x0;
	s20 =	sshll.u32 s5, $0x1;
	s5 =	sadd.s32 s21, s3  }
0xa3: {  	[timem:s7], [sflag:s22] =	dma.local [hbm:s5], s20  }
0xa4: {  	_ =	swait.ge [sflag:s22], s20  }
0xa5: {  	s4 =	ssub.s32 $0x0, s20;
	[sflag:s22] =	ssyncset.done $0x0  }
0xa6: {  	[sflag:s22] =	ssyncadd.s32 s4;
	_ =	sdelay $0x1  }
0xa7: {  	s23 =	simm.s32 $0x1B8B  }
0xa8: {  	_ =	swait.ge [sflag:s23], $0x1  }
0xa9: {  	[sflag:s23] =	ssyncset.done $0x0  }
0xaa: {  	s25 =	simm.s32 $0x1B8E;
	s24 =	sld [smem:$0x3FFE];
	[sflag:s23] =	ssyncadd.s32 $0xFFFFFFFF  }
0xab: {  	s26 =	simm.s32 $execute0_lowered;
	[smem:$0x3FD2] =	sst s25  }
0xac: {  	s5 =	sshll.u32 s26, $0x1;
	_ =	strace $0x8000004F;
	[dreg:$0x1] =	wrdreg $0xFFFFFFFF  }
0xad: {  	s28 =	simm.s32 $_size_execute0_lowered;
	s3 =	sadd.s32 s3, s5;
	[dreg:$0x0] =	wrdreg $0x0  }
0xae: {  	s5 =	sshll.u32 s28, $0x1;
	[dreg:$0x2] =	wrdreg s3  }
0xaf: {  	[dreg:$0x3] =	wrdreg s5  }
0xb0: {  	[dreg:$0x4] =	wrdreg $0xC0  }
0xb1: {  	_ =	task [dreg:s7], $0x5FFFF  }
0xb2: {  	[dreg:$0x1] =	wrdreg $0xFFFFFFFF  }
0xb3: {  	[dreg:$0x0] =	wrdreg $0x60  }
0xb4: {  	[dreg:$0x2] =	wrdreg s24  }
0xb5: {  	[dreg:$0x3] =	wrdreg s16  }
0xb6: {  	[dreg:$0x4] =	wrdreg $0x93000  }
0xb7: {  	[dreg:$0x5] =	wrdreg $0x9  }
0xb8: {  	_ =	task.clear_ibuf [dreg:s7], $0x6FFFF;
	_ =	strace $0x9000004F  }
0xb9: {  	s29 =	simm.s32 $0x9;
	_ =	strace $0x80000051  }
0xba: {  	_ =	swait.ge [sflag:s29], $0x1  }
0xbb: {  	[sflag:s29] =	ssyncadd.s32 $0xFFFFFFFF  }
0xbc: {  	_ =	strace $0x90000051  }
0xbd: {  	_ =	sfence  }
0xbe: {  	s30 =	sld [smem:$0x0];
	_ =	sdelay $0x2  }
0xbf: {  	s31 =	sshll.u32 s1, $0xD;
	s1 =	sshrl.u32 s1, $0x2  }
0xc0: {  	s3 =	sand.u32 $0x4000, s31;
	s1 =	sadd.s32 s1, s30  }
0xc1: {  	s0 =	sor.u32 s3, s0;
	s1 =	sshll.u32 s1, $0x11  }
0xc2: {  	s0 =	sor.u32 s1, s0  }
0xc3: {  	s0 =	sadd.s32 $0x8F2B, s0  }
0xc4: {  	[sflag:s0] =	ssyncadd.remote.s32 $0x1  }
0xc5: {  	_ =	sfence.sel $0xFFFF  }
0xc6: {  	[dreg:$0x0] =	wrdreg $0xFFFFFFFF;
	(pc) =	sbr.abs _section_cstart, $3  }
0xc7: {  	[dreg:$0x1] =	wrdreg $0xFFFFFFFF  }
0xc8: {  	_ =	task.clear_ibuf [dreg:s7], $0x2FFFF;
	_ =	strace $0x9FFFFFFF  }
0xc9: {  	(tm) =	ssettm $0x7FFFFFFF  }
tec
execute0_lowered:
.L_overlay_start_1:
0x0: {  	(tag) =	ssettag $0x1  }
0x1: {  	s0 =	rddreg [dreg:$0x0]  }
0x2: {  	s1 =	rddreg [dreg:$0x1]  }
0x3: {  	s2 =	rddreg [dreg:$0x2];
	s11 =	stileid.u32  }
0x4: {  	s3 =	simm.s32 $0x0;
	s7 =	srdreg.scid;
	s5 =	smul.u32 $0x14000, s11  }
0x5: {  	[smem:$0x7FF] =	sst s3;
	s8 =	smul.u32 $0x2800, s11  }
0x6: {  	s4 =	sadd.s32 $0x66600, s0;
	s6 =	sadd.s32 $0x5C600, s0;
	s9 =	smul.u32 $0x5000, s11  }
0x7: {  	s7 =	sand.u32 $0x1, s7;
	s10 =	sadd.s32 $0x52600, s0;
	s22 =	smul.u32 $0x50000, s11  }
0x8: {  	_ =	strace $0x80000050;
	p0 =	seq.s32 s7, $0x0;
	s23 =	ssub.s32 $0x2, s7  }
0x9: {  	s7 =	sshll.u32 s7, $0x7;
	s5 =	sshrl.u32 s5, $0x3;
	s24 =	sshrl.u32 s23, $0x1  }
0xa: {  	s7 =	sor.u32 s7, s9;
	s9 =	sshrl.u32 s9, $0x3;
	s5 =	sadd.s32 $0x28000, s5  }
0xb: {  	s11 =	ssub.s32 s23, s24;
	s25 =	sshrl.u32 s7, $0x3;
	s9 =	sadd.s32 s6, s9  }
0xc: {  	s7 =	sor.u32 $0x200, s7;
	s5 =	smov.u32 @p0 s8;
	s8 =	sshrl.u32 s22, $0x2  }
0xd: {  	s12 =	sor.u32 $0x20, s25;
	s11 =	smax.u32 s11, $0x1;
	s0 =	sadd.s32 s5, s0  }
0xe: {  	s5 =	sadd.s32 s8, s2;
	s8 =	sadd.s32 s1, s25;
	[dreg:$0x7] =	wrdreg s11  }
0xf: {  	s13 =	sadd.s32 s10, s25;
	s26 =	sadd.s32 s1, s12;
	[dreg:$0x5] =	wrdreg s8  }
0x10: {  	s10 =	smov.u32 @p0 s6;
	s13 =	smov.u32 @p0 s9;
	[dreg:$0x6] =	wrdreg s26  }
0x11: {  	s24 =	sshrl.u32 s7, $0x3;
	s14 =	sadd.s32 $0x1000, s5;
	[dreg:$0x4] =	wrdreg s13  }
0x12: {  	s7 =	simm.s32 $0x8300;
	s15 =	sadd.s32 $0x2000, s5;
	[dreg:$0x8] =	wrdreg s14  }
0x13: {  	s9 =	simm.s32 $0x1;
	s16 =	sadd.s32 $0x3000, s5;
	[dreg:$0x9] =	wrdreg s15  }
0x14: {  	s11 =	simm.s32 $0x2;
	s17 =	sadd.s32 $0x4000, s5;
	[dreg:$0xa] =	wrdreg s16  }
0x15: {  	s18 =	sadd.s32 $0x5000, s5;
	s19 =	sadd.s32 $0x6000, s5;
	[dreg:$0xb] =	wrdreg s17  }
0x16: {  	s20 =	sadd.s32 $0x7000, s5;
	s21 =	sadd.s32 $0x8000, s5;
	[dreg:$0xc] =	wrdreg s18  }
0x17: {  	s22 =	sadd.s32 $0x9000, s5;
	s23 =	sadd.s32 $0xA000, s5;
	[dreg:$0xd] =	wrdreg s19  }
0x18: {  	s25 =	sadd.s32 $0xB000, s5;
	s26 =	sadd.s32 s10, s12;
	[dreg:$0xe] =	wrdreg s20  }
0x19: {  	s28 =	sadd.s32 $0xE000, s5;
	s29 =	sadd.s32 $0xF000, s5;
	[dreg:$0xf] =	wrdreg s21  }
0x1a: {  	s30 =	sadd.s32 $0x10000, s5;
	s31 =	sadd.s32 $0x11000, s5;
	[dreg:$0x10] =	wrdreg s22  }
.Ltmp0:
0x1b: {  	s8 =	simm.s32 $0x4;
	[dreg:$0x11] =	wrdreg s23;
	(pc) =	sbr.rel .LBB2_1-.Ltmp0, $4  }
0x1c: {  	s12 =	simm.s32 $0x3;
	s13 =	simm.s32 $0x0;
	[dreg:$0x12] =	wrdreg s25  }
0x1d: {  	[dreg:$0x13] =	wrdreg s26;
	s16 =	sadd.s32 s24, s1;
	s15 =	sadd.s32 s24, s10  }
0x1e: {  	s24 =	sadd.s32 $0xC000, s5;
	s25 =	sadd.s32 $0xB6600, s0;
	s26 =	sadd.s32 $0xD000, s5  }
0x1f: {  	v0 =	vimm.f32 $0.0e+00;
	s0 =	sadd.s32 $0x12000, s5;
	s1 =	sadd.s32 $0x13000, s5;
	s10 =	simm.s32 $0x80  }
.LBB2_5:
0x20: {  	s6 =	sshll.u32 s6, $0x7  }
0x21: {  	s14 =	simm.s32 $0x4300;
	s6 =	sadd.s32 $0x180, s6  }
0x22: {  	[spmem:s2] =	stream.indirect.scatter.add.f32 [tilespmem:s14], [sflag:$0x3], $0x80, s6, s10, $0xb8;
	[tilespmem:$0x1D300] =	vst v63  }
.LBB2_7:
0x23: {  	_ =	swait.ge [sflag:s12], $0x4000  }
0x24: {  	s6 =	stileid.u32;
	[sflag:s12] =	ssyncset.done $0x0  }
0x25: {  	s6 =	sshll.u32 s6, $0x6;
	[sflag:s12] =	ssyncadd.s32 $0xFFFFC000  }
0x26: {  	s14 =	sshrl.u32 s5, $0x3;
	s6 =	sor.u32 $0x1C04, s6;
	[bflag:$0x0] =	sbarrier.arrive $0xFFFF  }
0x27: {  	[hbm:s25], [sflag:s6] =	dma.local [spmem:s14], $0x2800  }
0x28: {  	_ =	swait.ge [sflag:s8], $0x2800  }
0x29: {  	s13 =	sadd.s32 $0x1, s13;
	s23 =	rddreg [dreg:$0x7]  }
0x2a: {  	p0 =	sne.s32 s13, s23  }
.Ltmp1:
0x2b: {  	_ = 	snop;
	(pc) =	sbr.rel @!p0 .LBB2_8-.Ltmp1, $3  }
0x2c: {  	_ =	sdelay $0x1  }
0x2d: {  	[sflag:s8] =	ssyncset.done $0x0  }
0x2e: {  	[sflag:s8] =	ssyncadd.s32 $0xFFFFD800  }
.LBB2_1:
0x2f: {  	s6 =	sand.u32 $0x3E00, s3  }
0x30: {  	s14 =	sand.u32 $0x70, s3;
	s17 =	sshrl.u32 s6, $0x2  }
0x31: {  	s6 =	simm.s32 $0x40;
	s17 =	sor.u32 s14, s17;
	s14 =	simm.s32 $0x0  }
.LBB2_2:
0x32: {  	p0 =	sne.s32 s6, $0x3FC0  }
0x33: {  	[tilespmem:s17+$0x8300] =	vst v0;
	s14 =	sadd.s32 $0x10, s14;
	s17 =	smov.u32 s6;
	s6 =	sadd.s32 $0x40, s6  }
.Ltmp2:
0x34: {  	(pc) =	sbr.rel @p0 .LBB2_2-.Ltmp2, $4  }
0x35: {  	_ = 	snop  }
0x36: {  	s17 =	sand.u32 $0x3E00, s17  }
0x37: {  	s18 =	sand.u32 $0x70, s14;
	s17 =	sshrl.u32 s17, $0x2  }
0x38: {  	s17 =	sor.u32 s18, s17  }
0x39: {  	[tilespmem:s17+$0x8300] =	vst v0  }
0x3a: {  	[spmem:s5] =	stream.linear.scatter [tilespmem:s7], [sflag:$0x4], $0x1000, $0x38;
	[tilespmem:$0x1D300] =	vst v63  }
0x3b: {  	_ =	swait.ge [sflag:s8], $0x1000  }
0x3c: {  	[sflag:s8] =	ssyncset.done $0x0  }
0x3d: {  	s6 =	rddreg [dreg:$0x8];
	[sflag:s8] =	ssyncadd.s32 $0xFFFFF000  }
0x3e: {  	[spmem:s6] =	stream.linear.scatter [tilespmem:s7], [sflag:$0x4], $0x1000, $0x38;
	[tilespmem:$0x1D300] =	vst v63  }
0x3f: {  	_ =	swait.ge [sflag:s8], $0x1000  }
0x40: {  	[sflag:s8] =	ssyncset.done $0x0  }
0x41: {  	s14 =	rddreg [dreg:$0x9];
	[sflag:s8] =	ssyncadd.s32 $0xFFFFF000  }
0x42: {  	[spmem:s14] =	stream.linear.scatter [tilespmem:s7], [sflag:$0x4], $0x1000, $0x38;
	[tilespmem:$0x1D300] =	vst v63  }
0x43: {  	_ =	swait.ge [sflag:s8], $0x1000  }
0x44: {  	[sflag:s8] =	ssyncset.done $0x0  }
0x45: {  	s17 =	rddreg [dreg:$0xa];
	[sflag:s8] =	ssyncadd.s32 $0xFFFFF000  }
0x46: {  	[spmem:s17] =	stream.linear.scatter [tilespmem:s7], [sflag:$0x4], $0x1000, $0x38;
	[tilespmem:$0x1D300] =	vst v63  }
0x47: {  	_ =	swait.ge [sflag:s8], $0x1000  }
0x48: {  	[sflag:s8] =	ssyncset.done $0x0  }
0x49: {  	s18 =	rddreg [dreg:$0xb];
	[sflag:s8] =	ssyncadd.s32 $0xFFFFF000  }
0x4a: {  	[spmem:s18] =	stream.linear.scatter [tilespmem:s7], [sflag:$0x4], $0x1000, $0x38;
	[tilespmem:$0x1D300] =	vst v63  }
0x4b: {  	_ =	swait.ge [sflag:s8], $0x1000  }
0x4c: {  	[sflag:s8] =	ssyncset.done $0x0  }
0x4d: {  	s19 =	rddreg [dreg:$0xc];
	[sflag:s8] =	ssyncadd.s32 $0xFFFFF000  }
0x4e: {  	[spmem:s19] =	stream.linear.scatter [tilespmem:s7], [sflag:$0x4], $0x1000, $0x38;
	[tilespmem:$0x1D300] =	vst v63  }
0x4f: {  	_ =	swait.ge [sflag:s8], $0x1000  }
0x50: {  	[sflag:s8] =	ssyncset.done $0x0  }
0x51: {  	s20 =	rddreg [dreg:$0xd];
	[sflag:s8] =	ssyncadd.s32 $0xFFFFF000  }
0x52: {  	[spmem:s20] =	stream.linear.scatter [tilespmem:s7], [sflag:$0x4], $0x1000, $0x38;
	[tilespmem:$0x1D300] =	vst v63  }
0x53: {  	_ =	swait.ge [sflag:s8], $0x1000  }
0x54: {  	[sflag:s8] =	ssyncset.done $0x0  }
0x55: {  	s21 =	rddreg [dreg:$0xe];
	[sflag:s8] =	ssyncadd.s32 $0xFFFFF000  }
0x56: {  	[spmem:s21] =	stream.linear.scatter [tilespmem:s7], [sflag:$0x4], $0x1000, $0x38;
	[tilespmem:$0x1D300] =	vst v63  }
0x57: {  	_ =	swait.ge [sflag:s8], $0x1000  }
0x58: {  	[sflag:s8] =	ssyncset.done $0x0  }
0x59: {  	s22 =	rddreg [dreg:$0xf];
	[sflag:s8] =	ssyncadd.s32 $0xFFFFF000  }
0x5a: {  	[spmem:s22] =	stream.linear.scatter [tilespmem:s7], [sflag:$0x4], $0x1000, $0x38;
	[tilespmem:$0x1D300] =	vst v63  }
0x5b: {  	_ =	swait.ge [sflag:s8], $0x1000  }
0x5c: {  	[sflag:s8] =	ssyncset.done $0x0  }
0x5d: {  	s23 =	rddreg [dreg:$0x10];
	[sflag:s8] =	ssyncadd.s32 $0xFFFFF000  }
0x5e: {  	[spmem:s23] =	stream.linear.scatter [tilespmem:s7], [sflag:$0x4], $0x1000, $0x38;
	[tilespmem:$0x1D300] =	vst v63  }
0x5f: {  	_ =	swait.ge [sflag:s8], $0x1000  }
0x60: {  	[sflag:s8] =	ssyncset.done $0x0  }
0x61: {  	s14 =	rddreg [dreg:$0x11];
	[sflag:s8] =	ssyncadd.s32 $0xFFFFF000  }
0x62: {  	[spmem:s14] =	stream.linear.scatter [tilespmem:s7], [sflag:$0x4], $0x1000, $0x38;
	[tilespmem:$0x1D300] =	vst v63  }
0x63: {  	_ =	swait.ge [sflag:s8], $0x1000  }
0x64: {  	[sflag:s8] =	ssyncset.done $0x0  }
0x65: {  	s17 =	rddreg [dreg:$0x12];
	[sflag:s8] =	ssyncadd.s32 $0xFFFFF000  }
0x66: {  	[spmem:s17] =	stream.linear.scatter [tilespmem:s7], [sflag:$0x4], $0x1000, $0x38;
	[tilespmem:$0x1D300] =	vst v63  }
0x67: {  	_ =	swait.ge [sflag:s8], $0x1000  }
0x68: {  	[sflag:s8] =	ssyncset.done $0x0  }
0x69: {  	[sflag:s8] =	ssyncadd.s32 $0xFFFFF000  }
0x6a: {  	[spmem:s24] =	stream.linear.scatter [tilespmem:s7], [sflag:$0x4], $0x1000, $0x38;
	[tilespmem:$0x1D300] =	vst v63  }
0x6b: {  	_ =	swait.ge [sflag:s8], $0x1000  }
0x6c: {  	[sflag:s8] =	ssyncset.done $0x0  }
0x6d: {  	[sflag:s8] =	ssyncadd.s32 $0xFFFFF000  }
0x6e: {  	[spmem:s26] =	stream.linear.scatter [tilespmem:s7], [sflag:$0x4], $0x1000, $0x38;
	[tilespmem:$0x1D300] =	vst v63  }
0x6f: {  	_ =	swait.ge [sflag:s8], $0x1000  }
0x70: {  	[sflag:s8] =	ssyncset.done $0x0  }
0x71: {  	[sflag:s8] =	ssyncadd.s32 $0xFFFFF000  }
0x72: {  	[spmem:s28] =	stream.linear.scatter [tilespmem:s7], [sflag:$0x4], $0x1000, $0x38;
	[tilespmem:$0x1D300] =	vst v63  }
0x73: {  	_ =	swait.ge [sflag:s8], $0x1000  }
0x74: {  	[sflag:s8] =	ssyncset.done $0x0  }
0x75: {  	[sflag:s8] =	ssyncadd.s32 $0xFFFFF000  }
0x76: {  	[spmem:s29] =	stream.linear.scatter [tilespmem:s7], [sflag:$0x4], $0x1000, $0x38;
	[tilespmem:$0x1D300] =	vst v63  }
0x77: {  	_ =	swait.ge [sflag:s8], $0x1000  }
0x78: {  	[sflag:s8] =	ssyncset.done $0x0  }
0x79: {  	[sflag:s8] =	ssyncadd.s32 $0xFFFFF000  }
0x7a: {  	[spmem:s30] =	stream.linear.scatter [tilespmem:s7], [sflag:$0x4], $0x1000, $0x38;
	[tilespmem:$0x1D300] =	vst v63  }
0x7b: {  	_ =	swait.ge [sflag:s8], $0x1000  }
0x7c: {  	[sflag:s8] =	ssyncset.done $0x0  }
0x7d: {  	[sflag:s8] =	ssyncadd.s32 $0xFFFFF000  }
0x7e: {  	[spmem:s31] =	stream.linear.scatter [tilespmem:s7], [sflag:$0x4], $0x1000, $0x38;
	[tilespmem:$0x1D300] =	vst v63  }
0x7f: {  	_ =	swait.ge [sflag:s8], $0x1000  }
0x80: {  	[sflag:s8] =	ssyncset.done $0x0  }
0x81: {  	[sflag:s8] =	ssyncadd.s32 $0xFFFFF000  }
0x82: {  	[spmem:s0] =	stream.linear.scatter [tilespmem:s7], [sflag:$0x4], $0x1000, $0x38;
	[tilespmem:$0x1D300] =	vst v63  }
0x83: {  	_ =	swait.ge [sflag:s8], $0x1000  }
0x84: {  	[sflag:s8] =	ssyncset.done $0x0  }
0x85: {  	[sflag:s8] =	ssyncadd.s32 $0xFFFFF000  }
0x86: {  	[spmem:s1] =	stream.linear.scatter [tilespmem:s7], [sflag:$0x4], $0x1000, $0x38;
	[tilespmem:$0x1D300] =	vst v63  }
0x87: {  	_ =	swait.ge [sflag:s8], $0x1000  }
0x88: {  	[sflag:s8] =	ssyncset.done $0x0  }
0x89: {  	[sflag:s8] =	ssyncadd.s32 $0xFFFFF000  }
0x8a: {  	[bflag:$0x0] =	sbarrier.arrive $0xFFFF  }
0x8b: {  	s18 =	rddreg [dreg:$0x4]  }
0x8c: {  	[tilespmem:s3], [sflag:$0x1] =	stream.linear.gather [hbm4b:s18+s3], $0x80, $0x38;
	[tilespmem:$0x1D300] =	vst v63  }
0x8d: {  	s14 =	simm.s32 $0x180;
	s19 =	rddreg [dreg:$0x5]  }
0x8e: {  	[tilespmem:s14], [sflag:$0x1] =	stream.linear.gather [hbm4b:s19+s3], $0x80, $0x38;
	[tilespmem:$0x1D300] =	vst v63  }
0x8f: {  	_ =	swait.ge [sflag:s9], $0x80  }
0x90: {  	[sflag:s9] =	ssyncset.done $0x0  }
0x91: {  	[sflag:s9] =	ssyncadd.s32 $0xFFFFFF80  }
0x92: {  	_ =	swait.ge [sflag:s9], $0x80  }
0x93: {  	[sflag:s9] =	ssyncset.done $0x0  }
0x94: {  	s20 =	simm.s32 $0x300;
	[sflag:s9] =	ssyncadd.s32 $0xFFFFFF80  }
0x95: {  	[tilespmem:s20], [sflag:$0x2] =	stream.indirect.gather [hbm4b:s4+s10], $0x80, s3, s10, $0xb8;
	[tilespmem:$0x1D300] =	vst v63  }
0x96: {  	s21 =	rddreg [dreg:$0x13]  }
0x97: {  	[tilespmem:s10], [sflag:$0x1] =	stream.linear.gather [hbm4b:s21+s3], $0x80, $0x38;
	[tilespmem:$0x1D300] =	vst v63  }
0x98: {  	s23 =	simm.s32 $0x200;
	s22 =	rddreg [dreg:$0x6]  }
0x99: {  	[tilespmem:s23], [sflag:$0x1] =	stream.linear.gather [hbm4b:s22+s3], $0x80, $0x38;
	[tilespmem:$0x1D300] =	vst v63  }
0x9a: {  	s14 =	simm.s32 $0x2;
	s23 =	smov.u32 s15;
	s22 =	smov.u32 s16  }
.LBB2_4:
0x9b: {  	s18 =	smul.u32 $0xAB, s14  }
0x9c: {  	p0 =	seq.s32 s14, $0x2  }
0x9d: {  	p1 =	sne.s32 @!p0 s14, $0x51;
	s6 =	sadd.s32 $0xFFFFFEAA, s18  }
0x9e: {  	_ =	swait.ge [sflag:s11], $0x4000;
	p1 =	por p0, p1;
	s6 =	sshrl.u32 s6, $0x9  }
.Ltmp3:
0x9f: {  	[sflag:s11] =	ssyncset.done $0x0;
	s6 =	sand.u32 $0x7F, s6;
	(pc) =	sbr.rel @!p1 .LBB2_5-.Ltmp3, $4  }
0xa0: {  	s19 =	simm.s32 @!p0 $0x3;
	[sflag:s11] =	ssyncadd.s32 $0xFFFFC000;
	s6 =	smul.u32 $0x3, s6  }
0xa1: {  	s17 =	sadd.s32 $0xFFFFFFFE, s14;
	_ =	swait.ge @!p0 [sflag:s19], $0x4000  }
0xa2: {  	[sflag:s19] =	ssyncset.done @!p0 $0x0;
	s6 =	ssub.s32 s17, s6  }
0xa3: {  	[sflag:s19] =	ssyncadd.s32 @!p0 $0xFFFFC000;
	s6 =	sand.u32 $0xFF, s6  }
0xa4: {  	s19 =	sadd.s32 $0xFFFFFF55, s18  }
0xa5: {  	s19 =	sshrl.u32 s19, $0x9  }
0xa6: {  	_ =	swait.ge [sflag:s9], $0x80;
	s19 =	sand.u32 $0x7F, s19  }
0xa7: {  	s20 =	sand.u32 $0x1, s17;
	s21 =	sshrl.u32 s18, $0x9;
	s19 =	smul.u32 $0x3, s19  }
0xa8: {  	s6 =	sshll.u32 s6, $0x7;
	[sflag:s9] =	ssyncset.done $0x0;
	s18 =	sand.u32 $0x7F, s21  }
0xa9: {  	s20 =	sshll.u32 s20, $0xE;
	[sflag:s9] =	ssyncadd.s32 $0xFFFFFF80;
	s19 =	sxor.u32 $0xFFFFFFFF, s19  }
0xaa: {  	s18 =	smul.u32 $0x3, s18;
	_ =	swait.ge [sflag:s9], $0x80;
	s19 =	sadd.s32 s14, s19  }
0xab: {  	s21 =	sxor.u32 $0x4000, s20;
	[sflag:s9] =	ssyncset.done $0x0;
	s19 =	sand.u32 $0xFF, s19  }
0xac: {  	s21 =	sor.u32 $0x300, s21;
	[sflag:s9] =	ssyncadd.s32 $0xFFFFFF80;
	s19 =	sshll.u32 s19, $0x7  }
0xad: {  	[tilespmem:s21], [sflag:$0x2] =	stream.indirect.gather [hbm4b:s4+s10], $0x80, s19, s10, $0xb8;
	[tilespmem:$0x1D300] =	vst v63  }
0xae: {  	s6 =	sadd.s32 $0x180, s6;
	s18 =	ssub.s32 s14, s18;
	s21 =	sor.u32 $0x300, s20  }
0xaf: {  	[spmem:s2] =	stream.indirect.scatter.add.f32 [tilespmem:s21], [sflag:$0x3], $0x80, s6, s10, $0xb8;
	[tilespmem:$0x1D300] =	vst v63  }
0xb0: {  	p0 =	sgt.u32 s17, $0x4D;
	s6 =	sand.u32 $0xFF, s18  }
0xb1: {  	s17 =	simm.s32 @!p0 $0x0;
	s6 =	sshll.u32 @!p0 s6, $0x7  }
0xb2: {  	[tilespmem:s6], [sflag:$0x1] =	stream.linear.gather @!p0 [hbm4b:s23+s17], $0x80, $0x38;
	[tilespmem:$0x1D300] =	vst v63  }
0xb3: {  	s14 =	sadd.s32 $0x1, s14;
	s6 =	sadd.s32 @!p0 $0x180, s6  }
0xb4: {  	[tilespmem:s6], [sflag:$0x1] =	stream.linear.gather @!p0 [hbm4b:s22+s17], $0x80, $0x38;
	[tilespmem:$0x1D300] =	vst v63  }
0xb5: {  	p0 =	sne.s32 s14, $0x52  }
.Ltmp4:
0xb6: {  	_ = 	snop;
	(pc) =	sbr.rel @p0 .LBB2_4-.Ltmp4, $4  }
.Ltmp5:
0xb7: {  	_ = 	snop;
	(pc) =	sbr.rel @!p0 .LBB2_7-.Ltmp5, $4  }
0xb8: {  	_ = 	snop  }
0xb9: {  	_ = 	snop  }
0xba: {  	s23 =	sadd.s32 $0x20, s23;
	s22 =	sadd.s32 $0x20, s22  }
0xbb: {  	_ = 	snop  }
.LBB2_8:
0xbc: {  	_ =	sfence.sel $0x180000  }
0xbd: {  	[bflag:$0x0] =	sbarrier.arrive $0xFFFF  }
0xbe: {  	_ =	strace $0x90000050  }
0xbf: {  	s0 =	stileid.u32;
	[bflag:$0x2] =	sbarrier.arrive $0xFFFF  }
0xc0: {  	p0 =	sne.s32 s0, $0x0;
	s0 =	rddreg [dreg:$0x3]  }
0xc1: {  	s0 =	sadd.s32 @!p0 $0x100000, s0  }
0xc2: {  	[sflag:s0] =	ssyncadd.tile.s32 @!p0 $0x1;
	_ =	shalt  }
.Lfunc_end2:
_tile_overlayer_lowered:
.L_overlay_start_2:
0xc3: {  	(tag) =	ssettag $0x2  }
0xc4: {  	s0 =	rddreg [dreg:$0x0];
	s2 =	stileid.u32  }
0xc5: {  	s1 =	rddreg [dreg:$0x1];
	p0 =	sne.s32 s2, $0x0  }
0xc6: {  	s3 =	rddreg [dreg:$0x2];
	[bflag:$0x3] =	sbarrier.arrive $0xFFFF;
	s2 =	simm.s32 @!p0 $0x1C04  }
0xc7: {  	[timem:s3], [sflag:s2] =	dma.local @!p0 [hbm:s0], s1  }
0xc8: {  	s0 =	simm.s32 @!p0 $0x4  }
0xc9: {  	_ =	swait.ge @!p0 [sflag:s0], s1  }
0xca: {  	s1 =	ssub.s32 @!p0 $0x0, s1;
	[sflag:s0] =	ssyncset.done @!p0 $0x0  }
0xcb: {  	[sflag:s0] =	ssyncadd.s32 @!p0 s1  }
0xcc: {  	[bflag:$0x3] =	sbarrier.arrive $0xFFFF  }
0xcd: {  	_ =	shalt  }

</sc_bundles>
